<compile_context>
chip_gen: v7x
topology: tpu7x:2x2x1
jax: 0.10.2.dev20260603
libtpu: 0.0.44.dev20260713+nightly
codegen_flags: <defaults>
</compile_context>

<pallas_src>
import functools

import jax
import jax.numpy as jnp
from jax import lax
from jax.experimental import pallas as pl
from jax.experimental.pallas import tpu as pltpu
from jax.experimental.pallas import tpu_sc as plsc

N_NODES = 10000
N_EDGES = 320000
D = 128
ED = 16
NUM_LAYERS = 3

NCORES = 2
NSUB = 16
NWORK = NCORES * NSUB
CHUNK = 128
EPAD = ((N_EDGES + NWORK * CHUNK * 8 - 1) // (NWORK * CHUNK * 8)) \
    * (NWORK * CHUNK * 8)
CPW = EPAD // (NWORK * CHUNK)
NROWS = 10240
ROWS_PER_TILE = NROWS // NSUB
BN = 1000
GRID = N_NODES // BN


def _zero_vmem_2d(ref, nrows, ncols):
    zv = jnp.zeros((16,), jnp.float32)

    def body(r, _):
        for j in range(ncols // 16):
            ref[r, pl.ds(j * 16, 16)] = zv
        return 0

    lax.fori_loop(0, nrows, body, 0)


def _sc_spmm(h, src_p, dst_p):
    mesh = plsc.VectorSubcoreMesh(core_axis_name="c", subcore_axis_name="s")

    GB = 8
    CPW0 = 96
    CPW1 = 2 * CPW - CPW0

    @functools.partial(
        pl.kernel,
        out_type=jax.ShapeDtypeStruct((NCORES, NROWS, D), jnp.float32),
        mesh=mesh,
        compiler_params=pltpu.CompilerParams(use_tc_tiling_on_sc=True),
        scratch_types=[
            pltpu.VMEM((2, GB, CHUNK), jnp.int32),
            pltpu.VMEM((2, GB, CHUNK), jnp.int32),
            [pltpu.VMEM((CHUNK, D), jnp.float32)] * 2,
            pltpu.VMEM_SHARED((NROWS, D), jnp.float32),
            [pltpu.SemaphoreType.DMA] * 2,
            [pltpu.SemaphoreType.DMA] * 2,
        ],
    )
    def k(h_hbm, src_hbm, dst_hbm, out_hbm, src_v, dst_v, rows_v, s_sh,
          gsem, ssem):
        c = lax.axis_index("c")
        s = lax.axis_index("s")
        base = jnp.where(c == 0, s * CPW0, NSUB * CPW0 + s * CPW1)
        ng = jnp.where(c == 0, CPW0 // GB, CPW1 // GB)

        _zero_vmem_2d(rows_v[0], CHUNK, D)
        for q in range(ROWS_PER_TILE // CHUNK):
            pltpu.sync_copy(
                rows_v[0],
                s_sh.at[pl.ds(s * ROWS_PER_TILE + q * CHUNK, CHUNK)]
            )
        plsc.subcore_barrier()

        pltpu.sync_copy(src_hbm.at[pl.ds(base, GB)], src_v.at[0])
        pltpu.sync_copy(dst_hbm.at[pl.ds(base, GB)], dst_v.at[0])
        pltpu.async_copy(h_hbm.at[src_v.at[0, 0]], rows_v[0], gsem[0])
        pltpu.async_copy(h_hbm.at[src_v.at[0, 1]], rows_v[1], gsem[1])

        def grp(g, _):
            p = g % 2
            pn = (g + 1) % 2
            gnext = jnp.minimum(g + 1, ng - 1)
            pltpu.sync_copy(
                src_hbm.at[pl.ds(base + gnext * GB, GB)], src_v.at[pn])
            pltpu.sync_copy(
                dst_hbm.at[pl.ds(base + gnext * GB, GB)], dst_v.at[pn])
            for j in range(GB):
                b = j % 2
                blk, jj = (p, j + 2) if j < GB - 2 else (pn, j + 2 - GB)
                pltpu.make_async_copy(
                    h_hbm.at[src_v.at[0, 0]], rows_v[b], gsem[b]).wait()
                pltpu.async_copy(
                    rows_v[b], s_sh.at[dst_v.at[p, j]], ssem[b], add=True)
                pltpu.make_async_copy(
                    rows_v[b], s_sh.at[dst_v.at[0, 0]], ssem[b]).wait()
                pltpu.async_copy(
                    h_hbm.at[src_v.at[blk, jj]], rows_v[b], gsem[b])
            return 0

        lax.fori_loop(0, ng, grp, 0)
        for b in range(2):
            pltpu.make_async_copy(
                h_hbm.at[src_v.at[0, 0]], rows_v[b], gsem[b]).wait()
        plsc.subcore_barrier()

        pltpu.sync_copy(
            s_sh.at[pl.ds(s * ROWS_PER_TILE, ROWS_PER_TILE)],
            out_hbm.at[c, pl.ds(s * ROWS_PER_TILE, ROWS_PER_TILE)],
        )

    return k(h, src_p, dst_p)


def _sc_edge_agg(ea_p, dst_p):
    mesh = plsc.VectorSubcoreMesh(core_axis_name="c", subcore_axis_name="s")

    @functools.partial(
        pl.kernel,
        out_type=jax.ShapeDtypeStruct((NCORES, NROWS, D), jnp.float32),
        mesh=mesh,
        scratch_types=[
            pltpu.VMEM((CPW, CHUNK), jnp.int32),
            pltpu.VMEM((CHUNK, ED), jnp.float32),
            pltpu.VMEM((CHUNK, D), jnp.float32),
            pltpu.VMEM_SHARED((NROWS, D), jnp.float32),
        ],
    )
    def k(ea_hbm, dst_hbm, out_hbm, dst_v, ea_v, wide_v, e_sh):
        c = lax.axis_index("c")
        s = lax.axis_index("s")
        wid = c * NSUB + s

        pltpu.sync_copy(dst_hbm.at[pl.ds(wid * CPW, CPW)], dst_v)

        _zero_vmem_2d(wide_v, CHUNK, D)
        for q in range(ROWS_PER_TILE // CHUNK):
            pltpu.sync_copy(
                wide_v, e_sh.at[pl.ds(s * ROWS_PER_TILE + q * CHUNK, CHUNK)]
            )
        plsc.subcore_barrier()

        def body(i, _):
            base = (wid * CPW + i) * CHUNK
            pltpu.sync_copy(ea_hbm.at[pl.ds(base, CHUNK)], ea_v)

            def cp(r, _):
                wide_v[r, pl.ds(0, 16)] = ea_v[r, pl.ds(0, 16)]
                return 0

            lax.fori_loop(0, CHUNK, cp, 0)
            pltpu.sync_copy(wide_v, e_sh.at[dst_v.at[i]], add=True)
            return 0

        lax.fori_loop(0, CPW, body, 0)
        plsc.subcore_barrier()

        pltpu.sync_copy(
            e_sh.at[pl.ds(s * ROWS_PER_TILE, ROWS_PER_TILE)],
            out_hbm.at[c, pl.ds(s * ROWS_PER_TILE, ROWS_PER_TILE)],
        )

    return k(ea_p, dst_p)


def _mm_body(x_ref, w_ref, o_ref):
    o_ref[...] = jnp.dot(x_ref[...], w_ref[...],
                         preferred_element_type=jnp.float32)


def _tc_node_proj(x, w_node):
    return pl.pallas_call(
        _mm_body,
        grid=(GRID,),
        in_specs=[
            pl.BlockSpec((BN, D), lambda i: (i, 0)),
            pl.BlockSpec((D, D), lambda i: (0, 0)),
        ],
        out_specs=pl.BlockSpec((BN, D), lambda i: (i, 0)),
        out_shape=jax.ShapeDtypeStruct((N_NODES, D), jnp.float32),
    )(x, w_node)


def _layer_body(s_ref, e_ref, h_ref, we_ref, w1_ref, b1_ref, w2_ref, b2_ref,
                g_ref, bb_ref, o_ref):
    sagg = s_ref[0] + s_ref[1]
    eagg = (e_ref[0] + e_ref[1])[:, :ED]
    agg = sagg + jnp.dot(eagg, we_ref[...], preferred_element_type=jnp.float32)
    z = jnp.dot(agg, w1_ref[...], preferred_element_type=jnp.float32) \
        + b1_ref[...]
    u = jnp.dot(jnp.maximum(z, 0.0), w2_ref[...],
                preferred_element_type=jnp.float32) + b2_ref[...]
    t = h_ref[...] + u
    mu = jnp.mean(t, axis=-1, keepdims=True)
    var = jnp.mean((t - mu) * (t - mu), axis=-1, keepdims=True)
    o_ref[...] = (t - mu) * lax.rsqrt(var + 1e-5) * g_ref[...] + bb_ref[...]


def _tc_layer(s2, e2, h, w_e, w1, b1, w2, b2, g, b):
    return pl.pallas_call(
        _layer_body,
        grid=(GRID,),
        in_specs=[
            pl.BlockSpec((NCORES, BN, D), lambda i: (0, i, 0)),
            pl.BlockSpec((NCORES, BN, D), lambda i: (0, i, 0)),
            pl.BlockSpec((BN, D), lambda i: (i, 0)),
            pl.BlockSpec((ED, D), lambda i: (0, 0)),
            pl.BlockSpec((D, 2 * D), lambda i: (0, 0)),
            pl.BlockSpec((1, 2 * D), lambda i: (0, 0)),
            pl.BlockSpec((2 * D, D), lambda i: (0, 0)),
            pl.BlockSpec((1, D), lambda i: (0, 0)),
            pl.BlockSpec((1, D), lambda i: (0, 0)),
            pl.BlockSpec((1, D), lambda i: (0, 0)),
        ],
        out_specs=pl.BlockSpec((BN, D), lambda i: (i, 0)),
        out_shape=jax.ShapeDtypeStruct((N_NODES, D), jnp.float32),
    )(s2, e2, h, w_e, w1, b1, w2, b2, g, b)


def kernel(x, edge_index, edge_attr, W_node, W_edge, W1, b1, W2, b2,
           ln_scale, ln_bias):
    src = edge_index[0].astype(jnp.int32)
    dst = edge_index[1].astype(jnp.int32)
    npad = EPAD - N_EDGES
    src_p = jnp.concatenate(
        [src, jnp.zeros((npad,), jnp.int32)]).reshape(EPAD // CHUNK, CHUNK)
    pad_dst = N_NODES + (jnp.arange(npad, dtype=jnp.int32)
                         % (NROWS - N_NODES))
    dst_p = jnp.concatenate([dst, pad_dst]).reshape(EPAD // CHUNK, CHUNK)
    ea_p = jnp.concatenate(
        [edge_attr, jnp.zeros((npad, ED), jnp.float32)], axis=0)

    e2 = _sc_edge_agg(ea_p, dst_p)
    h = _tc_node_proj(x, W_node)
    for l in range(NUM_LAYERS):
        s2 = _sc_spmm(h, src_p, dst_p)
        h = _tc_layer(
            s2, e2, h, W_edge[l], W1[l], b1[l].reshape(1, -1), W2[l],
            b2[l].reshape(1, -1), ln_scale[l].reshape(1, -1),
            ln_bias[l].reshape(1, -1))
    return h

# --- scband reference (transcript-rebuilt; emitter-appended) ---
"""Pipeline reference for scband-geo-gnn-80685255622659 (READ-ONLY COPY).

The authoritative reference and input builder live on the scoring server;
editing this copy changes nothing except your own understanding.
"""

import jax, jax.numpy as jnp
import numpy as np

N_NODES = 10000
N_EDGES = 320000
NODE_DIM = 128
EDGE_DIM = 16
EMBED_DIM = 128
NUM_LAYERS = 3


def setup_inputs(seed: int = 0) -> dict:
    key = jax.random.key(seed)
    ks = jax.random.split(key, 12)
    x = jax.random.normal(ks[0], (N_NODES, NODE_DIM), dtype=jnp.float32)
    edge_index = jax.random.randint(ks[1], (2, N_EDGES), 0, N_NODES, dtype=jnp.int64)
    edge_attr = jax.random.normal(ks[2], (N_EDGES, EDGE_DIM), dtype=jnp.float32)
    s = 1.0 / np.sqrt(EMBED_DIM)
    W_node = jax.random.normal(ks[3], (NODE_DIM, EMBED_DIM), dtype=jnp.float32) * (1.0 / np.sqrt(NODE_DIM))
    W_edge = jax.random.normal(ks[4], (NUM_LAYERS, EDGE_DIM, EMBED_DIM), dtype=jnp.float32) * (1.0 / np.sqrt(EDGE_DIM))
    W1 = jax.random.normal(ks[5], (NUM_LAYERS, EMBED_DIM, 2 * EMBED_DIM), dtype=jnp.float32) * s
    b1 = jnp.zeros((NUM_LAYERS, 2 * EMBED_DIM), dtype=jnp.float32)
    W2 = jax.random.normal(ks[6], (NUM_LAYERS, 2 * EMBED_DIM, EMBED_DIM), dtype=jnp.float32) * (1.0 / np.sqrt(2 * EMBED_DIM))
    b2 = jnp.zeros((NUM_LAYERS, EMBED_DIM), dtype=jnp.float32)
    ln_scale = jnp.ones((NUM_LAYERS, EMBED_DIM), dtype=jnp.float32)
    ln_bias = jnp.zeros((NUM_LAYERS, EMBED_DIM), dtype=jnp.float32)
    return {"x": x, "edge_index": edge_index, "edge_attr": edge_attr,
            "W_node": W_node, "W_edge": W_edge, "W1": W1, "b1": b1,
            "W2": W2, "b2": b2, "ln_scale": ln_scale, "ln_bias": ln_bias}


def _layernorm(h, scale, bias, eps=1e-5):
    mu = jnp.mean(h, axis=-1, keepdims=True)
    var = jnp.var(h, axis=-1, keepdims=True)
    return (h - mu) / jnp.sqrt(var + eps) * scale + bias


def reference(x, edge_index, edge_attr, W_node, W_edge, W1, b1, W2, b2, ln_scale, ln_bias):
    src = edge_index[0]
    dst = edge_index[1]
    h = x @ W_node
    for l in range(NUM_LAYERS):
        e = edge_attr @ W_edge[l]
        msg = jnp.take(h, src, axis=0) + e
        agg = jax.ops.segment_sum(msg, dst, num_segments=N_NODES)
        u = jax.nn.relu(agg @ W1[l] + b1[l]) @ W2[l] + b2[l]
        h = _layernorm(h + u, ln_scale[l], ln_bias[l])
    return h

if __name__ == "__main__":
    import jax
    _d = setup_inputs()
    print(jax.jit(kernel)(*tuple(_d.values())))

</pallas_src>

<mosaic_0001>
#map = affine_map<(d0, d1) -> (0, 0)>
#map1 = affine_map<(d0, d1) -> (0, 0, 0)>
module attributes {stable_mosaic.version = 14 : i64} {
  func.func @k(%arg0: i32, %arg1: i32, %arg2: memref<10000x128xf32, #tpu.memory_space<hbm>>, %arg3: memref<2560x128xi32, #tpu.memory_space<hbm>>, %arg4: memref<2560x128xi32, #tpu.memory_space<hbm>>, %arg5: memref<2x10240x128xf32, #tpu.memory_space<hbm>>, %arg6: memref<2x8x128xi32, #tpu.memory_space<vmem>>, %arg7: memref<2x8x128xi32, #tpu.memory_space<vmem>>, %arg8: memref<128x128xf32, #tpu.memory_space<vmem>>, %arg9: memref<128x128xf32, #tpu.memory_space<vmem>>, %arg10: memref<10240x128xf32, #tpu.memory_space<vmem_shared>>, %arg11: memref<!tpu.dma_semaphore, #tpu.memory_space<semaphore_mem>>, %arg12: memref<!tpu.dma_semaphore, #tpu.memory_space<semaphore_mem>>, %arg13: memref<!tpu.dma_semaphore, #tpu.memory_space<semaphore_mem>>, %arg14: memref<!tpu.dma_semaphore, #tpu.memory_space<semaphore_mem>>) attributes {dimension_semantics = [#tpu.dimension_semantics<core_parallel>, #tpu.dimension_semantics<subcore_parallel>], iteration_bounds = array<i64: 2, 16>, scalar_prefetch = 0 : i64, scratch_operands = 9 : i64, tpu.core_type = #tpu.core_type<sc_vector_subcore>, window_params = [{transform_indices = #map}, {transform_indices = #map}, {transform_indices = #map}, {transform_indices = #map1}]} {
    %eq3A = arith.constant 0 : i32
    %eq3A_0 = arith.cmpi eq, %arg0, %eq3A : i32
    %mul3A = arith.constant 96 : i32
    %mul3A_1 = arith.muli %arg1, %mul3A : i32
    %mul3A_2 = arith.constant 64 : i32
    %mul3A_3 = arith.muli %arg1, %mul3A_2 : i32
    %add3A = arith.constant 1536 : i32
    %add3A_4 = arith.addi %add3A, %mul3A_3 : i32
    %select_n3A = arith.select %eq3A_0, %mul3A_1, %add3A_4 : i32
    %eq3A_5 = arith.constant 0 : i32
    %eq3A_6 = arith.cmpi eq, %arg0, %eq3A_5 : i32
    %jit3A = arith.constant 12 : i32
    %jit3A_7 = arith.constant 8 : i32
    %select_n3A_8 = arith.select %eq3A_6, %jit3A, %jit3A_7 : i32
    %broadcast_in_dim3A = arith.constant 0.000000e+00 : f32
    %broadcast_in_dim3A_9 = vector.broadcast %broadcast_in_dim3A : f32 to vector<16xf32>
    %scan3A = arith.constant 0 : i32
    %scan3A_10 = arith.constant 0 : i32
    %scan3A_11 = arith.constant 128 : i32
    %scan3A_12 = arith.addi %scan3A_10, %scan3A_11 : i32
    %scan3A_13 = arith.constant 1 : i32
    %scan3A_14 = scf.for %scan3A_83 = %scan3A_10 to %scan3A_12 step %scan3A_13 iter_args(%scan3A_84 = %scan3A) -> (i32)  : i32 {
      %swap3A = arith.index_cast %scan3A_83 : i32 to index
      %swap3A_85 = arith.constant 0 : index
      %swap3A_86 = tpu.vector_load %arg8[%swap3A, %swap3A_85] {strides = array<i32>} : memref<128x128xf32, #tpu.memory_space<vmem>>, vector<1x16xf32>,
      %swap3A_87 = vector.shape_cast %swap3A_86 : vector<1x16xf32> to vector<16xf32>
      %swap3A_88 = vector.shape_cast %broadcast_in_dim3A_9 : vector<16xf32> to vector<1x16xf32>
      tpu.vector_store %arg8[%swap3A, %swap3A_85], %swap3A_88 {strides = array<i32>} : memref<128x128xf32, #tpu.memory_space<vmem>>, vector<1x16xf32>,
      %swap3A_89 = arith.index_cast %scan3A_83 : i32 to index
      %swap3A_90 = arith.constant 16 : index
      %swap3A_91 = tpu.vector_load %arg8[%swap3A_89, %swap3A_90] {strides = array<i32>} : memref<128x128xf32, #tpu.memory_space<vmem>>, vector<1x16xf32>,
      %swap3A_92 = vector.shape_cast %swap3A_91 : vector<1x16xf32> to vector<16xf32>
      %swap3A_93 = vector.shape_cast %broadcast_in_dim3A_9 : vector<16xf32> to vector<1x16xf32>
      tpu.vector_store %arg8[%swap3A_89, %swap3A_90], %swap3A_93 {strides = array<i32>} : memref<128x128xf32, #tpu.memory_space<vmem>>, vector<1x16xf32>,
      %swap3A_94 = arith.index_cast %scan3A_83 : i32 to index
      %swap3A_95 = arith.constant 32 : index
      %swap3A_96 = tpu.vector_load %arg8[%swap3A_94, %swap3A_95] {strides = array<i32>} : memref<128x128xf32, #tpu.memory_space<vmem>>, vector<1x16xf32>,
      %swap3A_97 = vector.shape_cast %swap3A_96 : vector<1x16xf32> to vector<16xf32>
      %swap3A_98 = vector.shape_cast %broadcast_in_dim3A_9 : vector<16xf32> to vector<1x16xf32>
      tpu.vector_store %arg8[%swap3A_94, %swap3A_95], %swap3A_98 {strides = array<i32>} : memref<128x128xf32, #tpu.memory_space<vmem>>, vector<1x16xf32>,
      %swap3A_99 = arith.index_cast %scan3A_83 : i32 to index
      %swap3A_100 = arith.constant 48 : index
      %swap3A_101 = tpu.vector_load %arg8[%swap3A_99, %swap3A_100] {strides = array<i32>} : memref<128x128xf32, #tpu.memory_space<vmem>>, vector<1x16xf32>,
      %swap3A_102 = vector.shape_cast %swap3A_101 : vector<1x16xf32> to vector<16xf32>
      %swap3A_103 = vector.shape_cast %broadcast_in_dim3A_9 : vector<16xf32> to vector<1x16xf32>
      tpu.vector_store %arg8[%swap3A_99, %swap3A_100], %swap3A_103 {strides = array<i32>} : memref<128x128xf32, #tpu.memory_space<vmem>>, vector<1x16xf32>,
      %swap3A_104 = arith.index_cast %scan3A_83 : i32 to index
      %swap3A_105 = arith.constant 64 : index
      %swap3A_106 = tpu.vector_load %arg8[%swap3A_104, %swap3A_105] {strides = array<i32>} : memref<128x128xf32, #tpu.memory_space<vmem>>, vector<1x16xf32>,
      %swap3A_107 = vector.shape_cast %swap3A_106 : vector<1x16xf32> to vector<16xf32>
      %swap3A_108 = vector.shape_cast %broadcast_in_dim3A_9 : vector<16xf32> to vector<1x16xf32>
      tpu.vector_store %arg8[%swap3A_104, %swap3A_105], %swap3A_108 {strides = array<i32>} : memref<128x128xf32, #tpu.memory_space<vmem>>, vector<1x16xf32>,
      %swap3A_109 = arith.index_cast %scan3A_83 : i32 to index
      %swap3A_110 = arith.constant 80 : index
      %swap3A_111 = tpu.vector_load %arg8[%swap3A_109, %swap3A_110] {strides = array<i32>} : memref<128x128xf32, #tpu.memory_space<vmem>>, vector<1x16xf32>,
      %swap3A_112 = vector.shape_cast %swap3A_111 : vector<1x16xf32> to vector<16xf32>
      %swap3A_113 = vector.shape_cast %broadcast_in_dim3A_9 : vector<16xf32> to vector<1x16xf32>
      tpu.vector_store %arg8[%swap3A_109, %swap3A_110], %swap3A_113 {strides = array<i32>} : memref<128x128xf32, #tpu.memory_space<vmem>>, vector<1x16xf32>,
      %swap3A_114 = arith.index_cast %scan3A_83 : i32 to index
      %swap3A_115 = arith.constant 96 : index
      %swap3A_116 = tpu.vector_load %arg8[%swap3A_114, %swap3A_115] {strides = array<i32>} : memref<128x128xf32, #tpu.memory_space<vmem>>, vector<1x16xf32>,
      %swap3A_117 = vector.shape_cast %swap3A_116 : vector<1x16xf32> to vector<16xf32>
      %swap3A_118 = vector.shape_cast %broadcast_in_dim3A_9 : vector<16xf32> to vector<1x16xf32>
      tpu.vector_store %arg8[%swap3A_114, %swap3A_115], %swap3A_118 {strides = array<i32>} : memref<128x128xf32, #tpu.memory_space<vmem>>, vector<1x16xf32>,
      %swap3A_119 = arith.index_cast %scan3A_83 : i32 to index
      %swap3A_120 = arith.constant 112 : index
      %swap3A_121 = tpu.vector_load %arg8[%swap3A_119, %swap3A_120] {strides = array<i32>} : memref<128x128xf32, #tpu.memory_space<vmem>>, vector<1x16xf32>,
      %swap3A_122 = vector.shape_cast %swap3A_121 : vector<1x16xf32> to vector<16xf32>
      %swap3A_123 = vector.shape_cast %broadcast_in_dim3A_9 : vector<16xf32> to vector<1x16xf32>
      tpu.vector_store %arg8[%swap3A_119, %swap3A_120], %swap3A_123 {strides = array<i32>} : memref<128x128xf32, #tpu.memory_space<vmem>>, vector<1x16xf32>,
      %scan3A_124 = arith.constant 0 : i32
      scf.yield %scan3A_124 : i32
    }
    %scan3A_15 = arith.constant 128 : i32
    %mul3A_16 = arith.constant 640 : i32
    %mul3A_17 = arith.muli %arg1, %mul3A_16 : i32
    %add3A_18 = arith.constant 0 : i32
    %add3A_19 = arith.addi %mul3A_17, %add3A_18 : i32
    "tpu.region"() ({
      %run_scoped3A_83 = tpu.sem_alloc : memref<!tpu.dma_semaphore, #tpu.memory_space<semaphore_mem>>
      %dma_start3A_84 = arith.constant 0 : i32
      %dma_start3A_85 = tpu.memref_slice %arg10[%add3A_19, %dma_start3A_84] : memref<10240x128xf32, #tpu.memory_space<vmem_shared>> -> memref<128x128xf32, #tpu.memory_space<vmem_shared>>
      %dma_start3A_86 = arith.constant 0 : i32
      %dma_start3A_87 = tpu.memref_slice %arg10[%add3A_19, %dma_start3A_86] : memref<10240x128xf32, #tpu.memory_space<vmem_shared>> -> memref<128x128xf32, #tpu.memory_space<vmem_shared>>
      tpu.enqueue_dma source(%arg8 : memref<128x128xf32, #tpu.memory_space<vmem>>) target(%dma_start3A_87 : memref<128x128xf32, #tpu.memory_space<vmem_shared>>) target_semaphore(%run_scoped3A_83 : memref<!tpu.dma_semaphore, #tpu.memory_space<semaphore_mem>>)
      %dma_wait3A_88 = arith.constant 0 : i32
      %dma_wait3A_89 = tpu.memref_slice %arg10[%add3A_19, %dma_wait3A_88] : memref<10240x128xf32, #tpu.memory_space<vmem_shared>> -> memref<128x128xf32, #tpu.memory_space<vmem_shared>>
      %dma_wait3A_90 = arith.constant 0 : i32
      %dma_wait3A_91 = tpu.memref_slice %arg10[%add3A_19, %dma_wait3A_90] : memref<10240x128xf32, #tpu.memory_space<vmem_shared>> -> memref<128x128xf32, #tpu.memory_space<vmem_shared>>
      tpu.wait_dma2 semaphore(%run_scoped3A_83 : memref<!tpu.dma_semaphore, #tpu.memory_space<semaphore_mem>>) src(%arg8 : memref<128x128xf32, #tpu.memory_space<vmem>>) dst(%dma_wait3A_91 : memref<128x128xf32, #tpu.memory_space<vmem_shared>>)
      tpu.yield
    }) : () -> ()
    %mul3A_20 = arith.constant 640 : i32
    %mul3A_21 = arith.muli %arg1, %mul3A_20 : i32
    %add3A_22 = arith.constant 128 : i32
    %add3A_23 = arith.addi %mul3A_21, %add3A_22 : i32
    "tpu.region"() ({
      %run_scoped3A_83 = tpu.sem_alloc : memref<!tpu.dma_semaphore, #tpu.memory_space<semaphore_mem>>
      %dma_start3A_84 = arith.constant 0 : i32
      %dma_start3A_85 = tpu.memref_slice %arg10[%add3A_23, %dma_start3A_84] : memref<10240x128xf32, #tpu.memory_space<vmem_shared>> -> memref<128x128xf32, #tpu.memory_space<vmem_shared>>
      %dma_start3A_86 = arith.constant 0 : i32
      %dma_start3A_87 = tpu.memref_slice %arg10[%add3A_23, %dma_start3A_86] : memref<10240x128xf32, #tpu.memory_space<vmem_shared>> -> memref<128x128xf32, #tpu.memory_space<vmem_shared>>
      tpu.enqueue_dma source(%arg8 : memref<128x128xf32, #tpu.memory_space<vmem>>) target(%dma_start3A_87 : memref<128x128xf32, #tpu.memory_space<vmem_shared>>) target_semaphore(%run_scoped3A_83 : memref<!tpu.dma_semaphore, #tpu.memory_space<semaphore_mem>>)
      %dma_wait3A_88 = arith.constant 0 : i32
      %dma_wait3A_89 = tpu.memref_slice %arg10[%add3A_23, %dma_wait3A_88] : memref<10240x128xf32, #tpu.memory_space<vmem_shared>> -> memref<128x128xf32, #tpu.memory_space<vmem_shared>>
      %dma_wait3A_90 = arith.constant 0 : i32
      %dma_wait3A_91 = tpu.memref_slice %arg10[%add3A_23, %dma_wait3A_90] : memref<10240x128xf32, #tpu.memory_space<vmem_shared>> -> memref<128x128xf32, #tpu.memory_space<vmem_shared>>
      tpu.wait_dma2 semaphore(%run_scoped3A_83 : memref<!tpu.dma_semaphore, #tpu.memory_space<semaphore_mem>>) src(%arg8 : memref<128x128xf32, #tpu.memory_space<vmem>>) dst(%dma_wait3A_91 : memref<128x128xf32, #tpu.memory_space<vmem_shared>>)
      tpu.yield
    }) : () -> ()
    %mul3A_24 = arith.constant 640 : i32
    %mul3A_25 = arith.muli %arg1, %mul3A_24 : i32
    %add3A_26 = arith.constant 256 : i32
    %add3A_27 = arith.addi %mul3A_25, %add3A_26 : i32
    "tpu.region"() ({
      %run_scoped3A_83 = tpu.sem_alloc : memref<!tpu.dma_semaphore, #tpu.memory_space<semaphore_mem>>
      %dma_start3A_84 = arith.constant 0 : i32
      %dma_start3A_85 = tpu.memref_slice %arg10[%add3A_27, %dma_start3A_84] : memref<10240x128xf32, #tpu.memory_space<vmem_shared>> -> memref<128x128xf32, #tpu.memory_space<vmem_shared>>
      %dma_start3A_86 = arith.constant 0 : i32
      %dma_start3A_87 = tpu.memref_slice %arg10[%add3A_27, %dma_start3A_86] : memref<10240x128xf32, #tpu.memory_space<vmem_shared>> -> memref<128x128xf32, #tpu.memory_space<vmem_shared>>
      tpu.enqueue_dma source(%arg8 : memref<128x128xf32, #tpu.memory_space<vmem>>) target(%dma_start3A_87 : memref<128x128xf32, #tpu.memory_space<vmem_shared>>) target_semaphore(%run_scoped3A_83 : memref<!tpu.dma_semaphore, #tpu.memory_space<semaphore_mem>>)
      %dma_wait3A_88 = arith.constant 0 : i32
      %dma_wait3A_89 = tpu.memref_slice %arg10[%add3A_27, %dma_wait3A_88] : memref<10240x128xf32, #tpu.memory_space<vmem_shared>> -> memref<128x128xf32, #tpu.memory_space<vmem_shared>>
      %dma_wait3A_90 = arith.constant 0 : i32
      %dma_wait3A_91 = tpu.memref_slice %arg10[%add3A_27, %dma_wait3A_90] : memref<10240x128xf32, #tpu.memory_space<vmem_shared>> -> memref<128x128xf32, #tpu.memory_space<vmem_shared>>
      tpu.wait_dma2 semaphore(%run_scoped3A_83 : memref<!tpu.dma_semaphore, #tpu.memory_space<semaphore_mem>>) src(%arg8 : memref<128x128xf32, #tpu.memory_space<vmem>>) dst(%dma_wait3A_91 : memref<128x128xf32, #tpu.memory_space<vmem_shared>>)
      tpu.yield
    }) : () -> ()
    %mul3A_28 = arith.constant 640 : i32
    %mul3A_29 = arith.muli %arg1, %mul3A_28 : i32
    %add3A_30 = arith.constant 384 : i32
    %add3A_31 = arith.addi %mul3A_29, %add3A_30 : i32
    "tpu.region"() ({
      %run_scoped3A_83 = tpu.sem_alloc : memref<!tpu.dma_semaphore, #tpu.memory_space<semaphore_mem>>
      %dma_start3A_84 = arith.constant 0 : i32
      %dma_start3A_85 = tpu.memref_slice %arg10[%add3A_31, %dma_start3A_84] : memref<10240x128xf32, #tpu.memory_space<vmem_shared>> -> memref<128x128xf32, #tpu.memory_space<vmem_shared>>
      %dma_start3A_86 = arith.constant 0 : i32
      %dma_start3A_87 = tpu.memref_slice %arg10[%add3A_31, %dma_start3A_86] : memref<10240x128xf32, #tpu.memory_space<vmem_shared>> -> memref<128x128xf32, #tpu.memory_space<vmem_shared>>
      tpu.enqueue_dma source(%arg8 : memref<128x128xf32, #tpu.memory_space<vmem>>) target(%dma_start3A_87 : memref<128x128xf32, #tpu.memory_space<vmem_shared>>) target_semaphore(%run_scoped3A_83 : memref<!tpu.dma_semaphore, #tpu.memory_space<semaphore_mem>>)
      %dma_wait3A_88 = arith.constant 0 : i32
      %dma_wait3A_89 = tpu.memref_slice %arg10[%add3A_31, %dma_wait3A_88] : memref<10240x128xf32, #tpu.memory_space<vmem_shared>> -> memref<128x128xf32, #tpu.memory_space<vmem_shared>>
      %dma_wait3A_90 = arith.constant 0 : i32
      %dma_wait3A_91 = tpu.memref_slice %arg10[%add3A_31, %dma_wait3A_90] : memref<10240x128xf32, #tpu.memory_space<vmem_shared>> -> memref<128x128xf32, #tpu.memory_space<vmem_shared>>
      tpu.wait_dma2 semaphore(%run_scoped3A_83 : memref<!tpu.dma_semaphore, #tpu.memory_space<semaphore_mem>>) src(%arg8 : memref<128x128xf32, #tpu.memory_space<vmem>>) dst(%dma_wait3A_91 : memref<128x128xf32, #tpu.memory_space<vmem_shared>>)
      tpu.yield
    }) : () -> ()
    %mul3A_32 = arith.constant 640 : i32
    %mul3A_33 = arith.muli %arg1, %mul3A_32 : i32
    %add3A_34 = arith.constant 512 : i32
    %add3A_35 = arith.addi %mul3A_33, %add3A_34 : i32
    "tpu.region"() ({
      %run_scoped3A_83 = tpu.sem_alloc : memref<!tpu.dma_semaphore, #tpu.memory_space<semaphore_mem>>
      %dma_start3A_84 = arith.constant 0 : i32
      %dma_start3A_85 = tpu.memref_slice %arg10[%add3A_35, %dma_start3A_84] : memref<10240x128xf32, #tpu.memory_space<vmem_shared>> -> memref<128x128xf32, #tpu.memory_space<vmem_shared>>
      %dma_start3A_86 = arith.constant 0 : i32
      %dma_start3A_87 = tpu.memref_slice %arg10[%add3A_35, %dma_start3A_86] : memref<10240x128xf32, #tpu.memory_space<vmem_shared>> -> memref<128x128xf32, #tpu.memory_space<vmem_shared>>
      tpu.enqueue_dma source(%arg8 : memref<128x128xf32, #tpu.memory_space<vmem>>) target(%dma_start3A_87 : memref<128x128xf32, #tpu.memory_space<vmem_shared>>) target_semaphore(%run_scoped3A_83 : memref<!tpu.dma_semaphore, #tpu.memory_space<semaphore_mem>>)
      %dma_wait3A_88 = arith.constant 0 : i32
      %dma_wait3A_89 = tpu.memref_slice %arg10[%add3A_35, %dma_wait3A_88] : memref<10240x128xf32, #tpu.memory_space<vmem_shared>> -> memref<128x128xf32, #tpu.memory_space<vmem_shared>>
      %dma_wait3A_90 = arith.constant 0 : i32
      %dma_wait3A_91 = tpu.memref_slice %arg10[%add3A_35, %dma_wait3A_90] : memref<10240x128xf32, #tpu.memory_space<vmem_shared>> -> memref<128x128xf32, #tpu.memory_space<vmem_shared>>
      tpu.wait_dma2 semaphore(%run_scoped3A_83 : memref<!tpu.dma_semaphore, #tpu.memory_space<semaphore_mem>>) src(%arg8 : memref<128x128xf32, #tpu.memory_space<vmem>>) dst(%dma_wait3A_91 : memref<128x128xf32, #tpu.memory_space<vmem_shared>>)
      tpu.yield
    }) : () -> ()
    %barrier3A = arith.constant 0 : index
    tpu.barrier barrier_id(%barrier3A)
    %run_scoped3A = arith.constant 0 : i32
    "tpu.region"() ({
      %run_scoped3A_83 = tpu.sem_alloc : memref<!tpu.dma_semaphore, #tpu.memory_space<semaphore_mem>>
      %dma_start3A_84 = arith.constant 0 : i32
      %dma_start3A_85 = arith.constant 0 : i32
      %dma_start3A_86 = tpu.memref_slice %arg6[%run_scoped3A, %dma_start3A_84, %dma_start3A_85] : memref<2x8x128xi32, #tpu.memory_space<vmem>> -> memref<1x8x128xi32, #tpu.memory_space<vmem>>
      %dma_start3A_87 = tpu.memref_squeeze %dma_start3A_86 : memref<1x8x128xi32, #tpu.memory_space<vmem>> -> memref<8x128xi32, #tpu.memory_space<vmem>>
      %dma_start3A_88 = arith.constant 0 : i32
      %dma_start3A_89 = tpu.memref_slice %arg3[%select_n3A, %dma_start3A_88] : memref<2560x128xi32, #tpu.memory_space<hbm>> -> memref<8x128xi32, #tpu.memory_space<hbm>>
      %dma_start3A_90 = arith.constant 0 : i32
      %dma_start3A_91 = arith.constant 0 : i32
      %dma_start3A_92 = tpu.memref_slice %arg6[%run_scoped3A, %dma_start3A_90, %dma_start3A_91] : memref<2x8x128xi32, #tpu.memory_space<vmem>> -> memref<1x8x128xi32, #tpu.memory_space<vmem>>
      %dma_start3A_93 = tpu.memref_squeeze %dma_start3A_92 : memref<1x8x128xi32, #tpu.memory_space<vmem>> -> memref<8x128xi32, #tpu.memory_space<vmem>>
      %dma_start3A_94 = arith.constant 0 : i32
      %dma_start3A_95 = tpu.memref_slice %arg3[%select_n3A, %dma_start3A_94] : memref<2560x128xi32, #tpu.memory_space<hbm>> -> memref<8x128xi32, #tpu.memory_space<hbm>>
      tpu.enqueue_dma source(%dma_start3A_95 : memref<8x128xi32, #tpu.memory_space<hbm>>) target(%dma_start3A_93 : memref<8x128xi32, #tpu.memory_space<vmem>>) target_semaphore(%run_scoped3A_83 : memref<!tpu.dma_semaphore, #tpu.memory_space<semaphore_mem>>)
      %dma_wait3A_96 = arith.constant 0 : i32
      %dma_wait3A_97 = arith.constant 0 : i32
      %dma_wait3A_98 = tpu.memref_slice %arg6[%run_scoped3A, %dma_wait3A_96, %dma_wait3A_97] : memref<2x8x128xi32, #tpu.memory_space<vmem>> -> memref<1x8x128xi32, #tpu.memory_space<vmem>>
      %dma_wait3A_99 = tpu.memref_squeeze %dma_wait3A_98 : memref<1x8x128xi32, #tpu.memory_space<vmem>> -> memref<8x128xi32, #tpu.memory_space<vmem>>
      %dma_wait3A_100 = arith.constant 0 : i32
      %dma_wait3A_101 = tpu.memref_slice %arg3[%select_n3A, %dma_wait3A_100] : memref<2560x128xi32, #tpu.memory_space<hbm>> -> memref<8x128xi32, #tpu.memory_space<hbm>>
      %dma_wait3A_102 = arith.constant 0 : i32
      %dma_wait3A_103 = arith.constant 0 : i32
      %dma_wait3A_104 = tpu.memref_slice %arg6[%run_scoped3A, %dma_wait3A_102, %dma_wait3A_103] : memref<2x8x128xi32, #tpu.memory_space<vmem>> -> memref<1x8x128xi32, #tpu.memory_space<vmem>>
      %dma_wait3A_105 = tpu.memref_squeeze %dma_wait3A_104 : memref<1x8x128xi32, #tpu.memory_space<vmem>> -> memref<8x128xi32, #tpu.memory_space<vmem>>
      %dma_wait3A_106 = arith.constant 0 : i32
      %dma_wait3A_107 = tpu.memref_slice %arg3[%select_n3A, %dma_wait3A_106] : memref<2560x128xi32, #tpu.memory_space<hbm>> -> memref<8x128xi32, #tpu.memory_space<hbm>>
      tpu.wait_dma2 semaphore(%run_scoped3A_83 : memref<!tpu.dma_semaphore, #tpu.memory_space<semaphore_mem>>) src(%dma_wait3A_107 : memref<8x128xi32, #tpu.memory_space<hbm>>) dst(%dma_wait3A_105 : memref<8x128xi32, #tpu.memory_space<vmem>>)
      tpu.yield
    }) : () -> ()
    %run_scoped3A_36 = arith.constant 0 : i32
    "tpu.region"() ({
      %run_scoped3A_83 = tpu.sem_alloc : memref<!tpu.dma_semaphore, #tpu.memory_space<semaphore_mem>>
      %dma_start3A_84 = arith.constant 0 : i32
      %dma_start3A_85 = arith.constant 0 : i32
      %dma_start3A_86 = tpu.memref_slice %arg7[%run_scoped3A_36, %dma_start3A_84, %dma_start3A_85] : memref<2x8x128xi32, #tpu.memory_space<vmem>> -> memref<1x8x128xi32, #tpu.memory_space<vmem>>
      %dma_start3A_87 = tpu.memref_squeeze %dma_start3A_86 : memref<1x8x128xi32, #tpu.memory_space<vmem>> -> memref<8x128xi32, #tpu.memory_space<vmem>>
      %dma_start3A_88 = arith.constant 0 : i32
      %dma_start3A_89 = tpu.memref_slice %arg4[%select_n3A, %dma_start3A_88] : memref<2560x128xi32, #tpu.memory_space<hbm>> -> memref<8x128xi32, #tpu.memory_space<hbm>>
      %dma_start3A_90 = arith.constant 0 : i32
      %dma_start3A_91 = arith.constant 0 : i32
      %dma_start3A_92 = tpu.memref_slice %arg7[%run_scoped3A_36, %dma_start3A_90, %dma_start3A_91] : memref<2x8x128xi32, #tpu.memory_space<vmem>> -> memref<1x8x128xi32, #tpu.memory_space<vmem>>
      %dma_start3A_93 = tpu.memref_squeeze %dma_start3A_92 : memref<1x8x128xi32, #tpu.memory_space<vmem>> -> memref<8x128xi32, #tpu.memory_space<vmem>>
      %dma_start3A_94 = arith.constant 0 : i32
      %dma_start3A_95 = tpu.memref_slice %arg4[%select_n3A, %dma_start3A_94] : memref<2560x128xi32, #tpu.memory_space<hbm>> -> memref<8x128xi32, #tpu.memory_space<hbm>>
      tpu.enqueue_dma source(%dma_start3A_95 : memref<8x128xi32, #tpu.memory_space<hbm>>) target(%dma_start3A_93 : memref<8x128xi32, #tpu.memory_space<vmem>>) target_semaphore(%run_scoped3A_83 : memref<!tpu.dma_semaphore, #tpu.memory_space<semaphore_mem>>)
      %dma_wait3A_96 = arith.constant 0 : i32
      %dma_wait3A_97 = arith.constant 0 : i32
      %dma_wait3A_98 = tpu.memref_slice %arg7[%run_scoped3A_36, %dma_wait3A_96, %dma_wait3A_97] : memref<2x8x128xi32, #tpu.memory_space<vmem>> -> memref<1x8x128xi32, #tpu.memory_space<vmem>>
      %dma_wait3A_99 = tpu.memref_squeeze %dma_wait3A_98 : memref<1x8x128xi32, #tpu.memory_space<vmem>> -> memref<8x128xi32, #tpu.memory_space<vmem>>
      %dma_wait3A_100 = arith.constant 0 : i32
      %dma_wait3A_101 = tpu.memref_slice %arg4[%select_n3A, %dma_wait3A_100] : memref<2560x128xi32, #tpu.memory_space<hbm>> -> memref<8x128xi32, #tpu.memory_space<hbm>>
      %dma_wait3A_102 = arith.constant 0 : i32
      %dma_wait3A_103 = arith.constant 0 : i32
      %dma_wait3A_104 = tpu.memref_slice %arg7[%run_scoped3A_36, %dma_wait3A_102, %dma_wait3A_103] : memref<2x8x128xi32, #tpu.memory_space<vmem>> -> memref<1x8x128xi32, #tpu.memory_space<vmem>>
      %dma_wait3A_105 = tpu.memref_squeeze %dma_wait3A_104 : memref<1x8x128xi32, #tpu.memory_space<vmem>> -> memref<8x128xi32, #tpu.memory_space<vmem>>
      %dma_wait3A_106 = arith.constant 0 : i32
      %dma_wait3A_107 = tpu.memref_slice %arg4[%select_n3A, %dma_wait3A_106] : memref<2560x128xi32, #tpu.memory_space<hbm>> -> memref<8x128xi32, #tpu.memory_space<hbm>>
      tpu.wait_dma2 semaphore(%run_scoped3A_83 : memref<!tpu.dma_semaphore, #tpu.memory_space<semaphore_mem>>) src(%dma_wait3A_107 : memref<8x128xi32, #tpu.memory_space<hbm>>) dst(%dma_wait3A_105 : memref<8x128xi32, #tpu.memory_space<vmem>>)
      tpu.yield
    }) : () -> ()
    %dma_start3A = arith.constant 0 : i32
    %dma_start3A_37 = arith.constant 0 : i32
    %dma_start3A_38 = arith.constant 0 : i32
    %dma_start3A_39 = tpu.memref_slice %arg6[%dma_start3A, %dma_start3A_37, %dma_start3A_38] : memref<2x8x128xi32, #tpu.memory_space<vmem>> -> memref<1x1x128xi32, #tpu.memory_space<vmem>>
    %dma_start3A_40 = tpu.memref_squeeze %dma_start3A_39 : memref<1x1x128xi32, #tpu.memory_space<vmem>> -> memref<128xi32, #tpu.memory_space<vmem>>
    %dma_start3A_41 = arith.constant 0 : i32
    %dma_start3A_42 = arith.constant 0 : i32
    %dma_start3A_43 = tpu.memref_slice %arg2[%dma_start3A_41, %dma_start3A_42] : memref<10000x128xf32, #tpu.memory_space<hbm>> -> memref<10000x128xf32, #tpu.memory_space<hbm>>
    tpu.enqueue_indirect_dma source(%dma_start3A_43 : memref<10000x128xf32, #tpu.memory_space<hbm>>) target(%arg8 : memref<128x128xf32, #tpu.memory_space<vmem>>) offsets(%dma_start3A_40 : memref<128xi32, #tpu.memory_space<vmem>>) semaphore(%arg11 : memref<!tpu.dma_semaphore, #tpu.memory_space<semaphore_mem>>)
    %dma_start3A_44 = arith.constant 0 : i32
    %dma_start3A_45 = arith.constant 1 : i32
    %dma_start3A_46 = arith.constant 0 : i32
    %dma_start3A_47 = tpu.memref_slice %arg6[%dma_start3A_44, %dma_start3A_45, %dma_start3A_46] : memref<2x8x128xi32, #tpu.memory_space<vmem>> -> memref<1x1x128xi32, #tpu.memory_space<vmem>>
    %dma_start3A_48 = tpu.memref_squeeze %dma_start3A_47 : memref<1x1x128xi32, #tpu.memory_space<vmem>> -> memref<128xi32, #tpu.memory_space<vmem>>
    %dma_start3A_49 = arith.constant 0 : i32
    %dma_start3A_50 = arith.constant 0 : i32
    %dma_start3A_51 = tpu.memref_slice %arg2[%dma_start3A_49, %dma_start3A_50] : memref<10000x128xf32, #tpu.memory_space<hbm>> -> memref<10000x128xf32, #tpu.memory_space<hbm>>
    tpu.enqueue_indirect_dma source(%dma_start3A_51 : memref<10000x128xf32, #tpu.memory_space<hbm>>) target(%arg9 : memref<128x128xf32, #tpu.memory_space<vmem>>) offsets(%dma_start3A_48 : memref<128xi32, #tpu.memory_space<vmem>>) semaphore(%arg12 : memref<!tpu.dma_semaphore, #tpu.memory_space<semaphore_mem>>)
    %while3A = arith.constant 0 : i32
    %while3A_52 = arith.constant 0 : i32
    %while3A_53 = arith.subi %select_n3A_8, %while3A : i32
    %while3A_54 = arith.addi %while3A, %while3A_53 : i32
    %while3A_55 = arith.constant 1 : i32
    %while3A_56 = arith.divsi %while3A_53, %while3A_55 : i32
    %while3A_57 = arith.muli %while3A_56, %while3A_55 : i32
    %while3A_58 = arith.addi %while3A, %while3A_57 : i32
    %while3A_59 = arith.constant 1 : i32
    %while3A_60 = scf.for %while3A_83 = %while3A to %while3A_58 step %while3A_59 iter_args(%while3A_84 = %while3A_52) -> (i32)  : i32 {
      %jit3A_85 = arith.constant 2 : i32
      %eq3A_86 = arith.constant 0 : i32
      %eq3A_87 = arith.cmpi eq, %jit3A_85, %eq3A_86 : i32
      %jit3A_88 = arith.constant 1 : i32
      %select_n3A_89 = arith.select %eq3A_87, %jit3A_88, %jit3A_85 : i32
      %rem3A = arith.remsi %while3A_83, %select_n3A_89 : i32
      %ne3A = arith.constant 0 : i32
      %ne3A_90 = arith.cmpi ne, %rem3A, %ne3A : i32
      %lt3A = arith.constant 0 : i32
      %lt3A_91 = arith.cmpi slt, %rem3A, %lt3A : i32
      %lt3A_92 = arith.constant 0 : i32
      %lt3A_93 = arith.cmpi slt, %select_n3A_89, %lt3A_92 : i32
      %ne3A_94 = arith.xori %lt3A_91, %lt3A_93 : i1
      %and3A = arith.andi %ne3A_94, %ne3A_90 : i1
      %add3A_95 = arith.addi %rem3A, %select_n3A_89 : i32
      %select_n3A_96 = arith.select %and3A, %add3A_95, %rem3A : i32
      %add3A_97 = arith.constant 1 : i32
      %add3A_98 = arith.addi %while3A_83, %add3A_97 : i32
      %jit3A_99 = arith.constant 2 : i32
      %eq3A_100 = arith.constant 0 : i32
      %eq3A_101 = arith.cmpi eq, %jit3A_99, %eq3A_100 : i32
      %jit3A_102 = arith.constant 1 : i32
      %select_n3A_103 = arith.select %eq3A_101, %jit3A_102, %jit3A_99 : i32
      %rem3A_104 = arith.remsi %add3A_98, %select_n3A_103 : i32
      %ne3A_105 = arith.constant 0 : i32
      %ne3A_106 = arith.cmpi ne, %rem3A_104, %ne3A_105 : i32
      %lt3A_107 = arith.constant 0 : i32
      %lt3A_108 = arith.cmpi slt, %rem3A_104, %lt3A_107 : i32
      %lt3A_109 = arith.constant 0 : i32
      %lt3A_110 = arith.cmpi slt, %select_n3A_103, %lt3A_109 : i32
      %ne3A_111 = arith.xori %lt3A_108, %lt3A_110 : i1
      %and3A_112 = arith.andi %ne3A_111, %ne3A_106 : i1
      %add3A_113 = arith.addi %rem3A_104, %select_n3A_103 : i32
      %select_n3A_114 = arith.select %and3A_112, %add3A_113, %rem3A_104 : i32
      %add3A_115 = arith.constant 1 : i32
      %add3A_116 = arith.addi %while3A_83, %add3A_115 : i32
      %sub3A = arith.constant 1 : i32
      %sub3A_117 = arith.subi %select_n3A_8, %sub3A : i32
      %min3A = arith.minsi %add3A_116, %sub3A_117 : i32
      %mul3A_118 = arith.constant 8 : i32
      %mul3A_119 = arith.muli %min3A, %mul3A_118 : i32
      %add3A_120 = arith.addi %select_n3A, %mul3A_119 : i32
      "tpu.region"() ({
        %run_scoped3A_365 = tpu.sem_alloc : memref<!tpu.dma_semaphore, #tpu.memory_space<semaphore_mem>>
        %dma_start3A_366 = arith.constant 0 : i32
        %dma_start3A_367 = arith.constant 0 : i32
        %dma_start3A_368 = tpu.memref_slice %arg6[%select_n3A_114, %dma_start3A_366, %dma_start3A_367] : memref<2x8x128xi32, #tpu.memory_space<vmem>> -> memref<1x8x128xi32, #tpu.memory_space<vmem>>
        %dma_start3A_369 = tpu.memref_squeeze %dma_start3A_368 : memref<1x8x128xi32, #tpu.memory_space<vmem>> -> memref<8x128xi32, #tpu.memory_space<vmem>>
        %dma_start3A_370 = arith.constant 0 : i32
        %dma_start3A_371 = tpu.memref_slice %arg3[%add3A_120, %dma_start3A_370] : memref<2560x128xi32, #tpu.memory_space<hbm>> -> memref<8x128xi32, #tpu.memory_space<hbm>>
        %dma_start3A_372 = arith.constant 0 : i32
        %dma_start3A_373 = arith.constant 0 : i32
        %dma_start3A_374 = tpu.memref_slice %arg6[%select_n3A_114, %dma_start3A_372, %dma_start3A_373] : memref<2x8x128xi32, #tpu.memory_space<vmem>> -> memref<1x8x128xi32, #tpu.memory_space<vmem>>
        %dma_start3A_375 = tpu.memref_squeeze %dma_start3A_374 : memref<1x8x128xi32, #tpu.memory_space<vmem>> -> memref<8x128xi32, #tpu.memory_space<vmem>>
        %dma_start3A_376 = arith.constant 0 : i32
        %dma_start3A_377 = tpu.memref_slice %arg3[%add3A_120, %dma_start3A_376] : memref<2560x128xi32, #tpu.memory_space<hbm>> -> memref<8x128xi32, #tpu.memory_space<hbm>>
        tpu.enqueue_dma source(%dma_start3A_377 : memref<8x128xi32, #tpu.memory_space<hbm>>) target(%dma_start3A_375 : memref<8x128xi32, #tpu.memory_space<vmem>>) target_semaphore(%run_scoped3A_365 : memref<!tpu.dma_semaphore, #tpu.memory_space<semaphore_mem>>)
        %dma_wait3A_378 = arith.constant 0 : i32
        %dma_wait3A_379 = arith.constant 0 : i32
        %dma_wait3A_380 = tpu.memref_slice %arg6[%select_n3A_114, %dma_wait3A_378, %dma_wait3A_379] : memref<2x8x128xi32, #tpu.memory_space<vmem>> -> memref<1x8x128xi32, #tpu.memory_space<vmem>>
        %dma_wait3A_381 = tpu.memref_squeeze %dma_wait3A_380 : memref<1x8x128xi32, #tpu.memory_space<vmem>> -> memref<8x128xi32, #tpu.memory_space<vmem>>
        %dma_wait3A_382 = arith.constant 0 : i32
        %dma_wait3A_383 = tpu.memref_slice %arg3[%add3A_120, %dma_wait3A_382] : memref<2560x128xi32, #tpu.memory_space<hbm>> -> memref<8x128xi32, #tpu.memory_space<hbm>>
        %dma_wait3A_384 = arith.constant 0 : i32
        %dma_wait3A_385 = arith.constant 0 : i32
        %dma_wait3A_386 = tpu.memref_slice %arg6[%select_n3A_114, %dma_wait3A_384, %dma_wait3A_385] : memref<2x8x128xi32, #tpu.memory_space<vmem>> -> memref<1x8x128xi32, #tpu.memory_space<vmem>>
        %dma_wait3A_387 = tpu.memref_squeeze %dma_wait3A_386 : memref<1x8x128xi32, #tpu.memory_space<vmem>> -> memref<8x128xi32, #tpu.memory_space<vmem>>
        %dma_wait3A_388 = arith.constant 0 : i32
        %dma_wait3A_389 = tpu.memref_slice %arg3[%add3A_120, %dma_wait3A_388] : memref<2560x128xi32, #tpu.memory_space<hbm>> -> memref<8x128xi32, #tpu.memory_space<hbm>>
        tpu.wait_dma2 semaphore(%run_scoped3A_365 : memref<!tpu.dma_semaphore, #tpu.memory_space<semaphore_mem>>) src(%dma_wait3A_389 : memref<8x128xi32, #tpu.memory_space<hbm>>) dst(%dma_wait3A_387 : memref<8x128xi32, #tpu.memory_space<vmem>>)
        tpu.yield
      }) : () -> ()
      %mul3A_121 = arith.constant 8 : i32
      %mul3A_122 = arith.muli %min3A, %mul3A_121 : i32
      %add3A_123 = arith.addi %select_n3A, %mul3A_122 : i32
      "tpu.region"() ({
        %run_scoped3A_365 = tpu.sem_alloc : memref<!tpu.dma_semaphore, #tpu.memory_space<semaphore_mem>>
        %dma_start3A_366 = arith.constant 0 : i32
        %dma_start3A_367 = arith.constant 0 : i32
        %dma_start3A_368 = tpu.memref_slice %arg7[%select_n3A_114, %dma_start3A_366, %dma_start3A_367] : memref<2x8x128xi32, #tpu.memory_space<vmem>> -> memref<1x8x128xi32, #tpu.memory_space<vmem>>
        %dma_start3A_369 = tpu.memref_squeeze %dma_start3A_368 : memref<1x8x128xi32, #tpu.memory_space<vmem>> -> memref<8x128xi32, #tpu.memory_space<vmem>>
        %dma_start3A_370 = arith.constant 0 : i32
        %dma_start3A_371 = tpu.memref_slice %arg4[%add3A_123, %dma_start3A_370] : memref<2560x128xi32, #tpu.memory_space<hbm>> -> memref<8x128xi32, #tpu.memory_space<hbm>>
        %dma_start3A_372 = arith.constant 0 : i32
        %dma_start3A_373 = arith.constant 0 : i32
        %dma_start3A_374 = tpu.memref_slice %arg7[%select_n3A_114, %dma_start3A_372, %dma_start3A_373] : memref<2x8x128xi32, #tpu.memory_space<vmem>> -> memref<1x8x128xi32, #tpu.memory_space<vmem>>
        %dma_start3A_375 = tpu.memref_squeeze %dma_start3A_374 : memref<1x8x128xi32, #tpu.memory_space<vmem>> -> memref<8x128xi32, #tpu.memory_space<vmem>>
        %dma_start3A_376 = arith.constant 0 : i32
        %dma_start3A_377 = tpu.memref_slice %arg4[%add3A_123, %dma_start3A_376] : memref<2560x128xi32, #tpu.memory_space<hbm>> -> memref<8x128xi32, #tpu.memory_space<hbm>>
        tpu.enqueue_dma source(%dma_start3A_377 : memref<8x128xi32, #tpu.memory_space<hbm>>) target(%dma_start3A_375 : memref<8x128xi32, #tpu.memory_space<vmem>>) target_semaphore(%run_scoped3A_365 : memref<!tpu.dma_semaphore, #tpu.memory_space<semaphore_mem>>)
        %dma_wait3A_378 = arith.constant 0 : i32
        %dma_wait3A_379 = arith.constant 0 : i32
        %dma_wait3A_380 = tpu.memref_slice %arg7[%select_n3A_114, %dma_wait3A_378, %dma_wait3A_379] : memref<2x8x128xi32, #tpu.memory_space<vmem>> -> memref<1x8x128xi32, #tpu.memory_space<vmem>>
        %dma_wait3A_381 = tpu.memref_squeeze %dma_wait3A_380 : memref<1x8x128xi32, #tpu.memory_space<vmem>> -> memref<8x128xi32, #tpu.memory_space<vmem>>
        %dma_wait3A_382 = arith.constant 0 : i32
        %dma_wait3A_383 = tpu.memref_slice %arg4[%add3A_123, %dma_wait3A_382] : memref<2560x128xi32, #tpu.memory_space<hbm>> -> memref<8x128xi32, #tpu.memory_space<hbm>>
        %dma_wait3A_384 = arith.constant 0 : i32
        %dma_wait3A_385 = arith.constant 0 : i32
        %dma_wait3A_386 = tpu.memref_slice %arg7[%select_n3A_114, %dma_wait3A_384, %dma_wait3A_385] : memref<2x8x128xi32, #tpu.memory_space<vmem>> -> memref<1x8x128xi32, #tpu.memory_space<vmem>>
        %dma_wait3A_387 = tpu.memref_squeeze %dma_wait3A_386 : memref<1x8x128xi32, #tpu.memory_space<vmem>> -> memref<8x128xi32, #tpu.memory_space<vmem>>
        %dma_wait3A_388 = arith.constant 0 : i32
        %dma_wait3A_389 = tpu.memref_slice %arg4[%add3A_123, %dma_wait3A_388] : memref<2560x128xi32, #tpu.memory_space<hbm>> -> memref<8x128xi32, #tpu.memory_space<hbm>>
        tpu.wait_dma2 semaphore(%run_scoped3A_365 : memref<!tpu.dma_semaphore, #tpu.memory_space<semaphore_mem>>) src(%dma_wait3A_389 : memref<8x128xi32, #tpu.memory_space<hbm>>) dst(%dma_wait3A_387 : memref<8x128xi32, #tpu.memory_space<vmem>>)
        tpu.yield
      }) : () -> ()
      %dma_wait3A_124 = arith.constant 0 : i32
      %dma_wait3A_125 = arith.constant 0 : i32
      %dma_wait3A_126 = arith.constant 0 : i32
      %dma_wait3A_127 = tpu.memref_slice %arg6[%dma_wait3A_124, %dma_wait3A_125, %dma_wait3A_126] : memref<2x8x128xi32, #tpu.memory_space<vmem>> -> memref<1x1x128xi32, #tpu.memory_space<vmem>>
      %dma_wait3A_128 = tpu.memref_squeeze %dma_wait3A_127 : memref<1x1x128xi32, #tpu.memory_space<vmem>> -> memref<128xi32, #tpu.memory_space<vmem>>
      %dma_wait3A_129 = arith.constant 0 : i32
      %dma_wait3A_130 = arith.constant 0 : i32
      %dma_wait3A_131 = tpu.memref_slice %arg2[%dma_wait3A_129, %dma_wait3A_130] : memref<10000x128xf32, #tpu.memory_space<hbm>> -> memref<10000x128xf32, #tpu.memory_space<hbm>>
      tpu.wait_indirect_dma semaphore(%arg11 : memref<!tpu.dma_semaphore, #tpu.memory_space<semaphore_mem>>) src(%dma_wait3A_131 : memref<10000x128xf32, #tpu.memory_space<hbm>>) dst(%arg8 : memref<128x128xf32, #tpu.memory_space<vmem>>)
      %dma_start3A_132 = arith.constant 0 : i32
      %dma_start3A_133 = arith.constant 0 : i32
      %dma_start3A_134 = tpu.memref_slice %arg7[%select_n3A_96, %dma_start3A_132, %dma_start3A_133] : memref<2x8x128xi32, #tpu.memory_space<vmem>> -> memref<1x1x128xi32, #tpu.memory_space<vmem>>
      %dma_start3A_135 = tpu.memref_squeeze %dma_start3A_134 : memref<1x1x128xi32, #tpu.memory_space<vmem>> -> memref<128xi32, #tpu.memory_space<vmem>>
      %dma_start3A_136 = arith.constant 0 : i32
      %dma_start3A_137 = arith.constant 0 : i32
      %dma_start3A_138 = tpu.memref_slice %arg10[%dma_start3A_136, %dma_start3A_137] : memref<10240x128xf32, #tpu.memory_space<vmem_shared>> -> memref<10240x128xf32, #tpu.memory_space<vmem_shared>>
      tpu.enqueue_indirect_dma source(%arg8 : memref<128x128xf32, #tpu.memory_space<vmem>>) target(%dma_start3A_138 : memref<10240x128xf32, #tpu.memory_space<vmem_shared>>) offsets(%dma_start3A_135 : memref<128xi32, #tpu.memory_space<vmem>>) semaphore(%arg13 : memref<!tpu.dma_semaphore, #tpu.memory_space<semaphore_mem>>) {add = true}
      %dma_wait3A_139 = arith.constant 0 : i32
      %dma_wait3A_140 = arith.constant 0 : i32
      %dma_wait3A_141 = arith.constant 0 : i32
      %dma_wait3A_142 = tpu.memref_slice %arg7[%dma_wait3A_139, %dma_wait3A_140, %dma_wait3A_141] : memref<2x8x128xi32, #tpu.memory_space<vmem>> -> memref<1x1x128xi32, #tpu.memory_space<vmem>>
      %dma_wait3A_143 = tpu.memref_squeeze %dma_wait3A_142 : memref<1x1x128xi32, #tpu.memory_space<vmem>> -> memref<128xi32, #tpu.memory_space<vmem>>
      %dma_wait3A_144 = arith.constant 0 : i32
      %dma_wait3A_145 = arith.constant 0 : i32
      %dma_wait3A_146 = tpu.memref_slice %arg10[%dma_wait3A_144, %dma_wait3A_145] : memref<10240x128xf32, #tpu.memory_space<vmem_shared>> -> memref<10240x128xf32, #tpu.memory_space<vmem_shared>>
      tpu.wait_indirect_dma semaphore(%arg13 : memref<!tpu.dma_semaphore, #tpu.memory_space<semaphore_mem>>) src(%arg8 : memref<128x128xf32, #tpu.memory_space<vmem>>) dst(%dma_wait3A_146 : memref<10240x128xf32, #tpu.memory_space<vmem_shared>>)
      %dma_start3A_147 = arith.constant 2 : i32
      %dma_start3A_148 = arith.constant 0 : i32
      %dma_start3A_149 = tpu.memref_slice %arg6[%select_n3A_96, %dma_start3A_147, %dma_start3A_148] : memref<2x8x128xi32, #tpu.memory_space<vmem>> -> memref<1x1x128xi32, #tpu.memory_space<vmem>>
      %dma_start3A_150 = tpu.memref_squeeze %dma_start3A_149 : memref<1x1x128xi32, #tpu.memory_space<vmem>> -> memref<128xi32, #tpu.memory_space<vmem>>
      %dma_start3A_151 = arith.constant 0 : i32
      %dma_start3A_152 = arith.constant 0 : i32
      %dma_start3A_153 = tpu.memref_slice %arg2[%dma_start3A_151, %dma_start3A_152] : memref<10000x128xf32, #tpu.memory_space<hbm>> -> memref<10000x128xf32, #tpu.memory_space<hbm>>
      tpu.enqueue_indirect_dma source(%dma_start3A_153 : memref<10000x128xf32, #tpu.memory_space<hbm>>) target(%arg8 : memref<128x128xf32, #tpu.memory_space<vmem>>) offsets(%dma_start3A_150 : memref<128xi32, #tpu.memory_space<vmem>>) semaphore(%arg11 : memref<!tpu.dma_semaphore, #tpu.memory_space<semaphore_mem>>)
      %dma_wait3A_154 = arith.constant 0 : i32
      %dma_wait3A_155 = arith.constant 0 : i32
      %dma_wait3A_156 = arith.constant 0 : i32
      %dma_wait3A_157 = tpu.memref_slice %arg6[%dma_wait3A_154, %dma_wait3A_155, %dma_wait3A_156] : memref<2x8x128xi32, #tpu.memory_space<vmem>> -> memref<1x1x128xi32, #tpu.memory_space<vmem>>
      %dma_wait3A_158 = tpu.memref_squeeze %dma_wait3A_157 : memref<1x1x128xi32, #tpu.memory_space<vmem>> -> memref<128xi32, #tpu.memory_space<vmem>>
      %dma_wait3A_159 = arith.constant 0 : i32
      %dma_wait3A_160 = arith.constant 0 : i32
      %dma_wait3A_161 = tpu.memref_slice %arg2[%dma_wait3A_159, %dma_wait3A_160] : memref<10000x128xf32, #tpu.memory_space<hbm>> -> memref<10000x128xf32, #tpu.memory_space<hbm>>
      tpu.wait_indirect_dma semaphore(%arg12 : memref<!tpu.dma_semaphore, #tpu.memory_space<semaphore_mem>>) src(%dma_wait3A_161 : memref<10000x128xf32, #tpu.memory_space<hbm>>) dst(%arg9 : memref<128x128xf32, #tpu.memory_space<vmem>>)
      %dma_start3A_162 = arith.constant 1 : i32
      %dma_start3A_163 = arith.constant 0 : i32
      %dma_start3A_164 = tpu.memref_slice %arg7[%select_n3A_96, %dma_start3A_162, %dma_start3A_163] : memref<2x8x128xi32, #tpu.memory_space<vmem>> -> memref<1x1x128xi32, #tpu.memory_space<vmem>>
      %dma_start3A_165 = tpu.memref_squeeze %dma_start3A_164 : memref<1x1x128xi32, #tpu.memory_space<vmem>> -> memref<128xi32, #tpu.memory_space<vmem>>
      %dma_start3A_166 = arith.constant 0 : i32
      %dma_start3A_167 = arith.constant 0 : i32
      %dma_start3A_168 = tpu.memref_slice %arg10[%dma_start3A_166, %dma_start3A_167] : memref<10240x128xf32, #tpu.memory_space<vmem_shared>> -> memref<10240x128xf32, #tpu.memory_space<vmem_shared>>
      tpu.enqueue_indirect_dma source(%arg9 : memref<128x128xf32, #tpu.memory_space<vmem>>) target(%dma_start3A_168 : memref<10240x128xf32, #tpu.memory_space<vmem_shared>>) offsets(%dma_start3A_165 : memref<128xi32, #tpu.memory_space<vmem>>) semaphore(%arg14 : memref<!tpu.dma_semaphore, #tpu.memory_space<semaphore_mem>>) {add = true}
      %dma_wait3A_169 = arith.constant 0 : i32
      %dma_wait3A_170 = arith.constant 0 : i32
      %dma_wait3A_171 = arith.constant 0 : i32
      %dma_wait3A_172 = tpu.memref_slice %arg7[%dma_wait3A_169, %dma_wait3A_170, %dma_wait3A_171] : memref<2x8x128xi32, #tpu.memory_space<vmem>> -> memref<1x1x128xi32, #tpu.memory_space<vmem>>
      %dma_wait3A_173 = tpu.memref_squeeze %dma_wait3A_172 : memref<1x1x128xi32, #tpu.memory_space<vmem>> -> memref<128xi32, #tpu.memory_space<vmem>>
      %dma_wait3A_174 = arith.constant 0 : i32
      %dma_wait3A_175 = arith.constant 0 : i32
      %dma_wait3A_176 = tpu.memref_slice %arg10[%dma_wait3A_174, %dma_wait3A_175] : memref<10240x128xf32, #tpu.memory_space<vmem_shared>> -> memref<10240x128xf32, #tpu.memory_space<vmem_shared>>
      tpu.wait_indirect_dma semaphore(%arg14 : memref<!tpu.dma_semaphore, #tpu.memory_space<semaphore_mem>>) src(%arg9 : memref<128x128xf32, #tpu.memory_space<vmem>>) dst(%dma_wait3A_176 : memref<10240x128xf32, #tpu.memory_space<vmem_shared>>)
      %dma_start3A_177 = arith.constant 3 : i32
      %dma_start3A_178 = arith.constant 0 : i32
      %dma_start3A_179 = tpu.memref_slice %arg6[%select_n3A_96, %dma_start3A_177, %dma_start3A_178] : memref<2x8x128xi32, #tpu.memory_space<vmem>> -> memref<1x1x128xi32, #tpu.memory_space<vmem>>
      %dma_start3A_180 = tpu.memref_squeeze %dma_start3A_179 : memref<1x1x128xi32, #tpu.memory_space<vmem>> -> memref<128xi32, #tpu.memory_space<vmem>>
      %dma_start3A_181 = arith.constant 0 : i32
      %dma_start3A_182 = arith.constant 0 : i32
      %dma_start3A_183 = tpu.memref_slice %arg2[%dma_start3A_181, %dma_start3A_182] : memref<10000x128xf32, #tpu.memory_space<hbm>> -> memref<10000x128xf32, #tpu.memory_space<hbm>>
      tpu.enqueue_indirect_dma source(%dma_start3A_183 : memref<10000x128xf32, #tpu.memory_space<hbm>>) target(%arg9 : memref<128x128xf32, #tpu.memory_space<vmem>>) offsets(%dma_start3A_180 : memref<128xi32, #tpu.memory_space<vmem>>) semaphore(%arg12 : memref<!tpu.dma_semaphore, #tpu.memory_space<semaphore_mem>>)
      %dma_wait3A_184 = arith.constant 0 : i32
      %dma_wait3A_185 = arith.constant 0 : i32
      %dma_wait3A_186 = arith.constant 0 : i32
      %dma_wait3A_187 = tpu.memref_slice %arg6[%dma_wait3A_184, %dma_wait3A_185, %dma_wait3A_186] : memref<2x8x128xi32, #tpu.memory_space<vmem>> -> memref<1x1x128xi32, #tpu.memory_space<vmem>>
      %dma_wait3A_188 = tpu.memref_squeeze %dma_wait3A_187 : memref<1x1x128xi32, #tpu.memory_space<vmem>> -> memref<128xi32, #tpu.memory_space<vmem>>
      %dma_wait3A_189 = arith.constant 0 : i32
      %dma_wait3A_190 = arith.constant 0 : i32
      %dma_wait3A_191 = tpu.memref_slice %arg2[%dma_wait3A_189, %dma_wait3A_190] : memref<10000x128xf32, #tpu.memory_space<hbm>> -> memref<10000x128xf32, #tpu.memory_space<hbm>>
      tpu.wait_indirect_dma semaphore(%arg11 : memref<!tpu.dma_semaphore, #tpu.memory_space<semaphore_mem>>) src(%dma_wait3A_191 : memref<10000x128xf32, #tpu.memory_space<hbm>>) dst(%arg8 : memref<128x128xf32, #tpu.memory_space<vmem>>)
      %dma_start3A_192 = arith.constant 2 : i32
      %dma_start3A_193 = arith.constant 0 : i32
      %dma_start3A_194 = tpu.memref_slice %arg7[%select_n3A_96, %dma_start3A_192, %dma_start3A_193] : memref<2x8x128xi32, #tpu.memory_space<vmem>> -> memref<1x1x128xi32, #tpu.memory_space<vmem>>
      %dma_start3A_195 = tpu.memref_squeeze %dma_start3A_194 : memref<1x1x128xi32, #tpu.memory_space<vmem>> -> memref<128xi32, #tpu.memory_space<vmem>>
      %dma_start3A_196 = arith.constant 0 : i32
      %dma_start3A_197 = arith.constant 0 : i32
      %dma_start3A_198 = tpu.memref_slice %arg10[%dma_start3A_196, %dma_start3A_197] : memref<10240x128xf32, #tpu.memory_space<vmem_shared>> -> memref<10240x128xf32, #tpu.memory_space<vmem_shared>>
      tpu.enqueue_indirect_dma source(%arg8 : memref<128x128xf32, #tpu.memory_space<vmem>>) target(%dma_start3A_198 : memref<10240x128xf32, #tpu.memory_space<vmem_shared>>) offsets(%dma_start3A_195 : memref<128xi32, #tpu.memory_space<vmem>>) semaphore(%arg13 : memref<!tpu.dma_semaphore, #tpu.memory_space<semaphore_mem>>) {add = true}
      %dma_wait3A_199 = arith.constant 0 : i32
      %dma_wait3A_200 = arith.constant 0 : i32
      %dma_wait3A_201 = arith.constant 0 : i32
      %dma_wait3A_202 = tpu.memref_slice %arg7[%dma_wait3A_199, %dma_wait3A_200, %dma_wait3A_201] : memref<2x8x128xi32, #tpu.memory_space<vmem>> -> memref<1x1x128xi32, #tpu.memory_space<vmem>>
      %dma_wait3A_203 = tpu.memref_squeeze %dma_wait3A_202 : memref<1x1x128xi32, #tpu.memory_space<vmem>> -> memref<128xi32, #tpu.memory_space<vmem>>
      %dma_wait3A_204 = arith.constant 0 : i32
      %dma_wait3A_205 = arith.constant 0 : i32
      %dma_wait3A_206 = tpu.memref_slice %arg10[%dma_wait3A_204, %dma_wait3A_205] : memref<10240x128xf32, #tpu.memory_space<vmem_shared>> -> memref<10240x128xf32, #tpu.memory_space<vmem_shared>>
      tpu.wait_indirect_dma semaphore(%arg13 : memref<!tpu.dma_semaphore, #tpu.memory_space<semaphore_mem>>) src(%arg8 : memref<128x128xf32, #tpu.memory_space<vmem>>) dst(%dma_wait3A_206 : memref<10240x128xf32, #tpu.memory_space<vmem_shared>>)
      %dma_start3A_207 = arith.constant 4 : i32
      %dma_start3A_208 = arith.constant 0 : i32
      %dma_start3A_209 = tpu.memref_slice %arg6[%select_n3A_96, %dma_start3A_207, %dma_start3A_208] : memref<2x8x128xi32, #tpu.memory_space<vmem>> -> memref<1x1x128xi32, #tpu.memory_space<vmem>>
      %dma_start3A_210 = tpu.memref_squeeze %dma_start3A_209 : memref<1x1x128xi32, #tpu.memory_space<vmem>> -> memref<128xi32, #tpu.memory_space<vmem>>
      %dma_start3A_211 = arith.constant 0 : i32
      %dma_start3A_212 = arith.constant 0 : i32
      %dma_start3A_213 = tpu.memref_slice %arg2[%dma_start3A_211, %dma_start3A_212] : memref<10000x128xf32, #tpu.memory_space<hbm>> -> memref<10000x128xf32, #tpu.memory_space<hbm>>
      tpu.enqueue_indirect_dma source(%dma_start3A_213 : memref<10000x128xf32, #tpu.memory_space<hbm>>) target(%arg8 : memref<128x128xf32, #tpu.memory_space<vmem>>) offsets(%dma_start3A_210 : memref<128xi32, #tpu.memory_space<vmem>>) semaphore(%arg11 : memref<!tpu.dma_semaphore, #tpu.memory_space<semaphore_mem>>)
      %dma_wait3A_214 = arith.constant 0 : i32
      %dma_wait3A_215 = arith.constant 0 : i32
      %dma_wait3A_216 = arith.constant 0 : i32
      %dma_wait3A_217 = tpu.memref_slice %arg6[%dma_wait3A_214, %dma_wait3A_215, %dma_wait3A_216] : memref<2x8x128xi32, #tpu.memory_space<vmem>> -> memref<1x1x128xi32, #tpu.memory_space<vmem>>
      %dma_wait3A_218 = tpu.memref_squeeze %dma_wait3A_217 : memref<1x1x128xi32, #tpu.memory_space<vmem>> -> memref<128xi32, #tpu.memory_space<vmem>>
      %dma_wait3A_219 = arith.constant 0 : i32
      %dma_wait3A_220 = arith.constant 0 : i32
      %dma_wait3A_221 = tpu.memref_slice %arg2[%dma_wait3A_219, %dma_wait3A_220] : memref<10000x128xf32, #tpu.memory_space<hbm>> -> memref<10000x128xf32, #tpu.memory_space<hbm>>
      tpu.wait_indirect_dma semaphore(%arg12 : memref<!tpu.dma_semaphore, #tpu.memory_space<semaphore_mem>>) src(%dma_wait3A_221 : memref<10000x128xf32, #tpu.memory_space<hbm>>) dst(%arg9 : memref<128x128xf32, #tpu.memory_space<vmem>>)
      %dma_start3A_222 = arith.constant 3 : i32
      %dma_start3A_223 = arith.constant 0 : i32
      %dma_start3A_224 = tpu.memref_slice %arg7[%select_n3A_96, %dma_start3A_222, %dma_start3A_223] : memref<2x8x128xi32, #tpu.memory_space<vmem>> -> memref<1x1x128xi32, #tpu.memory_space<vmem>>
      %dma_start3A_225 = tpu.memref_squeeze %dma_start3A_224 : memref<1x1x128xi32, #tpu.memory_space<vmem>> -> memref<128xi32, #tpu.memory_space<vmem>>
      %dma_start3A_226 = arith.constant 0 : i32
      %dma_start3A_227 = arith.constant 0 : i32
      %dma_start3A_228 = tpu.memref_slice %arg10[%dma_start3A_226, %dma_start3A_227] : memref<10240x128xf32, #tpu.memory_space<vmem_shared>> -> memref<10240x128xf32, #tpu.memory_space<vmem_shared>>
      tpu.enqueue_indirect_dma source(%arg9 : memref<128x128xf32, #tpu.memory_space<vmem>>) target(%dma_start3A_228 : memref<10240x128xf32, #tpu.memory_space<vmem_shared>>) offsets(%dma_start3A_225 : memref<128xi32, #tpu.memory_space<vmem>>) semaphore(%arg14 : memref<!tpu.dma_semaphore, #tpu.memory_space<semaphore_mem>>) {add = true}
      %dma_wait3A_229 = arith.constant 0 : i32
      %dma_wait3A_230 = arith.constant 0 : i32
      %dma_wait3A_231 = arith.constant 0 : i32
      %dma_wait3A_232 = tpu.memref_slice %arg7[%dma_wait3A_229, %dma_wait3A_230, %dma_wait3A_231] : memref<2x8x128xi32, #tpu.memory_space<vmem>> -> memref<1x1x128xi32, #tpu.memory_space<vmem>>
      %dma_wait3A_233 = tpu.memref_squeeze %dma_wait3A_232 : memref<1x1x128xi32, #tpu.memory_space<vmem>> -> memref<128xi32, #tpu.memory_space<vmem>>
      %dma_wait3A_234 = arith.constant 0 : i32
      %dma_wait3A_235 = arith.constant 0 : i32
      %dma_wait3A_236 = tpu.memref_slice %arg10[%dma_wait3A_234, %dma_wait3A_235] : memref<10240x128xf32, #tpu.memory_space<vmem_shared>> -> memref<10240x128xf32, #tpu.memory_space<vmem_shared>>
      tpu.wait_indirect_dma semaphore(%arg14 : memref<!tpu.dma_semaphore, #tpu.memory_space<semaphore_mem>>) src(%arg9 : memref<128x128xf32, #tpu.memory_space<vmem>>) dst(%dma_wait3A_236 : memref<10240x128xf32, #tpu.memory_space<vmem_shared>>)
      %dma_start3A_237 = arith.constant 5 : i32
      %dma_start3A_238 = arith.constant 0 : i32
      %dma_start3A_239 = tpu.memref_slice %arg6[%select_n3A_96, %dma_start3A_237, %dma_start3A_238] : memref<2x8x128xi32, #tpu.memory_space<vmem>> -> memref<1x1x128xi32, #tpu.memory_space<vmem>>
      %dma_start3A_240 = tpu.memref_squeeze %dma_start3A_239 : memref<1x1x128xi32, #tpu.memory_space<vmem>> -> memref<128xi32, #tpu.memory_space<vmem>>
      %dma_start3A_241 = arith.constant 0 : i32
      %dma_start3A_242 = arith.constant 0 : i32
      %dma_start3A_243 = tpu.memref_slice %arg2[%dma_start3A_241, %dma_start3A_242] : memref<10000x128xf32, #tpu.memory_space<hbm>> -> memref<10000x128xf32, #tpu.memory_space<hbm>>
      tpu.enqueue_indirect_dma source(%dma_start3A_243 : memref<10000x128xf32, #tpu.memory_space<hbm>>) target(%arg9 : memref<128x128xf32, #tpu.memory_space<vmem>>) offsets(%dma_start3A_240 : memref<128xi32, #tpu.memory_space<vmem>>) semaphore(%arg12 : memref<!tpu.dma_semaphore, #tpu.memory_space<semaphore_mem>>)
      %dma_wait3A_244 = arith.constant 0 : i32
      %dma_wait3A_245 = arith.constant 0 : i32
      %dma_wait3A_246 = arith.constant 0 : i32
      %dma_wait3A_247 = tpu.memref_slice %arg6[%dma_wait3A_244, %dma_wait3A_245, %dma_wait3A_246] : memref<2x8x128xi32, #tpu.memory_space<vmem>> -> memref<1x1x128xi32, #tpu.memory_space<vmem>>
      %dma_wait3A_248 = tpu.memref_squeeze %dma_wait3A_247 : memref<1x1x128xi32, #tpu.memory_space<vmem>> -> memref<128xi32, #tpu.memory_space<vmem>>
      %dma_wait3A_249 = arith.constant 0 : i32
      %dma_wait3A_250 = arith.constant 0 : i32
      %dma_wait3A_251 = tpu.memref_slice %arg2[%dma_wait3A_249, %dma_wait3A_250] : memref<10000x128xf32, #tpu.memory_space<hbm>> -> memref<10000x128xf32, #tpu.memory_space<hbm>>
      tpu.wait_indirect_dma semaphore(%arg11 : memref<!tpu.dma_semaphore, #tpu.memory_space<semaphore_mem>>) src(%dma_wait3A_251 : memref<10000x128xf32, #tpu.memory_space<hbm>>) dst(%arg8 : memref<128x128xf32, #tpu.memory_space<vmem>>)
      %dma_start3A_252 = arith.constant 4 : i32
      %dma_start3A_253 = arith.constant 0 : i32
      %dma_start3A_254 = tpu.memref_slice %arg7[%select_n3A_96, %dma_start3A_252, %dma_start3A_253] : memref<2x8x128xi32, #tpu.memory_space<vmem>> -> memref<1x1x128xi32, #tpu.memory_space<vmem>>
      %dma_start3A_255 = tpu.memref_squeeze %dma_start3A_254 : memref<1x1x128xi32, #tpu.memory_space<vmem>> -> memref<128xi32, #tpu.memory_space<vmem>>
      %dma_start3A_256 = arith.constant 0 : i32
      %dma_start3A_257 = arith.constant 0 : i32
      %dma_start3A_258 = tpu.memref_slice %arg10[%dma_start3A_256, %dma_start3A_257] : memref<10240x128xf32, #tpu.memory_space<vmem_shared>> -> memref<10240x128xf32, #tpu.memory_space<vmem_shared>>
      tpu.enqueue_indirect_dma source(%arg8 : memref<128x128xf32, #tpu.memory_space<vmem>>) target(%dma_start3A_258 : memref<10240x128xf32, #tpu.memory_space<vmem_shared>>) offsets(%dma_start3A_255 : memref<128xi32, #tpu.memory_space<vmem>>) semaphore(%arg13 : memref<!tpu.dma_semaphore, #tpu.memory_space<semaphore_mem>>) {add = true}
      %dma_wait3A_259 = arith.constant 0 : i32
      %dma_wait3A_260 = arith.constant 0 : i32
      %dma_wait3A_261 = arith.constant 0 : i32
      %dma_wait3A_262 = tpu.memref_slice %arg7[%dma_wait3A_259, %dma_wait3A_260, %dma_wait3A_261] : memref<2x8x128xi32, #tpu.memory_space<vmem>> -> memref<1x1x128xi32, #tpu.memory_space<vmem>>
      %dma_wait3A_263 = tpu.memref_squeeze %dma_wait3A_262 : memref<1x1x128xi32, #tpu.memory_space<vmem>> -> memref<128xi32, #tpu.memory_space<vmem>>
      %dma_wait3A_264 = arith.constant 0 : i32
      %dma_wait3A_265 = arith.constant 0 : i32
      %dma_wait3A_266 = tpu.memref_slice %arg10[%dma_wait3A_264, %dma_wait3A_265] : memref<10240x128xf32, #tpu.memory_space<vmem_shared>> -> memref<10240x128xf32, #tpu.memory_space<vmem_shared>>
      tpu.wait_indirect_dma semaphore(%arg13 : memref<!tpu.dma_semaphore, #tpu.memory_space<semaphore_mem>>) src(%arg8 : memref<128x128xf32, #tpu.memory_space<vmem>>) dst(%dma_wait3A_266 : memref<10240x128xf32, #tpu.memory_space<vmem_shared>>)
      %dma_start3A_267 = arith.constant 6 : i32
      %dma_start3A_268 = arith.constant 0 : i32
      %dma_start3A_269 = tpu.memref_slice %arg6[%select_n3A_96, %dma_start3A_267, %dma_start3A_268] : memref<2x8x128xi32, #tpu.memory_space<vmem>> -> memref<1x1x128xi32, #tpu.memory_space<vmem>>
      %dma_start3A_270 = tpu.memref_squeeze %dma_start3A_269 : memref<1x1x128xi32, #tpu.memory_space<vmem>> -> memref<128xi32, #tpu.memory_space<vmem>>
      %dma_start3A_271 = arith.constant 0 : i32
      %dma_start3A_272 = arith.constant 0 : i32
      %dma_start3A_273 = tpu.memref_slice %arg2[%dma_start3A_271, %dma_start3A_272] : memref<10000x128xf32, #tpu.memory_space<hbm>> -> memref<10000x128xf32, #tpu.memory_space<hbm>>
      tpu.enqueue_indirect_dma source(%dma_start3A_273 : memref<10000x128xf32, #tpu.memory_space<hbm>>) target(%arg8 : memref<128x128xf32, #tpu.memory_space<vmem>>) offsets(%dma_start3A_270 : memref<128xi32, #tpu.memory_space<vmem>>) semaphore(%arg11 : memref<!tpu.dma_semaphore, #tpu.memory_space<semaphore_mem>>)
      %dma_wait3A_274 = arith.constant 0 : i32
      %dma_wait3A_275 = arith.constant 0 : i32
      %dma_wait3A_276 = arith.constant 0 : i32
      %dma_wait3A_277 = tpu.memref_slice %arg6[%dma_wait3A_274, %dma_wait3A_275, %dma_wait3A_276] : memref<2x8x128xi32, #tpu.memory_space<vmem>> -> memref<1x1x128xi32, #tpu.memory_space<vmem>>
      %dma_wait3A_278 = tpu.memref_squeeze %dma_wait3A_277 : memref<1x1x128xi32, #tpu.memory_space<vmem>> -> memref<128xi32, #tpu.memory_space<vmem>>
      %dma_wait3A_279 = arith.constant 0 : i32
      %dma_wait3A_280 = arith.constant 0 : i32
      %dma_wait3A_281 = tpu.memref_slice %arg2[%dma_wait3A_279, %dma_wait3A_280] : memref<10000x128xf32, #tpu.memory_space<hbm>> -> memref<10000x128xf32, #tpu.memory_space<hbm>>
      tpu.wait_indirect_dma semaphore(%arg12 : memref<!tpu.dma_semaphore, #tpu.memory_space<semaphore_mem>>) src(%dma_wait3A_281 : memref<10000x128xf32, #tpu.memory_space<hbm>>) dst(%arg9 : memref<128x128xf32, #tpu.memory_space<vmem>>)
      %dma_start3A_282 = arith.constant 5 : i32
      %dma_start3A_283 = arith.constant 0 : i32
      %dma_start3A_284 = tpu.memref_slice %arg7[%select_n3A_96, %dma_start3A_282, %dma_start3A_283] : memref<2x8x128xi32, #tpu.memory_space<vmem>> -> memref<1x1x128xi32, #tpu.memory_space<vmem>>
      %dma_start3A_285 = tpu.memref_squeeze %dma_start3A_284 : memref<1x1x128xi32, #tpu.memory_space<vmem>> -> memref<128xi32, #tpu.memory_space<vmem>>
      %dma_start3A_286 = arith.constant 0 : i32
      %dma_start3A_287 = arith.constant 0 : i32
      %dma_start3A_288 = tpu.memref_slice %arg10[%dma_start3A_286, %dma_start3A_287] : memref<10240x128xf32, #tpu.memory_space<vmem_shared>> -> memref<10240x128xf32, #tpu.memory_space<vmem_shared>>
      tpu.enqueue_indirect_dma source(%arg9 : memref<128x128xf32, #tpu.memory_space<vmem>>) target(%dma_start3A_288 : memref<10240x128xf32, #tpu.memory_space<vmem_shared>>) offsets(%dma_start3A_285 : memref<128xi32, #tpu.memory_space<vmem>>) semaphore(%arg14 : memref<!tpu.dma_semaphore, #tpu.memory_space<semaphore_mem>>) {add = true}
      %dma_wait3A_289 = arith.constant 0 : i32
      %dma_wait3A_290 = arith.constant 0 : i32
      %dma_wait3A_291 = arith.constant 0 : i32
      %dma_wait3A_292 = tpu.memref_slice %arg7[%dma_wait3A_289, %dma_wait3A_290, %dma_wait3A_291] : memref<2x8x128xi32, #tpu.memory_space<vmem>> -> memref<1x1x128xi32, #tpu.memory_space<vmem>>
      %dma_wait3A_293 = tpu.memref_squeeze %dma_wait3A_292 : memref<1x1x128xi32, #tpu.memory_space<vmem>> -> memref<128xi32, #tpu.memory_space<vmem>>
      %dma_wait3A_294 = arith.constant 0 : i32
      %dma_wait3A_295 = arith.constant 0 : i32
      %dma_wait3A_296 = tpu.memref_slice %arg10[%dma_wait3A_294, %dma_wait3A_295] : memref<10240x128xf32, #tpu.memory_space<vmem_shared>> -> memref<10240x128xf32, #tpu.memory_space<vmem_shared>>
      tpu.wait_indirect_dma semaphore(%arg14 : memref<!tpu.dma_semaphore, #tpu.memory_space<semaphore_mem>>) src(%arg9 : memref<128x128xf32, #tpu.memory_space<vmem>>) dst(%dma_wait3A_296 : memref<10240x128xf32, #tpu.memory_space<vmem_shared>>)
      %dma_start3A_297 = arith.constant 7 : i32
      %dma_start3A_298 = arith.constant 0 : i32
      %dma_start3A_299 = tpu.memref_slice %arg6[%select_n3A_96, %dma_start3A_297, %dma_start3A_298] : memref<2x8x128xi32, #tpu.memory_space<vmem>> -> memref<1x1x128xi32, #tpu.memory_space<vmem>>
      %dma_start3A_300 = tpu.memref_squeeze %dma_start3A_299 : memref<1x1x128xi32, #tpu.memory_space<vmem>> -> memref<128xi32, #tpu.memory_space<vmem>>
      %dma_start3A_301 = arith.constant 0 : i32
      %dma_start3A_302 = arith.constant 0 : i32
      %dma_start3A_303 = tpu.memref_slice %arg2[%dma_start3A_301, %dma_start3A_302] : memref<10000x128xf32, #tpu.memory_space<hbm>> -> memref<10000x128xf32, #tpu.memory_space<hbm>>
      tpu.enqueue_indirect_dma source(%dma_start3A_303 : memref<10000x128xf32, #tpu.memory_space<hbm>>) target(%arg9 : memref<128x128xf32, #tpu.memory_space<vmem>>) offsets(%dma_start3A_300 : memref<128xi32, #tpu.memory_space<vmem>>) semaphore(%arg12 : memref<!tpu.dma_semaphore, #tpu.memory_space<semaphore_mem>>)
      %dma_wait3A_304 = arith.constant 0 : i32
      %dma_wait3A_305 = arith.constant 0 : i32
      %dma_wait3A_306 = arith.constant 0 : i32
      %dma_wait3A_307 = tpu.memref_slice %arg6[%dma_wait3A_304, %dma_wait3A_305, %dma_wait3A_306] : memref<2x8x128xi32, #tpu.memory_space<vmem>> -> memref<1x1x128xi32, #tpu.memory_space<vmem>>
      %dma_wait3A_308 = tpu.memref_squeeze %dma_wait3A_307 : memref<1x1x128xi32, #tpu.memory_space<vmem>> -> memref<128xi32, #tpu.memory_space<vmem>>
      %dma_wait3A_309 = arith.constant 0 : i32
      %dma_wait3A_310 = arith.constant 0 : i32
      %dma_wait3A_311 = tpu.memref_slice %arg2[%dma_wait3A_309, %dma_wait3A_310] : memref<10000x128xf32, #tpu.memory_space<hbm>> -> memref<10000x128xf32, #tpu.memory_space<hbm>>
      tpu.wait_indirect_dma semaphore(%arg11 : memref<!tpu.dma_semaphore, #tpu.memory_space<semaphore_mem>>) src(%dma_wait3A_311 : memref<10000x128xf32, #tpu.memory_space<hbm>>) dst(%arg8 : memref<128x128xf32, #tpu.memory_space<vmem>>)
      %dma_start3A_312 = arith.constant 6 : i32
      %dma_start3A_313 = arith.constant 0 : i32
      %dma_start3A_314 = tpu.memref_slice %arg7[%select_n3A_96, %dma_start3A_312, %dma_start3A_313] : memref<2x8x128xi32, #tpu.memory_space<vmem>> -> memref<1x1x128xi32, #tpu.memory_space<vmem>>
      %dma_start3A_315 = tpu.memref_squeeze %dma_start3A_314 : memref<1x1x128xi32, #tpu.memory_space<vmem>> -> memref<128xi32, #tpu.memory_space<vmem>>
      %dma_start3A_316 = arith.constant 0 : i32
      %dma_start3A_317 = arith.constant 0 : i32
      %dma_start3A_318 = tpu.memref_slice %arg10[%dma_start3A_316, %dma_start3A_317] : memref<10240x128xf32, #tpu.memory_space<vmem_shared>> -> memref<10240x128xf32, #tpu.memory_space<vmem_shared>>
      tpu.enqueue_indirect_dma source(%arg8 : memref<128x128xf32, #tpu.memory_space<vmem>>) target(%dma_start3A_318 : memref<10240x128xf32, #tpu.memory_space<vmem_shared>>) offsets(%dma_start3A_315 : memref<128xi32, #tpu.memory_space<vmem>>) semaphore(%arg13 : memref<!tpu.dma_semaphore, #tpu.memory_space<semaphore_mem>>) {add = true}
      %dma_wait3A_319 = arith.constant 0 : i32
      %dma_wait3A_320 = arith.constant 0 : i32
      %dma_wait3A_321 = arith.constant 0 : i32
      %dma_wait3A_322 = tpu.memref_slice %arg7[%dma_wait3A_319, %dma_wait3A_320, %dma_wait3A_321] : memref<2x8x128xi32, #tpu.memory_space<vmem>> -> memref<1x1x128xi32, #tpu.memory_space<vmem>>
      %dma_wait3A_323 = tpu.memref_squeeze %dma_wait3A_322 : memref<1x1x128xi32, #tpu.memory_space<vmem>> -> memref<128xi32, #tpu.memory_space<vmem>>
      %dma_wait3A_324 = arith.constant 0 : i32
      %dma_wait3A_325 = arith.constant 0 : i32
      %dma_wait3A_326 = tpu.memref_slice %arg10[%dma_wait3A_324, %dma_wait3A_325] : memref<10240x128xf32, #tpu.memory_space<vmem_shared>> -> memref<10240x128xf32, #tpu.memory_space<vmem_shared>>
      tpu.wait_indirect_dma semaphore(%arg13 : memref<!tpu.dma_semaphore, #tpu.memory_space<semaphore_mem>>) src(%arg8 : memref<128x128xf32, #tpu.memory_space<vmem>>) dst(%dma_wait3A_326 : memref<10240x128xf32, #tpu.memory_space<vmem_shared>>)
      %dma_start3A_327 = arith.constant 0 : i32
      %dma_start3A_328 = arith.constant 0 : i32
      %dma_start3A_329 = tpu.memref_slice %arg6[%select_n3A_114, %dma_start3A_327, %dma_start3A_328] : memref<2x8x128xi32, #tpu.memory_space<vmem>> -> memref<1x1x128xi32, #tpu.memory_space<vmem>>
      %dma_start3A_330 = tpu.memref_squeeze %dma_start3A_329 : memref<1x1x128xi32, #tpu.memory_space<vmem>> -> memref<128xi32, #tpu.memory_space<vmem>>
      %dma_start3A_331 = arith.constant 0 : i32
      %dma_start3A_332 = arith.constant 0 : i32
      %dma_start3A_333 = tpu.memref_slice %arg2[%dma_start3A_331, %dma_start3A_332] : memref<10000x128xf32, #tpu.memory_space<hbm>> -> memref<10000x128xf32, #tpu.memory_space<hbm>>
      tpu.enqueue_indirect_dma source(%dma_start3A_333 : memref<10000x128xf32, #tpu.memory_space<hbm>>) target(%arg8 : memref<128x128xf32, #tpu.memory_space<vmem>>) offsets(%dma_start3A_330 : memref<128xi32, #tpu.memory_space<vmem>>) semaphore(%arg11 : memref<!tpu.dma_semaphore, #tpu.memory_space<semaphore_mem>>)
      %dma_wait3A_334 = arith.constant 0 : i32
      %dma_wait3A_335 = arith.constant 0 : i32
      %dma_wait3A_336 = arith.constant 0 : i32
      %dma_wait3A_337 = tpu.memref_slice %arg6[%dma_wait3A_334, %dma_wait3A_335, %dma_wait3A_336] : memref<2x8x128xi32, #tpu.memory_space<vmem>> -> memref<1x1x128xi32, #tpu.memory_space<vmem>>
      %dma_wait3A_338 = tpu.memref_squeeze %dma_wait3A_337 : memref<1x1x128xi32, #tpu.memory_space<vmem>> -> memref<128xi32, #tpu.memory_space<vmem>>
      %dma_wait3A_339 = arith.constant 0 : i32
      %dma_wait3A_340 = arith.constant 0 : i32
      %dma_wait3A_341 = tpu.memref_slice %arg2[%dma_wait3A_339, %dma_wait3A_340] : memref<10000x128xf32, #tpu.memory_space<hbm>> -> memref<10000x128xf32, #tpu.memory_space<hbm>>
      tpu.wait_indirect_dma semaphore(%arg12 : memref<!tpu.dma_semaphore, #tpu.memory_space<semaphore_mem>>) src(%dma_wait3A_341 : memref<10000x128xf32, #tpu.memory_space<hbm>>) dst(%arg9 : memref<128x128xf32, #tpu.memory_space<vmem>>)
      %dma_start3A_342 = arith.constant 7 : i32
      %dma_start3A_343 = arith.constant 0 : i32
      %dma_start3A_344 = tpu.memref_slice %arg7[%select_n3A_96, %dma_start3A_342, %dma_start3A_343] : memref<2x8x128xi32, #tpu.memory_space<vmem>> -> memref<1x1x128xi32, #tpu.memory_space<vmem>>
      %dma_start3A_345 = tpu.memref_squeeze %dma_start3A_344 : memref<1x1x128xi32, #tpu.memory_space<vmem>> -> memref<128xi32, #tpu.memory_space<vmem>>
      %dma_start3A_346 = arith.constant 0 : i32
      %dma_start3A_347 = arith.constant 0 : i32
      %dma_start3A_348 = tpu.memref_slice %arg10[%dma_start3A_346, %dma_start3A_347] : memref<10240x128xf32, #tpu.memory_space<vmem_shared>> -> memref<10240x128xf32, #tpu.memory_space<vmem_shared>>
      tpu.enqueue_indirect_dma source(%arg9 : memref<128x128xf32, #tpu.memory_space<vmem>>) target(%dma_start3A_348 : memref<10240x128xf32, #tpu.memory_space<vmem_shared>>) offsets(%dma_start3A_345 : memref<128xi32, #tpu.memory_space<vmem>>) semaphore(%arg14 : memref<!tpu.dma_semaphore, #tpu.memory_space<semaphore_mem>>) {add = true}
      %dma_wait3A_349 = arith.constant 0 : i32
      %dma_wait3A_350 = arith.constant 0 : i32
      %dma_wait3A_351 = arith.constant 0 : i32
      %dma_wait3A_352 = tpu.memref_slice %arg7[%dma_wait3A_349, %dma_wait3A_350, %dma_wait3A_351] : memref<2x8x128xi32, #tpu.memory_space<vmem>> -> memref<1x1x128xi32, #tpu.memory_space<vmem>>
      %dma_wait3A_353 = tpu.memref_squeeze %dma_wait3A_352 : memref<1x1x128xi32, #tpu.memory_space<vmem>> -> memref<128xi32, #tpu.memory_space<vmem>>
      %dma_wait3A_354 = arith.constant 0 : i32
      %dma_wait3A_355 = arith.constant 0 : i32
      %dma_wait3A_356 = tpu.memref_slice %arg10[%dma_wait3A_354, %dma_wait3A_355] : memref<10240x128xf32, #tpu.memory_space<vmem_shared>> -> memref<10240x128xf32, #tpu.memory_space<vmem_shared>>
      tpu.wait_indirect_dma semaphore(%arg14 : memref<!tpu.dma_semaphore, #tpu.memory_space<semaphore_mem>>) src(%arg9 : memref<128x128xf32, #tpu.memory_space<vmem>>) dst(%dma_wait3A_356 : memref<10240x128xf32, #tpu.memory_space<vmem_shared>>)
      %dma_start3A_357 = arith.constant 1 : i32
      %dma_start3A_358 = arith.constant 0 : i32
      %dma_start3A_359 = tpu.memref_slice %arg6[%select_n3A_114, %dma_start3A_357, %dma_start3A_358] : memref<2x8x128xi32, #tpu.memory_space<vmem>> -> memref<1x1x128xi32, #tpu.memory_space<vmem>>
      %dma_start3A_360 = tpu.memref_squeeze %dma_start3A_359 : memref<1x1x128xi32, #tpu.memory_space<vmem>> -> memref<128xi32, #tpu.memory_space<vmem>>
      %dma_start3A_361 = arith.constant 0 : i32
      %dma_start3A_362 = arith.constant 0 : i32
      %dma_start3A_363 = tpu.memref_slice %arg2[%dma_start3A_361, %dma_start3A_362] : memref<10000x128xf32, #tpu.memory_space<hbm>> -> memref<10000x128xf32, #tpu.memory_space<hbm>>
      tpu.enqueue_indirect_dma source(%dma_start3A_363 : memref<10000x128xf32, #tpu.memory_space<hbm>>) target(%arg9 : memref<128x128xf32, #tpu.memory_space<vmem>>) offsets(%dma_start3A_360 : memref<128xi32, #tpu.memory_space<vmem>>) semaphore(%arg12 : memref<!tpu.dma_semaphore, #tpu.memory_space<semaphore_mem>>)
      %while3A_364 = arith.constant 0 : i32
      scf.yield %while3A_364 : i32
    }
    %while3A_61 = arith.constant 1 : i32
    %while3A_62 = scf.for %while3A_83 = %while3A_58 to %while3A_54 step %while3A_61 iter_args(%while3A_84 = %while3A_60) -> (i32)  : i32 {
      %jit3A_85 = arith.constant 2 : i32
      %eq3A_86 = arith.constant 0 : i32
      %eq3A_87 = arith.cmpi eq, %jit3A_85, %eq3A_86 : i32
      %jit3A_88 = arith.constant 1 : i32
      %select_n3A_89 = arith.select %eq3A_87, %jit3A_88, %jit3A_85 : i32
      %rem3A = arith.remsi %while3A_83, %select_n3A_89 : i32
      %ne3A = arith.constant 0 : i32
      %ne3A_90 = arith.cmpi ne, %rem3A, %ne3A : i32
      %lt3A = arith.constant 0 : i32
      %lt3A_91 = arith.cmpi slt, %rem3A, %lt3A : i32
      %lt3A_92 = arith.constant 0 : i32
      %lt3A_93 = arith.cmpi slt, %select_n3A_89, %lt3A_92 : i32
      %ne3A_94 = arith.xori %lt3A_91, %lt3A_93 : i1
      %and3A = arith.andi %ne3A_94, %ne3A_90 : i1
      %add3A_95 = arith.addi %rem3A, %select_n3A_89 : i32
      %select_n3A_96 = arith.select %and3A, %add3A_95, %rem3A : i32
      %add3A_97 = arith.constant 1 : i32
      %add3A_98 = arith.addi %while3A_83, %add3A_97 : i32
      %jit3A_99 = arith.constant 2 : i32
      %eq3A_100 = arith.constant 0 : i32
      %eq3A_101 = arith.cmpi eq, %jit3A_99, %eq3A_100 : i32
      %jit3A_102 = arith.constant 1 : i32
      %select_n3A_103 = arith.select %eq3A_101, %jit3A_102, %jit3A_99 : i32
      %rem3A_104 = arith.remsi %add3A_98, %select_n3A_103 : i32
      %ne3A_105 = arith.constant 0 : i32
      %ne3A_106 = arith.cmpi ne, %rem3A_104, %ne3A_105 : i32
      %lt3A_107 = arith.constant 0 : i32
      %lt3A_108 = arith.cmpi slt, %rem3A_104, %lt3A_107 : i32
      %lt3A_109 = arith.constant 0 : i32
      %lt3A_110 = arith.cmpi slt, %select_n3A_103, %lt3A_109 : i32
      %ne3A_111 = arith.xori %lt3A_108, %lt3A_110 : i1
      %and3A_112 = arith.andi %ne3A_111, %ne3A_106 : i1
      %add3A_113 = arith.addi %rem3A_104, %select_n3A_103 : i32
      %select_n3A_114 = arith.select %and3A_112, %add3A_113, %rem3A_104 : i32
      %add3A_115 = arith.constant 1 : i32
      %add3A_116 = arith.addi %while3A_83, %add3A_115 : i32
      %sub3A = arith.constant 1 : i32
      %sub3A_117 = arith.subi %select_n3A_8, %sub3A : i32
      %min3A = arith.minsi %add3A_116, %sub3A_117 : i32
      %mul3A_118 = arith.constant 8 : i32
      %mul3A_119 = arith.muli %min3A, %mul3A_118 : i32
      %add3A_120 = arith.addi %select_n3A, %mul3A_119 : i32
      "tpu.region"() ({
        %run_scoped3A_365 = tpu.sem_alloc : memref<!tpu.dma_semaphore, #tpu.memory_space<semaphore_mem>>
        %dma_start3A_366 = arith.constant 0 : i32
        %dma_start3A_367 = arith.constant 0 : i32
        %dma_start3A_368 = tpu.memref_slice %arg6[%select_n3A_114, %dma_start3A_366, %dma_start3A_367] : memref<2x8x128xi32, #tpu.memory_space<vmem>> -> memref<1x8x128xi32, #tpu.memory_space<vmem>>
        %dma_start3A_369 = tpu.memref_squeeze %dma_start3A_368 : memref<1x8x128xi32, #tpu.memory_space<vmem>> -> memref<8x128xi32, #tpu.memory_space<vmem>>
        %dma_start3A_370 = arith.constant 0 : i32
        %dma_start3A_371 = tpu.memref_slice %arg3[%add3A_120, %dma_start3A_370] : memref<2560x128xi32, #tpu.memory_space<hbm>> -> memref<8x128xi32, #tpu.memory_space<hbm>>
        %dma_start3A_372 = arith.constant 0 : i32
        %dma_start3A_373 = arith.constant 0 : i32
        %dma_start3A_374 = tpu.memref_slice %arg6[%select_n3A_114, %dma_start3A_372, %dma_start3A_373] : memref<2x8x128xi32, #tpu.memory_space<vmem>> -> memref<1x8x128xi32, #tpu.memory_space<vmem>>
        %dma_start3A_375 = tpu.memref_squeeze %dma_start3A_374 : memref<1x8x128xi32, #tpu.memory_space<vmem>> -> memref<8x128xi32, #tpu.memory_space<vmem>>
        %dma_start3A_376 = arith.constant 0 : i32
        %dma_start3A_377 = tpu.memref_slice %arg3[%add3A_120, %dma_start3A_376] : memref<2560x128xi32, #tpu.memory_space<hbm>> -> memref<8x128xi32, #tpu.memory_space<hbm>>
        tpu.enqueue_dma source(%dma_start3A_377 : memref<8x128xi32, #tpu.memory_space<hbm>>) target(%dma_start3A_375 : memref<8x128xi32, #tpu.memory_space<vmem>>) target_semaphore(%run_scoped3A_365 : memref<!tpu.dma_semaphore, #tpu.memory_space<semaphore_mem>>)
        %dma_wait3A_378 = arith.constant 0 : i32
        %dma_wait3A_379 = arith.constant 0 : i32
        %dma_wait3A_380 = tpu.memref_slice %arg6[%select_n3A_114, %dma_wait3A_378, %dma_wait3A_379] : memref<2x8x128xi32, #tpu.memory_space<vmem>> -> memref<1x8x128xi32, #tpu.memory_space<vmem>>
        %dma_wait3A_381 = tpu.memref_squeeze %dma_wait3A_380 : memref<1x8x128xi32, #tpu.memory_space<vmem>> -> memref<8x128xi32, #tpu.memory_space<vmem>>
        %dma_wait3A_382 = arith.constant 0 : i32
        %dma_wait3A_383 = tpu.memref_slice %arg3[%add3A_120, %dma_wait3A_382] : memref<2560x128xi32, #tpu.memory_space<hbm>> -> memref<8x128xi32, #tpu.memory_space<hbm>>
        %dma_wait3A_384 = arith.constant 0 : i32
        %dma_wait3A_385 = arith.constant 0 : i32
        %dma_wait3A_386 = tpu.memref_slice %arg6[%select_n3A_114, %dma_wait3A_384, %dma_wait3A_385] : memref<2x8x128xi32, #tpu.memory_space<vmem>> -> memref<1x8x128xi32, #tpu.memory_space<vmem>>
        %dma_wait3A_387 = tpu.memref_squeeze %dma_wait3A_386 : memref<1x8x128xi32, #tpu.memory_space<vmem>> -> memref<8x128xi32, #tpu.memory_space<vmem>>
        %dma_wait3A_388 = arith.constant 0 : i32
        %dma_wait3A_389 = tpu.memref_slice %arg3[%add3A_120, %dma_wait3A_388] : memref<2560x128xi32, #tpu.memory_space<hbm>> -> memref<8x128xi32, #tpu.memory_space<hbm>>
        tpu.wait_dma2 semaphore(%run_scoped3A_365 : memref<!tpu.dma_semaphore, #tpu.memory_space<semaphore_mem>>) src(%dma_wait3A_389 : memref<8x128xi32, #tpu.memory_space<hbm>>) dst(%dma_wait3A_387 : memref<8x128xi32, #tpu.memory_space<vmem>>)
        tpu.yield
      }) : () -> ()
      %mul3A_121 = arith.constant 8 : i32
      %mul3A_122 = arith.muli %min3A, %mul3A_121 : i32
      %add3A_123 = arith.addi %select_n3A, %mul3A_122 : i32
      "tpu.region"() ({
        %run_scoped3A_365 = tpu.sem_alloc : memref<!tpu.dma_semaphore, #tpu.memory_space<semaphore_mem>>
        %dma_start3A_366 = arith.constant 0 : i32
        %dma_start3A_367 = arith.constant 0 : i32
        %dma_start3A_368 = tpu.memref_slice %arg7[%select_n3A_114, %dma_start3A_366, %dma_start3A_367] : memref<2x8x128xi32, #tpu.memory_space<vmem>> -> memref<1x8x128xi32, #tpu.memory_space<vmem>>
        %dma_start3A_369 = tpu.memref_squeeze %dma_start3A_368 : memref<1x8x128xi32, #tpu.memory_space<vmem>> -> memref<8x128xi32, #tpu.memory_space<vmem>>
        %dma_start3A_370 = arith.constant 0 : i32
        %dma_start3A_371 = tpu.memref_slice %arg4[%add3A_123, %dma_start3A_370] : memref<2560x128xi32, #tpu.memory_space<hbm>> -> memref<8x128xi32, #tpu.memory_space<hbm>>
        %dma_start3A_372 = arith.constant 0 : i32
        %dma_start3A_373 = arith.constant 0 : i32
        %dma_start3A_374 = tpu.memref_slice %arg7[%select_n3A_114, %dma_start3A_372, %dma_start3A_373] : memref<2x8x128xi32, #tpu.memory_space<vmem>> -> memref<1x8x128xi32, #tpu.memory_space<vmem>>
        %dma_start3A_375 = tpu.memref_squeeze %dma_start3A_374 : memref<1x8x128xi32, #tpu.memory_space<vmem>> -> memref<8x128xi32, #tpu.memory_space<vmem>>
        %dma_start3A_376 = arith.constant 0 : i32
        %dma_start3A_377 = tpu.memref_slice %arg4[%add3A_123, %dma_start3A_376] : memref<2560x128xi32, #tpu.memory_space<hbm>> -> memref<8x128xi32, #tpu.memory_space<hbm>>
        tpu.enqueue_dma source(%dma_start3A_377 : memref<8x128xi32, #tpu.memory_space<hbm>>) target(%dma_start3A_375 : memref<8x128xi32, #tpu.memory_space<vmem>>) target_semaphore(%run_scoped3A_365 : memref<!tpu.dma_semaphore, #tpu.memory_space<semaphore_mem>>)
        %dma_wait3A_378 = arith.constant 0 : i32
        %dma_wait3A_379 = arith.constant 0 : i32
        %dma_wait3A_380 = tpu.memref_slice %arg7[%select_n3A_114, %dma_wait3A_378, %dma_wait3A_379] : memref<2x8x128xi32, #tpu.memory_space<vmem>> -> memref<1x8x128xi32, #tpu.memory_space<vmem>>
        %dma_wait3A_381 = tpu.memref_squeeze %dma_wait3A_380 : memref<1x8x128xi32, #tpu.memory_space<vmem>> -> memref<8x128xi32, #tpu.memory_space<vmem>>
        %dma_wait3A_382 = arith.constant 0 : i32
        %dma_wait3A_383 = tpu.memref_slice %arg4[%add3A_123, %dma_wait3A_382] : memref<2560x128xi32, #tpu.memory_space<hbm>> -> memref<8x128xi32, #tpu.memory_space<hbm>>
        %dma_wait3A_384 = arith.constant 0 : i32
        %dma_wait3A_385 = arith.constant 0 : i32
        %dma_wait3A_386 = tpu.memref_slice %arg7[%select_n3A_114, %dma_wait3A_384, %dma_wait3A_385] : memref<2x8x128xi32, #tpu.memory_space<vmem>> -> memref<1x8x128xi32, #tpu.memory_space<vmem>>
        %dma_wait3A_387 = tpu.memref_squeeze %dma_wait3A_386 : memref<1x8x128xi32, #tpu.memory_space<vmem>> -> memref<8x128xi32, #tpu.memory_space<vmem>>
        %dma_wait3A_388 = arith.constant 0 : i32
        %dma_wait3A_389 = tpu.memref_slice %arg4[%add3A_123, %dma_wait3A_388] : memref<2560x128xi32, #tpu.memory_space<hbm>> -> memref<8x128xi32, #tpu.memory_space<hbm>>
        tpu.wait_dma2 semaphore(%run_scoped3A_365 : memref<!tpu.dma_semaphore, #tpu.memory_space<semaphore_mem>>) src(%dma_wait3A_389 : memref<8x128xi32, #tpu.memory_space<hbm>>) dst(%dma_wait3A_387 : memref<8x128xi32, #tpu.memory_space<vmem>>)
        tpu.yield
      }) : () -> ()
      %dma_wait3A_124 = arith.constant 0 : i32
      %dma_wait3A_125 = arith.constant 0 : i32
      %dma_wait3A_126 = arith.constant 0 : i32
      %dma_wait3A_127 = tpu.memref_slice %arg6[%dma_wait3A_124, %dma_wait3A_125, %dma_wait3A_126] : memref<2x8x128xi32, #tpu.memory_space<vmem>> -> memref<1x1x128xi32, #tpu.memory_space<vmem>>
      %dma_wait3A_128 = tpu.memref_squeeze %dma_wait3A_127 : memref<1x1x128xi32, #tpu.memory_space<vmem>> -> memref<128xi32, #tpu.memory_space<vmem>>
      %dma_wait3A_129 = arith.constant 0 : i32
      %dma_wait3A_130 = arith.constant 0 : i32
      %dma_wait3A_131 = tpu.memref_slice %arg2[%dma_wait3A_129, %dma_wait3A_130] : memref<10000x128xf32, #tpu.memory_space<hbm>> -> memref<10000x128xf32, #tpu.memory_space<hbm>>
      tpu.wait_indirect_dma semaphore(%arg11 : memref<!tpu.dma_semaphore, #tpu.memory_space<semaphore_mem>>) src(%dma_wait3A_131 : memref<10000x128xf32, #tpu.memory_space<hbm>>) dst(%arg8 : memref<128x128xf32, #tpu.memory_space<vmem>>)
      %dma_start3A_132 = arith.constant 0 : i32
      %dma_start3A_133 = arith.constant 0 : i32
      %dma_start3A_134 = tpu.memref_slice %arg7[%select_n3A_96, %dma_start3A_132, %dma_start3A_133] : memref<2x8x128xi32, #tpu.memory_space<vmem>> -> memref<1x1x128xi32, #tpu.memory_space<vmem>>
      %dma_start3A_135 = tpu.memref_squeeze %dma_start3A_134 : memref<1x1x128xi32, #tpu.memory_space<vmem>> -> memref<128xi32, #tpu.memory_space<vmem>>
      %dma_start3A_136 = arith.constant 0 : i32
      %dma_start3A_137 = arith.constant 0 : i32
      %dma_start3A_138 = tpu.memref_slice %arg10[%dma_start3A_136, %dma_start3A_137] : memref<10240x128xf32, #tpu.memory_space<vmem_shared>> -> memref<10240x128xf32, #tpu.memory_space<vmem_shared>>
      tpu.enqueue_indirect_dma source(%arg8 : memref<128x128xf32, #tpu.memory_space<vmem>>) target(%dma_start3A_138 : memref<10240x128xf32, #tpu.memory_space<vmem_shared>>) offsets(%dma_start3A_135 : memref<128xi32, #tpu.memory_space<vmem>>) semaphore(%arg13 : memref<!tpu.dma_semaphore, #tpu.memory_space<semaphore_mem>>) {add = true}
      %dma_wait3A_139 = arith.constant 0 : i32
      %dma_wait3A_140 = arith.constant 0 : i32
      %dma_wait3A_141 = arith.constant 0 : i32
      %dma_wait3A_142 = tpu.memref_slice %arg7[%dma_wait3A_139, %dma_wait3A_140, %dma_wait3A_141] : memref<2x8x128xi32, #tpu.memory_space<vmem>> -> memref<1x1x128xi32, #tpu.memory_space<vmem>>
      %dma_wait3A_143 = tpu.memref_squeeze %dma_wait3A_142 : memref<1x1x128xi32, #tpu.memory_space<vmem>> -> memref<128xi32, #tpu.memory_space<vmem>>
      %dma_wait3A_144 = arith.constant 0 : i32
      %dma_wait3A_145 = arith.constant 0 : i32
      %dma_wait3A_146 = tpu.memref_slice %arg10[%dma_wait3A_144, %dma_wait3A_145] : memref<10240x128xf32, #tpu.memory_space<vmem_shared>> -> memref<10240x128xf32, #tpu.memory_space<vmem_shared>>
      tpu.wait_indirect_dma semaphore(%arg13 : memref<!tpu.dma_semaphore, #tpu.memory_space<semaphore_mem>>) src(%arg8 : memref<128x128xf32, #tpu.memory_space<vmem>>) dst(%dma_wait3A_146 : memref<10240x128xf32, #tpu.memory_space<vmem_shared>>)
      %dma_start3A_147 = arith.constant 2 : i32
      %dma_start3A_148 = arith.constant 0 : i32
      %dma_start3A_149 = tpu.memref_slice %arg6[%select_n3A_96, %dma_start3A_147, %dma_start3A_148] : memref<2x8x128xi32, #tpu.memory_space<vmem>> -> memref<1x1x128xi32, #tpu.memory_space<vmem>>
      %dma_start3A_150 = tpu.memref_squeeze %dma_start3A_149 : memref<1x1x128xi32, #tpu.memory_space<vmem>> -> memref<128xi32, #tpu.memory_space<vmem>>
      %dma_start3A_151 = arith.constant 0 : i32
      %dma_start3A_152 = arith.constant 0 : i32
      %dma_start3A_153 = tpu.memref_slice %arg2[%dma_start3A_151, %dma_start3A_152] : memref<10000x128xf32, #tpu.memory_space<hbm>> -> memref<10000x128xf32, #tpu.memory_space<hbm>>
      tpu.enqueue_indirect_dma source(%dma_start3A_153 : memref<10000x128xf32, #tpu.memory_space<hbm>>) target(%arg8 : memref<128x128xf32, #tpu.memory_space<vmem>>) offsets(%dma_start3A_150 : memref<128xi32, #tpu.memory_space<vmem>>) semaphore(%arg11 : memref<!tpu.dma_semaphore, #tpu.memory_space<semaphore_mem>>)
      %dma_wait3A_154 = arith.constant 0 : i32
      %dma_wait3A_155 = arith.constant 0 : i32
      %dma_wait3A_156 = arith.constant 0 : i32
      %dma_wait3A_157 = tpu.memref_slice %arg6[%dma_wait3A_154, %dma_wait3A_155, %dma_wait3A_156] : memref<2x8x128xi32, #tpu.memory_space<vmem>> -> memref<1x1x128xi32, #tpu.memory_space<vmem>>
      %dma_wait3A_158 = tpu.memref_squeeze %dma_wait3A_157 : memref<1x1x128xi32, #tpu.memory_space<vmem>> -> memref<128xi32, #tpu.memory_space<vmem>>
      %dma_wait3A_159 = arith.constant 0 : i32
      %dma_wait3A_160 = arith.constant 0 : i32
      %dma_wait3A_161 = tpu.memref_slice %arg2[%dma_wait3A_159, %dma_wait3A_160] : memref<10000x128xf32, #tpu.memory_space<hbm>> -> memref<10000x128xf32, #tpu.memory_space<hbm>>
      tpu.wait_indirect_dma semaphore(%arg12 : memref<!tpu.dma_semaphore, #tpu.memory_space<semaphore_mem>>) src(%dma_wait3A_161 : memref<10000x128xf32, #tpu.memory_space<hbm>>) dst(%arg9 : memref<128x128xf32, #tpu.memory_space<vmem>>)
      %dma_start3A_162 = arith.constant 1 : i32
      %dma_start3A_163 = arith.constant 0 : i32
      %dma_start3A_164 = tpu.memref_slice %arg7[%select_n3A_96, %dma_start3A_162, %dma_start3A_163] : memref<2x8x128xi32, #tpu.memory_space<vmem>> -> memref<1x1x128xi32, #tpu.memory_space<vmem>>
      %dma_start3A_165 = tpu.memref_squeeze %dma_start3A_164 : memref<1x1x128xi32, #tpu.memory_space<vmem>> -> memref<128xi32, #tpu.memory_space<vmem>>
      %dma_start3A_166 = arith.constant 0 : i32
      %dma_start3A_167 = arith.constant 0 : i32
      %dma_start3A_168 = tpu.memref_slice %arg10[%dma_start3A_166, %dma_start3A_167] : memref<10240x128xf32, #tpu.memory_space<vmem_shared>> -> memref<10240x128xf32, #tpu.memory_space<vmem_shared>>
      tpu.enqueue_indirect_dma source(%arg9 : memref<128x128xf32, #tpu.memory_space<vmem>>) target(%dma_start3A_168 : memref<10240x128xf32, #tpu.memory_space<vmem_shared>>) offsets(%dma_start3A_165 : memref<128xi32, #tpu.memory_space<vmem>>) semaphore(%arg14 : memref<!tpu.dma_semaphore, #tpu.memory_space<semaphore_mem>>) {add = true}
      %dma_wait3A_169 = arith.constant 0 : i32
      %dma_wait3A_170 = arith.constant 0 : i32
      %dma_wait3A_171 = arith.constant 0 : i32
      %dma_wait3A_172 = tpu.memref_slice %arg7[%dma_wait3A_169, %dma_wait3A_170, %dma_wait3A_171] : memref<2x8x128xi32, #tpu.memory_space<vmem>> -> memref<1x1x128xi32, #tpu.memory_space<vmem>>
      %dma_wait3A_173 = tpu.memref_squeeze %dma_wait3A_172 : memref<1x1x128xi32, #tpu.memory_space<vmem>> -> memref<128xi32, #tpu.memory_space<vmem>>
      %dma_wait3A_174 = arith.constant 0 : i32
      %dma_wait3A_175 = arith.constant 0 : i32
      %dma_wait3A_176 = tpu.memref_slice %arg10[%dma_wait3A_174, %dma_wait3A_175] : memref<10240x128xf32, #tpu.memory_space<vmem_shared>> -> memref<10240x128xf32, #tpu.memory_space<vmem_shared>>
      tpu.wait_indirect_dma semaphore(%arg14 : memref<!tpu.dma_semaphore, #tpu.memory_space<semaphore_mem>>) src(%arg9 : memref<128x128xf32, #tpu.memory_space<vmem>>) dst(%dma_wait3A_176 : memref<10240x128xf32, #tpu.memory_space<vmem_shared>>)
      %dma_start3A_177 = arith.constant 3 : i32
      %dma_start3A_178 = arith.constant 0 : i32
      %dma_start3A_179 = tpu.memref_slice %arg6[%select_n3A_96, %dma_start3A_177, %dma_start3A_178] : memref<2x8x128xi32, #tpu.memory_space<vmem>> -> memref<1x1x128xi32, #tpu.memory_space<vmem>>
      %dma_start3A_180 = tpu.memref_squeeze %dma_start3A_179 : memref<1x1x128xi32, #tpu.memory_space<vmem>> -> memref<128xi32, #tpu.memory_space<vmem>>
      %dma_start3A_181 = arith.constant 0 : i32
      %dma_start3A_182 = arith.constant 0 : i32
      %dma_start3A_183 = tpu.memref_slice %arg2[%dma_start3A_181, %dma_start3A_182] : memref<10000x128xf32, #tpu.memory_space<hbm>> -> memref<10000x128xf32, #tpu.memory_space<hbm>>
      tpu.enqueue_indirect_dma source(%dma_start3A_183 : memref<10000x128xf32, #tpu.memory_space<hbm>>) target(%arg9 : memref<128x128xf32, #tpu.memory_space<vmem>>) offsets(%dma_start3A_180 : memref<128xi32, #tpu.memory_space<vmem>>) semaphore(%arg12 : memref<!tpu.dma_semaphore, #tpu.memory_space<semaphore_mem>>)
      %dma_wait3A_184 = arith.constant 0 : i32
      %dma_wait3A_185 = arith.constant 0 : i32
      %dma_wait3A_186 = arith.constant 0 : i32
      %dma_wait3A_187 = tpu.memref_slice %arg6[%dma_wait3A_184, %dma_wait3A_185, %dma_wait3A_186] : memref<2x8x128xi32, #tpu.memory_space<vmem>> -> memref<1x1x128xi32, #tpu.memory_space<vmem>>
      %dma_wait3A_188 = tpu.memref_squeeze %dma_wait3A_187 : memref<1x1x128xi32, #tpu.memory_space<vmem>> -> memref<128xi32, #tpu.memory_space<vmem>>
      %dma_wait3A_189 = arith.constant 0 : i32
      %dma_wait3A_190 = arith.constant 0 : i32
      %dma_wait3A_191 = tpu.memref_slice %arg2[%dma_wait3A_189, %dma_wait3A_190] : memref<10000x128xf32, #tpu.memory_space<hbm>> -> memref<10000x128xf32, #tpu.memory_space<hbm>>
      tpu.wait_indirect_dma semaphore(%arg11 : memref<!tpu.dma_semaphore, #tpu.memory_space<semaphore_mem>>) src(%dma_wait3A_191 : memref<10000x128xf32, #tpu.memory_space<hbm>>) dst(%arg8 : memref<128x128xf32, #tpu.memory_space<vmem>>)
      %dma_start3A_192 = arith.constant 2 : i32
      %dma_start3A_193 = arith.constant 0 : i32
      %dma_start3A_194 = tpu.memref_slice %arg7[%select_n3A_96, %dma_start3A_192, %dma_start3A_193] : memref<2x8x128xi32, #tpu.memory_space<vmem>> -> memref<1x1x128xi32, #tpu.memory_space<vmem>>
      %dma_start3A_195 = tpu.memref_squeeze %dma_start3A_194 : memref<1x1x128xi32, #tpu.memory_space<vmem>> -> memref<128xi32, #tpu.memory_space<vmem>>
      %dma_start3A_196 = arith.constant 0 : i32
      %dma_start3A_197 = arith.constant 0 : i32
      %dma_start3A_198 = tpu.memref_slice %arg10[%dma_start3A_196, %dma_start3A_197] : memref<10240x128xf32, #tpu.memory_space<vmem_shared>> -> memref<10240x128xf32, #tpu.memory_space<vmem_shared>>
      tpu.enqueue_indirect_dma source(%arg8 : memref<128x128xf32, #tpu.memory_space<vmem>>) target(%dma_start3A_198 : memref<10240x128xf32, #tpu.memory_space<vmem_shared>>) offsets(%dma_start3A_195 : memref<128xi32, #tpu.memory_space<vmem>>) semaphore(%arg13 : memref<!tpu.dma_semaphore, #tpu.memory_space<semaphore_mem>>) {add = true}
      %dma_wait3A_199 = arith.constant 0 : i32
      %dma_wait3A_200 = arith.constant 0 : i32
      %dma_wait3A_201 = arith.constant 0 : i32
      %dma_wait3A_202 = tpu.memref_slice %arg7[%dma_wait3A_199, %dma_wait3A_200, %dma_wait3A_201] : memref<2x8x128xi32, #tpu.memory_space<vmem>> -> memref<1x1x128xi32, #tpu.memory_space<vmem>>
      %dma_wait3A_203 = tpu.memref_squeeze %dma_wait3A_202 : memref<1x1x128xi32, #tpu.memory_space<vmem>> -> memref<128xi32, #tpu.memory_space<vmem>>
      %dma_wait3A_204 = arith.constant 0 : i32
      %dma_wait3A_205 = arith.constant 0 : i32
      %dma_wait3A_206 = tpu.memref_slice %arg10[%dma_wait3A_204, %dma_wait3A_205] : memref<10240x128xf32, #tpu.memory_space<vmem_shared>> -> memref<10240x128xf32, #tpu.memory_space<vmem_shared>>
      tpu.wait_indirect_dma semaphore(%arg13 : memref<!tpu.dma_semaphore, #tpu.memory_space<semaphore_mem>>) src(%arg8 : memref<128x128xf32, #tpu.memory_space<vmem>>) dst(%dma_wait3A_206 : memref<10240x128xf32, #tpu.memory_space<vmem_shared>>)
      %dma_start3A_207 = arith.constant 4 : i32
      %dma_start3A_208 = arith.constant 0 : i32
      %dma_start3A_209 = tpu.memref_slice %arg6[%select_n3A_96, %dma_start3A_207, %dma_start3A_208] : memref<2x8x128xi32, #tpu.memory_space<vmem>> -> memref<1x1x128xi32, #tpu.memory_space<vmem>>
      %dma_start3A_210 = tpu.memref_squeeze %dma_start3A_209 : memref<1x1x128xi32, #tpu.memory_space<vmem>> -> memref<128xi32, #tpu.memory_space<vmem>>
      %dma_start3A_211 = arith.constant 0 : i32
      %dma_start3A_212 = arith.constant 0 : i32
      %dma_start3A_213 = tpu.memref_slice %arg2[%dma_start3A_211, %dma_start3A_212] : memref<10000x128xf32, #tpu.memory_space<hbm>> -> memref<10000x128xf32, #tpu.memory_space<hbm>>
      tpu.enqueue_indirect_dma source(%dma_start3A_213 : memref<10000x128xf32, #tpu.memory_space<hbm>>) target(%arg8 : memref<128x128xf32, #tpu.memory_space<vmem>>) offsets(%dma_start3A_210 : memref<128xi32, #tpu.memory_space<vmem>>) semaphore(%arg11 : memref<!tpu.dma_semaphore, #tpu.memory_space<semaphore_mem>>)
      %dma_wait3A_214 = arith.constant 0 : i32
      %dma_wait3A_215 = arith.constant 0 : i32
      %dma_wait3A_216 = arith.constant 0 : i32
      %dma_wait3A_217 = tpu.memref_slice %arg6[%dma_wait3A_214, %dma_wait3A_215, %dma_wait3A_216] : memref<2x8x128xi32, #tpu.memory_space<vmem>> -> memref<1x1x128xi32, #tpu.memory_space<vmem>>
      %dma_wait3A_218 = tpu.memref_squeeze %dma_wait3A_217 : memref<1x1x128xi32, #tpu.memory_space<vmem>> -> memref<128xi32, #tpu.memory_space<vmem>>
      %dma_wait3A_219 = arith.constant 0 : i32
      %dma_wait3A_220 = arith.constant 0 : i32
      %dma_wait3A_221 = tpu.memref_slice %arg2[%dma_wait3A_219, %dma_wait3A_220] : memref<10000x128xf32, #tpu.memory_space<hbm>> -> memref<10000x128xf32, #tpu.memory_space<hbm>>
      tpu.wait_indirect_dma semaphore(%arg12 : memref<!tpu.dma_semaphore, #tpu.memory_space<semaphore_mem>>) src(%dma_wait3A_221 : memref<10000x128xf32, #tpu.memory_space<hbm>>) dst(%arg9 : memref<128x128xf32, #tpu.memory_space<vmem>>)
      %dma_start3A_222 = arith.constant 3 : i32
      %dma_start3A_223 = arith.constant 0 : i32
      %dma_start3A_224 = tpu.memref_slice %arg7[%select_n3A_96, %dma_start3A_222, %dma_start3A_223] : memref<2x8x128xi32, #tpu.memory_space<vmem>> -> memref<1x1x128xi32, #tpu.memory_space<vmem>>
      %dma_start3A_225 = tpu.memref_squeeze %dma_start3A_224 : memref<1x1x128xi32, #tpu.memory_space<vmem>> -> memref<128xi32, #tpu.memory_space<vmem>>
      %dma_start3A_226 = arith.constant 0 : i32
      %dma_start3A_227 = arith.constant 0 : i32
      %dma_start3A_228 = tpu.memref_slice %arg10[%dma_start3A_226, %dma_start3A_227] : memref<10240x128xf32, #tpu.memory_space<vmem_shared>> -> memref<10240x128xf32, #tpu.memory_space<vmem_shared>>
      tpu.enqueue_indirect_dma source(%arg9 : memref<128x128xf32, #tpu.memory_space<vmem>>) target(%dma_start3A_228 : memref<10240x128xf32, #tpu.memory_space<vmem_shared>>) offsets(%dma_start3A_225 : memref<128xi32, #tpu.memory_space<vmem>>) semaphore(%arg14 : memref<!tpu.dma_semaphore, #tpu.memory_space<semaphore_mem>>) {add = true}
      %dma_wait3A_229 = arith.constant 0 : i32
      %dma_wait3A_230 = arith.constant 0 : i32
      %dma_wait3A_231 = arith.constant 0 : i32
      %dma_wait3A_232 = tpu.memref_slice %arg7[%dma_wait3A_229, %dma_wait3A_230, %dma_wait3A_231] : memref<2x8x128xi32, #tpu.memory_space<vmem>> -> memref<1x1x128xi32, #tpu.memory_space<vmem>>
      %dma_wait3A_233 = tpu.memref_squeeze %dma_wait3A_232 : memref<1x1x128xi32, #tpu.memory_space<vmem>> -> memref<128xi32, #tpu.memory_space<vmem>>
      %dma_wait3A_234 = arith.constant 0 : i32
      %dma_wait3A_235 = arith.constant 0 : i32
      %dma_wait3A_236 = tpu.memref_slice %arg10[%dma_wait3A_234, %dma_wait3A_235] : memref<10240x128xf32, #tpu.memory_space<vmem_shared>> -> memref<10240x128xf32, #tpu.memory_space<vmem_shared>>
      tpu.wait_indirect_dma semaphore(%arg14 : memref<!tpu.dma_semaphore, #tpu.memory_space<semaphore_mem>>) src(%arg9 : memref<128x128xf32, #tpu.memory_space<vmem>>) dst(%dma_wait3A_236 : memref<10240x128xf32, #tpu.memory_space<vmem_shared>>)
      %dma_start3A_237 = arith.constant 5 : i32
      %dma_start3A_238 = arith.constant 0 : i32
      %dma_start3A_239 = tpu.memref_slice %arg6[%select_n3A_96, %dma_start3A_237, %dma_start3A_238] : memref<2x8x128xi32, #tpu.memory_space<vmem>> -> memref<1x1x128xi32, #tpu.memory_space<vmem>>
      %dma_start3A_240 = tpu.memref_squeeze %dma_start3A_239 : memref<1x1x128xi32, #tpu.memory_space<vmem>> -> memref<128xi32, #tpu.memory_space<vmem>>
      %dma_start3A_241 = arith.constant 0 : i32
      %dma_start3A_242 = arith.constant 0 : i32
      %dma_start3A_243 = tpu.memref_slice %arg2[%dma_start3A_241, %dma_start3A_242] : memref<10000x128xf32, #tpu.memory_space<hbm>> -> memref<10000x128xf32, #tpu.memory_space<hbm>>
      tpu.enqueue_indirect_dma source(%dma_start3A_243 : memref<10000x128xf32, #tpu.memory_space<hbm>>) target(%arg9 : memref<128x128xf32, #tpu.memory_space<vmem>>) offsets(%dma_start3A_240 : memref<128xi32, #tpu.memory_space<vmem>>) semaphore(%arg12 : memref<!tpu.dma_semaphore, #tpu.memory_space<semaphore_mem>>)
      %dma_wait3A_244 = arith.constant 0 : i32
      %dma_wait3A_245 = arith.constant 0 : i32
      %dma_wait3A_246 = arith.constant 0 : i32
      %dma_wait3A_247 = tpu.memref_slice %arg6[%dma_wait3A_244, %dma_wait3A_245, %dma_wait3A_246] : memref<2x8x128xi32, #tpu.memory_space<vmem>> -> memref<1x1x128xi32, #tpu.memory_space<vmem>>
      %dma_wait3A_248 = tpu.memref_squeeze %dma_wait3A_247 : memref<1x1x128xi32, #tpu.memory_space<vmem>> -> memref<128xi32, #tpu.memory_space<vmem>>
      %dma_wait3A_249 = arith.constant 0 : i32
      %dma_wait3A_250 = arith.constant 0 : i32
      %dma_wait3A_251 = tpu.memref_slice %arg2[%dma_wait3A_249, %dma_wait3A_250] : memref<10000x128xf32, #tpu.memory_space<hbm>> -> memref<10000x128xf32, #tpu.memory_space<hbm>>
      tpu.wait_indirect_dma semaphore(%arg11 : memref<!tpu.dma_semaphore, #tpu.memory_space<semaphore_mem>>) src(%dma_wait3A_251 : memref<10000x128xf32, #tpu.memory_space<hbm>>) dst(%arg8 : memref<128x128xf32, #tpu.memory_space<vmem>>)
      %dma_start3A_252 = arith.constant 4 : i32
      %dma_start3A_253 = arith.constant 0 : i32
      %dma_start3A_254 = tpu.memref_slice %arg7[%select_n3A_96, %dma_start3A_252, %dma_start3A_253] : memref<2x8x128xi32, #tpu.memory_space<vmem>> -> memref<1x1x128xi32, #tpu.memory_space<vmem>>
      %dma_start3A_255 = tpu.memref_squeeze %dma_start3A_254 : memref<1x1x128xi32, #tpu.memory_space<vmem>> -> memref<128xi32, #tpu.memory_space<vmem>>
      %dma_start3A_256 = arith.constant 0 : i32
      %dma_start3A_257 = arith.constant 0 : i32
      %dma_start3A_258 = tpu.memref_slice %arg10[%dma_start3A_256, %dma_start3A_257] : memref<10240x128xf32, #tpu.memory_space<vmem_shared>> -> memref<10240x128xf32, #tpu.memory_space<vmem_shared>>
      tpu.enqueue_indirect_dma source(%arg8 : memref<128x128xf32, #tpu.memory_space<vmem>>) target(%dma_start3A_258 : memref<10240x128xf32, #tpu.memory_space<vmem_shared>>) offsets(%dma_start3A_255 : memref<128xi32, #tpu.memory_space<vmem>>) semaphore(%arg13 : memref<!tpu.dma_semaphore, #tpu.memory_space<semaphore_mem>>) {add = true}
      %dma_wait3A_259 = arith.constant 0 : i32
      %dma_wait3A_260 = arith.constant 0 : i32
      %dma_wait3A_261 = arith.constant 0 : i32
      %dma_wait3A_262 = tpu.memref_slice %arg7[%dma_wait3A_259, %dma_wait3A_260, %dma_wait3A_261] : memref<2x8x128xi32, #tpu.memory_space<vmem>> -> memref<1x1x128xi32, #tpu.memory_space<vmem>>
      %dma_wait3A_263 = tpu.memref_squeeze %dma_wait3A_262 : memref<1x1x128xi32, #tpu.memory_space<vmem>> -> memref<128xi32, #tpu.memory_space<vmem>>
      %dma_wait3A_264 = arith.constant 0 : i32
      %dma_wait3A_265 = arith.constant 0 : i32
      %dma_wait3A_266 = tpu.memref_slice %arg10[%dma_wait3A_264, %dma_wait3A_265] : memref<10240x128xf32, #tpu.memory_space<vmem_shared>> -> memref<10240x128xf32, #tpu.memory_space<vmem_shared>>
      tpu.wait_indirect_dma semaphore(%arg13 : memref<!tpu.dma_semaphore, #tpu.memory_space<semaphore_mem>>) src(%arg8 : memref<128x128xf32, #tpu.memory_space<vmem>>) dst(%dma_wait3A_266 : memref<10240x128xf32, #tpu.memory_space<vmem_shared>>)
      %dma_start3A_267 = arith.constant 6 : i32
      %dma_start3A_268 = arith.constant 0 : i32
      %dma_start3A_269 = tpu.memref_slice %arg6[%select_n3A_96, %dma_start3A_267, %dma_start3A_268] : memref<2x8x128xi32, #tpu.memory_space<vmem>> -> memref<1x1x128xi32, #tpu.memory_space<vmem>>
      %dma_start3A_270 = tpu.memref_squeeze %dma_start3A_269 : memref<1x1x128xi32, #tpu.memory_space<vmem>> -> memref<128xi32, #tpu.memory_space<vmem>>
      %dma_start3A_271 = arith.constant 0 : i32
      %dma_start3A_272 = arith.constant 0 : i32
      %dma_start3A_273 = tpu.memref_slice %arg2[%dma_start3A_271, %dma_start3A_272] : memref<10000x128xf32, #tpu.memory_space<hbm>> -> memref<10000x128xf32, #tpu.memory_space<hbm>>
      tpu.enqueue_indirect_dma source(%dma_start3A_273 : memref<10000x128xf32, #tpu.memory_space<hbm>>) target(%arg8 : memref<128x128xf32, #tpu.memory_space<vmem>>) offsets(%dma_start3A_270 : memref<128xi32, #tpu.memory_space<vmem>>) semaphore(%arg11 : memref<!tpu.dma_semaphore, #tpu.memory_space<semaphore_mem>>)
      %dma_wait3A_274 = arith.constant 0 : i32
      %dma_wait3A_275 = arith.constant 0 : i32
      %dma_wait3A_276 = arith.constant 0 : i32
      %dma_wait3A_277 = tpu.memref_slice %arg6[%dma_wait3A_274, %dma_wait3A_275, %dma_wait3A_276] : memref<2x8x128xi32, #tpu.memory_space<vmem>> -> memref<1x1x128xi32, #tpu.memory_space<vmem>>
      %dma_wait3A_278 = tpu.memref_squeeze %dma_wait3A_277 : memref<1x1x128xi32, #tpu.memory_space<vmem>> -> memref<128xi32, #tpu.memory_space<vmem>>
      %dma_wait3A_279 = arith.constant 0 : i32
      %dma_wait3A_280 = arith.constant 0 : i32
      %dma_wait3A_281 = tpu.memref_slice %arg2[%dma_wait3A_279, %dma_wait3A_280] : memref<10000x128xf32, #tpu.memory_space<hbm>> -> memref<10000x128xf32, #tpu.memory_space<hbm>>
      tpu.wait_indirect_dma semaphore(%arg12 : memref<!tpu.dma_semaphore, #tpu.memory_space<semaphore_mem>>) src(%dma_wait3A_281 : memref<10000x128xf32, #tpu.memory_space<hbm>>) dst(%arg9 : memref<128x128xf32, #tpu.memory_space<vmem>>)
      %dma_start3A_282 = arith.constant 5 : i32
      %dma_start3A_283 = arith.constant 0 : i32
      %dma_start3A_284 = tpu.memref_slice %arg7[%select_n3A_96, %dma_start3A_282, %dma_start3A_283] : memref<2x8x128xi32, #tpu.memory_space<vmem>> -> memref<1x1x128xi32, #tpu.memory_space<vmem>>
      %dma_start3A_285 = tpu.memref_squeeze %dma_start3A_284 : memref<1x1x128xi32, #tpu.memory_space<vmem>> -> memref<128xi32, #tpu.memory_space<vmem>>
      %dma_start3A_286 = arith.constant 0 : i32
      %dma_start3A_287 = arith.constant 0 : i32
      %dma_start3A_288 = tpu.memref_slice %arg10[%dma_start3A_286, %dma_start3A_287] : memref<10240x128xf32, #tpu.memory_space<vmem_shared>> -> memref<10240x128xf32, #tpu.memory_space<vmem_shared>>
      tpu.enqueue_indirect_dma source(%arg9 : memref<128x128xf32, #tpu.memory_space<vmem>>) target(%dma_start3A_288 : memref<10240x128xf32, #tpu.memory_space<vmem_shared>>) offsets(%dma_start3A_285 : memref<128xi32, #tpu.memory_space<vmem>>) semaphore(%arg14 : memref<!tpu.dma_semaphore, #tpu.memory_space<semaphore_mem>>) {add = true}
      %dma_wait3A_289 = arith.constant 0 : i32
      %dma_wait3A_290 = arith.constant 0 : i32
      %dma_wait3A_291 = arith.constant 0 : i32
      %dma_wait3A_292 = tpu.memref_slice %arg7[%dma_wait3A_289, %dma_wait3A_290, %dma_wait3A_291] : memref<2x8x128xi32, #tpu.memory_space<vmem>> -> memref<1x1x128xi32, #tpu.memory_space<vmem>>
      %dma_wait3A_293 = tpu.memref_squeeze %dma_wait3A_292 : memref<1x1x128xi32, #tpu.memory_space<vmem>> -> memref<128xi32, #tpu.memory_space<vmem>>
      %dma_wait3A_294 = arith.constant 0 : i32
      %dma_wait3A_295 = arith.constant 0 : i32
      %dma_wait3A_296 = tpu.memref_slice %arg10[%dma_wait3A_294, %dma_wait3A_295] : memref<10240x128xf32, #tpu.memory_space<vmem_shared>> -> memref<10240x128xf32, #tpu.memory_space<vmem_shared>>
      tpu.wait_indirect_dma semaphore(%arg14 : memref<!tpu.dma_semaphore, #tpu.memory_space<semaphore_mem>>) src(%arg9 : memref<128x128xf32, #tpu.memory_space<vmem>>) dst(%dma_wait3A_296 : memref<10240x128xf32, #tpu.memory_space<vmem_shared>>)
      %dma_start3A_297 = arith.constant 7 : i32
      %dma_start3A_298 = arith.constant 0 : i32
      %dma_start3A_299 = tpu.memref_slice %arg6[%select_n3A_96, %dma_start3A_297, %dma_start3A_298] : memref<2x8x128xi32, #tpu.memory_space<vmem>> -> memref<1x1x128xi32, #tpu.memory_space<vmem>>
      %dma_start3A_300 = tpu.memref_squeeze %dma_start3A_299 : memref<1x1x128xi32, #tpu.memory_space<vmem>> -> memref<128xi32, #tpu.memory_space<vmem>>
      %dma_start3A_301 = arith.constant 0 : i32
      %dma_start3A_302 = arith.constant 0 : i32
      %dma_start3A_303 = tpu.memref_slice %arg2[%dma_start3A_301, %dma_start3A_302] : memref<10000x128xf32, #tpu.memory_space<hbm>> -> memref<10000x128xf32, #tpu.memory_space<hbm>>
      tpu.enqueue_indirect_dma source(%dma_start3A_303 : memref<10000x128xf32, #tpu.memory_space<hbm>>) target(%arg9 : memref<128x128xf32, #tpu.memory_space<vmem>>) offsets(%dma_start3A_300 : memref<128xi32, #tpu.memory_space<vmem>>) semaphore(%arg12 : memref<!tpu.dma_semaphore, #tpu.memory_space<semaphore_mem>>)
      %dma_wait3A_304 = arith.constant 0 : i32
      %dma_wait3A_305 = arith.constant 0 : i32
      %dma_wait3A_306 = arith.constant 0 : i32
      %dma_wait3A_307 = tpu.memref_slice %arg6[%dma_wait3A_304, %dma_wait3A_305, %dma_wait3A_306] : memref<2x8x128xi32, #tpu.memory_space<vmem>> -> memref<1x1x128xi32, #tpu.memory_space<vmem>>
      %dma_wait3A_308 = tpu.memref_squeeze %dma_wait3A_307 : memref<1x1x128xi32, #tpu.memory_space<vmem>> -> memref<128xi32, #tpu.memory_space<vmem>>
      %dma_wait3A_309 = arith.constant 0 : i32
      %dma_wait3A_310 = arith.constant 0 : i32
      %dma_wait3A_311 = tpu.memref_slice %arg2[%dma_wait3A_309, %dma_wait3A_310] : memref<10000x128xf32, #tpu.memory_space<hbm>> -> memref<10000x128xf32, #tpu.memory_space<hbm>>
      tpu.wait_indirect_dma semaphore(%arg11 : memref<!tpu.dma_semaphore, #tpu.memory_space<semaphore_mem>>) src(%dma_wait3A_311 : memref<10000x128xf32, #tpu.memory_space<hbm>>) dst(%arg8 : memref<128x128xf32, #tpu.memory_space<vmem>>)
      %dma_start3A_312 = arith.constant 6 : i32
      %dma_start3A_313 = arith.constant 0 : i32
      %dma_start3A_314 = tpu.memref_slice %arg7[%select_n3A_96, %dma_start3A_312, %dma_start3A_313] : memref<2x8x128xi32, #tpu.memory_space<vmem>> -> memref<1x1x128xi32, #tpu.memory_space<vmem>>
      %dma_start3A_315 = tpu.memref_squeeze %dma_start3A_314 : memref<1x1x128xi32, #tpu.memory_space<vmem>> -> memref<128xi32, #tpu.memory_space<vmem>>
      %dma_start3A_316 = arith.constant 0 : i32
      %dma_start3A_317 = arith.constant 0 : i32
      %dma_start3A_318 = tpu.memref_slice %arg10[%dma_start3A_316, %dma_start3A_317] : memref<10240x128xf32, #tpu.memory_space<vmem_shared>> -> memref<10240x128xf32, #tpu.memory_space<vmem_shared>>
      tpu.enqueue_indirect_dma source(%arg8 : memref<128x128xf32, #tpu.memory_space<vmem>>) target(%dma_start3A_318 : memref<10240x128xf32, #tpu.memory_space<vmem_shared>>) offsets(%dma_start3A_315 : memref<128xi32, #tpu.memory_space<vmem>>) semaphore(%arg13 : memref<!tpu.dma_semaphore, #tpu.memory_space<semaphore_mem>>) {add = true}
      %dma_wait3A_319 = arith.constant 0 : i32
      %dma_wait3A_320 = arith.constant 0 : i32
      %dma_wait3A_321 = arith.constant 0 : i32
      %dma_wait3A_322 = tpu.memref_slice %arg7[%dma_wait3A_319, %dma_wait3A_320, %dma_wait3A_321] : memref<2x8x128xi32, #tpu.memory_space<vmem>> -> memref<1x1x128xi32, #tpu.memory_space<vmem>>
      %dma_wait3A_323 = tpu.memref_squeeze %dma_wait3A_322 : memref<1x1x128xi32, #tpu.memory_space<vmem>> -> memref<128xi32, #tpu.memory_space<vmem>>
      %dma_wait3A_324 = arith.constant 0 : i32
      %dma_wait3A_325 = arith.constant 0 : i32
      %dma_wait3A_326 = tpu.memref_slice %arg10[%dma_wait3A_324, %dma_wait3A_325] : memref<10240x128xf32, #tpu.memory_space<vmem_shared>> -> memref<10240x128xf32, #tpu.memory_space<vmem_shared>>
      tpu.wait_indirect_dma semaphore(%arg13 : memref<!tpu.dma_semaphore, #tpu.memory_space<semaphore_mem>>) src(%arg8 : memref<128x128xf32, #tpu.memory_space<vmem>>) dst(%dma_wait3A_326 : memref<10240x128xf32, #tpu.memory_space<vmem_shared>>)
      %dma_start3A_327 = arith.constant 0 : i32
      %dma_start3A_328 = arith.constant 0 : i32
      %dma_start3A_329 = tpu.memref_slice %arg6[%select_n3A_114, %dma_start3A_327, %dma_start3A_328] : memref<2x8x128xi32, #tpu.memory_space<vmem>> -> memref<1x1x128xi32, #tpu.memory_space<vmem>>
      %dma_start3A_330 = tpu.memref_squeeze %dma_start3A_329 : memref<1x1x128xi32, #tpu.memory_space<vmem>> -> memref<128xi32, #tpu.memory_space<vmem>>
      %dma_start3A_331 = arith.constant 0 : i32
      %dma_start3A_332 = arith.constant 0 : i32
      %dma_start3A_333 = tpu.memref_slice %arg2[%dma_start3A_331, %dma_start3A_332] : memref<10000x128xf32, #tpu.memory_space<hbm>> -> memref<10000x128xf32, #tpu.memory_space<hbm>>
      tpu.enqueue_indirect_dma source(%dma_start3A_333 : memref<10000x128xf32, #tpu.memory_space<hbm>>) target(%arg8 : memref<128x128xf32, #tpu.memory_space<vmem>>) offsets(%dma_start3A_330 : memref<128xi32, #tpu.memory_space<vmem>>) semaphore(%arg11 : memref<!tpu.dma_semaphore, #tpu.memory_space<semaphore_mem>>)
      %dma_wait3A_334 = arith.constant 0 : i32
      %dma_wait3A_335 = arith.constant 0 : i32
      %dma_wait3A_336 = arith.constant 0 : i32
      %dma_wait3A_337 = tpu.memref_slice %arg6[%dma_wait3A_334, %dma_wait3A_335, %dma_wait3A_336] : memref<2x8x128xi32, #tpu.memory_space<vmem>> -> memref<1x1x128xi32, #tpu.memory_space<vmem>>
      %dma_wait3A_338 = tpu.memref_squeeze %dma_wait3A_337 : memref<1x1x128xi32, #tpu.memory_space<vmem>> -> memref<128xi32, #tpu.memory_space<vmem>>
      %dma_wait3A_339 = arith.constant 0 : i32
      %dma_wait3A_340 = arith.constant 0 : i32
      %dma_wait3A_341 = tpu.memref_slice %arg2[%dma_wait3A_339, %dma_wait3A_340] : memref<10000x128xf32, #tpu.memory_space<hbm>> -> memref<10000x128xf32, #tpu.memory_space<hbm>>
      tpu.wait_indirect_dma semaphore(%arg12 : memref<!tpu.dma_semaphore, #tpu.memory_space<semaphore_mem>>) src(%dma_wait3A_341 : memref<10000x128xf32, #tpu.memory_space<hbm>>) dst(%arg9 : memref<128x128xf32, #tpu.memory_space<vmem>>)
      %dma_start3A_342 = arith.constant 7 : i32
      %dma_start3A_343 = arith.constant 0 : i32
      %dma_start3A_344 = tpu.memref_slice %arg7[%select_n3A_96, %dma_start3A_342, %dma_start3A_343] : memref<2x8x128xi32, #tpu.memory_space<vmem>> -> memref<1x1x128xi32, #tpu.memory_space<vmem>>
      %dma_start3A_345 = tpu.memref_squeeze %dma_start3A_344 : memref<1x1x128xi32, #tpu.memory_space<vmem>> -> memref<128xi32, #tpu.memory_space<vmem>>
      %dma_start3A_346 = arith.constant 0 : i32
      %dma_start3A_347 = arith.constant 0 : i32
      %dma_start3A_348 = tpu.memref_slice %arg10[%dma_start3A_346, %dma_start3A_347] : memref<10240x128xf32, #tpu.memory_space<vmem_shared>> -> memref<10240x128xf32, #tpu.memory_space<vmem_shared>>
      tpu.enqueue_indirect_dma source(%arg9 : memref<128x128xf32, #tpu.memory_space<vmem>>) target(%dma_start3A_348 : memref<10240x128xf32, #tpu.memory_space<vmem_shared>>) offsets(%dma_start3A_345 : memref<128xi32, #tpu.memory_space<vmem>>) semaphore(%arg14 : memref<!tpu.dma_semaphore, #tpu.memory_space<semaphore_mem>>) {add = true}
      %dma_wait3A_349 = arith.constant 0 : i32
      %dma_wait3A_350 = arith.constant 0 : i32
      %dma_wait3A_351 = arith.constant 0 : i32
      %dma_wait3A_352 = tpu.memref_slice %arg7[%dma_wait3A_349, %dma_wait3A_350, %dma_wait3A_351] : memref<2x8x128xi32, #tpu.memory_space<vmem>> -> memref<1x1x128xi32, #tpu.memory_space<vmem>>
      %dma_wait3A_353 = tpu.memref_squeeze %dma_wait3A_352 : memref<1x1x128xi32, #tpu.memory_space<vmem>> -> memref<128xi32, #tpu.memory_space<vmem>>
      %dma_wait3A_354 = arith.constant 0 : i32
      %dma_wait3A_355 = arith.constant 0 : i32
      %dma_wait3A_356 = tpu.memref_slice %arg10[%dma_wait3A_354, %dma_wait3A_355] : memref<10240x128xf32, #tpu.memory_space<vmem_shared>> -> memref<10240x128xf32, #tpu.memory_space<vmem_shared>>
      tpu.wait_indirect_dma semaphore(%arg14 : memref<!tpu.dma_semaphore, #tpu.memory_space<semaphore_mem>>) src(%arg9 : memref<128x128xf32, #tpu.memory_space<vmem>>) dst(%dma_wait3A_356 : memref<10240x128xf32, #tpu.memory_space<vmem_shared>>)
      %dma_start3A_357 = arith.constant 1 : i32
      %dma_start3A_358 = arith.constant 0 : i32
      %dma_start3A_359 = tpu.memref_slice %arg6[%select_n3A_114, %dma_start3A_357, %dma_start3A_358] : memref<2x8x128xi32, #tpu.memory_space<vmem>> -> memref<1x1x128xi32, #tpu.memory_space<vmem>>
      %dma_start3A_360 = tpu.memref_squeeze %dma_start3A_359 : memref<1x1x128xi32, #tpu.memory_space<vmem>> -> memref<128xi32, #tpu.memory_space<vmem>>
      %dma_start3A_361 = arith.constant 0 : i32
      %dma_start3A_362 = arith.constant 0 : i32
      %dma_start3A_363 = tpu.memref_slice %arg2[%dma_start3A_361, %dma_start3A_362] : memref<10000x128xf32, #tpu.memory_space<hbm>> -> memref<10000x128xf32, #tpu.memory_space<hbm>>
      tpu.enqueue_indirect_dma source(%dma_start3A_363 : memref<10000x128xf32, #tpu.memory_space<hbm>>) target(%arg9 : memref<128x128xf32, #tpu.memory_space<vmem>>) offsets(%dma_start3A_360 : memref<128xi32, #tpu.memory_space<vmem>>) semaphore(%arg12 : memref<!tpu.dma_semaphore, #tpu.memory_space<semaphore_mem>>)
      %while3A_364 = arith.constant 0 : i32
      scf.yield %while3A_364 : i32
    }
    %dma_wait3A = arith.constant 0 : i32
    %dma_wait3A_63 = arith.constant 0 : i32
    %dma_wait3A_64 = arith.constant 0 : i32
    %dma_wait3A_65 = tpu.memref_slice %arg6[%dma_wait3A, %dma_wait3A_63, %dma_wait3A_64] : memref<2x8x128xi32, #tpu.memory_space<vmem>> -> memref<1x1x128xi32, #tpu.memory_space<vmem>>
    %dma_wait3A_66 = tpu.memref_squeeze %dma_wait3A_65 : memref<1x1x128xi32, #tpu.memory_space<vmem>> -> memref<128xi32, #tpu.memory_space<vmem>>
    %dma_wait3A_67 = arith.constant 0 : i32
    %dma_wait3A_68 = arith.constant 0 : i32
    %dma_wait3A_69 = tpu.memref_slice %arg2[%dma_wait3A_67, %dma_wait3A_68] : memref<10000x128xf32, #tpu.memory_space<hbm>> -> memref<10000x128xf32, #tpu.memory_space<hbm>>
    tpu.wait_indirect_dma semaphore(%arg11 : memref<!tpu.dma_semaphore, #tpu.memory_space<semaphore_mem>>) src(%dma_wait3A_69 : memref<10000x128xf32, #tpu.memory_space<hbm>>) dst(%arg8 : memref<128x128xf32, #tpu.memory_space<vmem>>)
    %dma_wait3A_70 = arith.constant 0 : i32
    %dma_wait3A_71 = arith.constant 0 : i32
    %dma_wait3A_72 = arith.constant 0 : i32
    %dma_wait3A_73 = tpu.memref_slice %arg6[%dma_wait3A_70, %dma_wait3A_71, %dma_wait3A_72] : memref<2x8x128xi32, #tpu.memory_space<vmem>> -> memref<1x1x128xi32, #tpu.memory_space<vmem>>
    %dma_wait3A_74 = tpu.memref_squeeze %dma_wait3A_73 : memref<1x1x128xi32, #tpu.memory_space<vmem>> -> memref<128xi32, #tpu.memory_space<vmem>>
    %dma_wait3A_75 = arith.constant 0 : i32
    %dma_wait3A_76 = arith.constant 0 : i32
    %dma_wait3A_77 = tpu.memref_slice %arg2[%dma_wait3A_75, %dma_wait3A_76] : memref<10000x128xf32, #tpu.memory_space<hbm>> -> memref<10000x128xf32, #tpu.memory_space<hbm>>
    tpu.wait_indirect_dma semaphore(%arg12 : memref<!tpu.dma_semaphore, #tpu.memory_space<semaphore_mem>>) src(%dma_wait3A_77 : memref<10000x128xf32, #tpu.memory_space<hbm>>) dst(%arg9 : memref<128x128xf32, #tpu.memory_space<vmem>>)
    %barrier3A_78 = arith.constant 0 : index
    tpu.barrier barrier_id(%barrier3A_78)
    %mul3A_79 = arith.constant 640 : i32
    %mul3A_80 = arith.muli %arg1, %mul3A_79 : i32
    %mul3A_81 = arith.constant 640 : i32
    %mul3A_82 = arith.muli %arg1, %mul3A_81 : i32
    "tpu.region"() ({
      %run_scoped3A_83 = tpu.sem_alloc : memref<!tpu.dma_semaphore, #tpu.memory_space<semaphore_mem>>
      %dma_start3A_84 = arith.constant 0 : i32
      %dma_start3A_85 = tpu.memref_slice %arg5[%arg0, %mul3A_82, %dma_start3A_84] : memref<2x10240x128xf32, #tpu.memory_space<hbm>> -> memref<1x640x128xf32, #tpu.memory_space<hbm>>
      %dma_start3A_86 = tpu.memref_squeeze %dma_start3A_85 : memref<1x640x128xf32, #tpu.memory_space<hbm>> -> memref<640x128xf32, #tpu.memory_space<hbm>>
      %dma_start3A_87 = arith.constant 0 : i32
      %dma_start3A_88 = tpu.memref_slice %arg10[%mul3A_80, %dma_start3A_87] : memref<10240x128xf32, #tpu.memory_space<vmem_shared>> -> memref<640x128xf32, #tpu.memory_space<vmem_shared>>
      tpu.enqueue_dma source(%dma_start3A_88 : memref<640x128xf32, #tpu.memory_space<vmem_shared>>) target(%dma_start3A_86 : memref<640x128xf32, #tpu.memory_space<hbm>>) target_semaphore(%run_scoped3A_83 : memref<!tpu.dma_semaphore, #tpu.memory_space<semaphore_mem>>)
      %dma_wait3A_89 = arith.constant 0 : i32
      %dma_wait3A_90 = tpu.memref_slice %arg5[%arg0, %mul3A_82, %dma_wait3A_89] : memref<2x10240x128xf32, #tpu.memory_space<hbm>> -> memref<1x640x128xf32, #tpu.memory_space<hbm>>
      %dma_wait3A_91 = tpu.memref_squeeze %dma_wait3A_90 : memref<1x640x128xf32, #tpu.memory_space<hbm>> -> memref<640x128xf32, #tpu.memory_space<hbm>>
      %dma_wait3A_92 = arith.constant 0 : i32
      %dma_wait3A_93 = tpu.memref_slice %arg10[%mul3A_80, %dma_wait3A_92] : memref<10240x128xf32, #tpu.memory_space<vmem_shared>> -> memref<640x128xf32, #tpu.memory_space<vmem_shared>>
      tpu.wait_dma2 semaphore(%run_scoped3A_83 : memref<!tpu.dma_semaphore, #tpu.memory_space<semaphore_mem>>) src(%dma_wait3A_93 : memref<640x128xf32, #tpu.memory_space<vmem_shared>>) dst(%dma_wait3A_91 : memref<640x128xf32, #tpu.memory_space<hbm>>)
      tpu.yield
    }) : () -> ()
    return
  }
}

#map = affine_map<(d0, d1) -> (0, 0)>
#map1 = affine_map<(d0, d1) -> (0, 0, 0)>
module attributes {stable_mosaic.version = 14 : i64} {
  func.func @k(%arg0: i32, %arg1: i32, %arg2: memref<10000x128xf32, #tpu.memory_space<hbm>>, %arg3: memref<2560x128xi32, #tpu.memory_space<hbm>>, %arg4: memref<2560x128xi32, #tpu.memory_space<hbm>>, %arg5: memref<2x10240x128xf32, #tpu.memory_space<hbm>>, %arg6: memref<2x8x128xi32, #tpu.memory_space<vmem>>, %arg7: memref<2x8x128xi32, #tpu.memory_space<vmem>>, %arg8: memref<128x128xf32, #tpu.memory_space<vmem>>, %arg9: memref<128x128xf32, #tpu.memory_space<vmem>>, %arg10: memref<10240x128xf32, #tpu.memory_space<vmem_shared>>, %arg11: memref<!tpu.dma_semaphore, #tpu.memory_space<semaphore_mem>>, %arg12: memref<!tpu.dma_semaphore, #tpu.memory_space<semaphore_mem>>, %arg13: memref<!tpu.dma_semaphore, #tpu.memory_space<semaphore_mem>>, %arg14: memref<!tpu.dma_semaphore, #tpu.memory_space<semaphore_mem>>) attributes {dimension_semantics = [#tpu.dimension_semantics<core_parallel>, #tpu.dimension_semantics<subcore_parallel>], iteration_bounds = array<i64: 2, 16>, scalar_prefetch = 0 : i64, scratch_operands = 9 : i64, tpu.core_type = #tpu.core_type<sc_vector_subcore>, window_params = [{transform_indices = #map}, {transform_indices = #map}, {transform_indices = #map}, {transform_indices = #map1}]} {
    %eq3A = arith.constant 0 : i32
    %eq3A_0 = arith.cmpi eq, %arg0, %eq3A : i32
    %mul3A = arith.constant 96 : i32
    %mul3A_1 = arith.muli %arg1, %mul3A : i32
    %mul3A_2 = arith.constant 64 : i32
    %mul3A_3 = arith.muli %arg1, %mul3A_2 : i32
    %add3A = arith.constant 1536 : i32
    %add3A_4 = arith.addi %add3A, %mul3A_3 : i32
    %select_n3A = arith.select %eq3A_0, %mul3A_1, %add3A_4 : i32
    %eq3A_5 = arith.constant 0 : i32
    %eq3A_6 = arith.cmpi eq, %arg0, %eq3A_5 : i32
    %jit3A = arith.constant 12 : i32
    %jit3A_7 = arith.constant 8 : i32
    %select_n3A_8 = arith.select %eq3A_6, %jit3A, %jit3A_7 : i32
    %broadcast_in_dim3A = arith.constant 0.000000e+00 : f32
    %broadcast_in_dim3A_9 = vector.broadcast %broadcast_in_dim3A : f32 to vector<16xf32>
    %scan3A = arith.constant 0 : i32
    %scan3A_10 = arith.constant 0 : i32
    %scan3A_11 = arith.constant 128 : i32
    %scan3A_12 = arith.addi %scan3A_10, %scan3A_11 : i32
    %scan3A_13 = arith.constant 1 : i32
    %scan3A_14 = scf.for %scan3A_83 = %scan3A_10 to %scan3A_12 step %scan3A_13 iter_args(%scan3A_84 = %scan3A) -> (i32)  : i32 {
      %swap3A = arith.index_cast %scan3A_83 : i32 to index
      %swap3A_85 = arith.constant 0 : index
      %swap3A_86 = tpu.vector_load %arg8[%swap3A, %swap3A_85] {strides = array<i32>} : memref<128x128xf32, #tpu.memory_space<vmem>>, vector<1x16xf32>,
      %swap3A_87 = vector.shape_cast %swap3A_86 : vector<1x16xf32> to vector<16xf32>
      %swap3A_88 = vector.shape_cast %broadcast_in_dim3A_9 : vector<16xf32> to vector<1x16xf32>
      tpu.vector_store %arg8[%swap3A, %swap3A_85], %swap3A_88 {strides = array<i32>} : memref<128x128xf32, #tpu.memory_space<vmem>>, vector<1x16xf32>,
      %swap3A_89 = arith.index_cast %scan3A_83 : i32 to index
      %swap3A_90 = arith.constant 16 : index
      %swap3A_91 = tpu.vector_load %arg8[%swap3A_89, %swap3A_90] {strides = array<i32>} : memref<128x128xf32, #tpu.memory_space<vmem>>, vector<1x16xf32>,
      %swap3A_92 = vector.shape_cast %swap3A_91 : vector<1x16xf32> to vector<16xf32>
      %swap3A_93 = vector.shape_cast %broadcast_in_dim3A_9 : vector<16xf32> to vector<1x16xf32>
      tpu.vector_store %arg8[%swap3A_89, %swap3A_90], %swap3A_93 {strides = array<i32>} : memref<128x128xf32, #tpu.memory_space<vmem>>, vector<1x16xf32>,
      %swap3A_94 = arith.index_cast %scan3A_83 : i32 to index
      %swap3A_95 = arith.constant 32 : index
      %swap3A_96 = tpu.vector_load %arg8[%swap3A_94, %swap3A_95] {strides = array<i32>} : memref<128x128xf32, #tpu.memory_space<vmem>>, vector<1x16xf32>,
      %swap3A_97 = vector.shape_cast %swap3A_96 : vector<1x16xf32> to vector<16xf32>
      %swap3A_98 = vector.shape_cast %broadcast_in_dim3A_9 : vector<16xf32> to vector<1x16xf32>
      tpu.vector_store %arg8[%swap3A_94, %swap3A_95], %swap3A_98 {strides = array<i32>} : memref<128x128xf32, #tpu.memory_space<vmem>>, vector<1x16xf32>,
      %swap3A_99 = arith.index_cast %scan3A_83 : i32 to index
      %swap3A_100 = arith.constant 48 : index
      %swap3A_101 = tpu.vector_load %arg8[%swap3A_99, %swap3A_100] {strides = array<i32>} : memref<128x128xf32, #tpu.memory_space<vmem>>, vector<1x16xf32>,
      %swap3A_102 = vector.shape_cast %swap3A_101 : vector<1x16xf32> to vector<16xf32>
      %swap3A_103 = vector.shape_cast %broadcast_in_dim3A_9 : vector<16xf32> to vector<1x16xf32>
      tpu.vector_store %arg8[%swap3A_99, %swap3A_100], %swap3A_103 {strides = array<i32>} : memref<128x128xf32, #tpu.memory_space<vmem>>, vector<1x16xf32>,
      %swap3A_104 = arith.index_cast %scan3A_83 : i32 to index
      %swap3A_105 = arith.constant 64 : index
      %swap3A_106 = tpu.vector_load %arg8[%swap3A_104, %swap3A_105] {strides = array<i32>} : memref<128x128xf32, #tpu.memory_space<vmem>>, vector<1x16xf32>,
      %swap3A_107 = vector.shape_cast %swap3A_106 : vector<1x16xf32> to vector<16xf32>
      %swap3A_108 = vector.shape_cast %broadcast_in_dim3A_9 : vector<16xf32> to vector<1x16xf32>
      tpu.vector_store %arg8[%swap3A_104, %swap3A_105], %swap3A_108 {strides = array<i32>} : memref<128x128xf32, #tpu.memory_space<vmem>>, vector<1x16xf32>,
      %swap3A_109 = arith.index_cast %scan3A_83 : i32 to index
      %swap3A_110 = arith.constant 80 : index
      %swap3A_111 = tpu.vector_load %arg8[%swap3A_109, %swap3A_110] {strides = array<i32>} : memref<128x128xf32, #tpu.memory_space<vmem>>, vector<1x16xf32>,
      %swap3A_112 = vector.shape_cast %swap3A_111 : vector<1x16xf32> to vector<16xf32>
      %swap3A_113 = vector.shape_cast %broadcast_in_dim3A_9 : vector<16xf32> to vector<1x16xf32>
      tpu.vector_store %arg8[%swap3A_109, %swap3A_110], %swap3A_113 {strides = array<i32>} : memref<128x128xf32, #tpu.memory_space<vmem>>, vector<1x16xf32>,
      %swap3A_114 = arith.index_cast %scan3A_83 : i32 to index
      %swap3A_115 = arith.constant 96 : index
      %swap3A_116 = tpu.vector_load %arg8[%swap3A_114, %swap3A_115] {strides = array<i32>} : memref<128x128xf32, #tpu.memory_space<vmem>>, vector<1x16xf32>,
      %swap3A_117 = vector.shape_cast %swap3A_116 : vector<1x16xf32> to vector<16xf32>
      %swap3A_118 = vector.shape_cast %broadcast_in_dim3A_9 : vector<16xf32> to vector<1x16xf32>
      tpu.vector_store %arg8[%swap3A_114, %swap3A_115], %swap3A_118 {strides = array<i32>} : memref<128x128xf32, #tpu.memory_space<vmem>>, vector<1x16xf32>,
      %swap3A_119 = arith.index_cast %scan3A_83 : i32 to index
      %swap3A_120 = arith.constant 112 : index
      %swap3A_121 = tpu.vector_load %arg8[%swap3A_119, %swap3A_120] {strides = array<i32>} : memref<128x128xf32, #tpu.memory_space<vmem>>, vector<1x16xf32>,
      %swap3A_122 = vector.shape_cast %swap3A_121 : vector<1x16xf32> to vector<16xf32>
      %swap3A_123 = vector.shape_cast %broadcast_in_dim3A_9 : vector<16xf32> to vector<1x16xf32>
      tpu.vector_store %arg8[%swap3A_119, %swap3A_120], %swap3A_123 {strides = array<i32>} : memref<128x128xf32, #tpu.memory_space<vmem>>, vector<1x16xf32>,
      %scan3A_124 = arith.constant 0 : i32
      scf.yield %scan3A_124 : i32
    }
    %scan3A_15 = arith.constant 128 : i32
    %mul3A_16 = arith.constant 640 : i32
    %mul3A_17 = arith.muli %arg1, %mul3A_16 : i32
    %add3A_18 = arith.constant 0 : i32
    %add3A_19 = arith.addi %mul3A_17, %add3A_18 : i32
    "tpu.region"() ({
      %run_scoped3A_83 = tpu.sem_alloc : memref<!tpu.dma_semaphore, #tpu.memory_space<semaphore_mem>>
      %dma_start3A_84 = arith.constant 0 : i32
      %dma_start3A_85 = tpu.memref_slice %arg10[%add3A_19, %dma_start3A_84] : memref<10240x128xf32, #tpu.memory_space<vmem_shared>> -> memref<128x128xf32, #tpu.memory_space<vmem_shared>>
      %dma_start3A_86 = arith.constant 0 : i32
      %dma_start3A_87 = tpu.memref_slice %arg10[%add3A_19, %dma_start3A_86] : memref<10240x128xf32, #tpu.memory_space<vmem_shared>> -> memref<128x128xf32, #tpu.memory_space<vmem_shared>>
      tpu.enqueue_dma source(%arg8 : memref<128x128xf32, #tpu.memory_space<vmem>>) target(%dma_start3A_87 : memref<128x128xf32, #tpu.memory_space<vmem_shared>>) target_semaphore(%run_scoped3A_83 : memref<!tpu.dma_semaphore, #tpu.memory_space<semaphore_mem>>)
      %dma_wait3A_88 = arith.constant 0 : i32
      %dma_wait3A_89 = tpu.memref_slice %arg10[%add3A_19, %dma_wait3A_88] : memref<10240x128xf32, #tpu.memory_space<vmem_shared>> -> memref<128x128xf32, #tpu.memory_space<vmem_shared>>
      %dma_wait3A_90 = arith.constant 0 : i32
      %dma_wait3A_91 = tpu.memref_slice %arg10[%add3A_19, %dma_wait3A_90] : memref<10240x128xf32, #tpu.memory_space<vmem_shared>> -> memref<128x128xf32, #tpu.memory_space<vmem_shared>>
      tpu.wait_dma2 semaphore(%run_scoped3A_83 : memref<!tpu.dma_semaphore, #tpu.memory_space<semaphore_mem>>) src(%arg8 : memref<128x128xf32, #tpu.memory_space<vmem>>) dst(%dma_wait3A_91 : memref<128x128xf32, #tpu.memory_space<vmem_shared>>)
      tpu.yield
    }) : () -> ()
    %mul3A_20 = arith.constant 640 : i32
    %mul3A_21 = arith.muli %arg1, %mul3A_20 : i32
    %add3A_22 = arith.constant 128 : i32
    %add3A_23 = arith.addi %mul3A_21, %add3A_22 : i32
    "tpu.region"() ({
      %run_scoped3A_83 = tpu.sem_alloc : memref<!tpu.dma_semaphore, #tpu.memory_space<semaphore_mem>>
      %dma_start3A_84 = arith.constant 0 : i32
      %dma_start3A_85 = tpu.memref_slice %arg10[%add3A_23, %dma_start3A_84] : memref<10240x128xf32, #tpu.memory_space<vmem_shared>> -> memref<128x128xf32, #tpu.memory_space<vmem_shared>>
      %dma_start3A_86 = arith.constant 0 : i32
      %dma_start3A_87 = tpu.memref_slice %arg10[%add3A_23, %dma_start3A_86] : memref<10240x128xf32, #tpu.memory_space<vmem_shared>> -> memref<128x128xf32, #tpu.memory_space<vmem_shared>>
      tpu.enqueue_dma source(%arg8 : memref<128x128xf32, #tpu.memory_space<vmem>>) target(%dma_start3A_87 : memref<128x128xf32, #tpu.memory_space<vmem_shared>>) target_semaphore(%run_scoped3A_83 : memref<!tpu.dma_semaphore, #tpu.memory_space<semaphore_mem>>)
      %dma_wait3A_88 = arith.constant 0 : i32
      %dma_wait3A_89 = tpu.memref_slice %arg10[%add3A_23, %dma_wait3A_88] : memref<10240x128xf32, #tpu.memory_space<vmem_shared>> -> memref<128x128xf32, #tpu.memory_space<vmem_shared>>
      %dma_wait3A_90 = arith.constant 0 : i32
      %dma_wait3A_91 = tpu.memref_slice %arg10[%add3A_23, %dma_wait3A_90] : memref<10240x128xf32, #tpu.memory_space<vmem_shared>> -> memref<128x128xf32, #tpu.memory_space<vmem_shared>>
      tpu.wait_dma2 semaphore(%run_scoped3A_83 : memref<!tpu.dma_semaphore, #tpu.memory_space<semaphore_mem>>) src(%arg8 : memref<128x128xf32, #tpu.memory_space<vmem>>) dst(%dma_wait3A_91 : memref<128x128xf32, #tpu.memory_space<vmem_shared>>)
      tpu.yield
    }) : () -> ()
    %mul3A_24 = arith.constant 640 : i32
    %mul3A_25 = arith.muli %arg1, %mul3A_24 : i32
    %add3A_26 = arith.constant 256 : i32
    %add3A_27 = arith.addi %mul3A_25, %add3A_26 : i32
    "tpu.region"() ({
      %run_scoped3A_83 = tpu.sem_alloc : memref<!tpu.dma_semaphore, #tpu.memory_space<semaphore_mem>>
      %dma_start3A_84 = arith.constant 0 : i32
      %dma_start3A_85 = tpu.memref_slice %arg10[%add3A_27, %dma_start3A_84] : memref<10240x128xf32, #tpu.memory_space<vmem_shared>> -> memref<128x128xf32, #tpu.memory_space<vmem_shared>>
      %dma_start3A_86 = arith.constant 0 : i32
      %dma_start3A_87 = tpu.memref_slice %arg10[%add3A_27, %dma_start3A_86] : memref<10240x128xf32, #tpu.memory_space<vmem_shared>> -> memref<128x128xf32, #tpu.memory_space<vmem_shared>>
      tpu.enqueue_dma source(%arg8 : memref<128x128xf32, #tpu.memory_space<vmem>>) target(%dma_start3A_87 : memref<128x128xf32, #tpu.memory_space<vmem_shared>>) target_semaphore(%run_scoped3A_83 : memref<!tpu.dma_semaphore, #tpu.memory_space<semaphore_mem>>)
      %dma_wait3A_88 = arith.constant 0 : i32
      %dma_wait3A_89 = tpu.memref_slice %arg10[%add3A_27, %dma_wait3A_88] : memref<10240x128xf32, #tpu.memory_space<vmem_shared>> -> memref<128x128xf32, #tpu.memory_space<vmem_shared>>
      %dma_wait3A_90 = arith.constant 0 : i32
      %dma_wait3A_91 = tpu.memref_slice %arg10[%add3A_27, %dma_wait3A_90] : memref<10240x128xf32, #tpu.memory_space<vmem_shared>> -> memref<128x128xf32, #tpu.memory_space<vmem_shared>>
      tpu.wait_dma2 semaphore(%run_scoped3A_83 : memref<!tpu.dma_semaphore, #tpu.memory_space<semaphore_mem>>) src(%arg8 : memref<128x128xf32, #tpu.memory_space<vmem>>) dst(%dma_wait3A_91 : memref<128x128xf32, #tpu.memory_space<vmem_shared>>)
      tpu.yield
    }) : () -> ()
    %mul3A_28 = arith.constant 640 : i32
    %mul3A_29 = arith.muli %arg1, %mul3A_28 : i32
    %add3A_30 = arith.constant 384 : i32
    %add3A_31 = arith.addi %mul3A_29, %add3A_30 : i32
    "tpu.region"() ({
      %run_scoped3A_83 = tpu.sem_alloc : memref<!tpu.dma_semaphore, #tpu.memory_space<semaphore_mem>>
      %dma_start3A_84 = arith.constant 0 : i32
      %dma_start3A_85 = tpu.memref_slice %arg10[%add3A_31, %dma_start3A_84] : memref<10240x128xf32, #tpu.memory_space<vmem_shared>> -> memref<128x128xf32, #tpu.memory_space<vmem_shared>>
      %dma_start3A_86 = arith.constant 0 : i32
      %dma_start3A_87 = tpu.memref_slice %arg10[%add3A_31, %dma_start3A_86] : memref<10240x128xf32, #tpu.memory_space<vmem_shared>> -> memref<128x128xf32, #tpu.memory_space<vmem_shared>>
      tpu.enqueue_dma source(%arg8 : memref<128x128xf32, #tpu.memory_space<vmem>>) target(%dma_start3A_87 : memref<128x128xf32, #tpu.memory_space<vmem_shared>>) target_semaphore(%run_scoped3A_83 : memref<!tpu.dma_semaphore, #tpu.memory_space<semaphore_mem>>)
      %dma_wait3A_88 = arith.constant 0 : i32
      %dma_wait3A_89 = tpu.memref_slice %arg10[%add3A_31, %dma_wait3A_88] : memref<10240x128xf32, #tpu.memory_space<vmem_shared>> -> memref<128x128xf32, #tpu.memory_space<vmem_shared>>
      %dma_wait3A_90 = arith.constant 0 : i32
      %dma_wait3A_91 = tpu.memref_slice %arg10[%add3A_31, %dma_wait3A_90] : memref<10240x128xf32, #tpu.memory_space<vmem_shared>> -> memref<128x128xf32, #tpu.memory_space<vmem_shared>>
      tpu.wait_dma2 semaphore(%run_scoped3A_83 : memref<!tpu.dma_semaphore, #tpu.memory_space<semaphore_mem>>) src(%arg8 : memref<128x128xf32, #tpu.memory_space<vmem>>) dst(%dma_wait3A_91 : memref<128x128xf32, #tpu.memory_space<vmem_shared>>)
      tpu.yield
    }) : () -> ()
    %mul3A_32 = arith.constant 640 : i32
    %mul3A_33 = arith.muli %arg1, %mul3A_32 : i32
    %add3A_34 = arith.constant 512 : i32
    %add3A_35 = arith.addi %mul3A_33, %add3A_34 : i32
    "tpu.region"() ({
      %run_scoped3A_83 = tpu.sem_alloc : memref<!tpu.dma_semaphore, #tpu.memory_space<semaphore_mem>>
      %dma_start3A_84 = arith.constant 0 : i32
      %dma_start3A_85 = tpu.memref_slice %arg10[%add3A_35, %dma_start3A_84] : memref<10240x128xf32, #tpu.memory_space<vmem_shared>> -> memref<128x128xf32, #tpu.memory_space<vmem_shared>>
      %dma_start3A_86 = arith.constant 0 : i32
      %dma_start3A_87 = tpu.memref_slice %arg10[%add3A_35, %dma_start3A_86] : memref<10240x128xf32, #tpu.memory_space<vmem_shared>> -> memref<128x128xf32, #tpu.memory_space<vmem_shared>>
      tpu.enqueue_dma source(%arg8 : memref<128x128xf32, #tpu.memory_space<vmem>>) target(%dma_start3A_87 : memref<128x128xf32, #tpu.memory_space<vmem_shared>>) target_semaphore(%run_scoped3A_83 : memref<!tpu.dma_semaphore, #tpu.memory_space<semaphore_mem>>)
      %dma_wait3A_88 = arith.constant 0 : i32
      %dma_wait3A_89 = tpu.memref_slice %arg10[%add3A_35, %dma_wait3A_88] : memref<10240x128xf32, #tpu.memory_space<vmem_shared>> -> memref<128x128xf32, #tpu.memory_space<vmem_shared>>
      %dma_wait3A_90 = arith.constant 0 : i32
      %dma_wait3A_91 = tpu.memref_slice %arg10[%add3A_35, %dma_wait3A_90] : memref<10240x128xf32, #tpu.memory_space<vmem_shared>> -> memref<128x128xf32, #tpu.memory_space<vmem_shared>>
      tpu.wait_dma2 semaphore(%run_scoped3A_83 : memref<!tpu.dma_semaphore, #tpu.memory_space<semaphore_mem>>) src(%arg8 : memref<128x128xf32, #tpu.memory_space<vmem>>) dst(%dma_wait3A_91 : memref<128x128xf32, #tpu.memory_space<vmem_shared>>)
      tpu.yield
    }) : () -> ()
    %barrier3A = arith.constant 0 : index
    tpu.barrier barrier_id(%barrier3A)
    %run_scoped3A = arith.constant 0 : i32
    "tpu.region"() ({
      %run_scoped3A_83 = tpu.sem_alloc : memref<!tpu.dma_semaphore, #tpu.memory_space<semaphore_mem>>
      %dma_start3A_84 = arith.constant 0 : i32
      %dma_start3A_85 = arith.constant 0 : i32
      %dma_start3A_86 = tpu.memref_slice %arg6[%run_scoped3A, %dma_start3A_84, %dma_start3A_85] : memref<2x8x128xi32, #tpu.memory_space<vmem>> -> memref<1x8x128xi32, #tpu.memory_space<vmem>>
      %dma_start3A_87 = tpu.memref_squeeze %dma_start3A_86 : memref<1x8x128xi32, #tpu.memory_space<vmem>> -> memref<8x128xi32, #tpu.memory_space<vmem>>
      %dma_start3A_88 = arith.constant 0 : i32
      %dma_start3A_89 = tpu.memref_slice %arg3[%select_n3A, %dma_start3A_88] : memref<2560x128xi32, #tpu.memory_space<hbm>> -> memref<8x128xi32, #tpu.memory_space<hbm>>
      %dma_start3A_90 = arith.constant 0 : i32
      %dma_start3A_91 = arith.constant 0 : i32
      %dma_start3A_92 = tpu.memref_slice %arg6[%run_scoped3A, %dma_start3A_90, %dma_start3A_91] : memref<2x8x128xi32, #tpu.memory_space<vmem>> -> memref<1x8x128xi32, #tpu.memory_space<vmem>>
      %dma_start3A_93 = tpu.memref_squeeze %dma_start3A_92 : memref<1x8x128xi32, #tpu.memory_space<vmem>> -> memref<8x128xi32, #tpu.memory_space<vmem>>
      %dma_start3A_94 = arith.constant 0 : i32
      %dma_start3A_95 = tpu.memref_slice %arg3[%select_n3A, %dma_start3A_94] : memref<2560x128xi32, #tpu.memory_space<hbm>> -> memref<8x128xi32, #tpu.memory_space<hbm>>
      tpu.enqueue_dma source(%dma_start3A_95 : memref<8x128xi32, #tpu.memory_space<hbm>>) target(%dma_start3A_93 : memref<8x128xi32, #tpu.memory_space<vmem>>) target_semaphore(%run_scoped3A_83 : memref<!tpu.dma_semaphore, #tpu.memory_space<semaphore_mem>>)
      %dma_wait3A_96 = arith.constant 0 : i32
      %dma_wait3A_97 = arith.constant 0 : i32
      %dma_wait3A_98 = tpu.memref_slice %arg6[%run_scoped3A, %dma_wait3A_96, %dma_wait3A_97] : memref<2x8x128xi32, #tpu.memory_space<vmem>> -> memref<1x8x128xi32, #tpu.memory_space<vmem>>
      %dma_wait3A_99 = tpu.memref_squeeze %dma_wait3A_98 : memref<1x8x128xi32, #tpu.memory_space<vmem>> -> memref<8x128xi32, #tpu.memory_space<vmem>>
      %dma_wait3A_100 = arith.constant 0 : i32
      %dma_wait3A_101 = tpu.memref_slice %arg3[%select_n3A, %dma_wait3A_100] : memref<2560x128xi32, #tpu.memory_space<hbm>> -> memref<8x128xi32, #tpu.memory_space<hbm>>
      %dma_wait3A_102 = arith.constant 0 : i32
      %dma_wait3A_103 = arith.constant 0 : i32
      %dma_wait3A_104 = tpu.memref_slice %arg6[%run_scoped3A, %dma_wait3A_102, %dma_wait3A_103] : memref<2x8x128xi32, #tpu.memory_space<vmem>> -> memref<1x8x128xi32, #tpu.memory_space<vmem>>
      %dma_wait3A_105 = tpu.memref_squeeze %dma_wait3A_104 : memref<1x8x128xi32, #tpu.memory_space<vmem>> -> memref<8x128xi32, #tpu.memory_space<vmem>>
      %dma_wait3A_106 = arith.constant 0 : i32
      %dma_wait3A_107 = tpu.memref_slice %arg3[%select_n3A, %dma_wait3A_106] : memref<2560x128xi32, #tpu.memory_space<hbm>> -> memref<8x128xi32, #tpu.memory_space<hbm>>
      tpu.wait_dma2 semaphore(%run_scoped3A_83 : memref<!tpu.dma_semaphore, #tpu.memory_space<semaphore_mem>>) src(%dma_wait3A_107 : memref<8x128xi32, #tpu.memory_space<hbm>>) dst(%dma_wait3A_105 : memref<8x128xi32, #tpu.memory_space<vmem>>)
      tpu.yield
    }) : () -> ()
    %run_scoped3A_36 = arith.constant 0 : i32
    "tpu.region"() ({
      %run_scoped3A_83 = tpu.sem_alloc : memref<!tpu.dma_semaphore, #tpu.memory_space<semaphore_mem>>
      %dma_start3A_84 = arith.constant 0 : i32
      %dma_start3A_85 = arith.constant 0 : i32
      %dma_start3A_86 = tpu.memref_slice %arg7[%run_scoped3A_36, %dma_start3A_84, %dma_start3A_85] : memref<2x8x128xi32, #tpu.memory_space<vmem>> -> memref<1x8x128xi32, #tpu.memory_space<vmem>>
      %dma_start3A_87 = tpu.memref_squeeze %dma_start3A_86 : memref<1x8x128xi32, #tpu.memory_space<vmem>> -> memref<8x128xi32, #tpu.memory_space<vmem>>
      %dma_start3A_88 = arith.constant 0 : i32
      %dma_start3A_89 = tpu.memref_slice %arg4[%select_n3A, %dma_start3A_88] : memref<2560x128xi32, #tpu.memory_space<hbm>> -> memref<8x128xi32, #tpu.memory_space<hbm>>
      %dma_start3A_90 = arith.constant 0 : i32
      %dma_start3A_91 = arith.constant 0 : i32
      %dma_start3A_92 = tpu.memref_slice %arg7[%run_scoped3A_36, %dma_start3A_90, %dma_start3A_91] : memref<2x8x128xi32, #tpu.memory_space<vmem>> -> memref<1x8x128xi32, #tpu.memory_space<vmem>>
      %dma_start3A_93 = tpu.memref_squeeze %dma_start3A_92 : memref<1x8x128xi32, #tpu.memory_space<vmem>> -> memref<8x128xi32, #tpu.memory_space<vmem>>
      %dma_start3A_94 = arith.constant 0 : i32
      %dma_start3A_95 = tpu.memref_slice %arg4[%select_n3A, %dma_start3A_94] : memref<2560x128xi32, #tpu.memory_space<hbm>> -> memref<8x128xi32, #tpu.memory_space<hbm>>
      tpu.enqueue_dma source(%dma_start3A_95 : memref<8x128xi32, #tpu.memory_space<hbm>>) target(%dma_start3A_93 : memref<8x128xi32, #tpu.memory_space<vmem>>) target_semaphore(%run_scoped3A_83 : memref<!tpu.dma_semaphore, #tpu.memory_space<semaphore_mem>>)
      %dma_wait3A_96 = arith.constant 0 : i32
      %dma_wait3A_97 = arith.constant 0 : i32
      %dma_wait3A_98 = tpu.memref_slice %arg7[%run_scoped3A_36, %dma_wait3A_96, %dma_wait3A_97] : memref<2x8x128xi32, #tpu.memory_space<vmem>> -> memref<1x8x128xi32, #tpu.memory_space<vmem>>
      %dma_wait3A_99 = tpu.memref_squeeze %dma_wait3A_98 : memref<1x8x128xi32, #tpu.memory_space<vmem>> -> memref<8x128xi32, #tpu.memory_space<vmem>>
      %dma_wait3A_100 = arith.constant 0 : i32
      %dma_wait3A_101 = tpu.memref_slice %arg4[%select_n3A, %dma_wait3A_100] : memref<2560x128xi32, #tpu.memory_space<hbm>> -> memref<8x128xi32, #tpu.memory_space<hbm>>
      %dma_wait3A_102 = arith.constant 0 : i32
      %dma_wait3A_103 = arith.constant 0 : i32
      %dma_wait3A_104 = tpu.memref_slice %arg7[%run_scoped3A_36, %dma_wait3A_102, %dma_wait3A_103] : memref<2x8x128xi32, #tpu.memory_space<vmem>> -> memref<1x8x128xi32, #tpu.memory_space<vmem>>
      %dma_wait3A_105 = tpu.memref_squeeze %dma_wait3A_104 : memref<1x8x128xi32, #tpu.memory_space<vmem>> -> memref<8x128xi32, #tpu.memory_space<vmem>>
      %dma_wait3A_106 = arith.constant 0 : i32
      %dma_wait3A_107 = tpu.memref_slice %arg4[%select_n3A, %dma_wait3A_106] : memref<2560x128xi32, #tpu.memory_space<hbm>> -> memref<8x128xi32, #tpu.memory_space<hbm>>
      tpu.wait_dma2 semaphore(%run_scoped3A_83 : memref<!tpu.dma_semaphore, #tpu.memory_space<semaphore_mem>>) src(%dma_wait3A_107 : memref<8x128xi32, #tpu.memory_space<hbm>>) dst(%dma_wait3A_105 : memref<8x128xi32, #tpu.memory_space<vmem>>)
      tpu.yield
    }) : () -> ()
    %dma_start3A = arith.constant 0 : i32
    %dma_start3A_37 = arith.constant 0 : i32
    %dma_start3A_38 = arith.constant 0 : i32
    %dma_start3A_39 = tpu.memref_slice %arg6[%dma_start3A, %dma_start3A_37, %dma_start3A_38] : memref<2x8x128xi32, #tpu.memory_space<vmem>> -> memref<1x1x128xi32, #tpu.memory_space<vmem>>
    %dma_start3A_40 = tpu.memref_squeeze %dma_start3A_39 : memref<1x1x128xi32, #tpu.memory_space<vmem>> -> memref<128xi32, #tpu.memory_space<vmem>>
    %dma_start3A_41 = arith.constant 0 : i32
    %dma_start3A_42 = arith.constant 0 : i32
    %dma_start3A_43 = tpu.memref_slice %arg2[%dma_start3A_41, %dma_start3A_42] : memref<10000x128xf32, #tpu.memory_space<hbm>> -> memref<10000x128xf32, #tpu.memory_space<hbm>>
    tpu.enqueue_indirect_dma source(%dma_start3A_43 : memref<10000x128xf32, #tpu.memory_space<hbm>>) target(%arg8 : memref<128x128xf32, #tpu.memory_space<vmem>>) offsets(%dma_start3A_40 : memref<128xi32, #tpu.memory_space<vmem>>) semaphore(%arg11 : memref<!tpu.dma_semaphore, #tpu.memory_space<semaphore_mem>>)
    %dma_start3A_44 = arith.constant 0 : i32
    %dma_start3A_45 = arith.constant 1 : i32
    %dma_start3A_46 = arith.constant 0 : i32
    %dma_start3A_47 = tpu.memref_slice %arg6[%dma_start3A_44, %dma_start3A_45, %dma_start3A_46] : memref<2x8x128xi32, #tpu.memory_space<vmem>> -> memref<1x1x128xi32, #tpu.memory_space<vmem>>
    %dma_start3A_48 = tpu.memref_squeeze %dma_start3A_47 : memref<1x1x128xi32, #tpu.memory_space<vmem>> -> memref<128xi32, #tpu.memory_space<vmem>>
    %dma_start3A_49 = arith.constant 0 : i32
    %dma_start3A_50 = arith.constant 0 : i32
    %dma_start3A_51 = tpu.memref_slice %arg2[%dma_start3A_49, %dma_start3A_50] : memref<10000x128xf32, #tpu.memory_space<hbm>> -> memref<10000x128xf32, #tpu.memory_space<hbm>>
    tpu.enqueue_indirect_dma source(%dma_start3A_51 : memref<10000x128xf32, #tpu.memory_space<hbm>>) target(%arg9 : memref<128x128xf32, #tpu.memory_space<vmem>>) offsets(%dma_start3A_48 : memref<128xi32, #tpu.memory_space<vmem>>) semaphore(%arg12 : memref<!tpu.dma_semaphore, #tpu.memory_space<semaphore_mem>>)
    %while3A = arith.constant 0 : i32
    %while3A_52 = arith.constant 0 : i32
    %while3A_53 = arith.subi %select_n3A_8, %while3A : i32
    %while3A_54 = arith.addi %while3A, %while3A_53 : i32
    %while3A_55 = arith.constant 1 : i32
    %while3A_56 = arith.divsi %while3A_53, %while3A_55 : i32
    %while3A_57 = arith.muli %while3A_56, %while3A_55 : i32
    %while3A_58 = arith.addi %while3A, %while3A_57 : i32
    %while3A_59 = arith.constant 1 : i32
    %while3A_60 = scf.for %while3A_83 = %while3A to %while3A_58 step %while3A_59 iter_args(%while3A_84 = %while3A_52) -> (i32)  : i32 {
      %jit3A_85 = arith.constant 2 : i32
      %eq3A_86 = arith.constant 0 : i32
      %eq3A_87 = arith.cmpi eq, %jit3A_85, %eq3A_86 : i32
      %jit3A_88 = arith.constant 1 : i32
      %select_n3A_89 = arith.select %eq3A_87, %jit3A_88, %jit3A_85 : i32
      %rem3A = arith.remsi %while3A_83, %select_n3A_89 : i32
      %ne3A = arith.constant 0 : i32
      %ne3A_90 = arith.cmpi ne, %rem3A, %ne3A : i32
      %lt3A = arith.constant 0 : i32
      %lt3A_91 = arith.cmpi slt, %rem3A, %lt3A : i32
      %lt3A_92 = arith.constant 0 : i32
      %lt3A_93 = arith.cmpi slt, %select_n3A_89, %lt3A_92 : i32
      %ne3A_94 = arith.xori %lt3A_91, %lt3A_93 : i1
      %and3A = arith.andi %ne3A_94, %ne3A_90 : i1
      %add3A_95 = arith.addi %rem3A, %select_n3A_89 : i32
      %select_n3A_96 = arith.select %and3A, %add3A_95, %rem3A : i32
      %add3A_97 = arith.constant 1 : i32
      %add3A_98 = arith.addi %while3A_83, %add3A_97 : i32
      %jit3A_99 = arith.constant 2 : i32
      %eq3A_100 = arith.constant 0 : i32
      %eq3A_101 = arith.cmpi eq, %jit3A_99, %eq3A_100 : i32
      %jit3A_102 = arith.constant 1 : i32
      %select_n3A_103 = arith.select %eq3A_101, %jit3A_102, %jit3A_99 : i32
      %rem3A_104 = arith.remsi %add3A_98, %select_n3A_103 : i32
      %ne3A_105 = arith.constant 0 : i32
      %ne3A_106 = arith.cmpi ne, %rem3A_104, %ne3A_105 : i32
      %lt3A_107 = arith.constant 0 : i32
      %lt3A_108 = arith.cmpi slt, %rem3A_104, %lt3A_107 : i32
      %lt3A_109 = arith.constant 0 : i32
      %lt3A_110 = arith.cmpi slt, %select_n3A_103, %lt3A_109 : i32
      %ne3A_111 = arith.xori %lt3A_108, %lt3A_110 : i1
      %and3A_112 = arith.andi %ne3A_111, %ne3A_106 : i1
      %add3A_113 = arith.addi %rem3A_104, %select_n3A_103 : i32
      %select_n3A_114 = arith.select %and3A_112, %add3A_113, %rem3A_104 : i32
      %add3A_115 = arith.constant 1 : i32
      %add3A_116 = arith.addi %while3A_83, %add3A_115 : i32
      %sub3A = arith.constant 1 : i32
      %sub3A_117 = arith.subi %select_n3A_8, %sub3A : i32
      %min3A = arith.minsi %add3A_116, %sub3A_117 : i32
      %mul3A_118 = arith.constant 8 : i32
      %mul3A_119 = arith.muli %min3A, %mul3A_118 : i32
      %add3A_120 = arith.addi %select_n3A, %mul3A_119 : i32
      "tpu.region"() ({
        %run_scoped3A_365 = tpu.sem_alloc : memref<!tpu.dma_semaphore, #tpu.memory_space<semaphore_mem>>
        %dma_start3A_366 = arith.constant 0 : i32
        %dma_start3A_367 = arith.constant 0 : i32
        %dma_start3A_368 = tpu.memref_slice %arg6[%select_n3A_114, %dma_start3A_366, %dma_start3A_367] : memref<2x8x128xi32, #tpu.memory_space<vmem>> -> memref<1x8x128xi32, #tpu.memory_space<vmem>>
        %dma_start3A_369 = tpu.memref_squeeze %dma_start3A_368 : memref<1x8x128xi32, #tpu.memory_space<vmem>> -> memref<8x128xi32, #tpu.memory_space<vmem>>
        %dma_start3A_370 = arith.constant 0 : i32
        %dma_start3A_371 = tpu.memref_slice %arg3[%add3A_120, %dma_start3A_370] : memref<2560x128xi32, #tpu.memory_space<hbm>> -> memref<8x128xi32, #tpu.memory_space<hbm>>
        %dma_start3A_372 = arith.constant 0 : i32
        %dma_start3A_373 = arith.constant 0 : i32
        %dma_start3A_374 = tpu.memref_slice %arg6[%select_n3A_114, %dma_start3A_372, %dma_start3A_373] : memref<2x8x128xi32, #tpu.memory_space<vmem>> -> memref<1x8x128xi32, #tpu.memory_space<vmem>>
        %dma_start3A_375 = tpu.memref_squeeze %dma_start3A_374 : memref<1x8x128xi32, #tpu.memory_space<vmem>> -> memref<8x128xi32, #tpu.memory_space<vmem>>
        %dma_start3A_376 = arith.constant 0 : i32
        %dma_start3A_377 = tpu.memref_slice %arg3[%add3A_120, %dma_start3A_376] : memref<2560x128xi32, #tpu.memory_space<hbm>> -> memref<8x128xi32, #tpu.memory_space<hbm>>
        tpu.enqueue_dma source(%dma_start3A_377 : memref<8x128xi32, #tpu.memory_space<hbm>>) target(%dma_start3A_375 : memref<8x128xi32, #tpu.memory_space<vmem>>) target_semaphore(%run_scoped3A_365 : memref<!tpu.dma_semaphore, #tpu.memory_space<semaphore_mem>>)
        %dma_wait3A_378 = arith.constant 0 : i32
        %dma_wait3A_379 = arith.constant 0 : i32
        %dma_wait3A_380 = tpu.memref_slice %arg6[%select_n3A_114, %dma_wait3A_378, %dma_wait3A_379] : memref<2x8x128xi32, #tpu.memory_space<vmem>> -> memref<1x8x128xi32, #tpu.memory_space<vmem>>
        %dma_wait3A_381 = tpu.memref_squeeze %dma_wait3A_380 : memref<1x8x128xi32, #tpu.memory_space<vmem>> -> memref<8x128xi32, #tpu.memory_space<vmem>>
        %dma_wait3A_382 = arith.constant 0 : i32
        %dma_wait3A_383 = tpu.memref_slice %arg3[%add3A_120, %dma_wait3A_382] : memref<2560x128xi32, #tpu.memory_space<hbm>> -> memref<8x128xi32, #tpu.memory_space<hbm>>
        %dma_wait3A_384 = arith.constant 0 : i32
        %dma_wait3A_385 = arith.constant 0 : i32
        %dma_wait3A_386 = tpu.memref_slice %arg6[%select_n3A_114, %dma_wait3A_384, %dma_wait3A_385] : memref<2x8x128xi32, #tpu.memory_space<vmem>> -> memref<1x8x128xi32, #tpu.memory_space<vmem>>
        %dma_wait3A_387 = tpu.memref_squeeze %dma_wait3A_386 : memref<1x8x128xi32, #tpu.memory_space<vmem>> -> memref<8x128xi32, #tpu.memory_space<vmem>>
        %dma_wait3A_388 = arith.constant 0 : i32
        %dma_wait3A_389 = tpu.memref_slice %arg3[%add3A_120, %dma_wait3A_388] : memref<2560x128xi32, #tpu.memory_space<hbm>> -> memref<8x128xi32, #tpu.memory_space<hbm>>
        tpu.wait_dma2 semaphore(%run_scoped3A_365 : memref<!tpu.dma_semaphore, #tpu.memory_space<semaphore_mem>>) src(%dma_wait3A_389 : memref<8x128xi32, #tpu.memory_space<hbm>>) dst(%dma_wait3A_387 : memref<8x128xi32, #tpu.memory_space<vmem>>)
        tpu.yield
      }) : () -> ()
      %mul3A_121 = arith.constant 8 : i32
      %mul3A_122 = arith.muli %min3A, %mul3A_121 : i32
      %add3A_123 = arith.addi %select_n3A, %mul3A_122 : i32
      "tpu.region"() ({
        %run_scoped3A_365 = tpu.sem_alloc : memref<!tpu.dma_semaphore, #tpu.memory_space<semaphore_mem>>
        %dma_start3A_366 = arith.constant 0 : i32
        %dma_start3A_367 = arith.constant 0 : i32
        %dma_start3A_368 = tpu.memref_slice %arg7[%select_n3A_114, %dma_start3A_366, %dma_start3A_367] : memref<2x8x128xi32, #tpu.memory_space<vmem>> -> memref<1x8x128xi32, #tpu.memory_space<vmem>>
        %dma_start3A_369 = tpu.memref_squeeze %dma_start3A_368 : memref<1x8x128xi32, #tpu.memory_space<vmem>> -> memref<8x128xi32, #tpu.memory_space<vmem>>
        %dma_start3A_370 = arith.constant 0 : i32
        %dma_start3A_371 = tpu.memref_slice %arg4[%add3A_123, %dma_start3A_370] : memref<2560x128xi32, #tpu.memory_space<hbm>> -> memref<8x128xi32, #tpu.memory_space<hbm>>
        %dma_start3A_372 = arith.constant 0 : i32
        %dma_start3A_373 = arith.constant 0 : i32
        %dma_start3A_374 = tpu.memref_slice %arg7[%select_n3A_114, %dma_start3A_372, %dma_start3A_373] : memref<2x8x128xi32, #tpu.memory_space<vmem>> -> memref<1x8x128xi32, #tpu.memory_space<vmem>>
        %dma_start3A_375 = tpu.memref_squeeze %dma_start3A_374 : memref<1x8x128xi32, #tpu.memory_space<vmem>> -> memref<8x128xi32, #tpu.memory_space<vmem>>
        %dma_start3A_376 = arith.constant 0 : i32
        %dma_start3A_377 = tpu.memref_slice %arg4[%add3A_123, %dma_start3A_376] : memref<2560x128xi32, #tpu.memory_space<hbm>> -> memref<8x128xi32, #tpu.memory_space<hbm>>
        tpu.enqueue_dma source(%dma_start3A_377 : memref<8x128xi32, #tpu.memory_space<hbm>>) target(%dma_start3A_375 : memref<8x128xi32, #tpu.memory_space<vmem>>) target_semaphore(%run_scoped3A_365 : memref<!tpu.dma_semaphore, #tpu.memory_space<semaphore_mem>>)
        %dma_wait3A_378 = arith.constant 0 : i32
        %dma_wait3A_379 = arith.constant 0 : i32
        %dma_wait3A_380 = tpu.memref_slice %arg7[%select_n3A_114, %dma_wait3A_378, %dma_wait3A_379] : memref<2x8x128xi32, #tpu.memory_space<vmem>> -> memref<1x8x128xi32, #tpu.memory_space<vmem>>
        %dma_wait3A_381 = tpu.memref_squeeze %dma_wait3A_380 : memref<1x8x128xi32, #tpu.memory_space<vmem>> -> memref<8x128xi32, #tpu.memory_space<vmem>>
        %dma_wait3A_382 = arith.constant 0 : i32
        %dma_wait3A_383 = tpu.memref_slice %arg4[%add3A_123, %dma_wait3A_382] : memref<2560x128xi32, #tpu.memory_space<hbm>> -> memref<8x128xi32, #tpu.memory_space<hbm>>
        %dma_wait3A_384 = arith.constant 0 : i32
        %dma_wait3A_385 = arith.constant 0 : i32
        %dma_wait3A_386 = tpu.memref_slice %arg7[%select_n3A_114, %dma_wait3A_384, %dma_wait3A_385] : memref<2x8x128xi32, #tpu.memory_space<vmem>> -> memref<1x8x128xi32, #tpu.memory_space<vmem>>
        %dma_wait3A_387 = tpu.memref_squeeze %dma_wait3A_386 : memref<1x8x128xi32, #tpu.memory_space<vmem>> -> memref<8x128xi32, #tpu.memory_space<vmem>>
        %dma_wait3A_388 = arith.constant 0 : i32
        %dma_wait3A_389 = tpu.memref_slice %arg4[%add3A_123, %dma_wait3A_388] : memref<2560x128xi32, #tpu.memory_space<hbm>> -> memref<8x128xi32, #tpu.memory_space<hbm>>
        tpu.wait_dma2 semaphore(%run_scoped3A_365 : memref<!tpu.dma_semaphore, #tpu.memory_space<semaphore_mem>>) src(%dma_wait3A_389 : memref<8x128xi32, #tpu.memory_space<hbm>>) dst(%dma_wait3A_387 : memref<8x128xi32, #tpu.memory_space<vmem>>)
        tpu.yield
      }) : () -> ()
      %dma_wait3A_124 = arith.constant 0 : i32
      %dma_wait3A_125 = arith.constant 0 : i32
      %dma_wait3A_126 = arith.constant 0 : i32
      %dma_wait3A_127 = tpu.memref_slice %arg6[%dma_wait3A_124, %dma_wait3A_125, %dma_wait3A_126] : memref<2x8x128xi32, #tpu.memory_space<vmem>> -> memref<1x1x128xi32, #tpu.memory_space<vmem>>
      %dma_wait3A_128 = tpu.memref_squeeze %dma_wait3A_127 : memref<1x1x128xi32, #tpu.memory_space<vmem>> -> memref<128xi32, #tpu.memory_space<vmem>>
      %dma_wait3A_129 = arith.constant 0 : i32
      %dma_wait3A_130 = arith.constant 0 : i32
      %dma_wait3A_131 = tpu.memref_slice %arg2[%dma_wait3A_129, %dma_wait3A_130] : memref<10000x128xf32, #tpu.memory_space<hbm>> -> memref<10000x128xf32, #tpu.memory_space<hbm>>
      tpu.wait_indirect_dma semaphore(%arg11 : memref<!tpu.dma_semaphore, #tpu.memory_space<semaphore_mem>>) src(%dma_wait3A_131 : memref<10000x128xf32, #tpu.memory_space<hbm>>) dst(%arg8 : memref<128x128xf32, #tpu.memory_space<vmem>>)
      %dma_start3A_132 = arith.constant 0 : i32
      %dma_start3A_133 = arith.constant 0 : i32
      %dma_start3A_134 = tpu.memref_slice %arg7[%select_n3A_96, %dma_start3A_132, %dma_start3A_133] : memref<2x8x128xi32, #tpu.memory_space<vmem>> -> memref<1x1x128xi32, #tpu.memory_space<vmem>>
      %dma_start3A_135 = tpu.memref_squeeze %dma_start3A_134 : memref<1x1x128xi32, #tpu.memory_space<vmem>> -> memref<128xi32, #tpu.memory_space<vmem>>
      %dma_start3A_136 = arith.constant 0 : i32
      %dma_start3A_137 = arith.constant 0 : i32
      %dma_start3A_138 = tpu.memref_slice %arg10[%dma_start3A_136, %dma_start3A_137] : memref<10240x128xf32, #tpu.memory_space<vmem_shared>> -> memref<10240x128xf32, #tpu.memory_space<vmem_shared>>
      tpu.enqueue_indirect_dma source(%arg8 : memref<128x128xf32, #tpu.memory_space<vmem>>) target(%dma_start3A_138 : memref<10240x128xf32, #tpu.memory_space<vmem_shared>>) offsets(%dma_start3A_135 : memref<128xi32, #tpu.memory_space<vmem>>) semaphore(%arg13 : memref<!tpu.dma_semaphore, #tpu.memory_space<semaphore_mem>>) {add = true}
      %dma_wait3A_139 = arith.constant 0 : i32
      %dma_wait3A_140 = arith.constant 0 : i32
      %dma_wait3A_141 = arith.constant 0 : i32
      %dma_wait3A_142 = tpu.memref_slice %arg7[%dma_wait3A_139, %dma_wait3A_140, %dma_wait3A_141] : memref<2x8x128xi32, #tpu.memory_space<vmem>> -> memref<1x1x128xi32, #tpu.memory_space<vmem>>
      %dma_wait3A_143 = tpu.memref_squeeze %dma_wait3A_142 : memref<1x1x128xi32, #tpu.memory_space<vmem>> -> memref<128xi32, #tpu.memory_space<vmem>>
      %dma_wait3A_144 = arith.constant 0 : i32
      %dma_wait3A_145 = arith.constant 0 : i32
      %dma_wait3A_146 = tpu.memref_slice %arg10[%dma_wait3A_144, %dma_wait3A_145] : memref<10240x128xf32, #tpu.memory_space<vmem_shared>> -> memref<10240x128xf32, #tpu.memory_space<vmem_shared>>
      tpu.wait_indirect_dma semaphore(%arg13 : memref<!tpu.dma_semaphore, #tpu.memory_space<semaphore_mem>>) src(%arg8 : memref<128x128xf32, #tpu.memory_space<vmem>>) dst(%dma_wait3A_146 : memref<10240x128xf32, #tpu.memory_space<vmem_shared>>)
      %dma_start3A_147 = arith.constant 2 : i32
      %dma_start3A_148 = arith.constant 0 : i32
      %dma_start3A_149 = tpu.memref_slice %arg6[%select_n3A_96, %dma_start3A_147, %dma_start3A_148] : memref<2x8x128xi32, #tpu.memory_space<vmem>> -> memref<1x1x128xi32, #tpu.memory_space<vmem>>
      %dma_start3A_150 = tpu.memref_squeeze %dma_start3A_149 : memref<1x1x128xi32, #tpu.memory_space<vmem>> -> memref<128xi32, #tpu.memory_space<vmem>>
      %dma_start3A_151 = arith.constant 0 : i32
      %dma_start3A_152 = arith.constant 0 : i32
      %dma_start3A_153 = tpu.memref_slice %arg2[%dma_start3A_151, %dma_start3A_152] : memref<10000x128xf32, #tpu.memory_space<hbm>> -> memref<10000x128xf32, #tpu.memory_space<hbm>>
      tpu.enqueue_indirect_dma source(%dma_start3A_153 : memref<10000x128xf32, #tpu.memory_space<hbm>>) target(%arg8 : memref<128x128xf32, #tpu.memory_space<vmem>>) offsets(%dma_start3A_150 : memref<128xi32, #tpu.memory_space<vmem>>) semaphore(%arg11 : memref<!tpu.dma_semaphore, #tpu.memory_space<semaphore_mem>>)
      %dma_wait3A_154 = arith.constant 0 : i32
      %dma_wait3A_155 = arith.constant 0 : i32
      %dma_wait3A_156 = arith.constant 0 : i32
      %dma_wait3A_157 = tpu.memref_slice %arg6[%dma_wait3A_154, %dma_wait3A_155, %dma_wait3A_156] : memref<2x8x128xi32, #tpu.memory_space<vmem>> -> memref<1x1x128xi32, #tpu.memory_space<vmem>>
      %dma_wait3A_158 = tpu.memref_squeeze %dma_wait3A_157 : memref<1x1x128xi32, #tpu.memory_space<vmem>> -> memref<128xi32, #tpu.memory_space<vmem>>
      %dma_wait3A_159 = arith.constant 0 : i32
      %dma_wait3A_160 = arith.constant 0 : i32
      %dma_wait3A_161 = tpu.memref_slice %arg2[%dma_wait3A_159, %dma_wait3A_160] : memref<10000x128xf32, #tpu.memory_space<hbm>> -> memref<10000x128xf32, #tpu.memory_space<hbm>>
      tpu.wait_indirect_dma semaphore(%arg12 : memref<!tpu.dma_semaphore, #tpu.memory_space<semaphore_mem>>) src(%dma_wait3A_161 : memref<10000x128xf32, #tpu.memory_space<hbm>>) dst(%arg9 : memref<128x128xf32, #tpu.memory_space<vmem>>)
      %dma_start3A_162 = arith.constant 1 : i32
      %dma_start3A_163 = arith.constant 0 : i32
      %dma_start3A_164 = tpu.memref_slice %arg7[%select_n3A_96, %dma_start3A_162, %dma_start3A_163] : memref<2x8x128xi32, #tpu.memory_space<vmem>> -> memref<1x1x128xi32, #tpu.memory_space<vmem>>
      %dma_start3A_165 = tpu.memref_squeeze %dma_start3A_164 : memref<1x1x128xi32, #tpu.memory_space<vmem>> -> memref<128xi32, #tpu.memory_space<vmem>>
      %dma_start3A_166 = arith.constant 0 : i32
      %dma_start3A_167 = arith.constant 0 : i32
      %dma_start3A_168 = tpu.memref_slice %arg10[%dma_start3A_166, %dma_start3A_167] : memref<10240x128xf32, #tpu.memory_space<vmem_shared>> -> memref<10240x128xf32, #tpu.memory_space<vmem_shared>>
      tpu.enqueue_indirect_dma source(%arg9 : memref<128x128xf32, #tpu.memory_space<vmem>>) target(%dma_start3A_168 : memref<10240x128xf32, #tpu.memory_space<vmem_shared>>) offsets(%dma_start3A_165 : memref<128xi32, #tpu.memory_space<vmem>>) semaphore(%arg14 : memref<!tpu.dma_semaphore, #tpu.memory_space<semaphore_mem>>) {add = true}
      %dma_wait3A_169 = arith.constant 0 : i32
      %dma_wait3A_170 = arith.constant 0 : i32
      %dma_wait3A_171 = arith.constant 0 : i32
      %dma_wait3A_172 = tpu.memref_slice %arg7[%dma_wait3A_169, %dma_wait3A_170, %dma_wait3A_171] : memref<2x8x128xi32, #tpu.memory_space<vmem>> -> memref<1x1x128xi32, #tpu.memory_space<vmem>>
      %dma_wait3A_173 = tpu.memref_squeeze %dma_wait3A_172 : memref<1x1x128xi32, #tpu.memory_space<vmem>> -> memref<128xi32, #tpu.memory_space<vmem>>
      %dma_wait3A_174 = arith.constant 0 : i32
      %dma_wait3A_175 = arith.constant 0 : i32
      %dma_wait3A_176 = tpu.memref_slice %arg10[%dma_wait3A_174, %dma_wait3A_175] : memref<10240x128xf32, #tpu.memory_space<vmem_shared>> -> memref<10240x128xf32, #tpu.memory_space<vmem_shared>>
      tpu.wait_indirect_dma semaphore(%arg14 : memref<!tpu.dma_semaphore, #tpu.memory_space<semaphore_mem>>) src(%arg9 : memref<128x128xf32, #tpu.memory_space<vmem>>) dst(%dma_wait3A_176 : memref<10240x128xf32, #tpu.memory_space<vmem_shared>>)
      %dma_start3A_177 = arith.constant 3 : i32
      %dma_start3A_178 = arith.constant 0 : i32
      %dma_start3A_179 = tpu.memref_slice %arg6[%select_n3A_96, %dma_start3A_177, %dma_start3A_178] : memref<2x8x128xi32, #tpu.memory_space<vmem>> -> memref<1x1x128xi32, #tpu.memory_space<vmem>>
      %dma_start3A_180 = tpu.memref_squeeze %dma_start3A_179 : memref<1x1x128xi32, #tpu.memory_space<vmem>> -> memref<128xi32, #tpu.memory_space<vmem>>
      %dma_start3A_181 = arith.constant 0 : i32
      %dma_start3A_182 = arith.constant 0 : i32
      %dma_start3A_183 = tpu.memref_slice %arg2[%dma_start3A_181, %dma_start3A_182] : memref<10000x128xf32, #tpu.memory_space<hbm>> -> memref<10000x128xf32, #tpu.memory_space<hbm>>
      tpu.enqueue_indirect_dma source(%dma_start3A_183 : memref<10000x128xf32, #tpu.memory_space<hbm>>) target(%arg9 : memref<128x128xf32, #tpu.memory_space<vmem>>) offsets(%dma_start3A_180 : memref<128xi32, #tpu.memory_space<vmem>>) semaphore(%arg12 : memref<!tpu.dma_semaphore, #tpu.memory_space<semaphore_mem>>)
      %dma_wait3A_184 = arith.constant 0 : i32
      %dma_wait3A_185 = arith.constant 0 : i32
      %dma_wait3A_186 = arith.constant 0 : i32
      %dma_wait3A_187 = tpu.memref_slice %arg6[%dma_wait3A_184, %dma_wait3A_185, %dma_wait3A_186] : memref<2x8x128xi32, #tpu.memory_space<vmem>> -> memref<1x1x128xi32, #tpu.memory_space<vmem>>
      %dma_wait3A_188 = tpu.memref_squeeze %dma_wait3A_187 : memref<1x1x128xi32, #tpu.memory_space<vmem>> -> memref<128xi32, #tpu.memory_space<vmem>>
      %dma_wait3A_189 = arith.constant 0 : i32
      %dma_wait3A_190 = arith.constant 0 : i32
      %dma_wait3A_191 = tpu.memref_slice %arg2[%dma_wait3A_189, %dma_wait3A_190] : memref<10000x128xf32, #tpu.memory_space<hbm>> -> memref<10000x128xf32, #tpu.memory_space<hbm>>
      tpu.wait_indirect_dma semaphore(%arg11 : memref<!tpu.dma_semaphore, #tpu.memory_space<semaphore_mem>>) src(%dma_wait3A_191 : memref<10000x128xf32, #tpu.memory_space<hbm>>) dst(%arg8 : memref<128x128xf32, #tpu.memory_space<vmem>>)
      %dma_start3A_192 = arith.constant 2 : i32
      %dma_start3A_193 = arith.constant 0 : i32
      %dma_start3A_194 = tpu.memref_slice %arg7[%select_n3A_96, %dma_start3A_192, %dma_start3A_193] : memref<2x8x128xi32, #tpu.memory_space<vmem>> -> memref<1x1x128xi32, #tpu.memory_space<vmem>>
      %dma_start3A_195 = tpu.memref_squeeze %dma_start3A_194 : memref<1x1x128xi32, #tpu.memory_space<vmem>> -> memref<128xi32, #tpu.memory_space<vmem>>
      %dma_start3A_196 = arith.constant 0 : i32
      %dma_start3A_197 = arith.constant 0 : i32
      %dma_start3A_198 = tpu.memref_slice %arg10[%dma_start3A_196, %dma_start3A_197] : memref<10240x128xf32, #tpu.memory_space<vmem_shared>> -> memref<10240x128xf32, #tpu.memory_space<vmem_shared>>
      tpu.enqueue_indirect_dma source(%arg8 : memref<128x128xf32, #tpu.memory_space<vmem>>) target(%dma_start3A_198 : memref<10240x128xf32, #tpu.memory_space<vmem_shared>>) offsets(%dma_start3A_195 : memref<128xi32, #tpu.memory_space<vmem>>) semaphore(%arg13 : memref<!tpu.dma_semaphore, #tpu.memory_space<semaphore_mem>>) {add = true}
      %dma_wait3A_199 = arith.constant 0 : i32
      %dma_wait3A_200 = arith.constant 0 : i32
      %dma_wait3A_201 = arith.constant 0 : i32
      %dma_wait3A_202 = tpu.memref_slice %arg7[%dma_wait3A_199, %dma_wait3A_200, %dma_wait3A_201] : memref<2x8x128xi32, #tpu.memory_space<vmem>> -> memref<1x1x128xi32, #tpu.memory_space<vmem>>
      %dma_wait3A_203 = tpu.memref_squeeze %dma_wait3A_202 : memref<1x1x128xi32, #tpu.memory_space<vmem>> -> memref<128xi32, #tpu.memory_space<vmem>>
      %dma_wait3A_204 = arith.constant 0 : i32
      %dma_wait3A_205 = arith.constant 0 : i32
      %dma_wait3A_206 = tpu.memref_slice %arg10[%dma_wait3A_204, %dma_wait3A_205] : memref<10240x128xf32, #tpu.memory_space<vmem_shared>> -> memref<10240x128xf32, #tpu.memory_space<vmem_shared>>
      tpu.wait_indirect_dma semaphore(%arg13 : memref<!tpu.dma_semaphore, #tpu.memory_space<semaphore_mem>>) src(%arg8 : memref<128x128xf32, #tpu.memory_space<vmem>>) dst(%dma_wait3A_206 : memref<10240x128xf32, #tpu.memory_space<vmem_shared>>)
      %dma_start3A_207 = arith.constant 4 : i32
      %dma_start3A_208 = arith.constant 0 : i32
      %dma_start3A_209 = tpu.memref_slice %arg6[%select_n3A_96, %dma_start3A_207, %dma_start3A_208] : memref<2x8x128xi32, #tpu.memory_space<vmem>> -> memref<1x1x128xi32, #tpu.memory_space<vmem>>
      %dma_start3A_210 = tpu.memref_squeeze %dma_start3A_209 : memref<1x1x128xi32, #tpu.memory_space<vmem>> -> memref<128xi32, #tpu.memory_space<vmem>>
      %dma_start3A_211 = arith.constant 0 : i32
      %dma_start3A_212 = arith.constant 0 : i32
      %dma_start3A_213 = tpu.memref_slice %arg2[%dma_start3A_211, %dma_start3A_212] : memref<10000x128xf32, #tpu.memory_space<hbm>> -> memref<10000x128xf32, #tpu.memory_space<hbm>>
      tpu.enqueue_indirect_dma source(%dma_start3A_213 : memref<10000x128xf32, #tpu.memory_space<hbm>>) target(%arg8 : memref<128x128xf32, #tpu.memory_space<vmem>>) offsets(%dma_start3A_210 : memref<128xi32, #tpu.memory_space<vmem>>) semaphore(%arg11 : memref<!tpu.dma_semaphore, #tpu.memory_space<semaphore_mem>>)
      %dma_wait3A_214 = arith.constant 0 : i32
      %dma_wait3A_215 = arith.constant 0 : i32
      %dma_wait3A_216 = arith.constant 0 : i32
      %dma_wait3A_217 = tpu.memref_slice %arg6[%dma_wait3A_214, %dma_wait3A_215, %dma_wait3A_216] : memref<2x8x128xi32, #tpu.memory_space<vmem>> -> memref<1x1x128xi32, #tpu.memory_space<vmem>>
      %dma_wait3A_218 = tpu.memref_squeeze %dma_wait3A_217 : memref<1x1x128xi32, #tpu.memory_space<vmem>> -> memref<128xi32, #tpu.memory_space<vmem>>
      %dma_wait3A_219 = arith.constant 0 : i32
      %dma_wait3A_220 = arith.constant 0 : i32
      %dma_wait3A_221 = tpu.memref_slice %arg2[%dma_wait3A_219, %dma_wait3A_220] : memref<10000x128xf32, #tpu.memory_space<hbm>> -> memref<10000x128xf32, #tpu.memory_space<hbm>>
      tpu.wait_indirect_dma semaphore(%arg12 : memref<!tpu.dma_semaphore, #tpu.memory_space<semaphore_mem>>) src(%dma_wait3A_221 : memref<10000x128xf32, #tpu.memory_space<hbm>>) dst(%arg9 : memref<128x128xf32, #tpu.memory_space<vmem>>)
      %dma_start3A_222 = arith.constant 3 : i32
      %dma_start3A_223 = arith.constant 0 : i32
      %dma_start3A_224 = tpu.memref_slice %arg7[%select_n3A_96, %dma_start3A_222, %dma_start3A_223] : memref<2x8x128xi32, #tpu.memory_space<vmem>> -> memref<1x1x128xi32, #tpu.memory_space<vmem>>
      %dma_start3A_225 = tpu.memref_squeeze %dma_start3A_224 : memref<1x1x128xi32, #tpu.memory_space<vmem>> -> memref<128xi32, #tpu.memory_space<vmem>>
      %dma_start3A_226 = arith.constant 0 : i32
      %dma_start3A_227 = arith.constant 0 : i32
      %dma_start3A_228 = tpu.memref_slice %arg10[%dma_start3A_226, %dma_start3A_227] : memref<10240x128xf32, #tpu.memory_space<vmem_shared>> -> memref<10240x128xf32, #tpu.memory_space<vmem_shared>>
      tpu.enqueue_indirect_dma source(%arg9 : memref<128x128xf32, #tpu.memory_space<vmem>>) target(%dma_start3A_228 : memref<10240x128xf32, #tpu.memory_space<vmem_shared>>) offsets(%dma_start3A_225 : memref<128xi32, #tpu.memory_space<vmem>>) semaphore(%arg14 : memref<!tpu.dma_semaphore, #tpu.memory_space<semaphore_mem>>) {add = true}
      %dma_wait3A_229 = arith.constant 0 : i32
      %dma_wait3A_230 = arith.constant 0 : i32
      %dma_wait3A_231 = arith.constant 0 : i32
      %dma_wait3A_232 = tpu.memref_slice %arg7[%dma_wait3A_229, %dma_wait3A_230, %dma_wait3A_231] : memref<2x8x128xi32, #tpu.memory_space<vmem>> -> memref<1x1x128xi32, #tpu.memory_space<vmem>>
      %dma_wait3A_233 = tpu.memref_squeeze %dma_wait3A_232 : memref<1x1x128xi32, #tpu.memory_space<vmem>> -> memref<128xi32, #tpu.memory_space<vmem>>
      %dma_wait3A_234 = arith.constant 0 : i32
      %dma_wait3A_235 = arith.constant 0 : i32
      %dma_wait3A_236 = tpu.memref_slice %arg10[%dma_wait3A_234, %dma_wait3A_235] : memref<10240x128xf32, #tpu.memory_space<vmem_shared>> -> memref<10240x128xf32, #tpu.memory_space<vmem_shared>>
      tpu.wait_indirect_dma semaphore(%arg14 : memref<!tpu.dma_semaphore, #tpu.memory_space<semaphore_mem>>) src(%arg9 : memref<128x128xf32, #tpu.memory_space<vmem>>) dst(%dma_wait3A_236 : memref<10240x128xf32, #tpu.memory_space<vmem_shared>>)
      %dma_start3A_237 = arith.constant 5 : i32
      %dma_start3A_238 = arith.constant 0 : i32
      %dma_start3A_239 = tpu.memref_slice %arg6[%select_n3A_96, %dma_start3A_237, %dma_start3A_238] : memref<2x8x128xi32, #tpu.memory_space<vmem>> -> memref<1x1x128xi32, #tpu.memory_space<vmem>>
      %dma_start3A_240 = tpu.memref_squeeze %dma_start3A_239 : memref<1x1x128xi32, #tpu.memory_space<vmem>> -> memref<128xi32, #tpu.memory_space<vmem>>
      %dma_start3A_241 = arith.constant 0 : i32
      %dma_start3A_242 = arith.constant 0 : i32
      %dma_start3A_243 = tpu.memref_slice %arg2[%dma_start3A_241, %dma_start3A_242] : memref<10000x128xf32, #tpu.memory_space<hbm>> -> memref<10000x128xf32, #tpu.memory_space<hbm>>
      tpu.enqueue_indirect_dma source(%dma_start3A_243 : memref<10000x128xf32, #tpu.memory_space<hbm>>) target(%arg9 : memref<128x128xf32, #tpu.memory_space<vmem>>) offsets(%dma_start3A_240 : memref<128xi32, #tpu.memory_space<vmem>>) semaphore(%arg12 : memref<!tpu.dma_semaphore, #tpu.memory_space<semaphore_mem>>)
      %dma_wait3A_244 = arith.constant 0 : i32
      %dma_wait3A_245 = arith.constant 0 : i32
      %dma_wait3A_246 = arith.constant 0 : i32
      %dma_wait3A_247 = tpu.memref_slice %arg6[%dma_wait3A_244, %dma_wait3A_245, %dma_wait3A_246] : memref<2x8x128xi32, #tpu.memory_space<vmem>> -> memref<1x1x128xi32, #tpu.memory_space<vmem>>
      %dma_wait3A_248 = tpu.memref_squeeze %dma_wait3A_247 : memref<1x1x128xi32, #tpu.memory_space<vmem>> -> memref<128xi32, #tpu.memory_space<vmem>>
      %dma_wait3A_249 = arith.constant 0 : i32
      %dma_wait3A_250 = arith.constant 0 : i32
      %dma_wait3A_251 = tpu.memref_slice %arg2[%dma_wait3A_249, %dma_wait3A_250] : memref<10000x128xf32, #tpu.memory_space<hbm>> -> memref<10000x128xf32, #tpu.memory_space<hbm>>
      tpu.wait_indirect_dma semaphore(%arg11 : memref<!tpu.dma_semaphore, #tpu.memory_space<semaphore_mem>>) src(%dma_wait3A_251 : memref<10000x128xf32, #tpu.memory_space<hbm>>) dst(%arg8 : memref<128x128xf32, #tpu.memory_space<vmem>>)
      %dma_start3A_252 = arith.constant 4 : i32
      %dma_start3A_253 = arith.constant 0 : i32
      %dma_start3A_254 = tpu.memref_slice %arg7[%select_n3A_96, %dma_start3A_252, %dma_start3A_253] : memref<2x8x128xi32, #tpu.memory_space<vmem>> -> memref<1x1x128xi32, #tpu.memory_space<vmem>>
      %dma_start3A_255 = tpu.memref_squeeze %dma_start3A_254 : memref<1x1x128xi32, #tpu.memory_space<vmem>> -> memref<128xi32, #tpu.memory_space<vmem>>
      %dma_start3A_256 = arith.constant 0 : i32
      %dma_start3A_257 = arith.constant 0 : i32
      %dma_start3A_258 = tpu.memref_slice %arg10[%dma_start3A_256, %dma_start3A_257] : memref<10240x128xf32, #tpu.memory_space<vmem_shared>> -> memref<10240x128xf32, #tpu.memory_space<vmem_shared>>
      tpu.enqueue_indirect_dma source(%arg8 : memref<128x128xf32, #tpu.memory_space<vmem>>) target(%dma_start3A_258 : memref<10240x128xf32, #tpu.memory_space<vmem_shared>>) offsets(%dma_start3A_255 : memref<128xi32, #tpu.memory_space<vmem>>) semaphore(%arg13 : memref<!tpu.dma_semaphore, #tpu.memory_space<semaphore_mem>>) {add = true}
      %dma_wait3A_259 = arith.constant 0 : i32
      %dma_wait3A_260 = arith.constant 0 : i32
      %dma_wait3A_261 = arith.constant 0 : i32
      %dma_wait3A_262 = tpu.memref_slice %arg7[%dma_wait3A_259, %dma_wait3A_260, %dma_wait3A_261] : memref<2x8x128xi32, #tpu.memory_space<vmem>> -> memref<1x1x128xi32, #tpu.memory_space<vmem>>
      %dma_wait3A_263 = tpu.memref_squeeze %dma_wait3A_262 : memref<1x1x128xi32, #tpu.memory_space<vmem>> -> memref<128xi32, #tpu.memory_space<vmem>>
      %dma_wait3A_264 = arith.constant 0 : i32
      %dma_wait3A_265 = arith.constant 0 : i32
      %dma_wait3A_266 = tpu.memref_slice %arg10[%dma_wait3A_264, %dma_wait3A_265] : memref<10240x128xf32, #tpu.memory_space<vmem_shared>> -> memref<10240x128xf32, #tpu.memory_space<vmem_shared>>
      tpu.wait_indirect_dma semaphore(%arg13 : memref<!tpu.dma_semaphore, #tpu.memory_space<semaphore_mem>>) src(%arg8 : memref<128x128xf32, #tpu.memory_space<vmem>>) dst(%dma_wait3A_266 : memref<10240x128xf32, #tpu.memory_space<vmem_shared>>)
      %dma_start3A_267 = arith.constant 6 : i32
      %dma_start3A_268 = arith.constant 0 : i32
      %dma_start3A_269 = tpu.memref_slice %arg6[%select_n3A_96, %dma_start3A_267, %dma_start3A_268] : memref<2x8x128xi32, #tpu.memory_space<vmem>> -> memref<1x1x128xi32, #tpu.memory_space<vmem>>
      %dma_start3A_270 = tpu.memref_squeeze %dma_start3A_269 : memref<1x1x128xi32, #tpu.memory_space<vmem>> -> memref<128xi32, #tpu.memory_space<vmem>>
      %dma_start3A_271 = arith.constant 0 : i32
      %dma_start3A_272 = arith.constant 0 : i32
      %dma_start3A_273 = tpu.memref_slice %arg2[%dma_start3A_271, %dma_start3A_272] : memref<10000x128xf32, #tpu.memory_space<hbm>> -> memref<10000x128xf32, #tpu.memory_space<hbm>>
      tpu.enqueue_indirect_dma source(%dma_start3A_273 : memref<10000x128xf32, #tpu.memory_space<hbm>>) target(%arg8 : memref<128x128xf32, #tpu.memory_space<vmem>>) offsets(%dma_start3A_270 : memref<128xi32, #tpu.memory_space<vmem>>) semaphore(%arg11 : memref<!tpu.dma_semaphore, #tpu.memory_space<semaphore_mem>>)
      %dma_wait3A_274 = arith.constant 0 : i32
      %dma_wait3A_275 = arith.constant 0 : i32
      %dma_wait3A_276 = arith.constant 0 : i32
      %dma_wait3A_277 = tpu.memref_slice %arg6[%dma_wait3A_274, %dma_wait3A_275, %dma_wait3A_276] : memref<2x8x128xi32, #tpu.memory_space<vmem>> -> memref<1x1x128xi32, #tpu.memory_space<vmem>>
      %dma_wait3A_278 = tpu.memref_squeeze %dma_wait3A_277 : memref<1x1x128xi32, #tpu.memory_space<vmem>> -> memref<128xi32, #tpu.memory_space<vmem>>
      %dma_wait3A_279 = arith.constant 0 : i32
      %dma_wait3A_280 = arith.constant 0 : i32
      %dma_wait3A_281 = tpu.memref_slice %arg2[%dma_wait3A_279, %dma_wait3A_280] : memref<10000x128xf32, #tpu.memory_space<hbm>> -> memref<10000x128xf32, #tpu.memory_space<hbm>>
      tpu.wait_indirect_dma semaphore(%arg12 : memref<!tpu.dma_semaphore, #tpu.memory_space<semaphore_mem>>) src(%dma_wait3A_281 : memref<10000x128xf32, #tpu.memory_space<hbm>>) dst(%arg9 : memref<128x128xf32, #tpu.memory_space<vmem>>)
      %dma_start3A_282 = arith.constant 5 : i32
      %dma_start3A_283 = arith.constant 0 : i32
      %dma_start3A_284 = tpu.memref_slice %arg7[%select_n3A_96, %dma_start3A_282, %dma_start3A_283] : memref<2x8x128xi32, #tpu.memory_space<vmem>> -> memref<1x1x128xi32, #tpu.memory_space<vmem>>
      %dma_start3A_285 = tpu.memref_squeeze %dma_start3A_284 : memref<1x1x128xi32, #tpu.memory_space<vmem>> -> memref<128xi32, #tpu.memory_space<vmem>>
      %dma_start3A_286 = arith.constant 0 : i32
      %dma_start3A_287 = arith.constant 0 : i32
      %dma_start3A_288 = tpu.memref_slice %arg10[%dma_start3A_286, %dma_start3A_287] : memref<10240x128xf32, #tpu.memory_space<vmem_shared>> -> memref<10240x128xf32, #tpu.memory_space<vmem_shared>>
      tpu.enqueue_indirect_dma source(%arg9 : memref<128x128xf32, #tpu.memory_space<vmem>>) target(%dma_start3A_288 : memref<10240x128xf32, #tpu.memory_space<vmem_shared>>) offsets(%dma_start3A_285 : memref<128xi32, #tpu.memory_space<vmem>>) semaphore(%arg14 : memref<!tpu.dma_semaphore, #tpu.memory_space<semaphore_mem>>) {add = true}
      %dma_wait3A_289 = arith.constant 0 : i32
      %dma_wait3A_290 = arith.constant 0 : i32
      %dma_wait3A_291 = arith.constant 0 : i32
      %dma_wait3A_292 = tpu.memref_slice %arg7[%dma_wait3A_289, %dma_wait3A_290, %dma_wait3A_291] : memref<2x8x128xi32, #tpu.memory_space<vmem>> -> memref<1x1x128xi32, #tpu.memory_space<vmem>>
      %dma_wait3A_293 = tpu.memref_squeeze %dma_wait3A_292 : memref<1x1x128xi32, #tpu.memory_space<vmem>> -> memref<128xi32, #tpu.memory_space<vmem>>
      %dma_wait3A_294 = arith.constant 0 : i32
      %dma_wait3A_295 = arith.constant 0 : i32
      %dma_wait3A_296 = tpu.memref_slice %arg10[%dma_wait3A_294, %dma_wait3A_295] : memref<10240x128xf32, #tpu.memory_space<vmem_shared>> -> memref<10240x128xf32, #tpu.memory_space<vmem_shared>>
      tpu.wait_indirect_dma semaphore(%arg14 : memref<!tpu.dma_semaphore, #tpu.memory_space<semaphore_mem>>) src(%arg9 : memref<128x128xf32, #tpu.memory_space<vmem>>) dst(%dma_wait3A_296 : memref<10240x128xf32, #tpu.memory_space<vmem_shared>>)
      %dma_start3A_297 = arith.constant 7 : i32
      %dma_start3A_298 = arith.constant 0 : i32
      %dma_start3A_299 = tpu.memref_slice %arg6[%select_n3A_96, %dma_start3A_297, %dma_start3A_298] : memref<2x8x128xi32, #tpu.memory_space<vmem>> -> memref<1x1x128xi32, #tpu.memory_space<vmem>>
      %dma_start3A_300 = tpu.memref_squeeze %dma_start3A_299 : memref<1x1x128xi32, #tpu.memory_space<vmem>> -> memref<128xi32, #tpu.memory_space<vmem>>
      %dma_start3A_301 = arith.constant 0 : i32
      %dma_start3A_302 = arith.constant 0 : i32
      %dma_start3A_303 = tpu.memref_slice %arg2[%dma_start3A_301, %dma_start3A_302] : memref<10000x128xf32, #tpu.memory_space<hbm>> -> memref<10000x128xf32, #tpu.memory_space<hbm>>
      tpu.enqueue_indirect_dma source(%dma_start3A_303 : memref<10000x128xf32, #tpu.memory_space<hbm>>) target(%arg9 : memref<128x128xf32, #tpu.memory_space<vmem>>) offsets(%dma_start3A_300 : memref<128xi32, #tpu.memory_space<vmem>>) semaphore(%arg12 : memref<!tpu.dma_semaphore, #tpu.memory_space<semaphore_mem>>)
      %dma_wait3A_304 = arith.constant 0 : i32
      %dma_wait3A_305 = arith.constant 0 : i32
      %dma_wait3A_306 = arith.constant 0 : i32
      %dma_wait3A_307 = tpu.memref_slice %arg6[%dma_wait3A_304, %dma_wait3A_305, %dma_wait3A_306] : memref<2x8x128xi32, #tpu.memory_space<vmem>> -> memref<1x1x128xi32, #tpu.memory_space<vmem>>
      %dma_wait3A_308 = tpu.memref_squeeze %dma_wait3A_307 : memref<1x1x128xi32, #tpu.memory_space<vmem>> -> memref<128xi32, #tpu.memory_space<vmem>>
      %dma_wait3A_309 = arith.constant 0 : i32
      %dma_wait3A_310 = arith.constant 0 : i32
      %dma_wait3A_311 = tpu.memref_slice %arg2[%dma_wait3A_309, %dma_wait3A_310] : memref<10000x128xf32, #tpu.memory_space<hbm>> -> memref<10000x128xf32, #tpu.memory_space<hbm>>
      tpu.wait_indirect_dma semaphore(%arg11 : memref<!tpu.dma_semaphore, #tpu.memory_space<semaphore_mem>>) src(%dma_wait3A_311 : memref<10000x128xf32, #tpu.memory_space<hbm>>) dst(%arg8 : memref<128x128xf32, #tpu.memory_space<vmem>>)
      %dma_start3A_312 = arith.constant 6 : i32
      %dma_start3A_313 = arith.constant 0 : i32
      %dma_start3A_314 = tpu.memref_slice %arg7[%select_n3A_96, %dma_start3A_312, %dma_start3A_313] : memref<2x8x128xi32, #tpu.memory_space<vmem>> -> memref<1x1x128xi32, #tpu.memory_space<vmem>>
      %dma_start3A_315 = tpu.memref_squeeze %dma_start3A_314 : memref<1x1x128xi32, #tpu.memory_space<vmem>> -> memref<128xi32, #tpu.memory_space<vmem>>
      %dma_start3A_316 = arith.constant 0 : i32
      %dma_start3A_317 = arith.constant 0 : i32
      %dma_start3A_318 = tpu.memref_slice %arg10[%dma_start3A_316, %dma_start3A_317] : memref<10240x128xf32, #tpu.memory_space<vmem_shared>> -> memref<10240x128xf32, #tpu.memory_space<vmem_shared>>
      tpu.enqueue_indirect_dma source(%arg8 : memref<128x128xf32, #tpu.memory_space<vmem>>) target(%dma_start3A_318 : memref<10240x128xf32, #tpu.memory_space<vmem_shared>>) offsets(%dma_start3A_315 : memref<128xi32, #tpu.memory_space<vmem>>) semaphore(%arg13 : memref<!tpu.dma_semaphore, #tpu.memory_space<semaphore_mem>>) {add = true}
      %dma_wait3A_319 = arith.constant 0 : i32
      %dma_wait3A_320 = arith.constant 0 : i32
      %dma_wait3A_321 = arith.constant 0 : i32
      %dma_wait3A_322 = tpu.memref_slice %arg7[%dma_wait3A_319, %dma_wait3A_320, %dma_wait3A_321] : memref<2x8x128xi32, #tpu.memory_space<vmem>> -> memref<1x1x128xi32, #tpu.memory_space<vmem>>
      %dma_wait3A_323 = tpu.memref_squeeze %dma_wait3A_322 : memref<1x1x128xi32, #tpu.memory_space<vmem>> -> memref<128xi32, #tpu.memory_space<vmem>>
      %dma_wait3A_324 = arith.constant 0 : i32
      %dma_wait3A_325 = arith.constant 0 : i32
      %dma_wait3A_326 = tpu.memref_slice %arg10[%dma_wait3A_324, %dma_wait3A_325] : memref<10240x128xf32, #tpu.memory_space<vmem_shared>> -> memref<10240x128xf32, #tpu.memory_space<vmem_shared>>
      tpu.wait_indirect_dma semaphore(%arg13 : memref<!tpu.dma_semaphore, #tpu.memory_space<semaphore_mem>>) src(%arg8 : memref<128x128xf32, #tpu.memory_space<vmem>>) dst(%dma_wait3A_326 : memref<10240x128xf32, #tpu.memory_space<vmem_shared>>)
      %dma_start3A_327 = arith.constant 0 : i32
      %dma_start3A_328 = arith.constant 0 : i32
      %dma_start3A_329 = tpu.memref_slice %arg6[%select_n3A_114, %dma_start3A_327, %dma_start3A_328] : memref<2x8x128xi32, #tpu.memory_space<vmem>> -> memref<1x1x128xi32, #tpu.memory_space<vmem>>
      %dma_start3A_330 = tpu.memref_squeeze %dma_start3A_329 : memref<1x1x128xi32, #tpu.memory_space<vmem>> -> memref<128xi32, #tpu.memory_space<vmem>>
      %dma_start3A_331 = arith.constant 0 : i32
      %dma_start3A_332 = arith.constant 0 : i32
      %dma_start3A_333 = tpu.memref_slice %arg2[%dma_start3A_331, %dma_start3A_332] : memref<10000x128xf32, #tpu.memory_space<hbm>> -> memref<10000x128xf32, #tpu.memory_space<hbm>>
      tpu.enqueue_indirect_dma source(%dma_start3A_333 : memref<10000x128xf32, #tpu.memory_space<hbm>>) target(%arg8 : memref<128x128xf32, #tpu.memory_space<vmem>>) offsets(%dma_start3A_330 : memref<128xi32, #tpu.memory_space<vmem>>) semaphore(%arg11 : memref<!tpu.dma_semaphore, #tpu.memory_space<semaphore_mem>>)
      %dma_wait3A_334 = arith.constant 0 : i32
      %dma_wait3A_335 = arith.constant 0 : i32
      %dma_wait3A_336 = arith.constant 0 : i32
      %dma_wait3A_337 = tpu.memref_slice %arg6[%dma_wait3A_334, %dma_wait3A_335, %dma_wait3A_336] : memref<2x8x128xi32, #tpu.memory_space<vmem>> -> memref<1x1x128xi32, #tpu.memory_space<vmem>>
      %dma_wait3A_338 = tpu.memref_squeeze %dma_wait3A_337 : memref<1x1x128xi32, #tpu.memory_space<vmem>> -> memref<128xi32, #tpu.memory_space<vmem>>
      %dma_wait3A_339 = arith.constant 0 : i32
      %dma_wait3A_340 = arith.constant 0 : i32
      %dma_wait3A_341 = tpu.memref_slice %arg2[%dma_wait3A_339, %dma_wait3A_340] : memref<10000x128xf32, #tpu.memory_space<hbm>> -> memref<10000x128xf32, #tpu.memory_space<hbm>>
      tpu.wait_indirect_dma semaphore(%arg12 : memref<!tpu.dma_semaphore, #tpu.memory_space<semaphore_mem>>) src(%dma_wait3A_341 : memref<10000x128xf32, #tpu.memory_space<hbm>>) dst(%arg9 : memref<128x128xf32, #tpu.memory_space<vmem>>)
      %dma_start3A_342 = arith.constant 7 : i32
      %dma_start3A_343 = arith.constant 0 : i32
      %dma_start3A_344 = tpu.memref_slice %arg7[%select_n3A_96, %dma_start3A_342, %dma_start3A_343] : memref<2x8x128xi32, #tpu.memory_space<vmem>> -> memref<1x1x128xi32, #tpu.memory_space<vmem>>
      %dma_start3A_345 = tpu.memref_squeeze %dma_start3A_344 : memref<1x1x128xi32, #tpu.memory_space<vmem>> -> memref<128xi32, #tpu.memory_space<vmem>>
      %dma_start3A_346 = arith.constant 0 : i32
      %dma_start3A_347 = arith.constant 0 : i32
      %dma_start3A_348 = tpu.memref_slice %arg10[%dma_start3A_346, %dma_start3A_347] : memref<10240x128xf32, #tpu.memory_space<vmem_shared>> -> memref<10240x128xf32, #tpu.memory_space<vmem_shared>>
      tpu.enqueue_indirect_dma source(%arg9 : memref<128x128xf32, #tpu.memory_space<vmem>>) target(%dma_start3A_348 : memref<10240x128xf32, #tpu.memory_space<vmem_shared>>) offsets(%dma_start3A_345 : memref<128xi32, #tpu.memory_space<vmem>>) semaphore(%arg14 : memref<!tpu.dma_semaphore, #tpu.memory_space<semaphore_mem>>) {add = true}
      %dma_wait3A_349 = arith.constant 0 : i32
      %dma_wait3A_350 = arith.constant 0 : i32
      %dma_wait3A_351 = arith.constant 0 : i32
      %dma_wait3A_352 = tpu.memref_slice %arg7[%dma_wait3A_349, %dma_wait3A_350, %dma_wait3A_351] : memref<2x8x128xi32, #tpu.memory_space<vmem>> -> memref<1x1x128xi32, #tpu.memory_space<vmem>>
      %dma_wait3A_353 = tpu.memref_squeeze %dma_wait3A_352 : memref<1x1x128xi32, #tpu.memory_space<vmem>> -> memref<128xi32, #tpu.memory_space<vmem>>
      %dma_wait3A_354 = arith.constant 0 : i32
      %dma_wait3A_355 = arith.constant 0 : i32
      %dma_wait3A_356 = tpu.memref_slice %arg10[%dma_wait3A_354, %dma_wait3A_355] : memref<10240x128xf32, #tpu.memory_space<vmem_shared>> -> memref<10240x128xf32, #tpu.memory_space<vmem_shared>>
      tpu.wait_indirect_dma semaphore(%arg14 : memref<!tpu.dma_semaphore, #tpu.memory_space<semaphore_mem>>) src(%arg9 : memref<128x128xf32, #tpu.memory_space<vmem>>) dst(%dma_wait3A_356 : memref<10240x128xf32, #tpu.memory_space<vmem_shared>>)
      %dma_start3A_357 = arith.constant 1 : i32
      %dma_start3A_358 = arith.constant 0 : i32
      %dma_start3A_359 = tpu.memref_slice %arg6[%select_n3A_114, %dma_start3A_357, %dma_start3A_358] : memref<2x8x128xi32, #tpu.memory_space<vmem>> -> memref<1x1x128xi32, #tpu.memory_space<vmem>>
      %dma_start3A_360 = tpu.memref_squeeze %dma_start3A_359 : memref<1x1x128xi32, #tpu.memory_space<vmem>> -> memref<128xi32, #tpu.memory_space<vmem>>
      %dma_start3A_361 = arith.constant 0 : i32
      %dma_start3A_362 = arith.constant 0 : i32
      %dma_start3A_363 = tpu.memref_slice %arg2[%dma_start3A_361, %dma_start3A_362] : memref<10000x128xf32, #tpu.memory_space<hbm>> -> memref<10000x128xf32, #tpu.memory_space<hbm>>
      tpu.enqueue_indirect_dma source(%dma_start3A_363 : memref<10000x128xf32, #tpu.memory_space<hbm>>) target(%arg9 : memref<128x128xf32, #tpu.memory_space<vmem>>) offsets(%dma_start3A_360 : memref<128xi32, #tpu.memory_space<vmem>>) semaphore(%arg12 : memref<!tpu.dma_semaphore, #tpu.memory_space<semaphore_mem>>)
      %while3A_364 = arith.constant 0 : i32
      scf.yield %while3A_364 : i32
    }
    %while3A_61 = arith.constant 1 : i32
    %while3A_62 = scf.for %while3A_83 = %while3A_58 to %while3A_54 step %while3A_61 iter_args(%while3A_84 = %while3A_60) -> (i32)  : i32 {
      %jit3A_85 = arith.constant 2 : i32
      %eq3A_86 = arith.constant 0 : i32
      %eq3A_87 = arith.cmpi eq, %jit3A_85, %eq3A_86 : i32
      %jit3A_88 = arith.constant 1 : i32
      %select_n3A_89 = arith.select %eq3A_87, %jit3A_88, %jit3A_85 : i32
      %rem3A = arith.remsi %while3A_83, %select_n3A_89 : i32
      %ne3A = arith.constant 0 : i32
      %ne3A_90 = arith.cmpi ne, %rem3A, %ne3A : i32
      %lt3A = arith.constant 0 : i32
      %lt3A_91 = arith.cmpi slt, %rem3A, %lt3A : i32
      %lt3A_92 = arith.constant 0 : i32
      %lt3A_93 = arith.cmpi slt, %select_n3A_89, %lt3A_92 : i32
      %ne3A_94 = arith.xori %lt3A_91, %lt3A_93 : i1
      %and3A = arith.andi %ne3A_94, %ne3A_90 : i1
      %add3A_95 = arith.addi %rem3A, %select_n3A_89 : i32
      %select_n3A_96 = arith.select %and3A, %add3A_95, %rem3A : i32
      %add3A_97 = arith.constant 1 : i32
      %add3A_98 = arith.addi %while3A_83, %add3A_97 : i32
      %jit3A_99 = arith.constant 2 : i32
      %eq3A_100 = arith.constant 0 : i32
      %eq3A_101 = arith.cmpi eq, %jit3A_99, %eq3A_100 : i32
      %jit3A_102 = arith.constant 1 : i32
      %select_n3A_103 = arith.select %eq3A_101, %jit3A_102, %jit3A_99 : i32
      %rem3A_104 = arith.remsi %add3A_98, %select_n3A_103 : i32
      %ne3A_105 = arith.constant 0 : i32
      %ne3A_106 = arith.cmpi ne, %rem3A_104, %ne3A_105 : i32
      %lt3A_107 = arith.constant 0 : i32
      %lt3A_108 = arith.cmpi slt, %rem3A_104, %lt3A_107 : i32
      %lt3A_109 = arith.constant 0 : i32
      %lt3A_110 = arith.cmpi slt, %select_n3A_103, %lt3A_109 : i32
      %ne3A_111 = arith.xori %lt3A_108, %lt3A_110 : i1
      %and3A_112 = arith.andi %ne3A_111, %ne3A_106 : i1
      %add3A_113 = arith.addi %rem3A_104, %select_n3A_103 : i32
      %select_n3A_114 = arith.select %and3A_112, %add3A_113, %rem3A_104 : i32
      %add3A_115 = arith.constant 1 : i32
      %add3A_116 = arith.addi %while3A_83, %add3A_115 : i32
      %sub3A = arith.constant 1 : i32
      %sub3A_117 = arith.subi %select_n3A_8, %sub3A : i32
      %min3A = arith.minsi %add3A_116, %sub3A_117 : i32
      %mul3A_118 = arith.constant 8 : i32
      %mul3A_119 = arith.muli %min3A, %mul3A_118 : i32
      %add3A_120 = arith.addi %select_n3A, %mul3A_119 : i32
      "tpu.region"() ({
        %run_scoped3A_365 = tpu.sem_alloc : memref<!tpu.dma_semaphore, #tpu.memory_space<semaphore_mem>>
        %dma_start3A_366 = arith.constant 0 : i32
        %dma_start3A_367 = arith.constant 0 : i32
        %dma_start3A_368 = tpu.memref_slice %arg6[%select_n3A_114, %dma_start3A_366, %dma_start3A_367] : memref<2x8x128xi32, #tpu.memory_space<vmem>> -> memref<1x8x128xi32, #tpu.memory_space<vmem>>
        %dma_start3A_369 = tpu.memref_squeeze %dma_start3A_368 : memref<1x8x128xi32, #tpu.memory_space<vmem>> -> memref<8x128xi32, #tpu.memory_space<vmem>>
        %dma_start3A_370 = arith.constant 0 : i32
        %dma_start3A_371 = tpu.memref_slice %arg3[%add3A_120, %dma_start3A_370] : memref<2560x128xi32, #tpu.memory_space<hbm>> -> memref<8x128xi32, #tpu.memory_space<hbm>>
        %dma_start3A_372 = arith.constant 0 : i32
        %dma_start3A_373 = arith.constant 0 : i32
        %dma_start3A_374 = tpu.memref_slice %arg6[%select_n3A_114, %dma_start3A_372, %dma_start3A_373] : memref<2x8x128xi32, #tpu.memory_space<vmem>> -> memref<1x8x128xi32, #tpu.memory_space<vmem>>
        %dma_start3A_375 = tpu.memref_squeeze %dma_start3A_374 : memref<1x8x128xi32, #tpu.memory_space<vmem>> -> memref<8x128xi32, #tpu.memory_space<vmem>>
        %dma_start3A_376 = arith.constant 0 : i32
        %dma_start3A_377 = tpu.memref_slice %arg3[%add3A_120, %dma_start3A_376] : memref<2560x128xi32, #tpu.memory_space<hbm>> -> memref<8x128xi32, #tpu.memory_space<hbm>>
        tpu.enqueue_dma source(%dma_start3A_377 : memref<8x128xi32, #tpu.memory_space<hbm>>) target(%dma_start3A_375 : memref<8x128xi32, #tpu.memory_space<vmem>>) target_semaphore(%run_scoped3A_365 : memref<!tpu.dma_semaphore, #tpu.memory_space<semaphore_mem>>)
        %dma_wait3A_378 = arith.constant 0 : i32
        %dma_wait3A_379 = arith.constant 0 : i32
        %dma_wait3A_380 = tpu.memref_slice %arg6[%select_n3A_114, %dma_wait3A_378, %dma_wait3A_379] : memref<2x8x128xi32, #tpu.memory_space<vmem>> -> memref<1x8x128xi32, #tpu.memory_space<vmem>>
        %dma_wait3A_381 = tpu.memref_squeeze %dma_wait3A_380 : memref<1x8x128xi32, #tpu.memory_space<vmem>> -> memref<8x128xi32, #tpu.memory_space<vmem>>
        %dma_wait3A_382 = arith.constant 0 : i32
        %dma_wait3A_383 = tpu.memref_slice %arg3[%add3A_120, %dma_wait3A_382] : memref<2560x128xi32, #tpu.memory_space<hbm>> -> memref<8x128xi32, #tpu.memory_space<hbm>>
        %dma_wait3A_384 = arith.constant 0 : i32
        %dma_wait3A_385 = arith.constant 0 : i32
        %dma_wait3A_386 = tpu.memref_slice %arg6[%select_n3A_114, %dma_wait3A_384, %dma_wait3A_385] : memref<2x8x128xi32, #tpu.memory_space<vmem>> -> memref<1x8x128xi32, #tpu.memory_space<vmem>>
        %dma_wait3A_387 = tpu.memref_squeeze %dma_wait3A_386 : memref<1x8x128xi32, #tpu.memory_space<vmem>> -> memref<8x128xi32, #tpu.memory_space<vmem>>
        %dma_wait3A_388 = arith.constant 0 : i32
        %dma_wait3A_389 = tpu.memref_slice %arg3[%add3A_120, %dma_wait3A_388] : memref<2560x128xi32, #tpu.memory_space<hbm>> -> memref<8x128xi32, #tpu.memory_space<hbm>>
        tpu.wait_dma2 semaphore(%run_scoped3A_365 : memref<!tpu.dma_semaphore, #tpu.memory_space<semaphore_mem>>) src(%dma_wait3A_389 : memref<8x128xi32, #tpu.memory_space<hbm>>) dst(%dma_wait3A_387 : memref<8x128xi32, #tpu.memory_space<vmem>>)
        tpu.yield
      }) : () -> ()
      %mul3A_121 = arith.constant 8 : i32
      %mul3A_122 = arith.muli %min3A, %mul3A_121 : i32
      %add3A_123 = arith.addi %select_n3A, %mul3A_122 : i32
      "tpu.region"() ({
        %run_scoped3A_365 = tpu.sem_alloc : memref<!tpu.dma_semaphore, #tpu.memory_space<semaphore_mem>>
        %dma_start3A_366 = arith.constant 0 : i32
        %dma_start3A_367 = arith.constant 0 : i32
        %dma_start3A_368 = tpu.memref_slice %arg7[%select_n3A_114, %dma_start3A_366, %dma_start3A_367] : memref<2x8x128xi32, #tpu.memory_space<vmem>> -> memref<1x8x128xi32, #tpu.memory_space<vmem>>
        %dma_start3A_369 = tpu.memref_squeeze %dma_start3A_368 : memref<1x8x128xi32, #tpu.memory_space<vmem>> -> memref<8x128xi32, #tpu.memory_space<vmem>>
        %dma_start3A_370 = arith.constant 0 : i32
        %dma_start3A_371 = tpu.memref_slice %arg4[%add3A_123, %dma_start3A_370] : memref<2560x128xi32, #tpu.memory_space<hbm>> -> memref<8x128xi32, #tpu.memory_space<hbm>>
        %dma_start3A_372 = arith.constant 0 : i32
        %dma_start3A_373 = arith.constant 0 : i32
        %dma_start3A_374 = tpu.memref_slice %arg7[%select_n3A_114, %dma_start3A_372, %dma_start3A_373] : memref<2x8x128xi32, #tpu.memory_space<vmem>> -> memref<1x8x128xi32, #tpu.memory_space<vmem>>
        %dma_start3A_375 = tpu.memref_squeeze %dma_start3A_374 : memref<1x8x128xi32, #tpu.memory_space<vmem>> -> memref<8x128xi32, #tpu.memory_space<vmem>>
        %dma_start3A_376 = arith.constant 0 : i32
        %dma_start3A_377 = tpu.memref_slice %arg4[%add3A_123, %dma_start3A_376] : memref<2560x128xi32, #tpu.memory_space<hbm>> -> memref<8x128xi32, #tpu.memory_space<hbm>>
        tpu.enqueue_dma source(%dma_start3A_377 : memref<8x128xi32, #tpu.memory_space<hbm>>) target(%dma_start3A_375 : memref<8x128xi32, #tpu.memory_space<vmem>>) target_semaphore(%run_scoped3A_365 : memref<!tpu.dma_semaphore, #tpu.memory_space<semaphore_mem>>)
        %dma_wait3A_378 = arith.constant 0 : i32
        %dma_wait3A_379 = arith.constant 0 : i32
        %dma_wait3A_380 = tpu.memref_slice %arg7[%select_n3A_114, %dma_wait3A_378, %dma_wait3A_379] : memref<2x8x128xi32, #tpu.memory_space<vmem>> -> memref<1x8x128xi32, #tpu.memory_space<vmem>>
        %dma_wait3A_381 = tpu.memref_squeeze %dma_wait3A_380 : memref<1x8x128xi32, #tpu.memory_space<vmem>> -> memref<8x128xi32, #tpu.memory_space<vmem>>
        %dma_wait3A_382 = arith.constant 0 : i32
        %dma_wait3A_383 = tpu.memref_slice %arg4[%add3A_123, %dma_wait3A_382] : memref<2560x128xi32, #tpu.memory_space<hbm>> -> memref<8x128xi32, #tpu.memory_space<hbm>>
        %dma_wait3A_384 = arith.constant 0 : i32
        %dma_wait3A_385 = arith.constant 0 : i32
        %dma_wait3A_386 = tpu.memref_slice %arg7[%select_n3A_114, %dma_wait3A_384, %dma_wait3A_385] : memref<2x8x128xi32, #tpu.memory_space<vmem>> -> memref<1x8x128xi32, #tpu.memory_space<vmem>>
        %dma_wait3A_387 = tpu.memref_squeeze %dma_wait3A_386 : memref<1x8x128xi32, #tpu.memory_space<vmem>> -> memref<8x128xi32, #tpu.memory_space<vmem>>
        %dma_wait3A_388 = arith.constant 0 : i32
        %dma_wait3A_389 = tpu.memref_slice %arg4[%add3A_123, %dma_wait3A_388] : memref<2560x128xi32, #tpu.memory_space<hbm>> -> memref<8x128xi32, #tpu.memory_space<hbm>>
        tpu.wait_dma2 semaphore(%run_scoped3A_365 : memref<!tpu.dma_semaphore, #tpu.memory_space<semaphore_mem>>) src(%dma_wait3A_389 : memref<8x128xi32, #tpu.memory_space<hbm>>) dst(%dma_wait3A_387 : memref<8x128xi32, #tpu.memory_space<vmem>>)
        tpu.yield
      }) : () -> ()
      %dma_wait3A_124 = arith.constant 0 : i32
      %dma_wait3A_125 = arith.constant 0 : i32
      %dma_wait3A_126 = arith.constant 0 : i32
      %dma_wait3A_127 = tpu.memref_slice %arg6[%dma_wait3A_124, %dma_wait3A_125, %dma_wait3A_126] : memref<2x8x128xi32, #tpu.memory_space<vmem>> -> memref<1x1x128xi32, #tpu.memory_space<vmem>>
      %dma_wait3A_128 = tpu.memref_squeeze %dma_wait3A_127 : memref<1x1x128xi32, #tpu.memory_space<vmem>> -> memref<128xi32, #tpu.memory_space<vmem>>
      %dma_wait3A_129 = arith.constant 0 : i32
      %dma_wait3A_130 = arith.constant 0 : i32
      %dma_wait3A_131 = tpu.memref_slice %arg2[%dma_wait3A_129, %dma_wait3A_130] : memref<10000x128xf32, #tpu.memory_space<hbm>> -> memref<10000x128xf32, #tpu.memory_space<hbm>>
      tpu.wait_indirect_dma semaphore(%arg11 : memref<!tpu.dma_semaphore, #tpu.memory_space<semaphore_mem>>) src(%dma_wait3A_131 : memref<10000x128xf32, #tpu.memory_space<hbm>>) dst(%arg8 : memref<128x128xf32, #tpu.memory_space<vmem>>)
      %dma_start3A_132 = arith.constant 0 : i32
      %dma_start3A_133 = arith.constant 0 : i32
      %dma_start3A_134 = tpu.memref_slice %arg7[%select_n3A_96, %dma_start3A_132, %dma_start3A_133] : memref<2x8x128xi32, #tpu.memory_space<vmem>> -> memref<1x1x128xi32, #tpu.memory_space<vmem>>
      %dma_start3A_135 = tpu.memref_squeeze %dma_start3A_134 : memref<1x1x128xi32, #tpu.memory_space<vmem>> -> memref<128xi32, #tpu.memory_space<vmem>>
      %dma_start3A_136 = arith.constant 0 : i32
      %dma_start3A_137 = arith.constant 0 : i32
      %dma_start3A_138 = tpu.memref_slice %arg10[%dma_start3A_136, %dma_start3A_137] : memref<10240x128xf32, #tpu.memory_space<vmem_shared>> -> memref<10240x128xf32, #tpu.memory_space<vmem_shared>>
      tpu.enqueue_indirect_dma source(%arg8 : memref<128x128xf32, #tpu.memory_space<vmem>>) target(%dma_start3A_138 : memref<10240x128xf32, #tpu.memory_space<vmem_shared>>) offsets(%dma_start3A_135 : memref<128xi32, #tpu.memory_space<vmem>>) semaphore(%arg13 : memref<!tpu.dma_semaphore, #tpu.memory_space<semaphore_mem>>) {add = true}
      %dma_wait3A_139 = arith.constant 0 : i32
      %dma_wait3A_140 = arith.constant 0 : i32
      %dma_wait3A_141 = arith.constant 0 : i32
      %dma_wait3A_142 = tpu.memref_slice %arg7[%dma_wait3A_139, %dma_wait3A_140, %dma_wait3A_141] : memref<2x8x128xi32, #tpu.memory_space<vmem>> -> memref<1x1x128xi32, #tpu.memory_space<vmem>>
      %dma_wait3A_143 = tpu.memref_squeeze %dma_wait3A_142 : memref<1x1x128xi32, #tpu.memory_space<vmem>> -> memref<128xi32, #tpu.memory_space<vmem>>
      %dma_wait3A_144 = arith.constant 0 : i32
      %dma_wait3A_145 = arith.constant 0 : i32
      %dma_wait3A_146 = tpu.memref_slice %arg10[%dma_wait3A_144, %dma_wait3A_145] : memref<10240x128xf32, #tpu.memory_space<vmem_shared>> -> memref<10240x128xf32, #tpu.memory_space<vmem_shared>>
      tpu.wait_indirect_dma semaphore(%arg13 : memref<!tpu.dma_semaphore, #tpu.memory_space<semaphore_mem>>) src(%arg8 : memref<128x128xf32, #tpu.memory_space<vmem>>) dst(%dma_wait3A_146 : memref<10240x128xf32, #tpu.memory_space<vmem_shared>>)
      %dma_start3A_147 = arith.constant 2 : i32
      %dma_start3A_148 = arith.constant 0 : i32
      %dma_start3A_149 = tpu.memref_slice %arg6[%select_n3A_96, %dma_start3A_147, %dma_start3A_148] : memref<2x8x128xi32, #tpu.memory_space<vmem>> -> memref<1x1x128xi32, #tpu.memory_space<vmem>>
      %dma_start3A_150 = tpu.memref_squeeze %dma_start3A_149 : memref<1x1x128xi32, #tpu.memory_space<vmem>> -> memref<128xi32, #tpu.memory_space<vmem>>
      %dma_start3A_151 = arith.constant 0 : i32
      %dma_start3A_152 = arith.constant 0 : i32
      %dma_start3A_153 = tpu.memref_slice %arg2[%dma_start3A_151, %dma_start3A_152] : memref<10000x128xf32, #tpu.memory_space<hbm>> -> memref<10000x128xf32, #tpu.memory_space<hbm>>
      tpu.enqueue_indirect_dma source(%dma_start3A_153 : memref<10000x128xf32, #tpu.memory_space<hbm>>) target(%arg8 : memref<128x128xf32, #tpu.memory_space<vmem>>) offsets(%dma_start3A_150 : memref<128xi32, #tpu.memory_space<vmem>>) semaphore(%arg11 : memref<!tpu.dma_semaphore, #tpu.memory_space<semaphore_mem>>)
      %dma_wait3A_154 = arith.constant 0 : i32
      %dma_wait3A_155 = arith.constant 0 : i32
      %dma_wait3A_156 = arith.constant 0 : i32
      %dma_wait3A_157 = tpu.memref_slice %arg6[%dma_wait3A_154, %dma_wait3A_155, %dma_wait3A_156] : memref<2x8x128xi32, #tpu.memory_space<vmem>> -> memref<1x1x128xi32, #tpu.memory_space<vmem>>
      %dma_wait3A_158 = tpu.memref_squeeze %dma_wait3A_157 : memref<1x1x128xi32, #tpu.memory_space<vmem>> -> memref<128xi32, #tpu.memory_space<vmem>>
      %dma_wait3A_159 = arith.constant 0 : i32
      %dma_wait3A_160 = arith.constant 0 : i32
      %dma_wait3A_161 = tpu.memref_slice %arg2[%dma_wait3A_159, %dma_wait3A_160] : memref<10000x128xf32, #tpu.memory_space<hbm>> -> memref<10000x128xf32, #tpu.memory_space<hbm>>
      tpu.wait_indirect_dma semaphore(%arg12 : memref<!tpu.dma_semaphore, #tpu.memory_space<semaphore_mem>>) src(%dma_wait3A_161 : memref<10000x128xf32, #tpu.memory_space<hbm>>) dst(%arg9 : memref<128x128xf32, #tpu.memory_space<vmem>>)
      %dma_start3A_162 = arith.constant 1 : i32
      %dma_start3A_163 = arith.constant 0 : i32
      %dma_start3A_164 = tpu.memref_slice %arg7[%select_n3A_96, %dma_start3A_162, %dma_start3A_163] : memref<2x8x128xi32, #tpu.memory_space<vmem>> -> memref<1x1x128xi32, #tpu.memory_space<vmem>>
      %dma_start3A_165 = tpu.memref_squeeze %dma_start3A_164 : memref<1x1x128xi32, #tpu.memory_space<vmem>> -> memref<128xi32, #tpu.memory_space<vmem>>
      %dma_start3A_166 = arith.constant 0 : i32
      %dma_start3A_167 = arith.constant 0 : i32
      %dma_start3A_168 = tpu.memref_slice %arg10[%dma_start3A_166, %dma_start3A_167] : memref<10240x128xf32, #tpu.memory_space<vmem_shared>> -> memref<10240x128xf32, #tpu.memory_space<vmem_shared>>
      tpu.enqueue_indirect_dma source(%arg9 : memref<128x128xf32, #tpu.memory_space<vmem>>) target(%dma_start3A_168 : memref<10240x128xf32, #tpu.memory_space<vmem_shared>>) offsets(%dma_start3A_165 : memref<128xi32, #tpu.memory_space<vmem>>) semaphore(%arg14 : memref<!tpu.dma_semaphore, #tpu.memory_space<semaphore_mem>>) {add = true}
      %dma_wait3A_169 = arith.constant 0 : i32
      %dma_wait3A_170 = arith.constant 0 : i32
      %dma_wait3A_171 = arith.constant 0 : i32
      %dma_wait3A_172 = tpu.memref_slice %arg7[%dma_wait3A_169, %dma_wait3A_170, %dma_wait3A_171] : memref<2x8x128xi32, #tpu.memory_space<vmem>> -> memref<1x1x128xi32, #tpu.memory_space<vmem>>
      %dma_wait3A_173 = tpu.memref_squeeze %dma_wait3A_172 : memref<1x1x128xi32, #tpu.memory_space<vmem>> -> memref<128xi32, #tpu.memory_space<vmem>>
      %dma_wait3A_174 = arith.constant 0 : i32
      %dma_wait3A_175 = arith.constant 0 : i32
      %dma_wait3A_176 = tpu.memref_slice %arg10[%dma_wait3A_174, %dma_wait3A_175] : memref<10240x128xf32, #tpu.memory_space<vmem_shared>> -> memref<10240x128xf32, #tpu.memory_space<vmem_shared>>
      tpu.wait_indirect_dma semaphore(%arg14 : memref<!tpu.dma_semaphore, #tpu.memory_space<semaphore_mem>>) src(%arg9 : memref<128x128xf32, #tpu.memory_space<vmem>>) dst(%dma_wait3A_176 : memref<10240x128xf32, #tpu.memory_space<vmem_shared>>)
      %dma_start3A_177 = arith.constant 3 : i32
      %dma_start3A_178 = arith.constant 0 : i32
      %dma_start3A_179 = tpu.memref_slice %arg6[%select_n3A_96, %dma_start3A_177, %dma_start3A_178] : memref<2x8x128xi32, #tpu.memory_space<vmem>> -> memref<1x1x128xi32, #tpu.memory_space<vmem>>
      %dma_start3A_180 = tpu.memref_squeeze %dma_start3A_179 : memref<1x1x128xi32, #tpu.memory_space<vmem>> -> memref<128xi32, #tpu.memory_space<vmem>>
      %dma_start3A_181 = arith.constant 0 : i32
      %dma_start3A_182 = arith.constant 0 : i32
      %dma_start3A_183 = tpu.memref_slice %arg2[%dma_start3A_181, %dma_start3A_182] : memref<10000x128xf32, #tpu.memory_space<hbm>> -> memref<10000x128xf32, #tpu.memory_space<hbm>>
      tpu.enqueue_indirect_dma source(%dma_start3A_183 : memref<10000x128xf32, #tpu.memory_space<hbm>>) target(%arg9 : memref<128x128xf32, #tpu.memory_space<vmem>>) offsets(%dma_start3A_180 : memref<128xi32, #tpu.memory_space<vmem>>) semaphore(%arg12 : memref<!tpu.dma_semaphore, #tpu.memory_space<semaphore_mem>>)
      %dma_wait3A_184 = arith.constant 0 : i32
      %dma_wait3A_185 = arith.constant 0 : i32
      %dma_wait3A_186 = arith.constant 0 : i32
      %dma_wait3A_187 = tpu.memref_slice %arg6[%dma_wait3A_184, %dma_wait3A_185, %dma_wait3A_186] : memref<2x8x128xi32, #tpu.memory_space<vmem>> -> memref<1x1x128xi32, #tpu.memory_space<vmem>>
      %dma_wait3A_188 = tpu.memref_squeeze %dma_wait3A_187 : memref<1x1x128xi32, #tpu.memory_space<vmem>> -> memref<128xi32, #tpu.memory_space<vmem>>
      %dma_wait3A_189 = arith.constant 0 : i32
      %dma_wait3A_190 = arith.constant 0 : i32
      %dma_wait3A_191 = tpu.memref_slice %arg2[%dma_wait3A_189, %dma_wait3A_190] : memref<10000x128xf32, #tpu.memory_space<hbm>> -> memref<10000x128xf32, #tpu.memory_space<hbm>>
      tpu.wait_indirect_dma semaphore(%arg11 : memref<!tpu.dma_semaphore, #tpu.memory_space<semaphore_mem>>) src(%dma_wait3A_191 : memref<10000x128xf32, #tpu.memory_space<hbm>>) dst(%arg8 : memref<128x128xf32, #tpu.memory_space<vmem>>)
      %dma_start3A_192 = arith.constant 2 : i32
      %dma_start3A_193 = arith.constant 0 : i32
      %dma_start3A_194 = tpu.memref_slice %arg7[%select_n3A_96, %dma_start3A_192, %dma_start3A_193] : memref<2x8x128xi32, #tpu.memory_space<vmem>> -> memref<1x1x128xi32, #tpu.memory_space<vmem>>
      %dma_start3A_195 = tpu.memref_squeeze %dma_start3A_194 : memref<1x1x128xi32, #tpu.memory_space<vmem>> -> memref<128xi32, #tpu.memory_space<vmem>>
      %dma_start3A_196 = arith.constant 0 : i32
      %dma_start3A_197 = arith.constant 0 : i32
      %dma_start3A_198 = tpu.memref_slice %arg10[%dma_start3A_196, %dma_start3A_197] : memref<10240x128xf32, #tpu.memory_space<vmem_shared>> -> memref<10240x128xf32, #tpu.memory_space<vmem_shared>>
      tpu.enqueue_indirect_dma source(%arg8 : memref<128x128xf32, #tpu.memory_space<vmem>>) target(%dma_start3A_198 : memref<10240x128xf32, #tpu.memory_space<vmem_shared>>) offsets(%dma_start3A_195 : memref<128xi32, #tpu.memory_space<vmem>>) semaphore(%arg13 : memref<!tpu.dma_semaphore, #tpu.memory_space<semaphore_mem>>) {add = true}
      %dma_wait3A_199 = arith.constant 0 : i32
      %dma_wait3A_200 = arith.constant 0 : i32
      %dma_wait3A_201 = arith.constant 0 : i32
      %dma_wait3A_202 = tpu.memref_slice %arg7[%dma_wait3A_199, %dma_wait3A_200, %dma_wait3A_201] : memref<2x8x128xi32, #tpu.memory_space<vmem>> -> memref<1x1x128xi32, #tpu.memory_space<vmem>>
      %dma_wait3A_203 = tpu.memref_squeeze %dma_wait3A_202 : memref<1x1x128xi32, #tpu.memory_space<vmem>> -> memref<128xi32, #tpu.memory_space<vmem>>
      %dma_wait3A_204 = arith.constant 0 : i32
      %dma_wait3A_205 = arith.constant 0 : i32
      %dma_wait3A_206 = tpu.memref_slice %arg10[%dma_wait3A_204, %dma_wait3A_205] : memref<10240x128xf32, #tpu.memory_space<vmem_shared>> -> memref<10240x128xf32, #tpu.memory_space<vmem_shared>>
      tpu.wait_indirect_dma semaphore(%arg13 : memref<!tpu.dma_semaphore, #tpu.memory_space<semaphore_mem>>) src(%arg8 : memref<128x128xf32, #tpu.memory_space<vmem>>) dst(%dma_wait3A_206 : memref<10240x128xf32, #tpu.memory_space<vmem_shared>>)
      %dma_start3A_207 = arith.constant 4 : i32
      %dma_start3A_208 = arith.constant 0 : i32
      %dma_start3A_209 = tpu.memref_slice %arg6[%select_n3A_96, %dma_start3A_207, %dma_start3A_208] : memref<2x8x128xi32, #tpu.memory_space<vmem>> -> memref<1x1x128xi32, #tpu.memory_space<vmem>>
      %dma_start3A_210 = tpu.memref_squeeze %dma_start3A_209 : memref<1x1x128xi32, #tpu.memory_space<vmem>> -> memref<128xi32, #tpu.memory_space<vmem>>
      %dma_start3A_211 = arith.constant 0 : i32
      %dma_start3A_212 = arith.constant 0 : i32
      %dma_start3A_213 = tpu.memref_slice %arg2[%dma_start3A_211, %dma_start3A_212] : memref<10000x128xf32, #tpu.memory_space<hbm>> -> memref<10000x128xf32, #tpu.memory_space<hbm>>
      tpu.enqueue_indirect_dma source(%dma_start3A_213 : memref<10000x128xf32, #tpu.memory_space<hbm>>) target(%arg8 : memref<128x128xf32, #tpu.memory_space<vmem>>) offsets(%dma_start3A_210 : memref<128xi32, #tpu.memory_space<vmem>>) semaphore(%arg11 : memref<!tpu.dma_semaphore, #tpu.memory_space<semaphore_mem>>)
      %dma_wait3A_214 = arith.constant 0 : i32
      %dma_wait3A_215 = arith.constant 0 : i32
      %dma_wait3A_216 = arith.constant 0 : i32
      %dma_wait3A_217 = tpu.memref_slice %arg6[%dma_wait3A_214, %dma_wait3A_215, %dma_wait3A_216] : memref<2x8x128xi32, #tpu.memory_space<vmem>> -> memref<1x1x128xi32, #tpu.memory_space<vmem>>
      %dma_wait3A_218 = tpu.memref_squeeze %dma_wait3A_217 : memref<1x1x128xi32, #tpu.memory_space<vmem>> -> memref<128xi32, #tpu.memory_space<vmem>>
      %dma_wait3A_219 = arith.constant 0 : i32
      %dma_wait3A_220 = arith.constant 0 : i32
      %dma_wait3A_221 = tpu.memref_slice %arg2[%dma_wait3A_219, %dma_wait3A_220] : memref<10000x128xf32, #tpu.memory_space<hbm>> -> memref<10000x128xf32, #tpu.memory_space<hbm>>
      tpu.wait_indirect_dma semaphore(%arg12 : memref<!tpu.dma_semaphore, #tpu.memory_space<semaphore_mem>>) src(%dma_wait3A_221 : memref<10000x128xf32, #tpu.memory_space<hbm>>) dst(%arg9 : memref<128x128xf32, #tpu.memory_space<vmem>>)
      %dma_start3A_222 = arith.constant 3 : i32
      %dma_start3A_223 = arith.constant 0 : i32
      %dma_start3A_224 = tpu.memref_slice %arg7[%select_n3A_96, %dma_start3A_222, %dma_start3A_223] : memref<2x8x128xi32, #tpu.memory_space<vmem>> -> memref<1x1x128xi32, #tpu.memory_space<vmem>>
      %dma_start3A_225 = tpu.memref_squeeze %dma_start3A_224 : memref<1x1x128xi32, #tpu.memory_space<vmem>> -> memref<128xi32, #tpu.memory_space<vmem>>
      %dma_start3A_226 = arith.constant 0 : i32
      %dma_start3A_227 = arith.constant 0 : i32
      %dma_start3A_228 = tpu.memref_slice %arg10[%dma_start3A_226, %dma_start3A_227] : memref<10240x128xf32, #tpu.memory_space<vmem_shared>> -> memref<10240x128xf32, #tpu.memory_space<vmem_shared>>
      tpu.enqueue_indirect_dma source(%arg9 : memref<128x128xf32, #tpu.memory_space<vmem>>) target(%dma_start3A_228 : memref<10240x128xf32, #tpu.memory_space<vmem_shared>>) offsets(%dma_start3A_225 : memref<128xi32, #tpu.memory_space<vmem>>) semaphore(%arg14 : memref<!tpu.dma_semaphore, #tpu.memory_space<semaphore_mem>>) {add = true}
      %dma_wait3A_229 = arith.constant 0 : i32
      %dma_wait3A_230 = arith.constant 0 : i32
      %dma_wait3A_231 = arith.constant 0 : i32
      %dma_wait3A_232 = tpu.memref_slice %arg7[%dma_wait3A_229, %dma_wait3A_230, %dma_wait3A_231] : memref<2x8x128xi32, #tpu.memory_space<vmem>> -> memref<1x1x128xi32, #tpu.memory_space<vmem>>
      %dma_wait3A_233 = tpu.memref_squeeze %dma_wait3A_232 : memref<1x1x128xi32, #tpu.memory_space<vmem>> -> memref<128xi32, #tpu.memory_space<vmem>>
      %dma_wait3A_234 = arith.constant 0 : i32
      %dma_wait3A_235 = arith.constant 0 : i32
      %dma_wait3A_236 = tpu.memref_slice %arg10[%dma_wait3A_234, %dma_wait3A_235] : memref<10240x128xf32, #tpu.memory_space<vmem_shared>> -> memref<10240x128xf32, #tpu.memory_space<vmem_shared>>
      tpu.wait_indirect_dma semaphore(%arg14 : memref<!tpu.dma_semaphore, #tpu.memory_space<semaphore_mem>>) src(%arg9 : memref<128x128xf32, #tpu.memory_space<vmem>>) dst(%dma_wait3A_236 : memref<10240x128xf32, #tpu.memory_space<vmem_shared>>)
      %dma_start3A_237 = arith.constant 5 : i32
      %dma_start3A_238 = arith.constant 0 : i32
      %dma_start3A_239 = tpu.memref_slice %arg6[%select_n3A_96, %dma_start3A_237, %dma_start3A_238] : memref<2x8x128xi32, #tpu.memory_space<vmem>> -> memref<1x1x128xi32, #tpu.memory_space<vmem>>
      %dma_start3A_240 = tpu.memref_squeeze %dma_start3A_239 : memref<1x1x128xi32, #tpu.memory_space<vmem>> -> memref<128xi32, #tpu.memory_space<vmem>>
      %dma_start3A_241 = arith.constant 0 : i32
      %dma_start3A_242 = arith.constant 0 : i32
      %dma_start3A_243 = tpu.memref_slice %arg2[%dma_start3A_241, %dma_start3A_242] : memref<10000x128xf32, #tpu.memory_space<hbm>> -> memref<10000x128xf32, #tpu.memory_space<hbm>>
      tpu.enqueue_indirect_dma source(%dma_start3A_243 : memref<10000x128xf32, #tpu.memory_space<hbm>>) target(%arg9 : memref<128x128xf32, #tpu.memory_space<vmem>>) offsets(%dma_start3A_240 : memref<128xi32, #tpu.memory_space<vmem>>) semaphore(%arg12 : memref<!tpu.dma_semaphore, #tpu.memory_space<semaphore_mem>>)
      %dma_wait3A_244 = arith.constant 0 : i32
      %dma_wait3A_245 = arith.constant 0 : i32
      %dma_wait3A_246 = arith.constant 0 : i32
      %dma_wait3A_247 = tpu.memref_slice %arg6[%dma_wait3A_244, %dma_wait3A_245, %dma_wait3A_246] : memref<2x8x128xi32, #tpu.memory_space<vmem>> -> memref<1x1x128xi32, #tpu.memory_space<vmem>>
      %dma_wait3A_248 = tpu.memref_squeeze %dma_wait3A_247 : memref<1x1x128xi32, #tpu.memory_space<vmem>> -> memref<128xi32, #tpu.memory_space<vmem>>
      %dma_wait3A_249 = arith.constant 0 : i32
      %dma_wait3A_250 = arith.constant 0 : i32
      %dma_wait3A_251 = tpu.memref_slice %arg2[%dma_wait3A_249, %dma_wait3A_250] : memref<10000x128xf32, #tpu.memory_space<hbm>> -> memref<10000x128xf32, #tpu.memory_space<hbm>>
      tpu.wait_indirect_dma semaphore(%arg11 : memref<!tpu.dma_semaphore, #tpu.memory_space<semaphore_mem>>) src(%dma_wait3A_251 : memref<10000x128xf32, #tpu.memory_space<hbm>>) dst(%arg8 : memref<128x128xf32, #tpu.memory_space<vmem>>)
      %dma_start3A_252 = arith.constant 4 : i32
      %dma_start3A_253 = arith.constant 0 : i32
      %dma_start3A_254 = tpu.memref_slice %arg7[%select_n3A_96, %dma_start3A_252, %dma_start3A_253] : memref<2x8x128xi32, #tpu.memory_space<vmem>> -> memref<1x1x128xi32, #tpu.memory_space<vmem>>
      %dma_start3A_255 = tpu.memref_squeeze %dma_start3A_254 : memref<1x1x128xi32, #tpu.memory_space<vmem>> -> memref<128xi32, #tpu.memory_space<vmem>>
      %dma_start3A_256 = arith.constant 0 : i32
      %dma_start3A_257 = arith.constant 0 : i32
      %dma_start3A_258 = tpu.memref_slice %arg10[%dma_start3A_256, %dma_start3A_257] : memref<10240x128xf32, #tpu.memory_space<vmem_shared>> -> memref<10240x128xf32, #tpu.memory_space<vmem_shared>>
      tpu.enqueue_indirect_dma source(%arg8 : memref<128x128xf32, #tpu.memory_space<vmem>>) target(%dma_start3A_258 : memref<10240x128xf32, #tpu.memory_space<vmem_shared>>) offsets(%dma_start3A_255 : memref<128xi32, #tpu.memory_space<vmem>>) semaphore(%arg13 : memref<!tpu.dma_semaphore, #tpu.memory_space<semaphore_mem>>) {add = true}
      %dma_wait3A_259 = arith.constant 0 : i32
      %dma_wait3A_260 = arith.constant 0 : i32
      %dma_wait3A_261 = arith.constant 0 : i32
      %dma_wait3A_262 = tpu.memref_slice %arg7[%dma_wait3A_259, %dma_wait3A_260, %dma_wait3A_261] : memref<2x8x128xi32, #tpu.memory_space<vmem>> -> memref<1x1x128xi32, #tpu.memory_space<vmem>>
      %dma_wait3A_263 = tpu.memref_squeeze %dma_wait3A_262 : memref<1x1x128xi32, #tpu.memory_space<vmem>> -> memref<128xi32, #tpu.memory_space<vmem>>
      %dma_wait3A_264 = arith.constant 0 : i32
      %dma_wait3A_265 = arith.constant 0 : i32
      %dma_wait3A_266 = tpu.memref_slice %arg10[%dma_wait3A_264, %dma_wait3A_265] : memref<10240x128xf32, #tpu.memory_space<vmem_shared>> -> memref<10240x128xf32, #tpu.memory_space<vmem_shared>>
      tpu.wait_indirect_dma semaphore(%arg13 : memref<!tpu.dma_semaphore, #tpu.memory_space<semaphore_mem>>) src(%arg8 : memref<128x128xf32, #tpu.memory_space<vmem>>) dst(%dma_wait3A_266 : memref<10240x128xf32, #tpu.memory_space<vmem_shared>>)
      %dma_start3A_267 = arith.constant 6 : i32
      %dma_start3A_268 = arith.constant 0 : i32
      %dma_start3A_269 = tpu.memref_slice %arg6[%select_n3A_96, %dma_start3A_267, %dma_start3A_268] : memref<2x8x128xi32, #tpu.memory_space<vmem>> -> memref<1x1x128xi32, #tpu.memory_space<vmem>>
      %dma_start3A_270 = tpu.memref_squeeze %dma_start3A_269 : memref<1x1x128xi32, #tpu.memory_space<vmem>> -> memref<128xi32, #tpu.memory_space<vmem>>
      %dma_start3A_271 = arith.constant 0 : i32
      %dma_start3A_272 = arith.constant 0 : i32
      %dma_start3A_273 = tpu.memref_slice %arg2[%dma_start3A_271, %dma_start3A_272] : memref<10000x128xf32, #tpu.memory_space<hbm>> -> memref<10000x128xf32, #tpu.memory_space<hbm>>
      tpu.enqueue_indirect_dma source(%dma_start3A_273 : memref<10000x128xf32, #tpu.memory_space<hbm>>) target(%arg8 : memref<128x128xf32, #tpu.memory_space<vmem>>) offsets(%dma_start3A_270 : memref<128xi32, #tpu.memory_space<vmem>>) semaphore(%arg11 : memref<!tpu.dma_semaphore, #tpu.memory_space<semaphore_mem>>)
      %dma_wait3A_274 = arith.constant 0 : i32
      %dma_wait3A_275 = arith.constant 0 : i32
      %dma_wait3A_276 = arith.constant 0 : i32
      %dma_wait3A_277 = tpu.memref_slice %arg6[%dma_wait3A_274, %dma_wait3A_275, %dma_wait3A_276] : memref<2x8x128xi32, #tpu.memory_space<vmem>> -> memref<1x1x128xi32, #tpu.memory_space<vmem>>
      %dma_wait3A_278 = tpu.memref_squeeze %dma_wait3A_277 : memref<1x1x128xi32, #tpu.memory_space<vmem>> -> memref<128xi32, #tpu.memory_space<vmem>>
      %dma_wait3A_279 = arith.constant 0 : i32
      %dma_wait3A_280 = arith.constant 0 : i32
      %dma_wait3A_281 = tpu.memref_slice %arg2[%dma_wait3A_279, %dma_wait3A_280] : memref<10000x128xf32, #tpu.memory_space<hbm>> -> memref<10000x128xf32, #tpu.memory_space<hbm>>
      tpu.wait_indirect_dma semaphore(%arg12 : memref<!tpu.dma_semaphore, #tpu.memory_space<semaphore_mem>>) src(%dma_wait3A_281 : memref<10000x128xf32, #tpu.memory_space<hbm>>) dst(%arg9 : memref<128x128xf32, #tpu.memory_space<vmem>>)
      %dma_start3A_282 = arith.constant 5 : i32
      %dma_start3A_283 = arith.constant 0 : i32
      %dma_start3A_284 = tpu.memref_slice %arg7[%select_n3A_96, %dma_start3A_282, %dma_start3A_283] : memref<2x8x128xi32, #tpu.memory_space<vmem>> -> memref<1x1x128xi32, #tpu.memory_space<vmem>>
      %dma_start3A_285 = tpu.memref_squeeze %dma_start3A_284 : memref<1x1x128xi32, #tpu.memory_space<vmem>> -> memref<128xi32, #tpu.memory_space<vmem>>
      %dma_start3A_286 = arith.constant 0 : i32
      %dma_start3A_287 = arith.constant 0 : i32
      %dma_start3A_288 = tpu.memref_slice %arg10[%dma_start3A_286, %dma_start3A_287] : memref<10240x128xf32, #tpu.memory_space<vmem_shared>> -> memref<10240x128xf32, #tpu.memory_space<vmem_shared>>
      tpu.enqueue_indirect_dma source(%arg9 : memref<128x128xf32, #tpu.memory_space<vmem>>) target(%dma_start3A_288 : memref<10240x128xf32, #tpu.memory_space<vmem_shared>>) offsets(%dma_start3A_285 : memref<128xi32, #tpu.memory_space<vmem>>) semaphore(%arg14 : memref<!tpu.dma_semaphore, #tpu.memory_space<semaphore_mem>>) {add = true}
      %dma_wait3A_289 = arith.constant 0 : i32
      %dma_wait3A_290 = arith.constant 0 : i32
      %dma_wait3A_291 = arith.constant 0 : i32
      %dma_wait3A_292 = tpu.memref_slice %arg7[%dma_wait3A_289, %dma_wait3A_290, %dma_wait3A_291] : memref<2x8x128xi32, #tpu.memory_space<vmem>> -> memref<1x1x128xi32, #tpu.memory_space<vmem>>
      %dma_wait3A_293 = tpu.memref_squeeze %dma_wait3A_292 : memref<1x1x128xi32, #tpu.memory_space<vmem>> -> memref<128xi32, #tpu.memory_space<vmem>>
      %dma_wait3A_294 = arith.constant 0 : i32
      %dma_wait3A_295 = arith.constant 0 : i32
      %dma_wait3A_296 = tpu.memref_slice %arg10[%dma_wait3A_294, %dma_wait3A_295] : memref<10240x128xf32, #tpu.memory_space<vmem_shared>> -> memref<10240x128xf32, #tpu.memory_space<vmem_shared>>
      tpu.wait_indirect_dma semaphore(%arg14 : memref<!tpu.dma_semaphore, #tpu.memory_space<semaphore_mem>>) src(%arg9 : memref<128x128xf32, #tpu.memory_space<vmem>>) dst(%dma_wait3A_296 : memref<10240x128xf32, #tpu.memory_space<vmem_shared>>)
      %dma_start3A_297 = arith.constant 7 : i32
      %dma_start3A_298 = arith.constant 0 : i32
      %dma_start3A_299 = tpu.memref_slice %arg6[%select_n3A_96, %dma_start3A_297, %dma_start3A_298] : memref<2x8x128xi32, #tpu.memory_space<vmem>> -> memref<1x1x128xi32, #tpu.memory_space<vmem>>
      %dma_start3A_300 = tpu.memref_squeeze %dma_start3A_299 : memref<1x1x128xi32, #tpu.memory_space<vmem>> -> memref<128xi32, #tpu.memory_space<vmem>>
      %dma_start3A_301 = arith.constant 0 : i32
      %dma_start3A_302 = arith.constant 0 : i32
      %dma_start3A_303 = tpu.memref_slice %arg2[%dma_start3A_301, %dma_start3A_302] : memref<10000x128xf32, #tpu.memory_space<hbm>> -> memref<10000x128xf32, #tpu.memory_space<hbm>>
      tpu.enqueue_indirect_dma source(%dma_start3A_303 : memref<10000x128xf32, #tpu.memory_space<hbm>>) target(%arg9 : memref<128x128xf32, #tpu.memory_space<vmem>>) offsets(%dma_start3A_300 : memref<128xi32, #tpu.memory_space<vmem>>) semaphore(%arg12 : memref<!tpu.dma_semaphore, #tpu.memory_space<semaphore_mem>>)
      %dma_wait3A_304 = arith.constant 0 : i32
      %dma_wait3A_305 = arith.constant 0 : i32
      %dma_wait3A_306 = arith.constant 0 : i32
      %dma_wait3A_307 = tpu.memref_slice %arg6[%dma_wait3A_304, %dma_wait3A_305, %dma_wait3A_306] : memref<2x8x128xi32, #tpu.memory_space<vmem>> -> memref<1x1x128xi32, #tpu.memory_space<vmem>>
      %dma_wait3A_308 = tpu.memref_squeeze %dma_wait3A_307 : memref<1x1x128xi32, #tpu.memory_space<vmem>> -> memref<128xi32, #tpu.memory_space<vmem>>
      %dma_wait3A_309 = arith.constant 0 : i32
      %dma_wait3A_310 = arith.constant 0 : i32
      %dma_wait3A_311 = tpu.memref_slice %arg2[%dma_wait3A_309, %dma_wait3A_310] : memref<10000x128xf32, #tpu.memory_space<hbm>> -> memref<10000x128xf32, #tpu.memory_space<hbm>>
      tpu.wait_indirect_dma semaphore(%arg11 : memref<!tpu.dma_semaphore, #tpu.memory_space<semaphore_mem>>) src(%dma_wait3A_311 : memref<10000x128xf32, #tpu.memory_space<hbm>>) dst(%arg8 : memref<128x128xf32, #tpu.memory_space<vmem>>)
      %dma_start3A_312 = arith.constant 6 : i32
      %dma_start3A_313 = arith.constant 0 : i32
      %dma_start3A_314 = tpu.memref_slice %arg7[%select_n3A_96, %dma_start3A_312, %dma_start3A_313] : memref<2x8x128xi32, #tpu.memory_space<vmem>> -> memref<1x1x128xi32, #tpu.memory_space<vmem>>
      %dma_start3A_315 = tpu.memref_squeeze %dma_start3A_314 : memref<1x1x128xi32, #tpu.memory_space<vmem>> -> memref<128xi32, #tpu.memory_space<vmem>>
      %dma_start3A_316 = arith.constant 0 : i32
      %dma_start3A_317 = arith.constant 0 : i32
      %dma_start3A_318 = tpu.memref_slice %arg10[%dma_start3A_316, %dma_start3A_317] : memref<10240x128xf32, #tpu.memory_space<vmem_shared>> -> memref<10240x128xf32, #tpu.memory_space<vmem_shared>>
      tpu.enqueue_indirect_dma source(%arg8 : memref<128x128xf32, #tpu.memory_space<vmem>>) target(%dma_start3A_318 : memref<10240x128xf32, #tpu.memory_space<vmem_shared>>) offsets(%dma_start3A_315 : memref<128xi32, #tpu.memory_space<vmem>>) semaphore(%arg13 : memref<!tpu.dma_semaphore, #tpu.memory_space<semaphore_mem>>) {add = true}
      %dma_wait3A_319 = arith.constant 0 : i32
      %dma_wait3A_320 = arith.constant 0 : i32
      %dma_wait3A_321 = arith.constant 0 : i32
      %dma_wait3A_322 = tpu.memref_slice %arg7[%dma_wait3A_319, %dma_wait3A_320, %dma_wait3A_321] : memref<2x8x128xi32, #tpu.memory_space<vmem>> -> memref<1x1x128xi32, #tpu.memory_space<vmem>>
      %dma_wait3A_323 = tpu.memref_squeeze %dma_wait3A_322 : memref<1x1x128xi32, #tpu.memory_space<vmem>> -> memref<128xi32, #tpu.memory_space<vmem>>
      %dma_wait3A_324 = arith.constant 0 : i32
      %dma_wait3A_325 = arith.constant 0 : i32
      %dma_wait3A_326 = tpu.memref_slice %arg10[%dma_wait3A_324, %dma_wait3A_325] : memref<10240x128xf32, #tpu.memory_space<vmem_shared>> -> memref<10240x128xf32, #tpu.memory_space<vmem_shared>>
      tpu.wait_indirect_dma semaphore(%arg13 : memref<!tpu.dma_semaphore, #tpu.memory_space<semaphore_mem>>) src(%arg8 : memref<128x128xf32, #tpu.memory_space<vmem>>) dst(%dma_wait3A_326 : memref<10240x128xf32, #tpu.memory_space<vmem_shared>>)
      %dma_start3A_327 = arith.constant 0 : i32
      %dma_start3A_328 = arith.constant 0 : i32
      %dma_start3A_329 = tpu.memref_slice %arg6[%select_n3A_114, %dma_start3A_327, %dma_start3A_328] : memref<2x8x128xi32, #tpu.memory_space<vmem>> -> memref<1x1x128xi32, #tpu.memory_space<vmem>>
      %dma_start3A_330 = tpu.memref_squeeze %dma_start3A_329 : memref<1x1x128xi32, #tpu.memory_space<vmem>> -> memref<128xi32, #tpu.memory_space<vmem>>
      %dma_start3A_331 = arith.constant 0 : i32
      %dma_start3A_332 = arith.constant 0 : i32
      %dma_start3A_333 = tpu.memref_slice %arg2[%dma_start3A_331, %dma_start3A_332] : memref<10000x128xf32, #tpu.memory_space<hbm>> -> memref<10000x128xf32, #tpu.memory_space<hbm>>
      tpu.enqueue_indirect_dma source(%dma_start3A_333 : memref<10000x128xf32, #tpu.memory_space<hbm>>) target(%arg8 : memref<128x128xf32, #tpu.memory_space<vmem>>) offsets(%dma_start3A_330 : memref<128xi32, #tpu.memory_space<vmem>>) semaphore(%arg11 : memref<!tpu.dma_semaphore, #tpu.memory_space<semaphore_mem>>)
      %dma_wait3A_334 = arith.constant 0 : i32
      %dma_wait3A_335 = arith.constant 0 : i32
      %dma_wait3A_336 = arith.constant 0 : i32
      %dma_wait3A_337 = tpu.memref_slice %arg6[%dma_wait3A_334, %dma_wait3A_335, %dma_wait3A_336] : memref<2x8x128xi32, #tpu.memory_space<vmem>> -> memref<1x1x128xi32, #tpu.memory_space<vmem>>
      %dma_wait3A_338 = tpu.memref_squeeze %dma_wait3A_337 : memref<1x1x128xi32, #tpu.memory_space<vmem>> -> memref<128xi32, #tpu.memory_space<vmem>>
      %dma_wait3A_339 = arith.constant 0 : i32
      %dma_wait3A_340 = arith.constant 0 : i32
      %dma_wait3A_341 = tpu.memref_slice %arg2[%dma_wait3A_339, %dma_wait3A_340] : memref<10000x128xf32, #tpu.memory_space<hbm>> -> memref<10000x128xf32, #tpu.memory_space<hbm>>
      tpu.wait_indirect_dma semaphore(%arg12 : memref<!tpu.dma_semaphore, #tpu.memory_space<semaphore_mem>>) src(%dma_wait3A_341 : memref<10000x128xf32, #tpu.memory_space<hbm>>) dst(%arg9 : memref<128x128xf32, #tpu.memory_space<vmem>>)
      %dma_start3A_342 = arith.constant 7 : i32
      %dma_start3A_343 = arith.constant 0 : i32
      %dma_start3A_344 = tpu.memref_slice %arg7[%select_n3A_96, %dma_start3A_342, %dma_start3A_343] : memref<2x8x128xi32, #tpu.memory_space<vmem>> -> memref<1x1x128xi32, #tpu.memory_space<vmem>>
      %dma_start3A_345 = tpu.memref_squeeze %dma_start3A_344 : memref<1x1x128xi32, #tpu.memory_space<vmem>> -> memref<128xi32, #tpu.memory_space<vmem>>
      %dma_start3A_346 = arith.constant 0 : i32
      %dma_start3A_347 = arith.constant 0 : i32
      %dma_start3A_348 = tpu.memref_slice %arg10[%dma_start3A_346, %dma_start3A_347] : memref<10240x128xf32, #tpu.memory_space<vmem_shared>> -> memref<10240x128xf32, #tpu.memory_space<vmem_shared>>
      tpu.enqueue_indirect_dma source(%arg9 : memref<128x128xf32, #tpu.memory_space<vmem>>) target(%dma_start3A_348 : memref<10240x128xf32, #tpu.memory_space<vmem_shared>>) offsets(%dma_start3A_345 : memref<128xi32, #tpu.memory_space<vmem>>) semaphore(%arg14 : memref<!tpu.dma_semaphore, #tpu.memory_space<semaphore_mem>>) {add = true}
      %dma_wait3A_349 = arith.constant 0 : i32
      %dma_wait3A_350 = arith.constant 0 : i32
      %dma_wait3A_351 = arith.constant 0 : i32
      %dma_wait3A_352 = tpu.memref_slice %arg7[%dma_wait3A_349, %dma_wait3A_350, %dma_wait3A_351] : memref<2x8x128xi32, #tpu.memory_space<vmem>> -> memref<1x1x128xi32, #tpu.memory_space<vmem>>
      %dma_wait3A_353 = tpu.memref_squeeze %dma_wait3A_352 : memref<1x1x128xi32, #tpu.memory_space<vmem>> -> memref<128xi32, #tpu.memory_space<vmem>>
      %dma_wait3A_354 = arith.constant 0 : i32
      %dma_wait3A_355 = arith.constant 0 : i32
      %dma_wait3A_356 = tpu.memref_slice %arg10[%dma_wait3A_354, %dma_wait3A_355] : memref<10240x128xf32, #tpu.memory_space<vmem_shared>> -> memref<10240x128xf32, #tpu.memory_space<vmem_shared>>
      tpu.wait_indirect_dma semaphore(%arg14 : memref<!tpu.dma_semaphore, #tpu.memory_space<semaphore_mem>>) src(%arg9 : memref<128x128xf32, #tpu.memory_space<vmem>>) dst(%dma_wait3A_356 : memref<10240x128xf32, #tpu.memory_space<vmem_shared>>)
      %dma_start3A_357 = arith.constant 1 : i32
      %dma_start3A_358 = arith.constant 0 : i32
      %dma_start3A_359 = tpu.memref_slice %arg6[%select_n3A_114, %dma_start3A_357, %dma_start3A_358] : memref<2x8x128xi32, #tpu.memory_space<vmem>> -> memref<1x1x128xi32, #tpu.memory_space<vmem>>
      %dma_start3A_360 = tpu.memref_squeeze %dma_start3A_359 : memref<1x1x128xi32, #tpu.memory_space<vmem>> -> memref<128xi32, #tpu.memory_space<vmem>>
      %dma_start3A_361 = arith.constant 0 : i32
      %dma_start3A_362 = arith.constant 0 : i32
      %dma_start3A_363 = tpu.memref_slice %arg2[%dma_start3A_361, %dma_start3A_362] : memref<10000x128xf32, #tpu.memory_space<hbm>> -> memref<10000x128xf32, #tpu.memory_space<hbm>>
      tpu.enqueue_indirect_dma source(%dma_start3A_363 : memref<10000x128xf32, #tpu.memory_space<hbm>>) target(%arg9 : memref<128x128xf32, #tpu.memory_space<vmem>>) offsets(%dma_start3A_360 : memref<128xi32, #tpu.memory_space<vmem>>) semaphore(%arg12 : memref<!tpu.dma_semaphore, #tpu.memory_space<semaphore_mem>>)
      %while3A_364 = arith.constant 0 : i32
      scf.yield %while3A_364 : i32
    }
    %dma_wait3A = arith.constant 0 : i32
    %dma_wait3A_63 = arith.constant 0 : i32
    %dma_wait3A_64 = arith.constant 0 : i32
    %dma_wait3A_65 = tpu.memref_slice %arg6[%dma_wait3A, %dma_wait3A_63, %dma_wait3A_64] : memref<2x8x128xi32, #tpu.memory_space<vmem>> -> memref<1x1x128xi32, #tpu.memory_space<vmem>>
    %dma_wait3A_66 = tpu.memref_squeeze %dma_wait3A_65 : memref<1x1x128xi32, #tpu.memory_space<vmem>> -> memref<128xi32, #tpu.memory_space<vmem>>
    %dma_wait3A_67 = arith.constant 0 : i32
    %dma_wait3A_68 = arith.constant 0 : i32
    %dma_wait3A_69 = tpu.memref_slice %arg2[%dma_wait3A_67, %dma_wait3A_68] : memref<10000x128xf32, #tpu.memory_space<hbm>> -> memref<10000x128xf32, #tpu.memory_space<hbm>>
    tpu.wait_indirect_dma semaphore(%arg11 : memref<!tpu.dma_semaphore, #tpu.memory_space<semaphore_mem>>) src(%dma_wait3A_69 : memref<10000x128xf32, #tpu.memory_space<hbm>>) dst(%arg8 : memref<128x128xf32, #tpu.memory_space<vmem>>)
    %dma_wait3A_70 = arith.constant 0 : i32
    %dma_wait3A_71 = arith.constant 0 : i32
    %dma_wait3A_72 = arith.constant 0 : i32
    %dma_wait3A_73 = tpu.memref_slice %arg6[%dma_wait3A_70, %dma_wait3A_71, %dma_wait3A_72] : memref<2x8x128xi32, #tpu.memory_space<vmem>> -> memref<1x1x128xi32, #tpu.memory_space<vmem>>
    %dma_wait3A_74 = tpu.memref_squeeze %dma_wait3A_73 : memref<1x1x128xi32, #tpu.memory_space<vmem>> -> memref<128xi32, #tpu.memory_space<vmem>>
    %dma_wait3A_75 = arith.constant 0 : i32
    %dma_wait3A_76 = arith.constant 0 : i32
    %dma_wait3A_77 = tpu.memref_slice %arg2[%dma_wait3A_75, %dma_wait3A_76] : memref<10000x128xf32, #tpu.memory_space<hbm>> -> memref<10000x128xf32, #tpu.memory_space<hbm>>
    tpu.wait_indirect_dma semaphore(%arg12 : memref<!tpu.dma_semaphore, #tpu.memory_space<semaphore_mem>>) src(%dma_wait3A_77 : memref<10000x128xf32, #tpu.memory_space<hbm>>) dst(%arg9 : memref<128x128xf32, #tpu.memory_space<vmem>>)
    %barrier3A_78 = arith.constant 0 : index
    tpu.barrier barrier_id(%barrier3A_78)
    %mul3A_79 = arith.constant 640 : i32
    %mul3A_80 = arith.muli %arg1, %mul3A_79 : i32
    %mul3A_81 = arith.constant 640 : i32
    %mul3A_82 = arith.muli %arg1, %mul3A_81 : i32
    "tpu.region"() ({
      %run_scoped3A_83 = tpu.sem_alloc : memref<!tpu.dma_semaphore, #tpu.memory_space<semaphore_mem>>
      %dma_start3A_84 = arith.constant 0 : i32
      %dma_start3A_85 = tpu.memref_slice %arg5[%arg0, %mul3A_82, %dma_start3A_84] : memref<2x10240x128xf32, #tpu.memory_space<hbm>> -> memref<1x640x128xf32, #tpu.memory_space<hbm>>
      %dma_start3A_86 = tpu.memref_squeeze %dma_start3A_85 : memref<1x640x128xf32, #tpu.memory_space<hbm>> -> memref<640x128xf32, #tpu.memory_space<hbm>>
      %dma_start3A_87 = arith.constant 0 : i32
      %dma_start3A_88 = tpu.memref_slice %arg10[%mul3A_80, %dma_start3A_87] : memref<10240x128xf32, #tpu.memory_space<vmem_shared>> -> memref<640x128xf32, #tpu.memory_space<vmem_shared>>
      tpu.enqueue_dma source(%dma_start3A_88 : memref<640x128xf32, #tpu.memory_space<vmem_shared>>) target(%dma_start3A_86 : memref<640x128xf32, #tpu.memory_space<hbm>>) target_semaphore(%run_scoped3A_83 : memref<!tpu.dma_semaphore, #tpu.memory_space<semaphore_mem>>)
      %dma_wait3A_89 = arith.constant 0 : i32
      %dma_wait3A_90 = tpu.memref_slice %arg5[%arg0, %mul3A_82, %dma_wait3A_89] : memref<2x10240x128xf32, #tpu.memory_space<hbm>> -> memref<1x640x128xf32, #tpu.memory_space<hbm>>
      %dma_wait3A_91 = tpu.memref_squeeze %dma_wait3A_90 : memref<1x640x128xf32, #tpu.memory_space<hbm>> -> memref<640x128xf32, #tpu.memory_space<hbm>>
      %dma_wait3A_92 = arith.constant 0 : i32
      %dma_wait3A_93 = tpu.memref_slice %arg10[%mul3A_80, %dma_wait3A_92] : memref<10240x128xf32, #tpu.memory_space<vmem_shared>> -> memref<640x128xf32, #tpu.memory_space<vmem_shared>>
      tpu.wait_dma2 semaphore(%run_scoped3A_83 : memref<!tpu.dma_semaphore, #tpu.memory_space<semaphore_mem>>) src(%dma_wait3A_93 : memref<640x128xf32, #tpu.memory_space<vmem_shared>>) dst(%dma_wait3A_91 : memref<640x128xf32, #tpu.memory_space<hbm>>)
      tpu.yield
    }) : () -> ()
    return
  }
}

#map = affine_map<(d0, d1) -> (0, 0)>
#map1 = affine_map<(d0, d1) -> (0, 0, 0)>
module attributes {stable_mosaic.version = 14 : i64} {
  func.func @k(%arg0: i32, %arg1: i32, %arg2: memref<327680x16xf32, #tpu.memory_space<hbm>>, %arg3: memref<2560x128xi32, #tpu.memory_space<hbm>>, %arg4: memref<2x10240x128xf32, #tpu.memory_space<hbm>>, %arg5: memref<80x128xi32, #tpu.memory_space<vmem>>, %arg6: memref<128x16xf32, #tpu.memory_space<vmem>>, %arg7: memref<128x128xf32, #tpu.memory_space<vmem>>, %arg8: memref<10240x128xf32, #tpu.memory_space<vmem_shared>>) attributes {dimension_semantics = [#tpu.dimension_semantics<core_parallel>, #tpu.dimension_semantics<subcore_parallel>], iteration_bounds = array<i64: 2, 16>, scalar_prefetch = 0 : i64, scratch_operands = 4 : i64, tpu.core_type = #tpu.core_type<sc_vector_subcore>, window_params = [{transform_indices = #map}, {transform_indices = #map}, {transform_indices = #map1}]} {
    %mul3A = arith.constant 16 : i32
    %mul3A_0 = arith.muli %arg0, %mul3A : i32
    %add3A = arith.addi %mul3A_0, %arg1 : i32
    %mul3A_1 = arith.constant 80 : i32
    %mul3A_2 = arith.muli %add3A, %mul3A_1 : i32
    "tpu.region"() ({
      %run_scoped3A = tpu.sem_alloc : memref<!tpu.dma_semaphore, #tpu.memory_space<semaphore_mem>>
      %dma_start3A = arith.constant 0 : i32
      %dma_start3A_42 = tpu.memref_slice %arg3[%mul3A_2, %dma_start3A] : memref<2560x128xi32, #tpu.memory_space<hbm>> -> memref<80x128xi32, #tpu.memory_space<hbm>>
      %dma_start3A_43 = arith.constant 0 : i32
      %dma_start3A_44 = tpu.memref_slice %arg3[%mul3A_2, %dma_start3A_43] : memref<2560x128xi32, #tpu.memory_space<hbm>> -> memref<80x128xi32, #tpu.memory_space<hbm>>
      tpu.enqueue_dma source(%dma_start3A_44 : memref<80x128xi32, #tpu.memory_space<hbm>>) target(%arg5 : memref<80x128xi32, #tpu.memory_space<vmem>>) target_semaphore(%run_scoped3A : memref<!tpu.dma_semaphore, #tpu.memory_space<semaphore_mem>>)
      %dma_wait3A = arith.constant 0 : i32
      %dma_wait3A_45 = tpu.memref_slice %arg3[%mul3A_2, %dma_wait3A] : memref<2560x128xi32, #tpu.memory_space<hbm>> -> memref<80x128xi32, #tpu.memory_space<hbm>>
      %dma_wait3A_46 = arith.constant 0 : i32
      %dma_wait3A_47 = tpu.memref_slice %arg3[%mul3A_2, %dma_wait3A_46] : memref<2560x128xi32, #tpu.memory_space<hbm>> -> memref<80x128xi32, #tpu.memory_space<hbm>>
      tpu.wait_dma2 semaphore(%run_scoped3A : memref<!tpu.dma_semaphore, #tpu.memory_space<semaphore_mem>>) src(%dma_wait3A_47 : memref<80x128xi32, #tpu.memory_space<hbm>>) dst(%arg5 : memref<80x128xi32, #tpu.memory_space<vmem>>)
      tpu.yield
    }) : () -> ()
    %broadcast_in_dim3A = arith.constant 0.000000e+00 : f32
    %broadcast_in_dim3A_3 = vector.broadcast %broadcast_in_dim3A : f32 to vector<16xf32>
    %scan3A = arith.constant 0 : i32
    %scan3A_4 = arith.constant 0 : i32
    %scan3A_5 = arith.constant 128 : i32
    %scan3A_6 = arith.addi %scan3A_4, %scan3A_5 : i32
    %scan3A_7 = arith.constant 1 : i32
    %scan3A_8 = scf.for %scan3A_42 = %scan3A_4 to %scan3A_6 step %scan3A_7 iter_args(%scan3A_43 = %scan3A) -> (i32)  : i32 {
      %swap3A = arith.index_cast %scan3A_42 : i32 to index
      %swap3A_44 = arith.constant 0 : index
      %swap3A_45 = tpu.vector_load %arg7[%swap3A, %swap3A_44] {strides = array<i32>} : memref<128x128xf32, #tpu.memory_space<vmem>>, vector<1x16xf32>,
      %swap3A_46 = vector.shape_cast %swap3A_45 : vector<1x16xf32> to vector<16xf32>
      %swap3A_47 = vector.shape_cast %broadcast_in_dim3A_3 : vector<16xf32> to vector<1x16xf32>
      tpu.vector_store %arg7[%swap3A, %swap3A_44], %swap3A_47 {strides = array<i32>} : memref<128x128xf32, #tpu.memory_space<vmem>>, vector<1x16xf32>,
      %swap3A_48 = arith.index_cast %scan3A_42 : i32 to index
      %swap3A_49 = arith.constant 16 : index
      %swap3A_50 = tpu.vector_load %arg7[%swap3A_48, %swap3A_49] {strides = array<i32>} : memref<128x128xf32, #tpu.memory_space<vmem>>, vector<1x16xf32>,
      %swap3A_51 = vector.shape_cast %swap3A_50 : vector<1x16xf32> to vector<16xf32>
      %swap3A_52 = vector.shape_cast %broadcast_in_dim3A_3 : vector<16xf32> to vector<1x16xf32>
      tpu.vector_store %arg7[%swap3A_48, %swap3A_49], %swap3A_52 {strides = array<i32>} : memref<128x128xf32, #tpu.memory_space<vmem>>, vector<1x16xf32>,
      %swap3A_53 = arith.index_cast %scan3A_42 : i32 to index
      %swap3A_54 = arith.constant 32 : index
      %swap3A_55 = tpu.vector_load %arg7[%swap3A_53, %swap3A_54] {strides = array<i32>} : memref<128x128xf32, #tpu.memory_space<vmem>>, vector<1x16xf32>,
      %swap3A_56 = vector.shape_cast %swap3A_55 : vector<1x16xf32> to vector<16xf32>
      %swap3A_57 = vector.shape_cast %broadcast_in_dim3A_3 : vector<16xf32> to vector<1x16xf32>
      tpu.vector_store %arg7[%swap3A_53, %swap3A_54], %swap3A_57 {strides = array<i32>} : memref<128x128xf32, #tpu.memory_space<vmem>>, vector<1x16xf32>,
      %swap3A_58 = arith.index_cast %scan3A_42 : i32 to index
      %swap3A_59 = arith.constant 48 : index
      %swap3A_60 = tpu.vector_load %arg7[%swap3A_58, %swap3A_59] {strides = array<i32>} : memref<128x128xf32, #tpu.memory_space<vmem>>, vector<1x16xf32>,
      %swap3A_61 = vector.shape_cast %swap3A_60 : vector<1x16xf32> to vector<16xf32>
      %swap3A_62 = vector.shape_cast %broadcast_in_dim3A_3 : vector<16xf32> to vector<1x16xf32>
      tpu.vector_store %arg7[%swap3A_58, %swap3A_59], %swap3A_62 {strides = array<i32>} : memref<128x128xf32, #tpu.memory_space<vmem>>, vector<1x16xf32>,
      %swap3A_63 = arith.index_cast %scan3A_42 : i32 to index
      %swap3A_64 = arith.constant 64 : index
      %swap3A_65 = tpu.vector_load %arg7[%swap3A_63, %swap3A_64] {strides = array<i32>} : memref<128x128xf32, #tpu.memory_space<vmem>>, vector<1x16xf32>,
      %swap3A_66 = vector.shape_cast %swap3A_65 : vector<1x16xf32> to vector<16xf32>
      %swap3A_67 = vector.shape_cast %broadcast_in_dim3A_3 : vector<16xf32> to vector<1x16xf32>
      tpu.vector_store %arg7[%swap3A_63, %swap3A_64], %swap3A_67 {strides = array<i32>} : memref<128x128xf32, #tpu.memory_space<vmem>>, vector<1x16xf32>,
      %swap3A_68 = arith.index_cast %scan3A_42 : i32 to index
      %swap3A_69 = arith.constant 80 : index
      %swap3A_70 = tpu.vector_load %arg7[%swap3A_68, %swap3A_69] {strides = array<i32>} : memref<128x128xf32, #tpu.memory_space<vmem>>, vector<1x16xf32>,
      %swap3A_71 = vector.shape_cast %swap3A_70 : vector<1x16xf32> to vector<16xf32>
      %swap3A_72 = vector.shape_cast %broadcast_in_dim3A_3 : vector<16xf32> to vector<1x16xf32>
      tpu.vector_store %arg7[%swap3A_68, %swap3A_69], %swap3A_72 {strides = array<i32>} : memref<128x128xf32, #tpu.memory_space<vmem>>, vector<1x16xf32>,
      %swap3A_73 = arith.index_cast %scan3A_42 : i32 to index
      %swap3A_74 = arith.constant 96 : index
      %swap3A_75 = tpu.vector_load %arg7[%swap3A_73, %swap3A_74] {strides = array<i32>} : memref<128x128xf32, #tpu.memory_space<vmem>>, vector<1x16xf32>,
      %swap3A_76 = vector.shape_cast %swap3A_75 : vector<1x16xf32> to vector<16xf32>
      %swap3A_77 = vector.shape_cast %broadcast_in_dim3A_3 : vector<16xf32> to vector<1x16xf32>
      tpu.vector_store %arg7[%swap3A_73, %swap3A_74], %swap3A_77 {strides = array<i32>} : memref<128x128xf32, #tpu.memory_space<vmem>>, vector<1x16xf32>,
      %swap3A_78 = arith.index_cast %scan3A_42 : i32 to index
      %swap3A_79 = arith.constant 112 : index
      %swap3A_80 = tpu.vector_load %arg7[%swap3A_78, %swap3A_79] {strides = array<i32>} : memref<128x128xf32, #tpu.memory_space<vmem>>, vector<1x16xf32>,
      %swap3A_81 = vector.shape_cast %swap3A_80 : vector<1x16xf32> to vector<16xf32>
      %swap3A_82 = vector.shape_cast %broadcast_in_dim3A_3 : vector<16xf32> to vector<1x16xf32>
      tpu.vector_store %arg7[%swap3A_78, %swap3A_79], %swap3A_82 {strides = array<i32>} : memref<128x128xf32, #tpu.memory_space<vmem>>, vector<1x16xf32>,
      %scan3A_83 = arith.constant 0 : i32
      scf.yield %scan3A_83 : i32
    }
    %scan3A_9 = arith.constant 128 : i32
    %mul3A_10 = arith.constant 640 : i32
    %mul3A_11 = arith.muli %arg1, %mul3A_10 : i32
    %add3A_12 = arith.constant 0 : i32
    %add3A_13 = arith.addi %mul3A_11, %add3A_12 : i32
    "tpu.region"() ({
      %run_scoped3A = tpu.sem_alloc : memref<!tpu.dma_semaphore, #tpu.memory_space<semaphore_mem>>
      %dma_start3A = arith.constant 0 : i32
      %dma_start3A_42 = tpu.memref_slice %arg8[%add3A_13, %dma_start3A] : memref<10240x128xf32, #tpu.memory_space<vmem_shared>> -> memref<128x128xf32, #tpu.memory_space<vmem_shared>>
      %dma_start3A_43 = arith.constant 0 : i32
      %dma_start3A_44 = tpu.memref_slice %arg8[%add3A_13, %dma_start3A_43] : memref<10240x128xf32, #tpu.memory_space<vmem_shared>> -> memref<128x128xf32, #tpu.memory_space<vmem_shared>>
      tpu.enqueue_dma source(%arg7 : memref<128x128xf32, #tpu.memory_space<vmem>>) target(%dma_start3A_44 : memref<128x128xf32, #tpu.memory_space<vmem_shared>>) target_semaphore(%run_scoped3A : memref<!tpu.dma_semaphore, #tpu.memory_space<semaphore_mem>>)
      %dma_wait3A = arith.constant 0 : i32
      %dma_wait3A_45 = tpu.memref_slice %arg8[%add3A_13, %dma_wait3A] : memref<10240x128xf32, #tpu.memory_space<vmem_shared>> -> memref<128x128xf32, #tpu.memory_space<vmem_shared>>
      %dma_wait3A_46 = arith.constant 0 : i32
      %dma_wait3A_47 = tpu.memref_slice %arg8[%add3A_13, %dma_wait3A_46] : memref<10240x128xf32, #tpu.memory_space<vmem_shared>> -> memref<128x128xf32, #tpu.memory_space<vmem_shared>>
      tpu.wait_dma2 semaphore(%run_scoped3A : memref<!tpu.dma_semaphore, #tpu.memory_space<semaphore_mem>>) src(%arg7 : memref<128x128xf32, #tpu.memory_space<vmem>>) dst(%dma_wait3A_47 : memref<128x128xf32, #tpu.memory_space<vmem_shared>>)
      tpu.yield
    }) : () -> ()
    %mul3A_14 = arith.constant 640 : i32
    %mul3A_15 = arith.muli %arg1, %mul3A_14 : i32
    %add3A_16 = arith.constant 128 : i32
    %add3A_17 = arith.addi %mul3A_15, %add3A_16 : i32
    "tpu.region"() ({
      %run_scoped3A = tpu.sem_alloc : memref<!tpu.dma_semaphore, #tpu.memory_space<semaphore_mem>>
      %dma_start3A = arith.constant 0 : i32
      %dma_start3A_42 = tpu.memref_slice %arg8[%add3A_17, %dma_start3A] : memref<10240x128xf32, #tpu.memory_space<vmem_shared>> -> memref<128x128xf32, #tpu.memory_space<vmem_shared>>
      %dma_start3A_43 = arith.constant 0 : i32
      %dma_start3A_44 = tpu.memref_slice %arg8[%add3A_17, %dma_start3A_43] : memref<10240x128xf32, #tpu.memory_space<vmem_shared>> -> memref<128x128xf32, #tpu.memory_space<vmem_shared>>
      tpu.enqueue_dma source(%arg7 : memref<128x128xf32, #tpu.memory_space<vmem>>) target(%dma_start3A_44 : memref<128x128xf32, #tpu.memory_space<vmem_shared>>) target_semaphore(%run_scoped3A : memref<!tpu.dma_semaphore, #tpu.memory_space<semaphore_mem>>)
      %dma_wait3A = arith.constant 0 : i32
      %dma_wait3A_45 = tpu.memref_slice %arg8[%add3A_17, %dma_wait3A] : memref<10240x128xf32, #tpu.memory_space<vmem_shared>> -> memref<128x128xf32, #tpu.memory_space<vmem_shared>>
      %dma_wait3A_46 = arith.constant 0 : i32
      %dma_wait3A_47 = tpu.memref_slice %arg8[%add3A_17, %dma_wait3A_46] : memref<10240x128xf32, #tpu.memory_space<vmem_shared>> -> memref<128x128xf32, #tpu.memory_space<vmem_shared>>
      tpu.wait_dma2 semaphore(%run_scoped3A : memref<!tpu.dma_semaphore, #tpu.memory_space<semaphore_mem>>) src(%arg7 : memref<128x128xf32, #tpu.memory_space<vmem>>) dst(%dma_wait3A_47 : memref<128x128xf32, #tpu.memory_space<vmem_shared>>)
      tpu.yield
    }) : () -> ()
    %mul3A_18 = arith.constant 640 : i32
    %mul3A_19 = arith.muli %arg1, %mul3A_18 : i32
    %add3A_20 = arith.constant 256 : i32
    %add3A_21 = arith.addi %mul3A_19, %add3A_20 : i32
    "tpu.region"() ({
      %run_scoped3A = tpu.sem_alloc : memref<!tpu.dma_semaphore, #tpu.memory_space<semaphore_mem>>
      %dma_start3A = arith.constant 0 : i32
      %dma_start3A_42 = tpu.memref_slice %arg8[%add3A_21, %dma_start3A] : memref<10240x128xf32, #tpu.memory_space<vmem_shared>> -> memref<128x128xf32, #tpu.memory_space<vmem_shared>>
      %dma_start3A_43 = arith.constant 0 : i32
      %dma_start3A_44 = tpu.memref_slice %arg8[%add3A_21, %dma_start3A_43] : memref<10240x128xf32, #tpu.memory_space<vmem_shared>> -> memref<128x128xf32, #tpu.memory_space<vmem_shared>>
      tpu.enqueue_dma source(%arg7 : memref<128x128xf32, #tpu.memory_space<vmem>>) target(%dma_start3A_44 : memref<128x128xf32, #tpu.memory_space<vmem_shared>>) target_semaphore(%run_scoped3A : memref<!tpu.dma_semaphore, #tpu.memory_space<semaphore_mem>>)
      %dma_wait3A = arith.constant 0 : i32
      %dma_wait3A_45 = tpu.memref_slice %arg8[%add3A_21, %dma_wait3A] : memref<10240x128xf32, #tpu.memory_space<vmem_shared>> -> memref<128x128xf32, #tpu.memory_space<vmem_shared>>
      %dma_wait3A_46 = arith.constant 0 : i32
      %dma_wait3A_47 = tpu.memref_slice %arg8[%add3A_21, %dma_wait3A_46] : memref<10240x128xf32, #tpu.memory_space<vmem_shared>> -> memref<128x128xf32, #tpu.memory_space<vmem_shared>>
      tpu.wait_dma2 semaphore(%run_scoped3A : memref<!tpu.dma_semaphore, #tpu.memory_space<semaphore_mem>>) src(%arg7 : memref<128x128xf32, #tpu.memory_space<vmem>>) dst(%dma_wait3A_47 : memref<128x128xf32, #tpu.memory_space<vmem_shared>>)
      tpu.yield
    }) : () -> ()
    %mul3A_22 = arith.constant 640 : i32
    %mul3A_23 = arith.muli %arg1, %mul3A_22 : i32
    %add3A_24 = arith.constant 384 : i32
    %add3A_25 = arith.addi %mul3A_23, %add3A_24 : i32
    "tpu.region"() ({
      %run_scoped3A = tpu.sem_alloc : memref<!tpu.dma_semaphore, #tpu.memory_space<semaphore_mem>>
      %dma_start3A = arith.constant 0 : i32
      %dma_start3A_42 = tpu.memref_slice %arg8[%add3A_25, %dma_start3A] : memref<10240x128xf32, #tpu.memory_space<vmem_shared>> -> memref<128x128xf32, #tpu.memory_space<vmem_shared>>
      %dma_start3A_43 = arith.constant 0 : i32
      %dma_start3A_44 = tpu.memref_slice %arg8[%add3A_25, %dma_start3A_43] : memref<10240x128xf32, #tpu.memory_space<vmem_shared>> -> memref<128x128xf32, #tpu.memory_space<vmem_shared>>
      tpu.enqueue_dma source(%arg7 : memref<128x128xf32, #tpu.memory_space<vmem>>) target(%dma_start3A_44 : memref<128x128xf32, #tpu.memory_space<vmem_shared>>) target_semaphore(%run_scoped3A : memref<!tpu.dma_semaphore, #tpu.memory_space<semaphore_mem>>)
      %dma_wait3A = arith.constant 0 : i32
      %dma_wait3A_45 = tpu.memref_slice %arg8[%add3A_25, %dma_wait3A] : memref<10240x128xf32, #tpu.memory_space<vmem_shared>> -> memref<128x128xf32, #tpu.memory_space<vmem_shared>>
      %dma_wait3A_46 = arith.constant 0 : i32
      %dma_wait3A_47 = tpu.memref_slice %arg8[%add3A_25, %dma_wait3A_46] : memref<10240x128xf32, #tpu.memory_space<vmem_shared>> -> memref<128x128xf32, #tpu.memory_space<vmem_shared>>
      tpu.wait_dma2 semaphore(%run_scoped3A : memref<!tpu.dma_semaphore, #tpu.memory_space<semaphore_mem>>) src(%arg7 : memref<128x128xf32, #tpu.memory_space<vmem>>) dst(%dma_wait3A_47 : memref<128x128xf32, #tpu.memory_space<vmem_shared>>)
      tpu.yield
    }) : () -> ()
    %mul3A_26 = arith.constant 640 : i32
    %mul3A_27 = arith.muli %arg1, %mul3A_26 : i32
    %add3A_28 = arith.constant 512 : i32
    %add3A_29 = arith.addi %mul3A_27, %add3A_28 : i32
    "tpu.region"() ({
      %run_scoped3A = tpu.sem_alloc : memref<!tpu.dma_semaphore, #tpu.memory_space<semaphore_mem>>
      %dma_start3A = arith.constant 0 : i32
      %dma_start3A_42 = tpu.memref_slice %arg8[%add3A_29, %dma_start3A] : memref<10240x128xf32, #tpu.memory_space<vmem_shared>> -> memref<128x128xf32, #tpu.memory_space<vmem_shared>>
      %dma_start3A_43 = arith.constant 0 : i32
      %dma_start3A_44 = tpu.memref_slice %arg8[%add3A_29, %dma_start3A_43] : memref<10240x128xf32, #tpu.memory_space<vmem_shared>> -> memref<128x128xf32, #tpu.memory_space<vmem_shared>>
      tpu.enqueue_dma source(%arg7 : memref<128x128xf32, #tpu.memory_space<vmem>>) target(%dma_start3A_44 : memref<128x128xf32, #tpu.memory_space<vmem_shared>>) target_semaphore(%run_scoped3A : memref<!tpu.dma_semaphore, #tpu.memory_space<semaphore_mem>>)
      %dma_wait3A = arith.constant 0 : i32
      %dma_wait3A_45 = tpu.memref_slice %arg8[%add3A_29, %dma_wait3A] : memref<10240x128xf32, #tpu.memory_space<vmem_shared>> -> memref<128x128xf32, #tpu.memory_space<vmem_shared>>
      %dma_wait3A_46 = arith.constant 0 : i32
      %dma_wait3A_47 = tpu.memref_slice %arg8[%add3A_29, %dma_wait3A_46] : memref<10240x128xf32, #tpu.memory_space<vmem_shared>> -> memref<128x128xf32, #tpu.memory_space<vmem_shared>>
      tpu.wait_dma2 semaphore(%run_scoped3A : memref<!tpu.dma_semaphore, #tpu.memory_space<semaphore_mem>>) src(%arg7 : memref<128x128xf32, #tpu.memory_space<vmem>>) dst(%dma_wait3A_47 : memref<128x128xf32, #tpu.memory_space<vmem_shared>>)
      tpu.yield
    }) : () -> ()
    %barrier3A = arith.constant 0 : index
    tpu.barrier barrier_id(%barrier3A)
    %scan3A_30 = arith.constant 0 : i32
    %scan3A_31 = arith.constant 0 : i32
    %scan3A_32 = arith.constant 80 : i32
    %scan3A_33 = arith.addi %scan3A_31, %scan3A_32 : i32
    %scan3A_34 = arith.constant 1 : i32
    %scan3A_35 = scf.for %scan3A_42 = %scan3A_31 to %scan3A_33 step %scan3A_34 iter_args(%scan3A_43 = %scan3A_30) -> (i32)  : i32 {
      %mul3A_44 = arith.constant 80 : i32
      %mul3A_45 = arith.muli %add3A, %mul3A_44 : i32
      %add3A_46 = arith.addi %mul3A_45, %scan3A_42 : i32
      %mul3A_47 = arith.constant 128 : i32
      %mul3A_48 = arith.muli %add3A_46, %mul3A_47 : i32
      "tpu.region"() ({
        %run_scoped3A = tpu.sem_alloc : memref<!tpu.dma_semaphore, #tpu.memory_space<semaphore_mem>>
        %dma_start3A = arith.constant 0 : i32
        %dma_start3A_57 = tpu.memref_slice %arg2[%mul3A_48, %dma_start3A] : memref<327680x16xf32, #tpu.memory_space<hbm>> -> memref<128x16xf32, #tpu.memory_space<hbm>>
        %dma_start3A_58 = arith.constant 0 : i32
        %dma_start3A_59 = tpu.memref_slice %arg2[%mul3A_48, %dma_start3A_58] : memref<327680x16xf32, #tpu.memory_space<hbm>> -> memref<128x16xf32, #tpu.memory_space<hbm>>
        tpu.enqueue_dma source(%dma_start3A_59 : memref<128x16xf32, #tpu.memory_space<hbm>>) target(%arg6 : memref<128x16xf32, #tpu.memory_space<vmem>>) target_semaphore(%run_scoped3A : memref<!tpu.dma_semaphore, #tpu.memory_space<semaphore_mem>>)
        %dma_wait3A = arith.constant 0 : i32
        %dma_wait3A_60 = tpu.memref_slice %arg2[%mul3A_48, %dma_wait3A] : memref<327680x16xf32, #tpu.memory_space<hbm>> -> memref<128x16xf32, #tpu.memory_space<hbm>>
        %dma_wait3A_61 = arith.constant 0 : i32
        %dma_wait3A_62 = tpu.memref_slice %arg2[%mul3A_48, %dma_wait3A_61] : memref<327680x16xf32, #tpu.memory_space<hbm>> -> memref<128x16xf32, #tpu.memory_space<hbm>>
        tpu.wait_dma2 semaphore(%run_scoped3A : memref<!tpu.dma_semaphore, #tpu.memory_space<semaphore_mem>>) src(%dma_wait3A_62 : memref<128x16xf32, #tpu.memory_space<hbm>>) dst(%arg6 : memref<128x16xf32, #tpu.memory_space<vmem>>)
        tpu.yield
      }) : () -> ()
      %scan3A_49 = arith.constant 0 : i32
      %scan3A_50 = arith.constant 0 : i32
      %scan3A_51 = arith.constant 128 : i32
      %scan3A_52 = arith.addi %scan3A_50, %scan3A_51 : i32
      %scan3A_53 = arith.constant 1 : i32
      %scan3A_54 = scf.for %scan3A_57 = %scan3A_50 to %scan3A_52 step %scan3A_53 iter_args(%scan3A_58 = %scan3A_49) -> (i32)  : i32 {
        %get3A = arith.index_cast %scan3A_57 : i32 to index
        %get3A_59 = arith.constant 0 : index
        %get3A_60 = tpu.vector_load %arg6[%get3A, %get3A_59] {strides = array<i32>} : memref<128x16xf32, #tpu.memory_space<vmem>>, vector<1x16xf32>,
        %get3A_61 = vector.shape_cast %get3A_60 : vector<1x16xf32> to vector<16xf32>
        %swap3A = arith.index_cast %scan3A_57 : i32 to index
        %swap3A_62 = arith.constant 0 : index
        %swap3A_63 = tpu.vector_load %arg7[%swap3A, %swap3A_62] {strides = array<i32>} : memref<128x128xf32, #tpu.memory_space<vmem>>, vector<1x16xf32>,
        %swap3A_64 = vector.shape_cast %swap3A_63 : vector<1x16xf32> to vector<16xf32>
        %swap3A_65 = vector.shape_cast %get3A_61 : vector<16xf32> to vector<1x16xf32>
        tpu.vector_store %arg7[%swap3A, %swap3A_62], %swap3A_65 {strides = array<i32>} : memref<128x128xf32, #tpu.memory_space<vmem>>, vector<1x16xf32>,
        %scan3A_66 = arith.constant 0 : i32
        scf.yield %scan3A_66 : i32
      }
      %scan3A_55 = arith.constant 128 : i32
      "tpu.region"() ({
        %run_scoped3A = tpu.sem_alloc : memref<!tpu.dma_semaphore, #tpu.memory_space<semaphore_mem>>
        %dma_start3A = arith.constant 0 : i32
        %dma_start3A_57 = tpu.memref_slice %arg5[%scan3A_42, %dma_start3A] : memref<80x128xi32, #tpu.memory_space<vmem>> -> memref<1x128xi32, #tpu.memory_space<vmem>>
        %dma_start3A_58 = tpu.memref_squeeze %dma_start3A_57 : memref<1x128xi32, #tpu.memory_space<vmem>> -> memref<128xi32, #tpu.memory_space<vmem>>
        %dma_start3A_59 = arith.constant 0 : i32
        %dma_start3A_60 = arith.constant 0 : i32
        %dma_start3A_61 = tpu.memref_slice %arg8[%dma_start3A_59, %dma_start3A_60] : memref<10240x128xf32, #tpu.memory_space<vmem_shared>> -> memref<10240x128xf32, #tpu.memory_space<vmem_shared>>
        tpu.enqueue_indirect_dma source(%arg7 : memref<128x128xf32, #tpu.memory_space<vmem>>) target(%dma_start3A_61 : memref<10240x128xf32, #tpu.memory_space<vmem_shared>>) offsets(%dma_start3A_58 : memref<128xi32, #tpu.memory_space<vmem>>) semaphore(%run_scoped3A : memref<!tpu.dma_semaphore, #tpu.memory_space<semaphore_mem>>) {add = true}
        %dma_wait3A = arith.constant 0 : i32
        %dma_wait3A_62 = tpu.memref_slice %arg5[%scan3A_42, %dma_wait3A] : memref<80x128xi32, #tpu.memory_space<vmem>> -> memref<1x128xi32, #tpu.memory_space<vmem>>
        %dma_wait3A_63 = tpu.memref_squeeze %dma_wait3A_62 : memref<1x128xi32, #tpu.memory_space<vmem>> -> memref<128xi32, #tpu.memory_space<vmem>>
        %dma_wait3A_64 = arith.constant 0 : i32
        %dma_wait3A_65 = arith.constant 0 : i32
        %dma_wait3A_66 = tpu.memref_slice %arg8[%dma_wait3A_64, %dma_wait3A_65] : memref<10240x128xf32, #tpu.memory_space<vmem_shared>> -> memref<10240x128xf32, #tpu.memory_space<vmem_shared>>
        tpu.wait_indirect_dma semaphore(%run_scoped3A : memref<!tpu.dma_semaphore, #tpu.memory_space<semaphore_mem>>) src(%arg7 : memref<128x128xf32, #tpu.memory_space<vmem>>) dst(%dma_wait3A_66 : memref<10240x128xf32, #tpu.memory_space<vmem_shared>>)
        tpu.yield
      }) : () -> ()
      %scan3A_56 = arith.constant 0 : i32
      scf.yield %scan3A_56 : i32
    }
    %scan3A_36 = arith.constant 80 : i32
    %barrier3A_37 = arith.constant 0 : index
    tpu.barrier barrier_id(%barrier3A_37)
    %mul3A_38 = arith.constant 640 : i32
    %mul3A_39 = arith.muli %arg1, %mul3A_38 : i32
    %mul3A_40 = arith.constant 640 : i32
    %mul3A_41 = arith.muli %arg1, %mul3A_40 : i32
    "tpu.region"() ({
      %run_scoped3A = tpu.sem_alloc : memref<!tpu.dma_semaphore, #tpu.memory_space<semaphore_mem>>
      %dma_start3A = arith.constant 0 : i32
      %dma_start3A_42 = tpu.memref_slice %arg4[%arg0, %mul3A_41, %dma_start3A] : memref<2x10240x128xf32, #tpu.memory_space<hbm>> -> memref<1x640x128xf32, #tpu.memory_space<hbm>>
      %dma_start3A_43 = tpu.memref_squeeze %dma_start3A_42 : memref<1x640x128xf32, #tpu.memory_space<hbm>> -> memref<640x128xf32, #tpu.memory_space<hbm>>
      %dma_start3A_44 = arith.constant 0 : i32
      %dma_start3A_45 = tpu.memref_slice %arg8[%mul3A_39, %dma_start3A_44] : memref<10240x128xf32, #tpu.memory_space<vmem_shared>> -> memref<640x128xf32, #tpu.memory_space<vmem_shared>>
      tpu.enqueue_dma source(%dma_start3A_45 : memref<640x128xf32, #tpu.memory_space<vmem_shared>>) target(%dma_start3A_43 : memref<640x128xf32, #tpu.memory_space<hbm>>) target_semaphore(%run_scoped3A : memref<!tpu.dma_semaphore, #tpu.memory_space<semaphore_mem>>)
      %dma_wait3A = arith.constant 0 : i32
      %dma_wait3A_46 = tpu.memref_slice %arg4[%arg0, %mul3A_41, %dma_wait3A] : memref<2x10240x128xf32, #tpu.memory_space<hbm>> -> memref<1x640x128xf32, #tpu.memory_space<hbm>>
      %dma_wait3A_47 = tpu.memref_squeeze %dma_wait3A_46 : memref<1x640x128xf32, #tpu.memory_space<hbm>> -> memref<640x128xf32, #tpu.memory_space<hbm>>
      %dma_wait3A_48 = arith.constant 0 : i32
      %dma_wait3A_49 = tpu.memref_slice %arg8[%mul3A_39, %dma_wait3A_48] : memref<10240x128xf32, #tpu.memory_space<vmem_shared>> -> memref<640x128xf32, #tpu.memory_space<vmem_shared>>
      tpu.wait_dma2 semaphore(%run_scoped3A : memref<!tpu.dma_semaphore, #tpu.memory_space<semaphore_mem>>) src(%dma_wait3A_49 : memref<640x128xf32, #tpu.memory_space<vmem_shared>>) dst(%dma_wait3A_47 : memref<640x128xf32, #tpu.memory_space<hbm>>)
      tpu.yield
    }) : () -> ()
    return
  }
}

#map = affine_map<(d0, d1) -> (0, 0)>
#map1 = affine_map<(d0, d1) -> (0, 0, 0)>
module attributes {stable_mosaic.version = 14 : i64} {
  func.func @k(%arg0: i32, %arg1: i32, %arg2: memref<10000x128xf32, #tpu.memory_space<hbm>>, %arg3: memref<2560x128xi32, #tpu.memory_space<hbm>>, %arg4: memref<2560x128xi32, #tpu.memory_space<hbm>>, %arg5: memref<2x10240x128xf32, #tpu.memory_space<hbm>>, %arg6: memref<2x8x128xi32, #tpu.memory_space<vmem>>, %arg7: memref<2x8x128xi32, #tpu.memory_space<vmem>>, %arg8: memref<128x128xf32, #tpu.memory_space<vmem>>, %arg9: memref<128x128xf32, #tpu.memory_space<vmem>>, %arg10: memref<10240x128xf32, #tpu.memory_space<vmem_shared>>, %arg11: memref<!tpu.dma_semaphore, #tpu.memory_space<semaphore_mem>>, %arg12: memref<!tpu.dma_semaphore, #tpu.memory_space<semaphore_mem>>, %arg13: memref<!tpu.dma_semaphore, #tpu.memory_space<semaphore_mem>>, %arg14: memref<!tpu.dma_semaphore, #tpu.memory_space<semaphore_mem>>) attributes {dimension_semantics = [#tpu.dimension_semantics<core_parallel>, #tpu.dimension_semantics<subcore_parallel>], iteration_bounds = array<i64: 2, 16>, scalar_prefetch = 0 : i64, scratch_operands = 9 : i64, tpu.core_type = #tpu.core_type<sc_vector_subcore>, window_params = [{transform_indices = #map}, {transform_indices = #map}, {transform_indices = #map}, {transform_indices = #map1}]} {
    %eq3A = arith.constant 0 : i32
    %eq3A_0 = arith.cmpi eq, %arg0, %eq3A : i32
    %mul3A = arith.constant 96 : i32
    %mul3A_1 = arith.muli %arg1, %mul3A : i32
    %mul3A_2 = arith.constant 64 : i32
    %mul3A_3 = arith.muli %arg1, %mul3A_2 : i32
    %add3A = arith.constant 1536 : i32
    %add3A_4 = arith.addi %add3A, %mul3A_3 : i32
    %select_n3A = arith.select %eq3A_0, %mul3A_1, %add3A_4 : i32
    %eq3A_5 = arith.constant 0 : i32
    %eq3A_6 = arith.cmpi eq, %arg0, %eq3A_5 : i32
    %jit3A = arith.constant 12 : i32
    %jit3A_7 = arith.constant 8 : i32
    %select_n3A_8 = arith.select %eq3A_6, %jit3A, %jit3A_7 : i32
    %broadcast_in_dim3A = arith.constant 0.000000e+00 : f32
    %broadcast_in_dim3A_9 = vector.broadcast %broadcast_in_dim3A : f32 to vector<16xf32>
    %scan3A = arith.constant 0 : i32
    %scan3A_10 = arith.constant 0 : i32
    %scan3A_11 = arith.constant 128 : i32
    %scan3A_12 = arith.addi %scan3A_10, %scan3A_11 : i32
    %scan3A_13 = arith.constant 1 : i32
    %scan3A_14 = scf.for %scan3A_83 = %scan3A_10 to %scan3A_12 step %scan3A_13 iter_args(%scan3A_84 = %scan3A) -> (i32)  : i32 {
      %swap3A = arith.index_cast %scan3A_83 : i32 to index
      %swap3A_85 = arith.constant 0 : index
      %swap3A_86 = tpu.vector_load %arg8[%swap3A, %swap3A_85] {strides = array<i32>} : memref<128x128xf32, #tpu.memory_space<vmem>>, vector<1x16xf32>,
      %swap3A_87 = vector.shape_cast %swap3A_86 : vector<1x16xf32> to vector<16xf32>
      %swap3A_88 = vector.shape_cast %broadcast_in_dim3A_9 : vector<16xf32> to vector<1x16xf32>
      tpu.vector_store %arg8[%swap3A, %swap3A_85], %swap3A_88 {strides = array<i32>} : memref<128x128xf32, #tpu.memory_space<vmem>>, vector<1x16xf32>,
      %swap3A_89 = arith.index_cast %scan3A_83 : i32 to index
      %swap3A_90 = arith.constant 16 : index
      %swap3A_91 = tpu.vector_load %arg8[%swap3A_89, %swap3A_90] {strides = array<i32>} : memref<128x128xf32, #tpu.memory_space<vmem>>, vector<1x16xf32>,
      %swap3A_92 = vector.shape_cast %swap3A_91 : vector<1x16xf32> to vector<16xf32>
      %swap3A_93 = vector.shape_cast %broadcast_in_dim3A_9 : vector<16xf32> to vector<1x16xf32>
      tpu.vector_store %arg8[%swap3A_89, %swap3A_90], %swap3A_93 {strides = array<i32>} : memref<128x128xf32, #tpu.memory_space<vmem>>, vector<1x16xf32>,
      %swap3A_94 = arith.index_cast %scan3A_83 : i32 to index
      %swap3A_95 = arith.constant 32 : index
      %swap3A_96 = tpu.vector_load %arg8[%swap3A_94, %swap3A_95] {strides = array<i32>} : memref<128x128xf32, #tpu.memory_space<vmem>>, vector<1x16xf32>,
      %swap3A_97 = vector.shape_cast %swap3A_96 : vector<1x16xf32> to vector<16xf32>
      %swap3A_98 = vector.shape_cast %broadcast_in_dim3A_9 : vector<16xf32> to vector<1x16xf32>
      tpu.vector_store %arg8[%swap3A_94, %swap3A_95], %swap3A_98 {strides = array<i32>} : memref<128x128xf32, #tpu.memory_space<vmem>>, vector<1x16xf32>,
      %swap3A_99 = arith.index_cast %scan3A_83 : i32 to index
      %swap3A_100 = arith.constant 48 : index
      %swap3A_101 = tpu.vector_load %arg8[%swap3A_99, %swap3A_100] {strides = array<i32>} : memref<128x128xf32, #tpu.memory_space<vmem>>, vector<1x16xf32>,
      %swap3A_102 = vector.shape_cast %swap3A_101 : vector<1x16xf32> to vector<16xf32>
      %swap3A_103 = vector.shape_cast %broadcast_in_dim3A_9 : vector<16xf32> to vector<1x16xf32>
      tpu.vector_store %arg8[%swap3A_99, %swap3A_100], %swap3A_103 {strides = array<i32>} : memref<128x128xf32, #tpu.memory_space<vmem>>, vector<1x16xf32>,
      %swap3A_104 = arith.index_cast %scan3A_83 : i32 to index
      %swap3A_105 = arith.constant 64 : index
      %swap3A_106 = tpu.vector_load %arg8[%swap3A_104, %swap3A_105] {strides = array<i32>} : memref<128x128xf32, #tpu.memory_space<vmem>>, vector<1x16xf32>,
      %swap3A_107 = vector.shape_cast %swap3A_106 : vector<1x16xf32> to vector<16xf32>
      %swap3A_108 = vector.shape_cast %broadcast_in_dim3A_9 : vector<16xf32> to vector<1x16xf32>
      tpu.vector_store %arg8[%swap3A_104, %swap3A_105], %swap3A_108 {strides = array<i32>} : memref<128x128xf32, #tpu.memory_space<vmem>>, vector<1x16xf32>,
      %swap3A_109 = arith.index_cast %scan3A_83 : i32 to index
      %swap3A_110 = arith.constant 80 : index
      %swap3A_111 = tpu.vector_load %arg8[%swap3A_109, %swap3A_110] {strides = array<i32>} : memref<128x128xf32, #tpu.memory_space<vmem>>, vector<1x16xf32>,
      %swap3A_112 = vector.shape_cast %swap3A_111 : vector<1x16xf32> to vector<16xf32>
      %swap3A_113 = vector.shape_cast %broadcast_in_dim3A_9 : vector<16xf32> to vector<1x16xf32>
      tpu.vector_store %arg8[%swap3A_109, %swap3A_110], %swap3A_113 {strides = array<i32>} : memref<128x128xf32, #tpu.memory_space<vmem>>, vector<1x16xf32>,
      %swap3A_114 = arith.index_cast %scan3A_83 : i32 to index
      %swap3A_115 = arith.constant 96 : index
      %swap3A_116 = tpu.vector_load %arg8[%swap3A_114, %swap3A_115] {strides = array<i32>} : memref<128x128xf32, #tpu.memory_space<vmem>>, vector<1x16xf32>,
      %swap3A_117 = vector.shape_cast %swap3A_116 : vector<1x16xf32> to vector<16xf32>
      %swap3A_118 = vector.shape_cast %broadcast_in_dim3A_9 : vector<16xf32> to vector<1x16xf32>
      tpu.vector_store %arg8[%swap3A_114, %swap3A_115], %swap3A_118 {strides = array<i32>} : memref<128x128xf32, #tpu.memory_space<vmem>>, vector<1x16xf32>,
      %swap3A_119 = arith.index_cast %scan3A_83 : i32 to index
      %swap3A_120 = arith.constant 112 : index
      %swap3A_121 = tpu.vector_load %arg8[%swap3A_119, %swap3A_120] {strides = array<i32>} : memref<128x128xf32, #tpu.memory_space<vmem>>, vector<1x16xf32>,
      %swap3A_122 = vector.shape_cast %swap3A_121 : vector<1x16xf32> to vector<16xf32>
      %swap3A_123 = vector.shape_cast %broadcast_in_dim3A_9 : vector<16xf32> to vector<1x16xf32>
      tpu.vector_store %arg8[%swap3A_119, %swap3A_120], %swap3A_123 {strides = array<i32>} : memref<128x128xf32, #tpu.memory_space<vmem>>, vector<1x16xf32>,
      %scan3A_124 = arith.constant 0 : i32
      scf.yield %scan3A_124 : i32
    }
    %scan3A_15 = arith.constant 128 : i32
    %mul3A_16 = arith.constant 640 : i32
    %mul3A_17 = arith.muli %arg1, %mul3A_16 : i32
    %add3A_18 = arith.constant 0 : i32
    %add3A_19 = arith.addi %mul3A_17, %add3A_18 : i32
    "tpu.region"() ({
      %run_scoped3A_83 = tpu.sem_alloc : memref<!tpu.dma_semaphore, #tpu.memory_space<semaphore_mem>>
      %dma_start3A_84 = arith.constant 0 : i32
      %dma_start3A_85 = tpu.memref_slice %arg10[%add3A_19, %dma_start3A_84] : memref<10240x128xf32, #tpu.memory_space<vmem_shared>> -> memref<128x128xf32, #tpu.memory_space<vmem_shared>>
      %dma_start3A_86 = arith.constant 0 : i32
      %dma_start3A_87 = tpu.memref_slice %arg10[%add3A_19, %dma_start3A_86] : memref<10240x128xf32, #tpu.memory_space<vmem_shared>> -> memref<128x128xf32, #tpu.memory_space<vmem_shared>>
      tpu.enqueue_dma source(%arg8 : memref<128x128xf32, #tpu.memory_space<vmem>>) target(%dma_start3A_87 : memref<128x128xf32, #tpu.memory_space<vmem_shared>>) target_semaphore(%run_scoped3A_83 : memref<!tpu.dma_semaphore, #tpu.memory_space<semaphore_mem>>)
      %dma_wait3A_88 = arith.constant 0 : i32
      %dma_wait3A_89 = tpu.memref_slice %arg10[%add3A_19, %dma_wait3A_88] : memref<10240x128xf32, #tpu.memory_space<vmem_shared>> -> memref<128x128xf32, #tpu.memory_space<vmem_shared>>
      %dma_wait3A_90 = arith.constant 0 : i32
      %dma_wait3A_91 = tpu.memref_slice %arg10[%add3A_19, %dma_wait3A_90] : memref<10240x128xf32, #tpu.memory_space<vmem_shared>> -> memref<128x128xf32, #tpu.memory_space<vmem_shared>>
      tpu.wait_dma2 semaphore(%run_scoped3A_83 : memref<!tpu.dma_semaphore, #tpu.memory_space<semaphore_mem>>) src(%arg8 : memref<128x128xf32, #tpu.memory_space<vmem>>) dst(%dma_wait3A_91 : memref<128x128xf32, #tpu.memory_space<vmem_shared>>)
      tpu.yield
    }) : () -> ()
    %mul3A_20 = arith.constant 640 : i32
    %mul3A_21 = arith.muli %arg1, %mul3A_20 : i32
    %add3A_22 = arith.constant 128 : i32
    %add3A_23 = arith.addi %mul3A_21, %add3A_22 : i32
    "tpu.region"() ({
      %run_scoped3A_83 = tpu.sem_alloc : memref<!tpu.dma_semaphore, #tpu.memory_space<semaphore_mem>>
      %dma_start3A_84 = arith.constant 0 : i32
      %dma_start3A_85 = tpu.memref_slice %arg10[%add3A_23, %dma_start3A_84] : memref<10240x128xf32, #tpu.memory_space<vmem_shared>> -> memref<128x128xf32, #tpu.memory_space<vmem_shared>>
      %dma_start3A_86 = arith.constant 0 : i32
      %dma_start3A_87 = tpu.memref_slice %arg10[%add3A_23, %dma_start3A_86] : memref<10240x128xf32, #tpu.memory_space<vmem_shared>> -> memref<128x128xf32, #tpu.memory_space<vmem_shared>>
      tpu.enqueue_dma source(%arg8 : memref<128x128xf32, #tpu.memory_space<vmem>>) target(%dma_start3A_87 : memref<128x128xf32, #tpu.memory_space<vmem_shared>>) target_semaphore(%run_scoped3A_83 : memref<!tpu.dma_semaphore, #tpu.memory_space<semaphore_mem>>)
      %dma_wait3A_88 = arith.constant 0 : i32
      %dma_wait3A_89 = tpu.memref_slice %arg10[%add3A_23, %dma_wait3A_88] : memref<10240x128xf32, #tpu.memory_space<vmem_shared>> -> memref<128x128xf32, #tpu.memory_space<vmem_shared>>
      %dma_wait3A_90 = arith.constant 0 : i32
      %dma_wait3A_91 = tpu.memref_slice %arg10[%add3A_23, %dma_wait3A_90] : memref<10240x128xf32, #tpu.memory_space<vmem_shared>> -> memref<128x128xf32, #tpu.memory_space<vmem_shared>>
      tpu.wait_dma2 semaphore(%run_scoped3A_83 : memref<!tpu.dma_semaphore, #tpu.memory_space<semaphore_mem>>) src(%arg8 : memref<128x128xf32, #tpu.memory_space<vmem>>) dst(%dma_wait3A_91 : memref<128x128xf32, #tpu.memory_space<vmem_shared>>)
      tpu.yield
    }) : () -> ()
    %mul3A_24 = arith.constant 640 : i32
    %mul3A_25 = arith.muli %arg1, %mul3A_24 : i32
    %add3A_26 = arith.constant 256 : i32
    %add3A_27 = arith.addi %mul3A_25, %add3A_26 : i32
    "tpu.region"() ({
      %run_scoped3A_83 = tpu.sem_alloc : memref<!tpu.dma_semaphore, #tpu.memory_space<semaphore_mem>>
      %dma_start3A_84 = arith.constant 0 : i32
      %dma_start3A_85 = tpu.memref_slice %arg10[%add3A_27, %dma_start3A_84] : memref<10240x128xf32, #tpu.memory_space<vmem_shared>> -> memref<128x128xf32, #tpu.memory_space<vmem_shared>>
      %dma_start3A_86 = arith.constant 0 : i32
      %dma_start3A_87 = tpu.memref_slice %arg10[%add3A_27, %dma_start3A_86] : memref<10240x128xf32, #tpu.memory_space<vmem_shared>> -> memref<128x128xf32, #tpu.memory_space<vmem_shared>>
      tpu.enqueue_dma source(%arg8 : memref<128x128xf32, #tpu.memory_space<vmem>>) target(%dma_start3A_87 : memref<128x128xf32, #tpu.memory_space<vmem_shared>>) target_semaphore(%run_scoped3A_83 : memref<!tpu.dma_semaphore, #tpu.memory_space<semaphore_mem>>)
      %dma_wait3A_88 = arith.constant 0 : i32
      %dma_wait3A_89 = tpu.memref_slice %arg10[%add3A_27, %dma_wait3A_88] : memref<10240x128xf32, #tpu.memory_space<vmem_shared>> -> memref<128x128xf32, #tpu.memory_space<vmem_shared>>
      %dma_wait3A_90 = arith.constant 0 : i32
      %dma_wait3A_91 = tpu.memref_slice %arg10[%add3A_27, %dma_wait3A_90] : memref<10240x128xf32, #tpu.memory_space<vmem_shared>> -> memref<128x128xf32, #tpu.memory_space<vmem_shared>>
      tpu.wait_dma2 semaphore(%run_scoped3A_83 : memref<!tpu.dma_semaphore, #tpu.memory_space<semaphore_mem>>) src(%arg8 : memref<128x128xf32, #tpu.memory_space<vmem>>) dst(%dma_wait3A_91 : memref<128x128xf32, #tpu.memory_space<vmem_shared>>)
      tpu.yield
    }) : () -> ()
    %mul3A_28 = arith.constant 640 : i32
    %mul3A_29 = arith.muli %arg1, %mul3A_28 : i32
    %add3A_30 = arith.constant 384 : i32
    %add3A_31 = arith.addi %mul3A_29, %add3A_30 : i32
    "tpu.region"() ({
      %run_scoped3A_83 = tpu.sem_alloc : memref<!tpu.dma_semaphore, #tpu.memory_space<semaphore_mem>>
      %dma_start3A_84 = arith.constant 0 : i32
      %dma_start3A_85 = tpu.memref_slice %arg10[%add3A_31, %dma_start3A_84] : memref<10240x128xf32, #tpu.memory_space<vmem_shared>> -> memref<128x128xf32, #tpu.memory_space<vmem_shared>>
      %dma_start3A_86 = arith.constant 0 : i32
      %dma_start3A_87 = tpu.memref_slice %arg10[%add3A_31, %dma_start3A_86] : memref<10240x128xf32, #tpu.memory_space<vmem_shared>> -> memref<128x128xf32, #tpu.memory_space<vmem_shared>>
      tpu.enqueue_dma source(%arg8 : memref<128x128xf32, #tpu.memory_space<vmem>>) target(%dma_start3A_87 : memref<128x128xf32, #tpu.memory_space<vmem_shared>>) target_semaphore(%run_scoped3A_83 : memref<!tpu.dma_semaphore, #tpu.memory_space<semaphore_mem>>)
      %dma_wait3A_88 = arith.constant 0 : i32
      %dma_wait3A_89 = tpu.memref_slice %arg10[%add3A_31, %dma_wait3A_88] : memref<10240x128xf32, #tpu.memory_space<vmem_shared>> -> memref<128x128xf32, #tpu.memory_space<vmem_shared>>
      %dma_wait3A_90 = arith.constant 0 : i32
      %dma_wait3A_91 = tpu.memref_slice %arg10[%add3A_31, %dma_wait3A_90] : memref<10240x128xf32, #tpu.memory_space<vmem_shared>> -> memref<128x128xf32, #tpu.memory_space<vmem_shared>>
      tpu.wait_dma2 semaphore(%run_scoped3A_83 : memref<!tpu.dma_semaphore, #tpu.memory_space<semaphore_mem>>) src(%arg8 : memref<128x128xf32, #tpu.memory_space<vmem>>) dst(%dma_wait3A_91 : memref<128x128xf32, #tpu.memory_space<vmem_shared>>)
      tpu.yield
    }) : () -> ()
    %mul3A_32 = arith.constant 640 : i32
    %mul3A_33 = arith.muli %arg1, %mul3A_32 : i32
    %add3A_34 = arith.constant 512 : i32
    %add3A_35 = arith.addi %mul3A_33, %add3A_34 : i32
    "tpu.region"() ({
      %run_scoped3A_83 = tpu.sem_alloc : memref<!tpu.dma_semaphore, #tpu.memory_space<semaphore_mem>>
      %dma_start3A_84 = arith.constant 0 : i32
      %dma_start3A_85 = tpu.memref_slice %arg10[%add3A_35, %dma_start3A_84] : memref<10240x128xf32, #tpu.memory_space<vmem_shared>> -> memref<128x128xf32, #tpu.memory_space<vmem_shared>>
      %dma_start3A_86 = arith.constant 0 : i32
      %dma_start3A_87 = tpu.memref_slice %arg10[%add3A_35, %dma_start3A_86] : memref<10240x128xf32, #tpu.memory_space<vmem_shared>> -> memref<128x128xf32, #tpu.memory_space<vmem_shared>>
      tpu.enqueue_dma source(%arg8 : memref<128x128xf32, #tpu.memory_space<vmem>>) target(%dma_start3A_87 : memref<128x128xf32, #tpu.memory_space<vmem_shared>>) target_semaphore(%run_scoped3A_83 : memref<!tpu.dma_semaphore, #tpu.memory_space<semaphore_mem>>)
      %dma_wait3A_88 = arith.constant 0 : i32
      %dma_wait3A_89 = tpu.memref_slice %arg10[%add3A_35, %dma_wait3A_88] : memref<10240x128xf32, #tpu.memory_space<vmem_shared>> -> memref<128x128xf32, #tpu.memory_space<vmem_shared>>
      %dma_wait3A_90 = arith.constant 0 : i32
      %dma_wait3A_91 = tpu.memref_slice %arg10[%add3A_35, %dma_wait3A_90] : memref<10240x128xf32, #tpu.memory_space<vmem_shared>> -> memref<128x128xf32, #tpu.memory_space<vmem_shared>>
      tpu.wait_dma2 semaphore(%run_scoped3A_83 : memref<!tpu.dma_semaphore, #tpu.memory_space<semaphore_mem>>) src(%arg8 : memref<128x128xf32, #tpu.memory_space<vmem>>) dst(%dma_wait3A_91 : memref<128x128xf32, #tpu.memory_space<vmem_shared>>)
      tpu.yield
    }) : () -> ()
    %barrier3A = arith.constant 0 : index
    tpu.barrier barrier_id(%barrier3A)
    %run_scoped3A = arith.constant 0 : i32
    "tpu.region"() ({
      %run_scoped3A_83 = tpu.sem_alloc : memref<!tpu.dma_semaphore, #tpu.memory_space<semaphore_mem>>
      %dma_start3A_84 = arith.constant 0 : i32
      %dma_start3A_85 = arith.constant 0 : i32
      %dma_start3A_86 = tpu.memref_slice %arg6[%run_scoped3A, %dma_start3A_84, %dma_start3A_85] : memref<2x8x128xi32, #tpu.memory_space<vmem>> -> memref<1x8x128xi32, #tpu.memory_space<vmem>>
      %dma_start3A_87 = tpu.memref_squeeze %dma_start3A_86 : memref<1x8x128xi32, #tpu.memory_space<vmem>> -> memref<8x128xi32, #tpu.memory_space<vmem>>
      %dma_start3A_88 = arith.constant 0 : i32
      %dma_start3A_89 = tpu.memref_slice %arg3[%select_n3A, %dma_start3A_88] : memref<2560x128xi32, #tpu.memory_space<hbm>> -> memref<8x128xi32, #tpu.memory_space<hbm>>
      %dma_start3A_90 = arith.constant 0 : i32
      %dma_start3A_91 = arith.constant 0 : i32
      %dma_start3A_92 = tpu.memref_slice %arg6[%run_scoped3A, %dma_start3A_90, %dma_start3A_91] : memref<2x8x128xi32, #tpu.memory_space<vmem>> -> memref<1x8x128xi32, #tpu.memory_space<vmem>>
      %dma_start3A_93 = tpu.memref_squeeze %dma_start3A_92 : memref<1x8x128xi32, #tpu.memory_space<vmem>> -> memref<8x128xi32, #tpu.memory_space<vmem>>
      %dma_start3A_94 = arith.constant 0 : i32
      %dma_start3A_95 = tpu.memref_slice %arg3[%select_n3A, %dma_start3A_94] : memref<2560x128xi32, #tpu.memory_space<hbm>> -> memref<8x128xi32, #tpu.memory_space<hbm>>
      tpu.enqueue_dma source(%dma_start3A_95 : memref<8x128xi32, #tpu.memory_space<hbm>>) target(%dma_start3A_93 : memref<8x128xi32, #tpu.memory_space<vmem>>) target_semaphore(%run_scoped3A_83 : memref<!tpu.dma_semaphore, #tpu.memory_space<semaphore_mem>>)
      %dma_wait3A_96 = arith.constant 0 : i32
      %dma_wait3A_97 = arith.constant 0 : i32
      %dma_wait3A_98 = tpu.memref_slice %arg6[%run_scoped3A, %dma_wait3A_96, %dma_wait3A_97] : memref<2x8x128xi32, #tpu.memory_space<vmem>> -> memref<1x8x128xi32, #tpu.memory_space<vmem>>
      %dma_wait3A_99 = tpu.memref_squeeze %dma_wait3A_98 : memref<1x8x128xi32, #tpu.memory_space<vmem>> -> memref<8x128xi32, #tpu.memory_space<vmem>>
      %dma_wait3A_100 = arith.constant 0 : i32
      %dma_wait3A_101 = tpu.memref_slice %arg3[%select_n3A, %dma_wait3A_100] : memref<2560x128xi32, #tpu.memory_space<hbm>> -> memref<8x128xi32, #tpu.memory_space<hbm>>
      %dma_wait3A_102 = arith.constant 0 : i32
      %dma_wait3A_103 = arith.constant 0 : i32
      %dma_wait3A_104 = tpu.memref_slice %arg6[%run_scoped3A, %dma_wait3A_102, %dma_wait3A_103] : memref<2x8x128xi32, #tpu.memory_space<vmem>> -> memref<1x8x128xi32, #tpu.memory_space<vmem>>
      %dma_wait3A_105 = tpu.memref_squeeze %dma_wait3A_104 : memref<1x8x128xi32, #tpu.memory_space<vmem>> -> memref<8x128xi32, #tpu.memory_space<vmem>>
      %dma_wait3A_106 = arith.constant 0 : i32
      %dma_wait3A_107 = tpu.memref_slice %arg3[%select_n3A, %dma_wait3A_106] : memref<2560x128xi32, #tpu.memory_space<hbm>> -> memref<8x128xi32, #tpu.memory_space<hbm>>
      tpu.wait_dma2 semaphore(%run_scoped3A_83 : memref<!tpu.dma_semaphore, #tpu.memory_space<semaphore_mem>>) src(%dma_wait3A_107 : memref<8x128xi32, #tpu.memory_space<hbm>>) dst(%dma_wait3A_105 : memref<8x128xi32, #tpu.memory_space<vmem>>)
      tpu.yield
    }) : () -> ()
    %run_scoped3A_36 = arith.constant 0 : i32
    "tpu.region"() ({
      %run_scoped3A_83 = tpu.sem_alloc : memref<!tpu.dma_semaphore, #tpu.memory_space<semaphore_mem>>
      %dma_start3A_84 = arith.constant 0 : i32
      %dma_start3A_85 = arith.constant 0 : i32
      %dma_start3A_86 = tpu.memref_slice %arg7[%run_scoped3A_36, %dma_start3A_84, %dma_start3A_85] : memref<2x8x128xi32, #tpu.memory_space<vmem>> -> memref<1x8x128xi32, #tpu.memory_space<vmem>>
      %dma_start3A_87 = tpu.memref_squeeze %dma_start3A_86 : memref<1x8x128xi32, #tpu.memory_space<vmem>> -> memref<8x128xi32, #tpu.memory_space<vmem>>
      %dma_start3A_88 = arith.constant 0 : i32
      %dma_start3A_89 = tpu.memref_slice %arg4[%select_n3A, %dma_start3A_88] : memref<2560x128xi32, #tpu.memory_space<hbm>> -> memref<8x128xi32, #tpu.memory_space<hbm>>
      %dma_start3A_90 = arith.constant 0 : i32
      %dma_start3A_91 = arith.constant 0 : i32
      %dma_start3A_92 = tpu.memref_slice %arg7[%run_scoped3A_36, %dma_start3A_90, %dma_start3A_91] : memref<2x8x128xi32, #tpu.memory_space<vmem>> -> memref<1x8x128xi32, #tpu.memory_space<vmem>>
      %dma_start3A_93 = tpu.memref_squeeze %dma_start3A_92 : memref<1x8x128xi32, #tpu.memory_space<vmem>> -> memref<8x128xi32, #tpu.memory_space<vmem>>
      %dma_start3A_94 = arith.constant 0 : i32
      %dma_start3A_95 = tpu.memref_slice %arg4[%select_n3A, %dma_start3A_94] : memref<2560x128xi32, #tpu.memory_space<hbm>> -> memref<8x128xi32, #tpu.memory_space<hbm>>
      tpu.enqueue_dma source(%dma_start3A_95 : memref<8x128xi32, #tpu.memory_space<hbm>>) target(%dma_start3A_93 : memref<8x128xi32, #tpu.memory_space<vmem>>) target_semaphore(%run_scoped3A_83 : memref<!tpu.dma_semaphore, #tpu.memory_space<semaphore_mem>>)
      %dma_wait3A_96 = arith.constant 0 : i32
      %dma_wait3A_97 = arith.constant 0 : i32
      %dma_wait3A_98 = tpu.memref_slice %arg7[%run_scoped3A_36, %dma_wait3A_96, %dma_wait3A_97] : memref<2x8x128xi32, #tpu.memory_space<vmem>> -> memref<1x8x128xi32, #tpu.memory_space<vmem>>
      %dma_wait3A_99 = tpu.memref_squeeze %dma_wait3A_98 : memref<1x8x128xi32, #tpu.memory_space<vmem>> -> memref<8x128xi32, #tpu.memory_space<vmem>>
      %dma_wait3A_100 = arith.constant 0 : i32
      %dma_wait3A_101 = tpu.memref_slice %arg4[%select_n3A, %dma_wait3A_100] : memref<2560x128xi32, #tpu.memory_space<hbm>> -> memref<8x128xi32, #tpu.memory_space<hbm>>
      %dma_wait3A_102 = arith.constant 0 : i32
      %dma_wait3A_103 = arith.constant 0 : i32
      %dma_wait3A_104 = tpu.memref_slice %arg7[%run_scoped3A_36, %dma_wait3A_102, %dma_wait3A_103] : memref<2x8x128xi32, #tpu.memory_space<vmem>> -> memref<1x8x128xi32, #tpu.memory_space<vmem>>
      %dma_wait3A_105 = tpu.memref_squeeze %dma_wait3A_104 : memref<1x8x128xi32, #tpu.memory_space<vmem>> -> memref<8x128xi32, #tpu.memory_space<vmem>>
      %dma_wait3A_106 = arith.constant 0 : i32
      %dma_wait3A_107 = tpu.memref_slice %arg4[%select_n3A, %dma_wait3A_106] : memref<2560x128xi32, #tpu.memory_space<hbm>> -> memref<8x128xi32, #tpu.memory_space<hbm>>
      tpu.wait_dma2 semaphore(%run_scoped3A_83 : memref<!tpu.dma_semaphore, #tpu.memory_space<semaphore_mem>>) src(%dma_wait3A_107 : memref<8x128xi32, #tpu.memory_space<hbm>>) dst(%dma_wait3A_105 : memref<8x128xi32, #tpu.memory_space<vmem>>)
      tpu.yield
    }) : () -> ()
    %dma_start3A = arith.constant 0 : i32
    %dma_start3A_37 = arith.constant 0 : i32
    %dma_start3A_38 = arith.constant 0 : i32
    %dma_start3A_39 = tpu.memref_slice %arg6[%dma_start3A, %dma_start3A_37, %dma_start3A_38] : memref<2x8x128xi32, #tpu.memory_space<vmem>> -> memref<1x1x128xi32, #tpu.memory_space<vmem>>
    %dma_start3A_40 = tpu.memref_squeeze %dma_start3A_39 : memref<1x1x128xi32, #tpu.memory_space<vmem>> -> memref<128xi32, #tpu.memory_space<vmem>>
    %dma_start3A_41 = arith.constant 0 : i32
    %dma_start3A_42 = arith.constant 0 : i32
    %dma_start3A_43 = tpu.memref_slice %arg2[%dma_start3A_41, %dma_start3A_42] : memref<10000x128xf32, #tpu.memory_space<hbm>> -> memref<10000x128xf32, #tpu.memory_space<hbm>>
    tpu.enqueue_indirect_dma source(%dma_start3A_43 : memref<10000x128xf32, #tpu.memory_space<hbm>>) target(%arg8 : memref<128x128xf32, #tpu.memory_space<vmem>>) offsets(%dma_start3A_40 : memref<128xi32, #tpu.memory_space<vmem>>) semaphore(%arg11 : memref<!tpu.dma_semaphore, #tpu.memory_space<semaphore_mem>>)
    %dma_start3A_44 = arith.constant 0 : i32
    %dma_start3A_45 = arith.constant 1 : i32
    %dma_start3A_46 = arith.constant 0 : i32
    %dma_start3A_47 = tpu.memref_slice %arg6[%dma_start3A_44, %dma_start3A_45, %dma_start3A_46] : memref<2x8x128xi32, #tpu.memory_space<vmem>> -> memref<1x1x128xi32, #tpu.memory_space<vmem>>
    %dma_start3A_48 = tpu.memref_squeeze %dma_start3A_47 : memref<1x1x128xi32, #tpu.memory_space<vmem>> -> memref<128xi32, #tpu.memory_space<vmem>>
    %dma_start3A_49 = arith.constant 0 : i32
    %dma_start3A_50 = arith.constant 0 : i32
    %dma_start3A_51 = tpu.memref_slice %arg2[%dma_start3A_49, %dma_start3A_50] : memref<10000x128xf32, #tpu.memory_space<hbm>> -> memref<10000x128xf32, #tpu.memory_space<hbm>>
    tpu.enqueue_indirect_dma source(%dma_start3A_51 : memref<10000x128xf32, #tpu.memory_space<hbm>>) target(%arg9 : memref<128x128xf32, #tpu.memory_space<vmem>>) offsets(%dma_start3A_48 : memref<128xi32, #tpu.memory_space<vmem>>) semaphore(%arg12 : memref<!tpu.dma_semaphore, #tpu.memory_space<semaphore_mem>>)
    %while3A = arith.constant 0 : i32
    %while3A_52 = arith.constant 0 : i32
    %while3A_53 = arith.subi %select_n3A_8, %while3A : i32
    %while3A_54 = arith.addi %while3A, %while3A_53 : i32
    %while3A_55 = arith.constant 1 : i32
    %while3A_56 = arith.divsi %while3A_53, %while3A_55 : i32
    %while3A_57 = arith.muli %while3A_56, %while3A_55 : i32
    %while3A_58 = arith.addi %while3A, %while3A_57 : i32
    %while3A_59 = arith.constant 1 : i32
    %while3A_60 = scf.for %while3A_83 = %while3A to %while3A_58 step %while3A_59 iter_args(%while3A_84 = %while3A_52) -> (i32)  : i32 {
      %jit3A_85 = arith.constant 2 : i32
      %eq3A_86 = arith.constant 0 : i32
      %eq3A_87 = arith.cmpi eq, %jit3A_85, %eq3A_86 : i32
      %jit3A_88 = arith.constant 1 : i32
      %select_n3A_89 = arith.select %eq3A_87, %jit3A_88, %jit3A_85 : i32
      %rem3A = arith.remsi %while3A_83, %select_n3A_89 : i32
      %ne3A = arith.constant 0 : i32
      %ne3A_90 = arith.cmpi ne, %rem3A, %ne3A : i32
      %lt3A = arith.constant 0 : i32
      %lt3A_91 = arith.cmpi slt, %rem3A, %lt3A : i32
      %lt3A_92 = arith.constant 0 : i32
      %lt3A_93 = arith.cmpi slt, %select_n3A_89, %lt3A_92 : i32
      %ne3A_94 = arith.xori %lt3A_91, %lt3A_93 : i1
      %and3A = arith.andi %ne3A_94, %ne3A_90 : i1
      %add3A_95 = arith.addi %rem3A, %select_n3A_89 : i32
      %select_n3A_96 = arith.select %and3A, %add3A_95, %rem3A : i32
      %add3A_97 = arith.constant 1 : i32
      %add3A_98 = arith.addi %while3A_83, %add3A_97 : i32
      %jit3A_99 = arith.constant 2 : i32
      %eq3A_100 = arith.constant 0 : i32
      %eq3A_101 = arith.cmpi eq, %jit3A_99, %eq3A_100 : i32
      %jit3A_102 = arith.constant 1 : i32
      %select_n3A_103 = arith.select %eq3A_101, %jit3A_102, %jit3A_99 : i32
      %rem3A_104 = arith.remsi %add3A_98, %select_n3A_103 : i32
      %ne3A_105 = arith.constant 0 : i32
      %ne3A_106 = arith.cmpi ne, %rem3A_104, %ne3A_105 : i32
      %lt3A_107 = arith.constant 0 : i32
      %lt3A_108 = arith.cmpi slt, %rem3A_104, %lt3A_107 : i32
      %lt3A_109 = arith.constant 0 : i32
      %lt3A_110 = arith.cmpi slt, %select_n3A_103, %lt3A_109 : i32
      %ne3A_111 = arith.xori %lt3A_108, %lt3A_110 : i1
      %and3A_112 = arith.andi %ne3A_111, %ne3A_106 : i1
      %add3A_113 = arith.addi %rem3A_104, %select_n3A_103 : i32
      %select_n3A_114 = arith.select %and3A_112, %add3A_113, %rem3A_104 : i32
      %add3A_115 = arith.constant 1 : i32
      %add3A_116 = arith.addi %while3A_83, %add3A_115 : i32
      %sub3A = arith.constant 1 : i32
      %sub3A_117 = arith.subi %select_n3A_8, %sub3A : i32
      %min3A = arith.minsi %add3A_116, %sub3A_117 : i32
      %mul3A_118 = arith.constant 8 : i32
      %mul3A_119 = arith.muli %min3A, %mul3A_118 : i32
      %add3A_120 = arith.addi %select_n3A, %mul3A_119 : i32
      "tpu.region"() ({
        %run_scoped3A_365 = tpu.sem_alloc : memref<!tpu.dma_semaphore, #tpu.memory_space<semaphore_mem>>
        %dma_start3A_366 = arith.constant 0 : i32
        %dma_start3A_367 = arith.constant 0 : i32
        %dma_start3A_368 = tpu.memref_slice %arg6[%select_n3A_114, %dma_start3A_366, %dma_start3A_367] : memref<2x8x128xi32, #tpu.memory_space<vmem>> -> memref<1x8x128xi32, #tpu.memory_space<vmem>>
        %dma_start3A_369 = tpu.memref_squeeze %dma_start3A_368 : memref<1x8x128xi32, #tpu.memory_space<vmem>> -> memref<8x128xi32, #tpu.memory_space<vmem>>
        %dma_start3A_370 = arith.constant 0 : i32
        %dma_start3A_371 = tpu.memref_slice %arg3[%add3A_120, %dma_start3A_370] : memref<2560x128xi32, #tpu.memory_space<hbm>> -> memref<8x128xi32, #tpu.memory_space<hbm>>
        %dma_start3A_372 = arith.constant 0 : i32
        %dma_start3A_373 = arith.constant 0 : i32
        %dma_start3A_374 = tpu.memref_slice %arg6[%select_n3A_114, %dma_start3A_372, %dma_start3A_373] : memref<2x8x128xi32, #tpu.memory_space<vmem>> -> memref<1x8x128xi32, #tpu.memory_space<vmem>>
        %dma_start3A_375 = tpu.memref_squeeze %dma_start3A_374 : memref<1x8x128xi32, #tpu.memory_space<vmem>> -> memref<8x128xi32, #tpu.memory_space<vmem>>
        %dma_start3A_376 = arith.constant 0 : i32
        %dma_start3A_377 = tpu.memref_slice %arg3[%add3A_120, %dma_start3A_376] : memref<2560x128xi32, #tpu.memory_space<hbm>> -> memref<8x128xi32, #tpu.memory_space<hbm>>
        tpu.enqueue_dma source(%dma_start3A_377 : memref<8x128xi32, #tpu.memory_space<hbm>>) target(%dma_start3A_375 : memref<8x128xi32, #tpu.memory_space<vmem>>) target_semaphore(%run_scoped3A_365 : memref<!tpu.dma_semaphore, #tpu.memory_space<semaphore_mem>>)
        %dma_wait3A_378 = arith.constant 0 : i32
        %dma_wait3A_379 = arith.constant 0 : i32
        %dma_wait3A_380 = tpu.memref_slice %arg6[%select_n3A_114, %dma_wait3A_378, %dma_wait3A_379] : memref<2x8x128xi32, #tpu.memory_space<vmem>> -> memref<1x8x128xi32, #tpu.memory_space<vmem>>
        %dma_wait3A_381 = tpu.memref_squeeze %dma_wait3A_380 : memref<1x8x128xi32, #tpu.memory_space<vmem>> -> memref<8x128xi32, #tpu.memory_space<vmem>>
        %dma_wait3A_382 = arith.constant 0 : i32
        %dma_wait3A_383 = tpu.memref_slice %arg3[%add3A_120, %dma_wait3A_382] : memref<2560x128xi32, #tpu.memory_space<hbm>> -> memref<8x128xi32, #tpu.memory_space<hbm>>
        %dma_wait3A_384 = arith.constant 0 : i32
        %dma_wait3A_385 = arith.constant 0 : i32
        %dma_wait3A_386 = tpu.memref_slice %arg6[%select_n3A_114, %dma_wait3A_384, %dma_wait3A_385] : memref<2x8x128xi32, #tpu.memory_space<vmem>> -> memref<1x8x128xi32, #tpu.memory_space<vmem>>
        %dma_wait3A_387 = tpu.memref_squeeze %dma_wait3A_386 : memref<1x8x128xi32, #tpu.memory_space<vmem>> -> memref<8x128xi32, #tpu.memory_space<vmem>>
        %dma_wait3A_388 = arith.constant 0 : i32
        %dma_wait3A_389 = tpu.memref_slice %arg3[%add3A_120, %dma_wait3A_388] : memref<2560x128xi32, #tpu.memory_space<hbm>> -> memref<8x128xi32, #tpu.memory_space<hbm>>
        tpu.wait_dma2 semaphore(%run_scoped3A_365 : memref<!tpu.dma_semaphore, #tpu.memory_space<semaphore_mem>>) src(%dma_wait3A_389 : memref<8x128xi32, #tpu.memory_space<hbm>>) dst(%dma_wait3A_387 : memref<8x128xi32, #tpu.memory_space<vmem>>)
        tpu.yield
      }) : () -> ()
      %mul3A_121 = arith.constant 8 : i32
      %mul3A_122 = arith.muli %min3A, %mul3A_121 : i32
      %add3A_123 = arith.addi %select_n3A, %mul3A_122 : i32
      "tpu.region"() ({
        %run_scoped3A_365 = tpu.sem_alloc : memref<!tpu.dma_semaphore, #tpu.memory_space<semaphore_mem>>
        %dma_start3A_366 = arith.constant 0 : i32
        %dma_start3A_367 = arith.constant 0 : i32
        %dma_start3A_368 = tpu.memref_slice %arg7[%select_n3A_114, %dma_start3A_366, %dma_start3A_367] : memref<2x8x128xi32, #tpu.memory_space<vmem>> -> memref<1x8x128xi32, #tpu.memory_space<vmem>>
        %dma_start3A_369 = tpu.memref_squeeze %dma_start3A_368 : memref<1x8x128xi32, #tpu.memory_space<vmem>> -> memref<8x128xi32, #tpu.memory_space<vmem>>
        %dma_start3A_370 = arith.constant 0 : i32
        %dma_start3A_371 = tpu.memref_slice %arg4[%add3A_123, %dma_start3A_370] : memref<2560x128xi32, #tpu.memory_space<hbm>> -> memref<8x128xi32, #tpu.memory_space<hbm>>
        %dma_start3A_372 = arith.constant 0 : i32
        %dma_start3A_373 = arith.constant 0 : i32
        %dma_start3A_374 = tpu.memref_slice %arg7[%select_n3A_114, %dma_start3A_372, %dma_start3A_373] : memref<2x8x128xi32, #tpu.memory_space<vmem>> -> memref<1x8x128xi32, #tpu.memory_space<vmem>>
        %dma_start3A_375 = tpu.memref_squeeze %dma_start3A_374 : memref<1x8x128xi32, #tpu.memory_space<vmem>> -> memref<8x128xi32, #tpu.memory_space<vmem>>
        %dma_start3A_376 = arith.constant 0 : i32
        %dma_start3A_377 = tpu.memref_slice %arg4[%add3A_123, %dma_start3A_376] : memref<2560x128xi32, #tpu.memory_space<hbm>> -> memref<8x128xi32, #tpu.memory_space<hbm>>
        tpu.enqueue_dma source(%dma_start3A_377 : memref<8x128xi32, #tpu.memory_space<hbm>>) target(%dma_start3A_375 : memref<8x128xi32, #tpu.memory_space<vmem>>) target_semaphore(%run_scoped3A_365 : memref<!tpu.dma_semaphore, #tpu.memory_space<semaphore_mem>>)
        %dma_wait3A_378 = arith.constant 0 : i32
        %dma_wait3A_379 = arith.constant 0 : i32
        %dma_wait3A_380 = tpu.memref_slice %arg7[%select_n3A_114, %dma_wait3A_378, %dma_wait3A_379] : memref<2x8x128xi32, #tpu.memory_space<vmem>> -> memref<1x8x128xi32, #tpu.memory_space<vmem>>
        %dma_wait3A_381 = tpu.memref_squeeze %dma_wait3A_380 : memref<1x8x128xi32, #tpu.memory_space<vmem>> -> memref<8x128xi32, #tpu.memory_space<vmem>>
        %dma_wait3A_382 = arith.constant 0 : i32
        %dma_wait3A_383 = tpu.memref_slice %arg4[%add3A_123, %dma_wait3A_382] : memref<2560x128xi32, #tpu.memory_space<hbm>> -> memref<8x128xi32, #tpu.memory_space<hbm>>
        %dma_wait3A_384 = arith.constant 0 : i32
        %dma_wait3A_385 = arith.constant 0 : i32
        %dma_wait3A_386 = tpu.memref_slice %arg7[%select_n3A_114, %dma_wait3A_384, %dma_wait3A_385] : memref<2x8x128xi32, #tpu.memory_space<vmem>> -> memref<1x8x128xi32, #tpu.memory_space<vmem>>
        %dma_wait3A_387 = tpu.memref_squeeze %dma_wait3A_386 : memref<1x8x128xi32, #tpu.memory_space<vmem>> -> memref<8x128xi32, #tpu.memory_space<vmem>>
        %dma_wait3A_388 = arith.constant 0 : i32
        %dma_wait3A_389 = tpu.memref_slice %arg4[%add3A_123, %dma_wait3A_388] : memref<2560x128xi32, #tpu.memory_space<hbm>> -> memref<8x128xi32, #tpu.memory_space<hbm>>
        tpu.wait_dma2 semaphore(%run_scoped3A_365 : memref<!tpu.dma_semaphore, #tpu.memory_space<semaphore_mem>>) src(%dma_wait3A_389 : memref<8x128xi32, #tpu.memory_space<hbm>>) dst(%dma_wait3A_387 : memref<8x128xi32, #tpu.memory_space<vmem>>)
        tpu.yield
      }) : () -> ()
      %dma_wait3A_124 = arith.constant 0 : i32
      %dma_wait3A_125 = arith.constant 0 : i32
      %dma_wait3A_126 = arith.constant 0 : i32
      %dma_wait3A_127 = tpu.memref_slice %arg6[%dma_wait3A_124, %dma_wait3A_125, %dma_wait3A_126] : memref<2x8x128xi32, #tpu.memory_space<vmem>> -> memref<1x1x128xi32, #tpu.memory_space<vmem>>
      %dma_wait3A_128 = tpu.memref_squeeze %dma_wait3A_127 : memref<1x1x128xi32, #tpu.memory_space<vmem>> -> memref<128xi32, #tpu.memory_space<vmem>>
      %dma_wait3A_129 = arith.constant 0 : i32
      %dma_wait3A_130 = arith.constant 0 : i32
      %dma_wait3A_131 = tpu.memref_slice %arg2[%dma_wait3A_129, %dma_wait3A_130] : memref<10000x128xf32, #tpu.memory_space<hbm>> -> memref<10000x128xf32, #tpu.memory_space<hbm>>
      tpu.wait_indirect_dma semaphore(%arg11 : memref<!tpu.dma_semaphore, #tpu.memory_space<semaphore_mem>>) src(%dma_wait3A_131 : memref<10000x128xf32, #tpu.memory_space<hbm>>) dst(%arg8 : memref<128x128xf32, #tpu.memory_space<vmem>>)
      %dma_start3A_132 = arith.constant 0 : i32
      %dma_start3A_133 = arith.constant 0 : i32
      %dma_start3A_134 = tpu.memref_slice %arg7[%select_n3A_96, %dma_start3A_132, %dma_start3A_133] : memref<2x8x128xi32, #tpu.memory_space<vmem>> -> memref<1x1x128xi32, #tpu.memory_space<vmem>>
      %dma_start3A_135 = tpu.memref_squeeze %dma_start3A_134 : memref<1x1x128xi32, #tpu.memory_space<vmem>> -> memref<128xi32, #tpu.memory_space<vmem>>
      %dma_start3A_136 = arith.constant 0 : i32
      %dma_start3A_137 = arith.constant 0 : i32
      %dma_start3A_138 = tpu.memref_slice %arg10[%dma_start3A_136, %dma_start3A_137] : memref<10240x128xf32, #tpu.memory_space<vmem_shared>> -> memref<10240x128xf32, #tpu.memory_space<vmem_shared>>
      tpu.enqueue_indirect_dma source(%arg8 : memref<128x128xf32, #tpu.memory_space<vmem>>) target(%dma_start3A_138 : memref<10240x128xf32, #tpu.memory_space<vmem_shared>>) offsets(%dma_start3A_135 : memref<128xi32, #tpu.memory_space<vmem>>) semaphore(%arg13 : memref<!tpu.dma_semaphore, #tpu.memory_space<semaphore_mem>>) {add = true}
      %dma_wait3A_139 = arith.constant 0 : i32
      %dma_wait3A_140 = arith.constant 0 : i32
      %dma_wait3A_141 = arith.constant 0 : i32
      %dma_wait3A_142 = tpu.memref_slice %arg7[%dma_wait3A_139, %dma_wait3A_140, %dma_wait3A_141] : memref<2x8x128xi32, #tpu.memory_space<vmem>> -> memref<1x1x128xi32, #tpu.memory_space<vmem>>
      %dma_wait3A_143 = tpu.memref_squeeze %dma_wait3A_142 : memref<1x1x128xi32, #tpu.memory_space<vmem>> -> memref<128xi32, #tpu.memory_space<vmem>>
      %dma_wait3A_144 = arith.constant 0 : i32
      %dma_wait3A_145 = arith.constant 0 : i32
      %dma_wait3A_146 = tpu.memref_slice %arg10[%dma_wait3A_144, %dma_wait3A_145] : memref<10240x128xf32, #tpu.memory_space<vmem_shared>> -> memref<10240x128xf32, #tpu.memory_space<vmem_shared>>
      tpu.wait_indirect_dma semaphore(%arg13 : memref<!tpu.dma_semaphore, #tpu.memory_space<semaphore_mem>>) src(%arg8 : memref<128x128xf32, #tpu.memory_space<vmem>>) dst(%dma_wait3A_146 : memref<10240x128xf32, #tpu.memory_space<vmem_shared>>)
      %dma_start3A_147 = arith.constant 2 : i32
      %dma_start3A_148 = arith.constant 0 : i32
      %dma_start3A_149 = tpu.memref_slice %arg6[%select_n3A_96, %dma_start3A_147, %dma_start3A_148] : memref<2x8x128xi32, #tpu.memory_space<vmem>> -> memref<1x1x128xi32, #tpu.memory_space<vmem>>
      %dma_start3A_150 = tpu.memref_squeeze %dma_start3A_149 : memref<1x1x128xi32, #tpu.memory_space<vmem>> -> memref<128xi32, #tpu.memory_space<vmem>>
      %dma_start3A_151 = arith.constant 0 : i32
      %dma_start3A_152 = arith.constant 0 : i32
      %dma_start3A_153 = tpu.memref_slice %arg2[%dma_start3A_151, %dma_start3A_152] : memref<10000x128xf32, #tpu.memory_space<hbm>> -> memref<10000x128xf32, #tpu.memory_space<hbm>>
      tpu.enqueue_indirect_dma source(%dma_start3A_153 : memref<10000x128xf32, #tpu.memory_space<hbm>>) target(%arg8 : memref<128x128xf32, #tpu.memory_space<vmem>>) offsets(%dma_start3A_150 : memref<128xi32, #tpu.memory_space<vmem>>) semaphore(%arg11 : memref<!tpu.dma_semaphore, #tpu.memory_space<semaphore_mem>>)
      %dma_wait3A_154 = arith.constant 0 : i32
      %dma_wait3A_155 = arith.constant 0 : i32
      %dma_wait3A_156 = arith.constant 0 : i32
      %dma_wait3A_157 = tpu.memref_slice %arg6[%dma_wait3A_154, %dma_wait3A_155, %dma_wait3A_156] : memref<2x8x128xi32, #tpu.memory_space<vmem>> -> memref<1x1x128xi32, #tpu.memory_space<vmem>>
      %dma_wait3A_158 = tpu.memref_squeeze %dma_wait3A_157 : memref<1x1x128xi32, #tpu.memory_space<vmem>> -> memref<128xi32, #tpu.memory_space<vmem>>
      %dma_wait3A_159 = arith.constant 0 : i32
      %dma_wait3A_160 = arith.constant 0 : i32
      %dma_wait3A_161 = tpu.memref_slice %arg2[%dma_wait3A_159, %dma_wait3A_160] : memref<10000x128xf32, #tpu.memory_space<hbm>> -> memref<10000x128xf32, #tpu.memory_space<hbm>>
      tpu.wait_indirect_dma semaphore(%arg12 : memref<!tpu.dma_semaphore, #tpu.memory_space<semaphore_mem>>) src(%dma_wait3A_161 : memref<10000x128xf32, #tpu.memory_space<hbm>>) dst(%arg9 : memref<128x128xf32, #tpu.memory_space<vmem>>)
      %dma_start3A_162 = arith.constant 1 : i32
      %dma_start3A_163 = arith.constant 0 : i32
      %dma_start3A_164 = tpu.memref_slice %arg7[%select_n3A_96, %dma_start3A_162, %dma_start3A_163] : memref<2x8x128xi32, #tpu.memory_space<vmem>> -> memref<1x1x128xi32, #tpu.memory_space<vmem>>
      %dma_start3A_165 = tpu.memref_squeeze %dma_start3A_164 : memref<1x1x128xi32, #tpu.memory_space<vmem>> -> memref<128xi32, #tpu.memory_space<vmem>>
      %dma_start3A_166 = arith.constant 0 : i32
      %dma_start3A_167 = arith.constant 0 : i32
      %dma_start3A_168 = tpu.memref_slice %arg10[%dma_start3A_166, %dma_start3A_167] : memref<10240x128xf32, #tpu.memory_space<vmem_shared>> -> memref<10240x128xf32, #tpu.memory_space<vmem_shared>>
      tpu.enqueue_indirect_dma source(%arg9 : memref<128x128xf32, #tpu.memory_space<vmem>>) target(%dma_start3A_168 : memref<10240x128xf32, #tpu.memory_space<vmem_shared>>) offsets(%dma_start3A_165 : memref<128xi32, #tpu.memory_space<vmem>>) semaphore(%arg14 : memref<!tpu.dma_semaphore, #tpu.memory_space<semaphore_mem>>) {add = true}
      %dma_wait3A_169 = arith.constant 0 : i32
      %dma_wait3A_170 = arith.constant 0 : i32
      %dma_wait3A_171 = arith.constant 0 : i32
      %dma_wait3A_172 = tpu.memref_slice %arg7[%dma_wait3A_169, %dma_wait3A_170, %dma_wait3A_171] : memref<2x8x128xi32, #tpu.memory_space<vmem>> -> memref<1x1x128xi32, #tpu.memory_space<vmem>>
      %dma_wait3A_173 = tpu.memref_squeeze %dma_wait3A_172 : memref<1x1x128xi32, #tpu.memory_space<vmem>> -> memref<128xi32, #tpu.memory_space<vmem>>
      %dma_wait3A_174 = arith.constant 0 : i32
      %dma_wait3A_175 = arith.constant 0 : i32
      %dma_wait3A_176 = tpu.memref_slice %arg10[%dma_wait3A_174, %dma_wait3A_175] : memref<10240x128xf32, #tpu.memory_space<vmem_shared>> -> memref<10240x128xf32, #tpu.memory_space<vmem_shared>>
      tpu.wait_indirect_dma semaphore(%arg14 : memref<!tpu.dma_semaphore, #tpu.memory_space<semaphore_mem>>) src(%arg9 : memref<128x128xf32, #tpu.memory_space<vmem>>) dst(%dma_wait3A_176 : memref<10240x128xf32, #tpu.memory_space<vmem_shared>>)
      %dma_start3A_177 = arith.constant 3 : i32
      %dma_start3A_178 = arith.constant 0 : i32
      %dma_start3A_179 = tpu.memref_slice %arg6[%select_n3A_96, %dma_start3A_177, %dma_start3A_178] : memref<2x8x128xi32, #tpu.memory_space<vmem>> -> memref<1x1x128xi32, #tpu.memory_space<vmem>>
      %dma_start3A_180 = tpu.memref_squeeze %dma_start3A_179 : memref<1x1x128xi32, #tpu.memory_space<vmem>> -> memref<128xi32, #tpu.memory_space<vmem>>
      %dma_start3A_181 = arith.constant 0 : i32
      %dma_start3A_182 = arith.constant 0 : i32
      %dma_start3A_183 = tpu.memref_slice %arg2[%dma_start3A_181, %dma_start3A_182] : memref<10000x128xf32, #tpu.memory_space<hbm>> -> memref<10000x128xf32, #tpu.memory_space<hbm>>
      tpu.enqueue_indirect_dma source(%dma_start3A_183 : memref<10000x128xf32, #tpu.memory_space<hbm>>) target(%arg9 : memref<128x128xf32, #tpu.memory_space<vmem>>) offsets(%dma_start3A_180 : memref<128xi32, #tpu.memory_space<vmem>>) semaphore(%arg12 : memref<!tpu.dma_semaphore, #tpu.memory_space<semaphore_mem>>)
      %dma_wait3A_184 = arith.constant 0 : i32
      %dma_wait3A_185 = arith.constant 0 : i32
      %dma_wait3A_186 = arith.constant 0 : i32
      %dma_wait3A_187 = tpu.memref_slice %arg6[%dma_wait3A_184, %dma_wait3A_185, %dma_wait3A_186] : memref<2x8x128xi32, #tpu.memory_space<vmem>> -> memref<1x1x128xi32, #tpu.memory_space<vmem>>
      %dma_wait3A_188 = tpu.memref_squeeze %dma_wait3A_187 : memref<1x1x128xi32, #tpu.memory_space<vmem>> -> memref<128xi32, #tpu.memory_space<vmem>>
      %dma_wait3A_189 = arith.constant 0 : i32
      %dma_wait3A_190 = arith.constant 0 : i32
      %dma_wait3A_191 = tpu.memref_slice %arg2[%dma_wait3A_189, %dma_wait3A_190] : memref<10000x128xf32, #tpu.memory_space<hbm>> -> memref<10000x128xf32, #tpu.memory_space<hbm>>
      tpu.wait_indirect_dma semaphore(%arg11 : memref<!tpu.dma_semaphore, #tpu.memory_space<semaphore_mem>>) src(%dma_wait3A_191 : memref<10000x128xf32, #tpu.memory_space<hbm>>) dst(%arg8 : memref<128x128xf32, #tpu.memory_space<vmem>>)
      %dma_start3A_192 = arith.constant 2 : i32
      %dma_start3A_193 = arith.constant 0 : i32
      %dma_start3A_194 = tpu.memref_slice %arg7[%select_n3A_96, %dma_start3A_192, %dma_start3A_193] : memref<2x8x128xi32, #tpu.memory_space<vmem>> -> memref<1x1x128xi32, #tpu.memory_space<vmem>>
      %dma_start3A_195 = tpu.memref_squeeze %dma_start3A_194 : memref<1x1x128xi32, #tpu.memory_space<vmem>> -> memref<128xi32, #tpu.memory_space<vmem>>
      %dma_start3A_196 = arith.constant 0 : i32
      %dma_start3A_197 = arith.constant 0 : i32
      %dma_start3A_198 = tpu.memref_slice %arg10[%dma_start3A_196, %dma_start3A_197] : memref<10240x128xf32, #tpu.memory_space<vmem_shared>> -> memref<10240x128xf32, #tpu.memory_space<vmem_shared>>
      tpu.enqueue_indirect_dma source(%arg8 : memref<128x128xf32, #tpu.memory_space<vmem>>) target(%dma_start3A_198 : memref<10240x128xf32, #tpu.memory_space<vmem_shared>>) offsets(%dma_start3A_195 : memref<128xi32, #tpu.memory_space<vmem>>) semaphore(%arg13 : memref<!tpu.dma_semaphore, #tpu.memory_space<semaphore_mem>>) {add = true}
      %dma_wait3A_199 = arith.constant 0 : i32
      %dma_wait3A_200 = arith.constant 0 : i32
      %dma_wait3A_201 = arith.constant 0 : i32
      %dma_wait3A_202 = tpu.memref_slice %arg7[%dma_wait3A_199, %dma_wait3A_200, %dma_wait3A_201] : memref<2x8x128xi32, #tpu.memory_space<vmem>> -> memref<1x1x128xi32, #tpu.memory_space<vmem>>
      %dma_wait3A_203 = tpu.memref_squeeze %dma_wait3A_202 : memref<1x1x128xi32, #tpu.memory_space<vmem>> -> memref<128xi32, #tpu.memory_space<vmem>>
      %dma_wait3A_204 = arith.constant 0 : i32
      %dma_wait3A_205 = arith.constant 0 : i32
      %dma_wait3A_206 = tpu.memref_slice %arg10[%dma_wait3A_204, %dma_wait3A_205] : memref<10240x128xf32, #tpu.memory_space<vmem_shared>> -> memref<10240x128xf32, #tpu.memory_space<vmem_shared>>
      tpu.wait_indirect_dma semaphore(%arg13 : memref<!tpu.dma_semaphore, #tpu.memory_space<semaphore_mem>>) src(%arg8 : memref<128x128xf32, #tpu.memory_space<vmem>>) dst(%dma_wait3A_206 : memref<10240x128xf32, #tpu.memory_space<vmem_shared>>)
      %dma_start3A_207 = arith.constant 4 : i32
      %dma_start3A_208 = arith.constant 0 : i32
      %dma_start3A_209 = tpu.memref_slice %arg6[%select_n3A_96, %dma_start3A_207, %dma_start3A_208] : memref<2x8x128xi32, #tpu.memory_space<vmem>> -> memref<1x1x128xi32, #tpu.memory_space<vmem>>
      %dma_start3A_210 = tpu.memref_squeeze %dma_start3A_209 : memref<1x1x128xi32, #tpu.memory_space<vmem>> -> memref<128xi32, #tpu.memory_space<vmem>>
      %dma_start3A_211 = arith.constant 0 : i32
      %dma_start3A_212 = arith.constant 0 : i32
      %dma_start3A_213 = tpu.memref_slice %arg2[%dma_start3A_211, %dma_start3A_212] : memref<10000x128xf32, #tpu.memory_space<hbm>> -> memref<10000x128xf32, #tpu.memory_space<hbm>>
      tpu.enqueue_indirect_dma source(%dma_start3A_213 : memref<10000x128xf32, #tpu.memory_space<hbm>>) target(%arg8 : memref<128x128xf32, #tpu.memory_space<vmem>>) offsets(%dma_start3A_210 : memref<128xi32, #tpu.memory_space<vmem>>) semaphore(%arg11 : memref<!tpu.dma_semaphore, #tpu.memory_space<semaphore_mem>>)
      %dma_wait3A_214 = arith.constant 0 : i32
      %dma_wait3A_215 = arith.constant 0 : i32
      %dma_wait3A_216 = arith.constant 0 : i32
      %dma_wait3A_217 = tpu.memref_slice %arg6[%dma_wait3A_214, %dma_wait3A_215, %dma_wait3A_216] : memref<2x8x128xi32, #tpu.memory_space<vmem>> -> memref<1x1x128xi32, #tpu.memory_space<vmem>>
      %dma_wait3A_218 = tpu.memref_squeeze %dma_wait3A_217 : memref<1x1x128xi32, #tpu.memory_space<vmem>> -> memref<128xi32, #tpu.memory_space<vmem>>
      %dma_wait3A_219 = arith.constant 0 : i32
      %dma_wait3A_220 = arith.constant 0 : i32
      %dma_wait3A_221 = tpu.memref_slice %arg2[%dma_wait3A_219, %dma_wait3A_220] : memref<10000x128xf32, #tpu.memory_space<hbm>> -> memref<10000x128xf32, #tpu.memory_space<hbm>>
      tpu.wait_indirect_dma semaphore(%arg12 : memref<!tpu.dma_semaphore, #tpu.memory_space<semaphore_mem>>) src(%dma_wait3A_221 : memref<10000x128xf32, #tpu.memory_space<hbm>>) dst(%arg9 : memref<128x128xf32, #tpu.memory_space<vmem>>)
      %dma_start3A_222 = arith.constant 3 : i32
      %dma_start3A_223 = arith.constant 0 : i32
      %dma_start3A_224 = tpu.memref_slice %arg7[%select_n3A_96, %dma_start3A_222, %dma_start3A_223] : memref<2x8x128xi32, #tpu.memory_space<vmem>> -> memref<1x1x128xi32, #tpu.memory_space<vmem>>
      %dma_start3A_225 = tpu.memref_squeeze %dma_start3A_224 : memref<1x1x128xi32, #tpu.memory_space<vmem>> -> memref<128xi32, #tpu.memory_space<vmem>>
      %dma_start3A_226 = arith.constant 0 : i32
      %dma_start3A_227 = arith.constant 0 : i32
      %dma_start3A_228 = tpu.memref_slice %arg10[%dma_start3A_226, %dma_start3A_227] : memref<10240x128xf32, #tpu.memory_space<vmem_shared>> -> memref<10240x128xf32, #tpu.memory_space<vmem_shared>>
      tpu.enqueue_indirect_dma source(%arg9 : memref<128x128xf32, #tpu.memory_space<vmem>>) target(%dma_start3A_228 : memref<10240x128xf32, #tpu.memory_space<vmem_shared>>) offsets(%dma_start3A_225 : memref<128xi32, #tpu.memory_space<vmem>>) semaphore(%arg14 : memref<!tpu.dma_semaphore, #tpu.memory_space<semaphore_mem>>) {add = true}
      %dma_wait3A_229 = arith.constant 0 : i32
      %dma_wait3A_230 = arith.constant 0 : i32
      %dma_wait3A_231 = arith.constant 0 : i32
      %dma_wait3A_232 = tpu.memref_slice %arg7[%dma_wait3A_229, %dma_wait3A_230, %dma_wait3A_231] : memref<2x8x128xi32, #tpu.memory_space<vmem>> -> memref<1x1x128xi32, #tpu.memory_space<vmem>>
      %dma_wait3A_233 = tpu.memref_squeeze %dma_wait3A_232 : memref<1x1x128xi32, #tpu.memory_space<vmem>> -> memref<128xi32, #tpu.memory_space<vmem>>
      %dma_wait3A_234 = arith.constant 0 : i32
      %dma_wait3A_235 = arith.constant 0 : i32
      %dma_wait3A_236 = tpu.memref_slice %arg10[%dma_wait3A_234, %dma_wait3A_235] : memref<10240x128xf32, #tpu.memory_space<vmem_shared>> -> memref<10240x128xf32, #tpu.memory_space<vmem_shared>>
      tpu.wait_indirect_dma semaphore(%arg14 : memref<!tpu.dma_semaphore, #tpu.memory_space<semaphore_mem>>) src(%arg9 : memref<128x128xf32, #tpu.memory_space<vmem>>) dst(%dma_wait3A_236 : memref<10240x128xf32, #tpu.memory_space<vmem_shared>>)
      %dma_start3A_237 = arith.constant 5 : i32
      %dma_start3A_238 = arith.constant 0 : i32
      %dma_start3A_239 = tpu.memref_slice %arg6[%select_n3A_96, %dma_start3A_237, %dma_start3A_238] : memref<2x8x128xi32, #tpu.memory_space<vmem>> -> memref<1x1x128xi32, #tpu.memory_space<vmem>>
      %dma_start3A_240 = tpu.memref_squeeze %dma_start3A_239 : memref<1x1x128xi32, #tpu.memory_space<vmem>> -> memref<128xi32, #tpu.memory_space<vmem>>
      %dma_start3A_241 = arith.constant 0 : i32
      %dma_start3A_242 = arith.constant 0 : i32
      %dma_start3A_243 = tpu.memref_slice %arg2[%dma_start3A_241, %dma_start3A_242] : memref<10000x128xf32, #tpu.memory_space<hbm>> -> memref<10000x128xf32, #tpu.memory_space<hbm>>
      tpu.enqueue_indirect_dma source(%dma_start3A_243 : memref<10000x128xf32, #tpu.memory_space<hbm>>) target(%arg9 : memref<128x128xf32, #tpu.memory_space<vmem>>) offsets(%dma_start3A_240 : memref<128xi32, #tpu.memory_space<vmem>>) semaphore(%arg12 : memref<!tpu.dma_semaphore, #tpu.memory_space<semaphore_mem>>)
      %dma_wait3A_244 = arith.constant 0 : i32
      %dma_wait3A_245 = arith.constant 0 : i32
      %dma_wait3A_246 = arith.constant 0 : i32
      %dma_wait3A_247 = tpu.memref_slice %arg6[%dma_wait3A_244, %dma_wait3A_245, %dma_wait3A_246] : memref<2x8x128xi32, #tpu.memory_space<vmem>> -> memref<1x1x128xi32, #tpu.memory_space<vmem>>
      %dma_wait3A_248 = tpu.memref_squeeze %dma_wait3A_247 : memref<1x1x128xi32, #tpu.memory_space<vmem>> -> memref<128xi32, #tpu.memory_space<vmem>>
      %dma_wait3A_249 = arith.constant 0 : i32
      %dma_wait3A_250 = arith.constant 0 : i32
      %dma_wait3A_251 = tpu.memref_slice %arg2[%dma_wait3A_249, %dma_wait3A_250] : memref<10000x128xf32, #tpu.memory_space<hbm>> -> memref<10000x128xf32, #tpu.memory_space<hbm>>
      tpu.wait_indirect_dma semaphore(%arg11 : memref<!tpu.dma_semaphore, #tpu.memory_space<semaphore_mem>>) src(%dma_wait3A_251 : memref<10000x128xf32, #tpu.memory_space<hbm>>) dst(%arg8 : memref<128x128xf32, #tpu.memory_space<vmem>>)
      %dma_start3A_252 = arith.constant 4 : i32
      %dma_start3A_253 = arith.constant 0 : i32
      %dma_start3A_254 = tpu.memref_slice %arg7[%select_n3A_96, %dma_start3A_252, %dma_start3A_253] : memref<2x8x128xi32, #tpu.memory_space<vmem>> -> memref<1x1x128xi32, #tpu.memory_space<vmem>>
      %dma_start3A_255 = tpu.memref_squeeze %dma_start3A_254 : memref<1x1x128xi32, #tpu.memory_space<vmem>> -> memref<128xi32, #tpu.memory_space<vmem>>
      %dma_start3A_256 = arith.constant 0 : i32
      %dma_start3A_257 = arith.constant 0 : i32
      %dma_start3A_258 = tpu.memref_slice %arg10[%dma_start3A_256, %dma_start3A_257] : memref<10240x128xf32, #tpu.memory_space<vmem_shared>> -> memref<10240x128xf32, #tpu.memory_space<vmem_shared>>
      tpu.enqueue_indirect_dma source(%arg8 : memref<128x128xf32, #tpu.memory_space<vmem>>) target(%dma_start3A_258 : memref<10240x128xf32, #tpu.memory_space<vmem_shared>>) offsets(%dma_start3A_255 : memref<128xi32, #tpu.memory_space<vmem>>) semaphore(%arg13 : memref<!tpu.dma_semaphore, #tpu.memory_space<semaphore_mem>>) {add = true}
      %dma_wait3A_259 = arith.constant 0 : i32
      %dma_wait3A_260 = arith.constant 0 : i32
      %dma_wait3A_261 = arith.constant 0 : i32
      %dma_wait3A_262 = tpu.memref_slice %arg7[%dma_wait3A_259, %dma_wait3A_260, %dma_wait3A_261] : memref<2x8x128xi32, #tpu.memory_space<vmem>> -> memref<1x1x128xi32, #tpu.memory_space<vmem>>
      %dma_wait3A_263 = tpu.memref_squeeze %dma_wait3A_262 : memref<1x1x128xi32, #tpu.memory_space<vmem>> -> memref<128xi32, #tpu.memory_space<vmem>>
      %dma_wait3A_264 = arith.constant 0 : i32
      %dma_wait3A_265 = arith.constant 0 : i32
      %dma_wait3A_266 = tpu.memref_slice %arg10[%dma_wait3A_264, %dma_wait3A_265] : memref<10240x128xf32, #tpu.memory_space<vmem_shared>> -> memref<10240x128xf32, #tpu.memory_space<vmem_shared>>
      tpu.wait_indirect_dma semaphore(%arg13 : memref<!tpu.dma_semaphore, #tpu.memory_space<semaphore_mem>>) src(%arg8 : memref<128x128xf32, #tpu.memory_space<vmem>>) dst(%dma_wait3A_266 : memref<10240x128xf32, #tpu.memory_space<vmem_shared>>)
      %dma_start3A_267 = arith.constant 6 : i32
      %dma_start3A_268 = arith.constant 0 : i32
      %dma_start3A_269 = tpu.memref_slice %arg6[%select_n3A_96, %dma_start3A_267, %dma_start3A_268] : memref<2x8x128xi32, #tpu.memory_space<vmem>> -> memref<1x1x128xi32, #tpu.memory_space<vmem>>
      %dma_start3A_270 = tpu.memref_squeeze %dma_start3A_269 : memref<1x1x128xi32, #tpu.memory_space<vmem>> -> memref<128xi32, #tpu.memory_space<vmem>>
      %dma_start3A_271 = arith.constant 0 : i32
      %dma_start3A_272 = arith.constant 0 : i32
      %dma_start3A_273 = tpu.memref_slice %arg2[%dma_start3A_271, %dma_start3A_272] : memref<10000x128xf32, #tpu.memory_space<hbm>> -> memref<10000x128xf32, #tpu.memory_space<hbm>>
      tpu.enqueue_indirect_dma source(%dma_start3A_273 : memref<10000x128xf32, #tpu.memory_space<hbm>>) target(%arg8 : memref<128x128xf32, #tpu.memory_space<vmem>>) offsets(%dma_start3A_270 : memref<128xi32, #tpu.memory_space<vmem>>) semaphore(%arg11 : memref<!tpu.dma_semaphore, #tpu.memory_space<semaphore_mem>>)
      %dma_wait3A_274 = arith.constant 0 : i32
      %dma_wait3A_275 = arith.constant 0 : i32
      %dma_wait3A_276 = arith.constant 0 : i32
      %dma_wait3A_277 = tpu.memref_slice %arg6[%dma_wait3A_274, %dma_wait3A_275, %dma_wait3A_276] : memref<2x8x128xi32, #tpu.memory_space<vmem>> -> memref<1x1x128xi32, #tpu.memory_space<vmem>>
      %dma_wait3A_278 = tpu.memref_squeeze %dma_wait3A_277 : memref<1x1x128xi32, #tpu.memory_space<vmem>> -> memref<128xi32, #tpu.memory_space<vmem>>
      %dma_wait3A_279 = arith.constant 0 : i32
      %dma_wait3A_280 = arith.constant 0 : i32
      %dma_wait3A_281 = tpu.memref_slice %arg2[%dma_wait3A_279, %dma_wait3A_280] : memref<10000x128xf32, #tpu.memory_space<hbm>> -> memref<10000x128xf32, #tpu.memory_space<hbm>>
      tpu.wait_indirect_dma semaphore(%arg12 : memref<!tpu.dma_semaphore, #tpu.memory_space<semaphore_mem>>) src(%dma_wait3A_281 : memref<10000x128xf32, #tpu.memory_space<hbm>>) dst(%arg9 : memref<128x128xf32, #tpu.memory_space<vmem>>)
      %dma_start3A_282 = arith.constant 5 : i32
      %dma_start3A_283 = arith.constant 0 : i32
      %dma_start3A_284 = tpu.memref_slice %arg7[%select_n3A_96, %dma_start3A_282, %dma_start3A_283] : memref<2x8x128xi32, #tpu.memory_space<vmem>> -> memref<1x1x128xi32, #tpu.memory_space<vmem>>
      %dma_start3A_285 = tpu.memref_squeeze %dma_start3A_284 : memref<1x1x128xi32, #tpu.memory_space<vmem>> -> memref<128xi32, #tpu.memory_space<vmem>>
      %dma_start3A_286 = arith.constant 0 : i32
      %dma_start3A_287 = arith.constant 0 : i32
      %dma_start3A_288 = tpu.memref_slice %arg10[%dma_start3A_286, %dma_start3A_287] : memref<10240x128xf32, #tpu.memory_space<vmem_shared>> -> memref<10240x128xf32, #tpu.memory_space<vmem_shared>>
      tpu.enqueue_indirect_dma source(%arg9 : memref<128x128xf32, #tpu.memory_space<vmem>>) target(%dma_start3A_288 : memref<10240x128xf32, #tpu.memory_space<vmem_shared>>) offsets(%dma_start3A_285 : memref<128xi32, #tpu.memory_space<vmem>>) semaphore(%arg14 : memref<!tpu.dma_semaphore, #tpu.memory_space<semaphore_mem>>) {add = true}
      %dma_wait3A_289 = arith.constant 0 : i32
      %dma_wait3A_290 = arith.constant 0 : i32
      %dma_wait3A_291 = arith.constant 0 : i32
      %dma_wait3A_292 = tpu.memref_slice %arg7[%dma_wait3A_289, %dma_wait3A_290, %dma_wait3A_291] : memref<2x8x128xi32, #tpu.memory_space<vmem>> -> memref<1x1x128xi32, #tpu.memory_space<vmem>>
      %dma_wait3A_293 = tpu.memref_squeeze %dma_wait3A_292 : memref<1x1x128xi32, #tpu.memory_space<vmem>> -> memref<128xi32, #tpu.memory_space<vmem>>
      %dma_wait3A_294 = arith.constant 0 : i32
      %dma_wait3A_295 = arith.constant 0 : i32
      %dma_wait3A_296 = tpu.memref_slice %arg10[%dma_wait3A_294, %dma_wait3A_295] : memref<10240x128xf32, #tpu.memory_space<vmem_shared>> -> memref<10240x128xf32, #tpu.memory_space<vmem_shared>>
      tpu.wait_indirect_dma semaphore(%arg14 : memref<!tpu.dma_semaphore, #tpu.memory_space<semaphore_mem>>) src(%arg9 : memref<128x128xf32, #tpu.memory_space<vmem>>) dst(%dma_wait3A_296 : memref<10240x128xf32, #tpu.memory_space<vmem_shared>>)
      %dma_start3A_297 = arith.constant 7 : i32
      %dma_start3A_298 = arith.constant 0 : i32
      %dma_start3A_299 = tpu.memref_slice %arg6[%select_n3A_96, %dma_start3A_297, %dma_start3A_298] : memref<2x8x128xi32, #tpu.memory_space<vmem>> -> memref<1x1x128xi32, #tpu.memory_space<vmem>>
      %dma_start3A_300 = tpu.memref_squeeze %dma_start3A_299 : memref<1x1x128xi32, #tpu.memory_space<vmem>> -> memref<128xi32, #tpu.memory_space<vmem>>
      %dma_start3A_301 = arith.constant 0 : i32
      %dma_start3A_302 = arith.constant 0 : i32
      %dma_start3A_303 = tpu.memref_slice %arg2[%dma_start3A_301, %dma_start3A_302] : memref<10000x128xf32, #tpu.memory_space<hbm>> -> memref<10000x128xf32, #tpu.memory_space<hbm>>
      tpu.enqueue_indirect_dma source(%dma_start3A_303 : memref<10000x128xf32, #tpu.memory_space<hbm>>) target(%arg9 : memref<128x128xf32, #tpu.memory_space<vmem>>) offsets(%dma_start3A_300 : memref<128xi32, #tpu.memory_space<vmem>>) semaphore(%arg12 : memref<!tpu.dma_semaphore, #tpu.memory_space<semaphore_mem>>)
      %dma_wait3A_304 = arith.constant 0 : i32
      %dma_wait3A_305 = arith.constant 0 : i32
      %dma_wait3A_306 = arith.constant 0 : i32
      %dma_wait3A_307 = tpu.memref_slice %arg6[%dma_wait3A_304, %dma_wait3A_305, %dma_wait3A_306] : memref<2x8x128xi32, #tpu.memory_space<vmem>> -> memref<1x1x128xi32, #tpu.memory_space<vmem>>
      %dma_wait3A_308 = tpu.memref_squeeze %dma_wait3A_307 : memref<1x1x128xi32, #tpu.memory_space<vmem>> -> memref<128xi32, #tpu.memory_space<vmem>>
      %dma_wait3A_309 = arith.constant 0 : i32
      %dma_wait3A_310 = arith.constant 0 : i32
      %dma_wait3A_311 = tpu.memref_slice %arg2[%dma_wait3A_309, %dma_wait3A_310] : memref<10000x128xf32, #tpu.memory_space<hbm>> -> memref<10000x128xf32, #tpu.memory_space<hbm>>
      tpu.wait_indirect_dma semaphore(%arg11 : memref<!tpu.dma_semaphore, #tpu.memory_space<semaphore_mem>>) src(%dma_wait3A_311 : memref<10000x128xf32, #tpu.memory_space<hbm>>) dst(%arg8 : memref<128x128xf32, #tpu.memory_space<vmem>>)
      %dma_start3A_312 = arith.constant 6 : i32
      %dma_start3A_313 = arith.constant 0 : i32
      %dma_start3A_314 = tpu.memref_slice %arg7[%select_n3A_96, %dma_start3A_312, %dma_start3A_313] : memref<2x8x128xi32, #tpu.memory_space<vmem>> -> memref<1x1x128xi32, #tpu.memory_space<vmem>>
      %dma_start3A_315 = tpu.memref_squeeze %dma_start3A_314 : memref<1x1x128xi32, #tpu.memory_space<vmem>> -> memref<128xi32, #tpu.memory_space<vmem>>
      %dma_start3A_316 = arith.constant 0 : i32
      %dma_start3A_317 = arith.constant 0 : i32
      %dma_start3A_318 = tpu.memref_slice %arg10[%dma_start3A_316, %dma_start3A_317] : memref<10240x128xf32, #tpu.memory_space<vmem_shared>> -> memref<10240x128xf32, #tpu.memory_space<vmem_shared>>
      tpu.enqueue_indirect_dma source(%arg8 : memref<128x128xf32, #tpu.memory_space<vmem>>) target(%dma_start3A_318 : memref<10240x128xf32, #tpu.memory_space<vmem_shared>>) offsets(%dma_start3A_315 : memref<128xi32, #tpu.memory_space<vmem>>) semaphore(%arg13 : memref<!tpu.dma_semaphore, #tpu.memory_space<semaphore_mem>>) {add = true}
      %dma_wait3A_319 = arith.constant 0 : i32
      %dma_wait3A_320 = arith.constant 0 : i32
      %dma_wait3A_321 = arith.constant 0 : i32
      %dma_wait3A_322 = tpu.memref_slice %arg7[%dma_wait3A_319, %dma_wait3A_320, %dma_wait3A_321] : memref<2x8x128xi32, #tpu.memory_space<vmem>> -> memref<1x1x128xi32, #tpu.memory_space<vmem>>
      %dma_wait3A_323 = tpu.memref_squeeze %dma_wait3A_322 : memref<1x1x128xi32, #tpu.memory_space<vmem>> -> memref<128xi32, #tpu.memory_space<vmem>>
      %dma_wait3A_324 = arith.constant 0 : i32
      %dma_wait3A_325 = arith.constant 0 : i32
      %dma_wait3A_326 = tpu.memref_slice %arg10[%dma_wait3A_324, %dma_wait3A_325] : memref<10240x128xf32, #tpu.memory_space<vmem_shared>> -> memref<10240x128xf32, #tpu.memory_space<vmem_shared>>
      tpu.wait_indirect_dma semaphore(%arg13 : memref<!tpu.dma_semaphore, #tpu.memory_space<semaphore_mem>>) src(%arg8 : memref<128x128xf32, #tpu.memory_space<vmem>>) dst(%dma_wait3A_326 : memref<10240x128xf32, #tpu.memory_space<vmem_shared>>)
      %dma_start3A_327 = arith.constant 0 : i32
      %dma_start3A_328 = arith.constant 0 : i32
      %dma_start3A_329 = tpu.memref_slice %arg6[%select_n3A_114, %dma_start3A_327, %dma_start3A_328] : memref<2x8x128xi32, #tpu.memory_space<vmem>> -> memref<1x1x128xi32, #tpu.memory_space<vmem>>
      %dma_start3A_330 = tpu.memref_squeeze %dma_start3A_329 : memref<1x1x128xi32, #tpu.memory_space<vmem>> -> memref<128xi32, #tpu.memory_space<vmem>>
      %dma_start3A_331 = arith.constant 0 : i32
      %dma_start3A_332 = arith.constant 0 : i32
      %dma_start3A_333 = tpu.memref_slice %arg2[%dma_start3A_331, %dma_start3A_332] : memref<10000x128xf32, #tpu.memory_space<hbm>> -> memref<10000x128xf32, #tpu.memory_space<hbm>>
      tpu.enqueue_indirect_dma source(%dma_start3A_333 : memref<10000x128xf32, #tpu.memory_space<hbm>>) target(%arg8 : memref<128x128xf32, #tpu.memory_space<vmem>>) offsets(%dma_start3A_330 : memref<128xi32, #tpu.memory_space<vmem>>) semaphore(%arg11 : memref<!tpu.dma_semaphore, #tpu.memory_space<semaphore_mem>>)
      %dma_wait3A_334 = arith.constant 0 : i32
      %dma_wait3A_335 = arith.constant 0 : i32
      %dma_wait3A_336 = arith.constant 0 : i32
      %dma_wait3A_337 = tpu.memref_slice %arg6[%dma_wait3A_334, %dma_wait3A_335, %dma_wait3A_336] : memref<2x8x128xi32, #tpu.memory_space<vmem>> -> memref<1x1x128xi32, #tpu.memory_space<vmem>>
      %dma_wait3A_338 = tpu.memref_squeeze %dma_wait3A_337 : memref<1x1x128xi32, #tpu.memory_space<vmem>> -> memref<128xi32, #tpu.memory_space<vmem>>
      %dma_wait3A_339 = arith.constant 0 : i32
      %dma_wait3A_340 = arith.constant 0 : i32
      %dma_wait3A_341 = tpu.memref_slice %arg2[%dma_wait3A_339, %dma_wait3A_340] : memref<10000x128xf32, #tpu.memory_space<hbm>> -> memref<10000x128xf32, #tpu.memory_space<hbm>>
      tpu.wait_indirect_dma semaphore(%arg12 : memref<!tpu.dma_semaphore, #tpu.memory_space<semaphore_mem>>) src(%dma_wait3A_341 : memref<10000x128xf32, #tpu.memory_space<hbm>>) dst(%arg9 : memref<128x128xf32, #tpu.memory_space<vmem>>)
      %dma_start3A_342 = arith.constant 7 : i32
      %dma_start3A_343 = arith.constant 0 : i32
      %dma_start3A_344 = tpu.memref_slice %arg7[%select_n3A_96, %dma_start3A_342, %dma_start3A_343] : memref<2x8x128xi32, #tpu.memory_space<vmem>> -> memref<1x1x128xi32, #tpu.memory_space<vmem>>
      %dma_start3A_345 = tpu.memref_squeeze %dma_start3A_344 : memref<1x1x128xi32, #tpu.memory_space<vmem>> -> memref<128xi32, #tpu.memory_space<vmem>>
      %dma_start3A_346 = arith.constant 0 : i32
      %dma_start3A_347 = arith.constant 0 : i32
      %dma_start3A_348 = tpu.memref_slice %arg10[%dma_start3A_346, %dma_start3A_347] : memref<10240x128xf32, #tpu.memory_space<vmem_shared>> -> memref<10240x128xf32, #tpu.memory_space<vmem_shared>>
      tpu.enqueue_indirect_dma source(%arg9 : memref<128x128xf32, #tpu.memory_space<vmem>>) target(%dma_start3A_348 : memref<10240x128xf32, #tpu.memory_space<vmem_shared>>) offsets(%dma_start3A_345 : memref<128xi32, #tpu.memory_space<vmem>>) semaphore(%arg14 : memref<!tpu.dma_semaphore, #tpu.memory_space<semaphore_mem>>) {add = true}
      %dma_wait3A_349 = arith.constant 0 : i32
      %dma_wait3A_350 = arith.constant 0 : i32
      %dma_wait3A_351 = arith.constant 0 : i32
      %dma_wait3A_352 = tpu.memref_slice %arg7[%dma_wait3A_349, %dma_wait3A_350, %dma_wait3A_351] : memref<2x8x128xi32, #tpu.memory_space<vmem>> -> memref<1x1x128xi32, #tpu.memory_space<vmem>>
      %dma_wait3A_353 = tpu.memref_squeeze %dma_wait3A_352 : memref<1x1x128xi32, #tpu.memory_space<vmem>> -> memref<128xi32, #tpu.memory_space<vmem>>
      %dma_wait3A_354 = arith.constant 0 : i32
      %dma_wait3A_355 = arith.constant 0 : i32
      %dma_wait3A_356 = tpu.memref_slice %arg10[%dma_wait3A_354, %dma_wait3A_355] : memref<10240x128xf32, #tpu.memory_space<vmem_shared>> -> memref<10240x128xf32, #tpu.memory_space<vmem_shared>>
      tpu.wait_indirect_dma semaphore(%arg14 : memref<!tpu.dma_semaphore, #tpu.memory_space<semaphore_mem>>) src(%arg9 : memref<128x128xf32, #tpu.memory_space<vmem>>) dst(%dma_wait3A_356 : memref<10240x128xf32, #tpu.memory_space<vmem_shared>>)
      %dma_start3A_357 = arith.constant 1 : i32
      %dma_start3A_358 = arith.constant 0 : i32
      %dma_start3A_359 = tpu.memref_slice %arg6[%select_n3A_114, %dma_start3A_357, %dma_start3A_358] : memref<2x8x128xi32, #tpu.memory_space<vmem>> -> memref<1x1x128xi32, #tpu.memory_space<vmem>>
      %dma_start3A_360 = tpu.memref_squeeze %dma_start3A_359 : memref<1x1x128xi32, #tpu.memory_space<vmem>> -> memref<128xi32, #tpu.memory_space<vmem>>
      %dma_start3A_361 = arith.constant 0 : i32
      %dma_start3A_362 = arith.constant 0 : i32
      %dma_start3A_363 = tpu.memref_slice %arg2[%dma_start3A_361, %dma_start3A_362] : memref<10000x128xf32, #tpu.memory_space<hbm>> -> memref<10000x128xf32, #tpu.memory_space<hbm>>
      tpu.enqueue_indirect_dma source(%dma_start3A_363 : memref<10000x128xf32, #tpu.memory_space<hbm>>) target(%arg9 : memref<128x128xf32, #tpu.memory_space<vmem>>) offsets(%dma_start3A_360 : memref<128xi32, #tpu.memory_space<vmem>>) semaphore(%arg12 : memref<!tpu.dma_semaphore, #tpu.memory_space<semaphore_mem>>)
      %while3A_364 = arith.constant 0 : i32
      scf.yield %while3A_364 : i32
    }
    %while3A_61 = arith.constant 1 : i32
    %while3A_62 = scf.for %while3A_83 = %while3A_58 to %while3A_54 step %while3A_61 iter_args(%while3A_84 = %while3A_60) -> (i32)  : i32 {
      %jit3A_85 = arith.constant 2 : i32
      %eq3A_86 = arith.constant 0 : i32
      %eq3A_87 = arith.cmpi eq, %jit3A_85, %eq3A_86 : i32
      %jit3A_88 = arith.constant 1 : i32
      %select_n3A_89 = arith.select %eq3A_87, %jit3A_88, %jit3A_85 : i32
      %rem3A = arith.remsi %while3A_83, %select_n3A_89 : i32
      %ne3A = arith.constant 0 : i32
      %ne3A_90 = arith.cmpi ne, %rem3A, %ne3A : i32
      %lt3A = arith.constant 0 : i32
      %lt3A_91 = arith.cmpi slt, %rem3A, %lt3A : i32
      %lt3A_92 = arith.constant 0 : i32
      %lt3A_93 = arith.cmpi slt, %select_n3A_89, %lt3A_92 : i32
      %ne3A_94 = arith.xori %lt3A_91, %lt3A_93 : i1
      %and3A = arith.andi %ne3A_94, %ne3A_90 : i1
      %add3A_95 = arith.addi %rem3A, %select_n3A_89 : i32
      %select_n3A_96 = arith.select %and3A, %add3A_95, %rem3A : i32
      %add3A_97 = arith.constant 1 : i32
      %add3A_98 = arith.addi %while3A_83, %add3A_97 : i32
      %jit3A_99 = arith.constant 2 : i32
      %eq3A_100 = arith.constant 0 : i32
      %eq3A_101 = arith.cmpi eq, %jit3A_99, %eq3A_100 : i32
      %jit3A_102 = arith.constant 1 : i32
      %select_n3A_103 = arith.select %eq3A_101, %jit3A_102, %jit3A_99 : i32
      %rem3A_104 = arith.remsi %add3A_98, %select_n3A_103 : i32
      %ne3A_105 = arith.constant 0 : i32
      %ne3A_106 = arith.cmpi ne, %rem3A_104, %ne3A_105 : i32
      %lt3A_107 = arith.constant 0 : i32
      %lt3A_108 = arith.cmpi slt, %rem3A_104, %lt3A_107 : i32
      %lt3A_109 = arith.constant 0 : i32
      %lt3A_110 = arith.cmpi slt, %select_n3A_103, %lt3A_109 : i32
      %ne3A_111 = arith.xori %lt3A_108, %lt3A_110 : i1
      %and3A_112 = arith.andi %ne3A_111, %ne3A_106 : i1
      %add3A_113 = arith.addi %rem3A_104, %select_n3A_103 : i32
      %select_n3A_114 = arith.select %and3A_112, %add3A_113, %rem3A_104 : i32
      %add3A_115 = arith.constant 1 : i32
      %add3A_116 = arith.addi %while3A_83, %add3A_115 : i32
      %sub3A = arith.constant 1 : i32
      %sub3A_117 = arith.subi %select_n3A_8, %sub3A : i32
      %min3A = arith.minsi %add3A_116, %sub3A_117 : i32
      %mul3A_118 = arith.constant 8 : i32
      %mul3A_119 = arith.muli %min3A, %mul3A_118 : i32
      %add3A_120 = arith.addi %select_n3A, %mul3A_119 : i32
      "tpu.region"() ({
        %run_scoped3A_365 = tpu.sem_alloc : memref<!tpu.dma_semaphore, #tpu.memory_space<semaphore_mem>>
        %dma_start3A_366 = arith.constant 0 : i32
        %dma_start3A_367 = arith.constant 0 : i32
        %dma_start3A_368 = tpu.memref_slice %arg6[%select_n3A_114, %dma_start3A_366, %dma_start3A_367] : memref<2x8x128xi32, #tpu.memory_space<vmem>> -> memref<1x8x128xi32, #tpu.memory_space<vmem>>
        %dma_start3A_369 = tpu.memref_squeeze %dma_start3A_368 : memref<1x8x128xi32, #tpu.memory_space<vmem>> -> memref<8x128xi32, #tpu.memory_space<vmem>>
        %dma_start3A_370 = arith.constant 0 : i32
        %dma_start3A_371 = tpu.memref_slice %arg3[%add3A_120, %dma_start3A_370] : memref<2560x128xi32, #tpu.memory_space<hbm>> -> memref<8x128xi32, #tpu.memory_space<hbm>>
        %dma_start3A_372 = arith.constant 0 : i32
        %dma_start3A_373 = arith.constant 0 : i32
        %dma_start3A_374 = tpu.memref_slice %arg6[%select_n3A_114, %dma_start3A_372, %dma_start3A_373] : memref<2x8x128xi32, #tpu.memory_space<vmem>> -> memref<1x8x128xi32, #tpu.memory_space<vmem>>
        %dma_start3A_375 = tpu.memref_squeeze %dma_start3A_374 : memref<1x8x128xi32, #tpu.memory_space<vmem>> -> memref<8x128xi32, #tpu.memory_space<vmem>>
        %dma_start3A_376 = arith.constant 0 : i32
        %dma_start3A_377 = tpu.memref_slice %arg3[%add3A_120, %dma_start3A_376] : memref<2560x128xi32, #tpu.memory_space<hbm>> -> memref<8x128xi32, #tpu.memory_space<hbm>>
        tpu.enqueue_dma source(%dma_start3A_377 : memref<8x128xi32, #tpu.memory_space<hbm>>) target(%dma_start3A_375 : memref<8x128xi32, #tpu.memory_space<vmem>>) target_semaphore(%run_scoped3A_365 : memref<!tpu.dma_semaphore, #tpu.memory_space<semaphore_mem>>)
        %dma_wait3A_378 = arith.constant 0 : i32
        %dma_wait3A_379 = arith.constant 0 : i32
        %dma_wait3A_380 = tpu.memref_slice %arg6[%select_n3A_114, %dma_wait3A_378, %dma_wait3A_379] : memref<2x8x128xi32, #tpu.memory_space<vmem>> -> memref<1x8x128xi32, #tpu.memory_space<vmem>>
        %dma_wait3A_381 = tpu.memref_squeeze %dma_wait3A_380 : memref<1x8x128xi32, #tpu.memory_space<vmem>> -> memref<8x128xi32, #tpu.memory_space<vmem>>
        %dma_wait3A_382 = arith.constant 0 : i32
        %dma_wait3A_383 = tpu.memref_slice %arg3[%add3A_120, %dma_wait3A_382] : memref<2560x128xi32, #tpu.memory_space<hbm>> -> memref<8x128xi32, #tpu.memory_space<hbm>>
        %dma_wait3A_384 = arith.constant 0 : i32
        %dma_wait3A_385 = arith.constant 0 : i32
        %dma_wait3A_386 = tpu.memref_slice %arg6[%select_n3A_114, %dma_wait3A_384, %dma_wait3A_385] : memref<2x8x128xi32, #tpu.memory_space<vmem>> -> memref<1x8x128xi32, #tpu.memory_space<vmem>>
        %dma_wait3A_387 = tpu.memref_squeeze %dma_wait3A_386 : memref<1x8x128xi32, #tpu.memory_space<vmem>> -> memref<8x128xi32, #tpu.memory_space<vmem>>
        %dma_wait3A_388 = arith.constant 0 : i32
        %dma_wait3A_389 = tpu.memref_slice %arg3[%add3A_120, %dma_wait3A_388] : memref<2560x128xi32, #tpu.memory_space<hbm>> -> memref<8x128xi32, #tpu.memory_space<hbm>>
        tpu.wait_dma2 semaphore(%run_scoped3A_365 : memref<!tpu.dma_semaphore, #tpu.memory_space<semaphore_mem>>) src(%dma_wait3A_389 : memref<8x128xi32, #tpu.memory_space<hbm>>) dst(%dma_wait3A_387 : memref<8x128xi32, #tpu.memory_space<vmem>>)
        tpu.yield
      }) : () -> ()
      %mul3A_121 = arith.constant 8 : i32
      %mul3A_122 = arith.muli %min3A, %mul3A_121 : i32
      %add3A_123 = arith.addi %select_n3A, %mul3A_122 : i32
      "tpu.region"() ({
        %run_scoped3A_365 = tpu.sem_alloc : memref<!tpu.dma_semaphore, #tpu.memory_space<semaphore_mem>>
        %dma_start3A_366 = arith.constant 0 : i32
        %dma_start3A_367 = arith.constant 0 : i32
        %dma_start3A_368 = tpu.memref_slice %arg7[%select_n3A_114, %dma_start3A_366, %dma_start3A_367] : memref<2x8x128xi32, #tpu.memory_space<vmem>> -> memref<1x8x128xi32, #tpu.memory_space<vmem>>
        %dma_start3A_369 = tpu.memref_squeeze %dma_start3A_368 : memref<1x8x128xi32, #tpu.memory_space<vmem>> -> memref<8x128xi32, #tpu.memory_space<vmem>>
        %dma_start3A_370 = arith.constant 0 : i32
        %dma_start3A_371 = tpu.memref_slice %arg4[%add3A_123, %dma_start3A_370] : memref<2560x128xi32, #tpu.memory_space<hbm>> -> memref<8x128xi32, #tpu.memory_space<hbm>>
        %dma_start3A_372 = arith.constant 0 : i32
        %dma_start3A_373 = arith.constant 0 : i32
        %dma_start3A_374 = tpu.memref_slice %arg7[%select_n3A_114, %dma_start3A_372, %dma_start3A_373] : memref<2x8x128xi32, #tpu.memory_space<vmem>> -> memref<1x8x128xi32, #tpu.memory_space<vmem>>
        %dma_start3A_375 = tpu.memref_squeeze %dma_start3A_374 : memref<1x8x128xi32, #tpu.memory_space<vmem>> -> memref<8x128xi32, #tpu.memory_space<vmem>>
        %dma_start3A_376 = arith.constant 0 : i32
        %dma_start3A_377 = tpu.memref_slice %arg4[%add3A_123, %dma_start3A_376] : memref<2560x128xi32, #tpu.memory_space<hbm>> -> memref<8x128xi32, #tpu.memory_space<hbm>>
        tpu.enqueue_dma source(%dma_start3A_377 : memref<8x128xi32, #tpu.memory_space<hbm>>) target(%dma_start3A_375 : memref<8x128xi32, #tpu.memory_space<vmem>>) target_semaphore(%run_scoped3A_365 : memref<!tpu.dma_semaphore, #tpu.memory_space<semaphore_mem>>)
        %dma_wait3A_378 = arith.constant 0 : i32
        %dma_wait3A_379 = arith.constant 0 : i32
        %dma_wait3A_380 = tpu.memref_slice %arg7[%select_n3A_114, %dma_wait3A_378, %dma_wait3A_379] : memref<2x8x128xi32, #tpu.memory_space<vmem>> -> memref<1x8x128xi32, #tpu.memory_space<vmem>>
        %dma_wait3A_381 = tpu.memref_squeeze %dma_wait3A_380 : memref<1x8x128xi32, #tpu.memory_space<vmem>> -> memref<8x128xi32, #tpu.memory_space<vmem>>
        %dma_wait3A_382 = arith.constant 0 : i32
        %dma_wait3A_383 = tpu.memref_slice %arg4[%add3A_123, %dma_wait3A_382] : memref<2560x128xi32, #tpu.memory_space<hbm>> -> memref<8x128xi32, #tpu.memory_space<hbm>>
        %dma_wait3A_384 = arith.constant 0 : i32
        %dma_wait3A_385 = arith.constant 0 : i32
        %dma_wait3A_386 = tpu.memref_slice %arg7[%select_n3A_114, %dma_wait3A_384, %dma_wait3A_385] : memref<2x8x128xi32, #tpu.memory_space<vmem>> -> memref<1x8x128xi32, #tpu.memory_space<vmem>>
        %dma_wait3A_387 = tpu.memref_squeeze %dma_wait3A_386 : memref<1x8x128xi32, #tpu.memory_space<vmem>> -> memref<8x128xi32, #tpu.memory_space<vmem>>
        %dma_wait3A_388 = arith.constant 0 : i32
        %dma_wait3A_389 = tpu.memref_slice %arg4[%add3A_123, %dma_wait3A_388] : memref<2560x128xi32, #tpu.memory_space<hbm>> -> memref<8x128xi32, #tpu.memory_space<hbm>>
        tpu.wait_dma2 semaphore(%run_scoped3A_365 : memref<!tpu.dma_semaphore, #tpu.memory_space<semaphore_mem>>) src(%dma_wait3A_389 : memref<8x128xi32, #tpu.memory_space<hbm>>) dst(%dma_wait3A_387 : memref<8x128xi32, #tpu.memory_space<vmem>>)
        tpu.yield
      }) : () -> ()
      %dma_wait3A_124 = arith.constant 0 : i32
      %dma_wait3A_125 = arith.constant 0 : i32
      %dma_wait3A_126 = arith.constant 0 : i32
      %dma_wait3A_127 = tpu.memref_slice %arg6[%dma_wait3A_124, %dma_wait3A_125, %dma_wait3A_126] : memref<2x8x128xi32, #tpu.memory_space<vmem>> -> memref<1x1x128xi32, #tpu.memory_space<vmem>>
      %dma_wait3A_128 = tpu.memref_squeeze %dma_wait3A_127 : memref<1x1x128xi32, #tpu.memory_space<vmem>> -> memref<128xi32, #tpu.memory_space<vmem>>
      %dma_wait3A_129 = arith.constant 0 : i32
      %dma_wait3A_130 = arith.constant 0 : i32
      %dma_wait3A_131 = tpu.memref_slice %arg2[%dma_wait3A_129, %dma_wait3A_130] : memref<10000x128xf32, #tpu.memory_space<hbm>> -> memref<10000x128xf32, #tpu.memory_space<hbm>>
      tpu.wait_indirect_dma semaphore(%arg11 : memref<!tpu.dma_semaphore, #tpu.memory_space<semaphore_mem>>) src(%dma_wait3A_131 : memref<10000x128xf32, #tpu.memory_space<hbm>>) dst(%arg8 : memref<128x128xf32, #tpu.memory_space<vmem>>)
      %dma_start3A_132 = arith.constant 0 : i32
      %dma_start3A_133 = arith.constant 0 : i32
      %dma_start3A_134 = tpu.memref_slice %arg7[%select_n3A_96, %dma_start3A_132, %dma_start3A_133] : memref<2x8x128xi32, #tpu.memory_space<vmem>> -> memref<1x1x128xi32, #tpu.memory_space<vmem>>
      %dma_start3A_135 = tpu.memref_squeeze %dma_start3A_134 : memref<1x1x128xi32, #tpu.memory_space<vmem>> -> memref<128xi32, #tpu.memory_space<vmem>>
      %dma_start3A_136 = arith.constant 0 : i32
      %dma_start3A_137 = arith.constant 0 : i32
      %dma_start3A_138 = tpu.memref_slice %arg10[%dma_start3A_136, %dma_start3A_137] : memref<10240x128xf32, #tpu.memory_space<vmem_shared>> -> memref<10240x128xf32, #tpu.memory_space<vmem_shared>>
      tpu.enqueue_indirect_dma source(%arg8 : memref<128x128xf32, #tpu.memory_space<vmem>>) target(%dma_start3A_138 : memref<10240x128xf32, #tpu.memory_space<vmem_shared>>) offsets(%dma_start3A_135 : memref<128xi32, #tpu.memory_space<vmem>>) semaphore(%arg13 : memref<!tpu.dma_semaphore, #tpu.memory_space<semaphore_mem>>) {add = true}
      %dma_wait3A_139 = arith.constant 0 : i32
      %dma_wait3A_140 = arith.constant 0 : i32
      %dma_wait3A_141 = arith.constant 0 : i32
      %dma_wait3A_142 = tpu.memref_slice %arg7[%dma_wait3A_139, %dma_wait3A_140, %dma_wait3A_141] : memref<2x8x128xi32, #tpu.memory_space<vmem>> -> memref<1x1x128xi32, #tpu.memory_space<vmem>>
      %dma_wait3A_143 = tpu.memref_squeeze %dma_wait3A_142 : memref<1x1x128xi32, #tpu.memory_space<vmem>> -> memref<128xi32, #tpu.memory_space<vmem>>
      %dma_wait3A_144 = arith.constant 0 : i32
      %dma_wait3A_145 = arith.constant 0 : i32
      %dma_wait3A_146 = tpu.memref_slice %arg10[%dma_wait3A_144, %dma_wait3A_145] : memref<10240x128xf32, #tpu.memory_space<vmem_shared>> -> memref<10240x128xf32, #tpu.memory_space<vmem_shared>>
      tpu.wait_indirect_dma semaphore(%arg13 : memref<!tpu.dma_semaphore, #tpu.memory_space<semaphore_mem>>) src(%arg8 : memref<128x128xf32, #tpu.memory_space<vmem>>) dst(%dma_wait3A_146 : memref<10240x128xf32, #tpu.memory_space<vmem_shared>>)
      %dma_start3A_147 = arith.constant 2 : i32
      %dma_start3A_148 = arith.constant 0 : i32
      %dma_start3A_149 = tpu.memref_slice %arg6[%select_n3A_96, %dma_start3A_147, %dma_start3A_148] : memref<2x8x128xi32, #tpu.memory_space<vmem>> -> memref<1x1x128xi32, #tpu.memory_space<vmem>>
      %dma_start3A_150 = tpu.memref_squeeze %dma_start3A_149 : memref<1x1x128xi32, #tpu.memory_space<vmem>> -> memref<128xi32, #tpu.memory_space<vmem>>
      %dma_start3A_151 = arith.constant 0 : i32
      %dma_start3A_152 = arith.constant 0 : i32
      %dma_start3A_153 = tpu.memref_slice %arg2[%dma_start3A_151, %dma_start3A_152] : memref<10000x128xf32, #tpu.memory_space<hbm>> -> memref<10000x128xf32, #tpu.memory_space<hbm>>
      tpu.enqueue_indirect_dma source(%dma_start3A_153 : memref<10000x128xf32, #tpu.memory_space<hbm>>) target(%arg8 : memref<128x128xf32, #tpu.memory_space<vmem>>) offsets(%dma_start3A_150 : memref<128xi32, #tpu.memory_space<vmem>>) semaphore(%arg11 : memref<!tpu.dma_semaphore, #tpu.memory_space<semaphore_mem>>)
      %dma_wait3A_154 = arith.constant 0 : i32
      %dma_wait3A_155 = arith.constant 0 : i32
      %dma_wait3A_156 = arith.constant 0 : i32
      %dma_wait3A_157 = tpu.memref_slice %arg6[%dma_wait3A_154, %dma_wait3A_155, %dma_wait3A_156] : memref<2x8x128xi32, #tpu.memory_space<vmem>> -> memref<1x1x128xi32, #tpu.memory_space<vmem>>
      %dma_wait3A_158 = tpu.memref_squeeze %dma_wait3A_157 : memref<1x1x128xi32, #tpu.memory_space<vmem>> -> memref<128xi32, #tpu.memory_space<vmem>>
      %dma_wait3A_159 = arith.constant 0 : i32
      %dma_wait3A_160 = arith.constant 0 : i32
      %dma_wait3A_161 = tpu.memref_slice %arg2[%dma_wait3A_159, %dma_wait3A_160] : memref<10000x128xf32, #tpu.memory_space<hbm>> -> memref<10000x128xf32, #tpu.memory_space<hbm>>
      tpu.wait_indirect_dma semaphore(%arg12 : memref<!tpu.dma_semaphore, #tpu.memory_space<semaphore_mem>>) src(%dma_wait3A_161 : memref<10000x128xf32, #tpu.memory_space<hbm>>) dst(%arg9 : memref<128x128xf32, #tpu.memory_space<vmem>>)
      %dma_start3A_162 = arith.constant 1 : i32
      %dma_start3A_163 = arith.constant 0 : i32
      %dma_start3A_164 = tpu.memref_slice %arg7[%select_n3A_96, %dma_start3A_162, %dma_start3A_163] : memref<2x8x128xi32, #tpu.memory_space<vmem>> -> memref<1x1x128xi32, #tpu.memory_space<vmem>>
      %dma_start3A_165 = tpu.memref_squeeze %dma_start3A_164 : memref<1x1x128xi32, #tpu.memory_space<vmem>> -> memref<128xi32, #tpu.memory_space<vmem>>
      %dma_start3A_166 = arith.constant 0 : i32
      %dma_start3A_167 = arith.constant 0 : i32
      %dma_start3A_168 = tpu.memref_slice %arg10[%dma_start3A_166, %dma_start3A_167] : memref<10240x128xf32, #tpu.memory_space<vmem_shared>> -> memref<10240x128xf32, #tpu.memory_space<vmem_shared>>
      tpu.enqueue_indirect_dma source(%arg9 : memref<128x128xf32, #tpu.memory_space<vmem>>) target(%dma_start3A_168 : memref<10240x128xf32, #tpu.memory_space<vmem_shared>>) offsets(%dma_start3A_165 : memref<128xi32, #tpu.memory_space<vmem>>) semaphore(%arg14 : memref<!tpu.dma_semaphore, #tpu.memory_space<semaphore_mem>>) {add = true}
      %dma_wait3A_169 = arith.constant 0 : i32
      %dma_wait3A_170 = arith.constant 0 : i32
      %dma_wait3A_171 = arith.constant 0 : i32
      %dma_wait3A_172 = tpu.memref_slice %arg7[%dma_wait3A_169, %dma_wait3A_170, %dma_wait3A_171] : memref<2x8x128xi32, #tpu.memory_space<vmem>> -> memref<1x1x128xi32, #tpu.memory_space<vmem>>
      %dma_wait3A_173 = tpu.memref_squeeze %dma_wait3A_172 : memref<1x1x128xi32, #tpu.memory_space<vmem>> -> memref<128xi32, #tpu.memory_space<vmem>>
      %dma_wait3A_174 = arith.constant 0 : i32
      %dma_wait3A_175 = arith.constant 0 : i32
      %dma_wait3A_176 = tpu.memref_slice %arg10[%dma_wait3A_174, %dma_wait3A_175] : memref<10240x128xf32, #tpu.memory_space<vmem_shared>> -> memref<10240x128xf32, #tpu.memory_space<vmem_shared>>
      tpu.wait_indirect_dma semaphore(%arg14 : memref<!tpu.dma_semaphore, #tpu.memory_space<semaphore_mem>>) src(%arg9 : memref<128x128xf32, #tpu.memory_space<vmem>>) dst(%dma_wait3A_176 : memref<10240x128xf32, #tpu.memory_space<vmem_shared>>)
      %dma_start3A_177 = arith.constant 3 : i32
      %dma_start3A_178 = arith.constant 0 : i32
      %dma_start3A_179 = tpu.memref_slice %arg6[%select_n3A_96, %dma_start3A_177, %dma_start3A_178] : memref<2x8x128xi32, #tpu.memory_space<vmem>> -> memref<1x1x128xi32, #tpu.memory_space<vmem>>
      %dma_start3A_180 = tpu.memref_squeeze %dma_start3A_179 : memref<1x1x128xi32, #tpu.memory_space<vmem>> -> memref<128xi32, #tpu.memory_space<vmem>>
      %dma_start3A_181 = arith.constant 0 : i32
      %dma_start3A_182 = arith.constant 0 : i32
      %dma_start3A_183 = tpu.memref_slice %arg2[%dma_start3A_181, %dma_start3A_182] : memref<10000x128xf32, #tpu.memory_space<hbm>> -> memref<10000x128xf32, #tpu.memory_space<hbm>>
      tpu.enqueue_indirect_dma source(%dma_start3A_183 : memref<10000x128xf32, #tpu.memory_space<hbm>>) target(%arg9 : memref<128x128xf32, #tpu.memory_space<vmem>>) offsets(%dma_start3A_180 : memref<128xi32, #tpu.memory_space<vmem>>) semaphore(%arg12 : memref<!tpu.dma_semaphore, #tpu.memory_space<semaphore_mem>>)
      %dma_wait3A_184 = arith.constant 0 : i32
      %dma_wait3A_185 = arith.constant 0 : i32
      %dma_wait3A_186 = arith.constant 0 : i32
      %dma_wait3A_187 = tpu.memref_slice %arg6[%dma_wait3A_184, %dma_wait3A_185, %dma_wait3A_186] : memref<2x8x128xi32, #tpu.memory_space<vmem>> -> memref<1x1x128xi32, #tpu.memory_space<vmem>>
      %dma_wait3A_188 = tpu.memref_squeeze %dma_wait3A_187 : memref<1x1x128xi32, #tpu.memory_space<vmem>> -> memref<128xi32, #tpu.memory_space<vmem>>
      %dma_wait3A_189 = arith.constant 0 : i32
      %dma_wait3A_190 = arith.constant 0 : i32
      %dma_wait3A_191 = tpu.memref_slice %arg2[%dma_wait3A_189, %dma_wait3A_190] : memref<10000x128xf32, #tpu.memory_space<hbm>> -> memref<10000x128xf32, #tpu.memory_space<hbm>>
      tpu.wait_indirect_dma semaphore(%arg11 : memref<!tpu.dma_semaphore, #tpu.memory_space<semaphore_mem>>) src(%dma_wait3A_191 : memref<10000x128xf32, #tpu.memory_space<hbm>>) dst(%arg8 : memref<128x128xf32, #tpu.memory_space<vmem>>)
      %dma_start3A_192 = arith.constant 2 : i32
      %dma_start3A_193 = arith.constant 0 : i32
      %dma_start3A_194 = tpu.memref_slice %arg7[%select_n3A_96, %dma_start3A_192, %dma_start3A_193] : memref<2x8x128xi32, #tpu.memory_space<vmem>> -> memref<1x1x128xi32, #tpu.memory_space<vmem>>
      %dma_start3A_195 = tpu.memref_squeeze %dma_start3A_194 : memref<1x1x128xi32, #tpu.memory_space<vmem>> -> memref<128xi32, #tpu.memory_space<vmem>>
      %dma_start3A_196 = arith.constant 0 : i32
      %dma_start3A_197 = arith.constant 0 : i32
      %dma_start3A_198 = tpu.memref_slice %arg10[%dma_start3A_196, %dma_start3A_197] : memref<10240x128xf32, #tpu.memory_space<vmem_shared>> -> memref<10240x128xf32, #tpu.memory_space<vmem_shared>>
      tpu.enqueue_indirect_dma source(%arg8 : memref<128x128xf32, #tpu.memory_space<vmem>>) target(%dma_start3A_198 : memref<10240x128xf32, #tpu.memory_space<vmem_shared>>) offsets(%dma_start3A_195 : memref<128xi32, #tpu.memory_space<vmem>>) semaphore(%arg13 : memref<!tpu.dma_semaphore, #tpu.memory_space<semaphore_mem>>) {add = true}
      %dma_wait3A_199 = arith.constant 0 : i32
      %dma_wait3A_200 = arith.constant 0 : i32
      %dma_wait3A_201 = arith.constant 0 : i32
      %dma_wait3A_202 = tpu.memref_slice %arg7[%dma_wait3A_199, %dma_wait3A_200, %dma_wait3A_201] : memref<2x8x128xi32, #tpu.memory_space<vmem>> -> memref<1x1x128xi32, #tpu.memory_space<vmem>>
      %dma_wait3A_203 = tpu.memref_squeeze %dma_wait3A_202 : memref<1x1x128xi32, #tpu.memory_space<vmem>> -> memref<128xi32, #tpu.memory_space<vmem>>
      %dma_wait3A_204 = arith.constant 0 : i32
      %dma_wait3A_205 = arith.constant 0 : i32
      %dma_wait3A_206 = tpu.memref_slice %arg10[%dma_wait3A_204, %dma_wait3A_205] : memref<10240x128xf32, #tpu.memory_space<vmem_shared>> -> memref<10240x128xf32, #tpu.memory_space<vmem_shared>>
      tpu.wait_indirect_dma semaphore(%arg13 : memref<!tpu.dma_semaphore, #tpu.memory_space<semaphore_mem>>) src(%arg8 : memref<128x128xf32, #tpu.memory_space<vmem>>) dst(%dma_wait3A_206 : memref<10240x128xf32, #tpu.memory_space<vmem_shared>>)
      %dma_start3A_207 = arith.constant 4 : i32
      %dma_start3A_208 = arith.constant 0 : i32
      %dma_start3A_209 = tpu.memref_slice %arg6[%select_n3A_96, %dma_start3A_207, %dma_start3A_208] : memref<2x8x128xi32, #tpu.memory_space<vmem>> -> memref<1x1x128xi32, #tpu.memory_space<vmem>>
      %dma_start3A_210 = tpu.memref_squeeze %dma_start3A_209 : memref<1x1x128xi32, #tpu.memory_space<vmem>> -> memref<128xi32, #tpu.memory_space<vmem>>
      %dma_start3A_211 = arith.constant 0 : i32
      %dma_start3A_212 = arith.constant 0 : i32
      %dma_start3A_213 = tpu.memref_slice %arg2[%dma_start3A_211, %dma_start3A_212] : memref<10000x128xf32, #tpu.memory_space<hbm>> -> memref<10000x128xf32, #tpu.memory_space<hbm>>
      tpu.enqueue_indirect_dma source(%dma_start3A_213 : memref<10000x128xf32, #tpu.memory_space<hbm>>) target(%arg8 : memref<128x128xf32, #tpu.memory_space<vmem>>) offsets(%dma_start3A_210 : memref<128xi32, #tpu.memory_space<vmem>>) semaphore(%arg11 : memref<!tpu.dma_semaphore, #tpu.memory_space<semaphore_mem>>)
      %dma_wait3A_214 = arith.constant 0 : i32
      %dma_wait3A_215 = arith.constant 0 : i32
      %dma_wait3A_216 = arith.constant 0 : i32
      %dma_wait3A_217 = tpu.memref_slice %arg6[%dma_wait3A_214, %dma_wait3A_215, %dma_wait3A_216] : memref<2x8x128xi32, #tpu.memory_space<vmem>> -> memref<1x1x128xi32, #tpu.memory_space<vmem>>
      %dma_wait3A_218 = tpu.memref_squeeze %dma_wait3A_217 : memref<1x1x128xi32, #tpu.memory_space<vmem>> -> memref<128xi32, #tpu.memory_space<vmem>>
      %dma_wait3A_219 = arith.constant 0 : i32
      %dma_wait3A_220 = arith.constant 0 : i32
      %dma_wait3A_221 = tpu.memref_slice %arg2[%dma_wait3A_219, %dma_wait3A_220] : memref<10000x128xf32, #tpu.memory_space<hbm>> -> memref<10000x128xf32, #tpu.memory_space<hbm>>
      tpu.wait_indirect_dma semaphore(%arg12 : memref<!tpu.dma_semaphore, #tpu.memory_space<semaphore_mem>>) src(%dma_wait3A_221 : memref<10000x128xf32, #tpu.memory_space<hbm>>) dst(%arg9 : memref<128x128xf32, #tpu.memory_space<vmem>>)
      %dma_start3A_222 = arith.constant 3 : i32
      %dma_start3A_223 = arith.constant 0 : i32
      %dma_start3A_224 = tpu.memref_slice %arg7[%select_n3A_96, %dma_start3A_222, %dma_start3A_223] : memref<2x8x128xi32, #tpu.memory_space<vmem>> -> memref<1x1x128xi32, #tpu.memory_space<vmem>>
      %dma_start3A_225 = tpu.memref_squeeze %dma_start3A_224 : memref<1x1x128xi32, #tpu.memory_space<vmem>> -> memref<128xi32, #tpu.memory_space<vmem>>
      %dma_start3A_226 = arith.constant 0 : i32
      %dma_start3A_227 = arith.constant 0 : i32
      %dma_start3A_228 = tpu.memref_slice %arg10[%dma_start3A_226, %dma_start3A_227] : memref<10240x128xf32, #tpu.memory_space<vmem_shared>> -> memref<10240x128xf32, #tpu.memory_space<vmem_shared>>
      tpu.enqueue_indirect_dma source(%arg9 : memref<128x128xf32, #tpu.memory_space<vmem>>) target(%dma_start3A_228 : memref<10240x128xf32, #tpu.memory_space<vmem_shared>>) offsets(%dma_start3A_225 : memref<128xi32, #tpu.memory_space<vmem>>) semaphore(%arg14 : memref<!tpu.dma_semaphore, #tpu.memory_space<semaphore_mem>>) {add = true}
      %dma_wait3A_229 = arith.constant 0 : i32
      %dma_wait3A_230 = arith.constant 0 : i32
      %dma_wait3A_231 = arith.constant 0 : i32
      %dma_wait3A_232 = tpu.memref_slice %arg7[%dma_wait3A_229, %dma_wait3A_230, %dma_wait3A_231] : memref<2x8x128xi32, #tpu.memory_space<vmem>> -> memref<1x1x128xi32, #tpu.memory_space<vmem>>
      %dma_wait3A_233 = tpu.memref_squeeze %dma_wait3A_232 : memref<1x1x128xi32, #tpu.memory_space<vmem>> -> memref<128xi32, #tpu.memory_space<vmem>>
      %dma_wait3A_234 = arith.constant 0 : i32
      %dma_wait3A_235 = arith.constant 0 : i32
      %dma_wait3A_236 = tpu.memref_slice %arg10[%dma_wait3A_234, %dma_wait3A_235] : memref<10240x128xf32, #tpu.memory_space<vmem_shared>> -> memref<10240x128xf32, #tpu.memory_space<vmem_shared>>
      tpu.wait_indirect_dma semaphore(%arg14 : memref<!tpu.dma_semaphore, #tpu.memory_space<semaphore_mem>>) src(%arg9 : memref<128x128xf32, #tpu.memory_space<vmem>>) dst(%dma_wait3A_236 : memref<10240x128xf32, #tpu.memory_space<vmem_shared>>)
      %dma_start3A_237 = arith.constant 5 : i32
      %dma_start3A_238 = arith.constant 0 : i32
      %dma_start3A_239 = tpu.memref_slice %arg6[%select_n3A_96, %dma_start3A_237, %dma_start3A_238] : memref<2x8x128xi32, #tpu.memory_space<vmem>> -> memref<1x1x128xi32, #tpu.memory_space<vmem>>
      %dma_start3A_240 = tpu.memref_squeeze %dma_start3A_239 : memref<1x1x128xi32, #tpu.memory_space<vmem>> -> memref<128xi32, #tpu.memory_space<vmem>>
      %dma_start3A_241 = arith.constant 0 : i32
      %dma_start3A_242 = arith.constant 0 : i32
      %dma_start3A_243 = tpu.memref_slice %arg2[%dma_start3A_241, %dma_start3A_242] : memref<10000x128xf32, #tpu.memory_space<hbm>> -> memref<10000x128xf32, #tpu.memory_space<hbm>>
      tpu.enqueue_indirect_dma source(%dma_start3A_243 : memref<10000x128xf32, #tpu.memory_space<hbm>>) target(%arg9 : memref<128x128xf32, #tpu.memory_space<vmem>>) offsets(%dma_start3A_240 : memref<128xi32, #tpu.memory_space<vmem>>) semaphore(%arg12 : memref<!tpu.dma_semaphore, #tpu.memory_space<semaphore_mem>>)
      %dma_wait3A_244 = arith.constant 0 : i32
      %dma_wait3A_245 = arith.constant 0 : i32
      %dma_wait3A_246 = arith.constant 0 : i32
      %dma_wait3A_247 = tpu.memref_slice %arg6[%dma_wait3A_244, %dma_wait3A_245, %dma_wait3A_246] : memref<2x8x128xi32, #tpu.memory_space<vmem>> -> memref<1x1x128xi32, #tpu.memory_space<vmem>>
      %dma_wait3A_248 = tpu.memref_squeeze %dma_wait3A_247 : memref<1x1x128xi32, #tpu.memory_space<vmem>> -> memref<128xi32, #tpu.memory_space<vmem>>
      %dma_wait3A_249 = arith.constant 0 : i32
      %dma_wait3A_250 = arith.constant 0 : i32
      %dma_wait3A_251 = tpu.memref_slice %arg2[%dma_wait3A_249, %dma_wait3A_250] : memref<10000x128xf32, #tpu.memory_space<hbm>> -> memref<10000x128xf32, #tpu.memory_space<hbm>>
      tpu.wait_indirect_dma semaphore(%arg11 : memref<!tpu.dma_semaphore, #tpu.memory_space<semaphore_mem>>) src(%dma_wait3A_251 : memref<10000x128xf32, #tpu.memory_space<hbm>>) dst(%arg8 : memref<128x128xf32, #tpu.memory_space<vmem>>)
      %dma_start3A_252 = arith.constant 4 : i32
      %dma_start3A_253 = arith.constant 0 : i32
      %dma_start3A_254 = tpu.memref_slice %arg7[%select_n3A_96, %dma_start3A_252, %dma_start3A_253] : memref<2x8x128xi32, #tpu.memory_space<vmem>> -> memref<1x1x128xi32, #tpu.memory_space<vmem>>
      %dma_start3A_255 = tpu.memref_squeeze %dma_start3A_254 : memref<1x1x128xi32, #tpu.memory_space<vmem>> -> memref<128xi32, #tpu.memory_space<vmem>>
      %dma_start3A_256 = arith.constant 0 : i32
      %dma_start3A_257 = arith.constant 0 : i32
      %dma_start3A_258 = tpu.memref_slice %arg10[%dma_start3A_256, %dma_start3A_257] : memref<10240x128xf32, #tpu.memory_space<vmem_shared>> -> memref<10240x128xf32, #tpu.memory_space<vmem_shared>>
      tpu.enqueue_indirect_dma source(%arg8 : memref<128x128xf32, #tpu.memory_space<vmem>>) target(%dma_start3A_258 : memref<10240x128xf32, #tpu.memory_space<vmem_shared>>) offsets(%dma_start3A_255 : memref<128xi32, #tpu.memory_space<vmem>>) semaphore(%arg13 : memref<!tpu.dma_semaphore, #tpu.memory_space<semaphore_mem>>) {add = true}
      %dma_wait3A_259 = arith.constant 0 : i32
      %dma_wait3A_260 = arith.constant 0 : i32
      %dma_wait3A_261 = arith.constant 0 : i32
      %dma_wait3A_262 = tpu.memref_slice %arg7[%dma_wait3A_259, %dma_wait3A_260, %dma_wait3A_261] : memref<2x8x128xi32, #tpu.memory_space<vmem>> -> memref<1x1x128xi32, #tpu.memory_space<vmem>>
      %dma_wait3A_263 = tpu.memref_squeeze %dma_wait3A_262 : memref<1x1x128xi32, #tpu.memory_space<vmem>> -> memref<128xi32, #tpu.memory_space<vmem>>
      %dma_wait3A_264 = arith.constant 0 : i32
      %dma_wait3A_265 = arith.constant 0 : i32
      %dma_wait3A_266 = tpu.memref_slice %arg10[%dma_wait3A_264, %dma_wait3A_265] : memref<10240x128xf32, #tpu.memory_space<vmem_shared>> -> memref<10240x128xf32, #tpu.memory_space<vmem_shared>>
      tpu.wait_indirect_dma semaphore(%arg13 : memref<!tpu.dma_semaphore, #tpu.memory_space<semaphore_mem>>) src(%arg8 : memref<128x128xf32, #tpu.memory_space<vmem>>) dst(%dma_wait3A_266 : memref<10240x128xf32, #tpu.memory_space<vmem_shared>>)
      %dma_start3A_267 = arith.constant 6 : i32
      %dma_start3A_268 = arith.constant 0 : i32
      %dma_start3A_269 = tpu.memref_slice %arg6[%select_n3A_96, %dma_start3A_267, %dma_start3A_268] : memref<2x8x128xi32, #tpu.memory_space<vmem>> -> memref<1x1x128xi32, #tpu.memory_space<vmem>>
      %dma_start3A_270 = tpu.memref_squeeze %dma_start3A_269 : memref<1x1x128xi32, #tpu.memory_space<vmem>> -> memref<128xi32, #tpu.memory_space<vmem>>
      %dma_start3A_271 = arith.constant 0 : i32
      %dma_start3A_272 = arith.constant 0 : i32
      %dma_start3A_273 = tpu.memref_slice %arg2[%dma_start3A_271, %dma_start3A_272] : memref<10000x128xf32, #tpu.memory_space<hbm>> -> memref<10000x128xf32, #tpu.memory_space<hbm>>
      tpu.enqueue_indirect_dma source(%dma_start3A_273 : memref<10000x128xf32, #tpu.memory_space<hbm>>) target(%arg8 : memref<128x128xf32, #tpu.memory_space<vmem>>) offsets(%dma_start3A_270 : memref<128xi32, #tpu.memory_space<vmem>>) semaphore(%arg11 : memref<!tpu.dma_semaphore, #tpu.memory_space<semaphore_mem>>)
      %dma_wait3A_274 = arith.constant 0 : i32
      %dma_wait3A_275 = arith.constant 0 : i32
      %dma_wait3A_276 = arith.constant 0 : i32
      %dma_wait3A_277 = tpu.memref_slice %arg6[%dma_wait3A_274, %dma_wait3A_275, %dma_wait3A_276] : memref<2x8x128xi32, #tpu.memory_space<vmem>> -> memref<1x1x128xi32, #tpu.memory_space<vmem>>
      %dma_wait3A_278 = tpu.memref_squeeze %dma_wait3A_277 : memref<1x1x128xi32, #tpu.memory_space<vmem>> -> memref<128xi32, #tpu.memory_space<vmem>>
      %dma_wait3A_279 = arith.constant 0 : i32
      %dma_wait3A_280 = arith.constant 0 : i32
      %dma_wait3A_281 = tpu.memref_slice %arg2[%dma_wait3A_279, %dma_wait3A_280] : memref<10000x128xf32, #tpu.memory_space<hbm>> -> memref<10000x128xf32, #tpu.memory_space<hbm>>
      tpu.wait_indirect_dma semaphore(%arg12 : memref<!tpu.dma_semaphore, #tpu.memory_space<semaphore_mem>>) src(%dma_wait3A_281 : memref<10000x128xf32, #tpu.memory_space<hbm>>) dst(%arg9 : memref<128x128xf32, #tpu.memory_space<vmem>>)
      %dma_start3A_282 = arith.constant 5 : i32
      %dma_start3A_283 = arith.constant 0 : i32
      %dma_start3A_284 = tpu.memref_slice %arg7[%select_n3A_96, %dma_start3A_282, %dma_start3A_283] : memref<2x8x128xi32, #tpu.memory_space<vmem>> -> memref<1x1x128xi32, #tpu.memory_space<vmem>>
      %dma_start3A_285 = tpu.memref_squeeze %dma_start3A_284 : memref<1x1x128xi32, #tpu.memory_space<vmem>> -> memref<128xi32, #tpu.memory_space<vmem>>
      %dma_start3A_286 = arith.constant 0 : i32
      %dma_start3A_287 = arith.constant 0 : i32
      %dma_start3A_288 = tpu.memref_slice %arg10[%dma_start3A_286, %dma_start3A_287] : memref<10240x128xf32, #tpu.memory_space<vmem_shared>> -> memref<10240x128xf32, #tpu.memory_space<vmem_shared>>
      tpu.enqueue_indirect_dma source(%arg9 : memref<128x128xf32, #tpu.memory_space<vmem>>) target(%dma_start3A_288 : memref<10240x128xf32, #tpu.memory_space<vmem_shared>>) offsets(%dma_start3A_285 : memref<128xi32, #tpu.memory_space<vmem>>) semaphore(%arg14 : memref<!tpu.dma_semaphore, #tpu.memory_space<semaphore_mem>>) {add = true}
      %dma_wait3A_289 = arith.constant 0 : i32
      %dma_wait3A_290 = arith.constant 0 : i32
      %dma_wait3A_291 = arith.constant 0 : i32
      %dma_wait3A_292 = tpu.memref_slice %arg7[%dma_wait3A_289, %dma_wait3A_290, %dma_wait3A_291] : memref<2x8x128xi32, #tpu.memory_space<vmem>> -> memref<1x1x128xi32, #tpu.memory_space<vmem>>
      %dma_wait3A_293 = tpu.memref_squeeze %dma_wait3A_292 : memref<1x1x128xi32, #tpu.memory_space<vmem>> -> memref<128xi32, #tpu.memory_space<vmem>>
      %dma_wait3A_294 = arith.constant 0 : i32
      %dma_wait3A_295 = arith.constant 0 : i32
      %dma_wait3A_296 = tpu.memref_slice %arg10[%dma_wait3A_294, %dma_wait3A_295] : memref<10240x128xf32, #tpu.memory_space<vmem_shared>> -> memref<10240x128xf32, #tpu.memory_space<vmem_shared>>
      tpu.wait_indirect_dma semaphore(%arg14 : memref<!tpu.dma_semaphore, #tpu.memory_space<semaphore_mem>>) src(%arg9 : memref<128x128xf32, #tpu.memory_space<vmem>>) dst(%dma_wait3A_296 : memref<10240x128xf32, #tpu.memory_space<vmem_shared>>)
      %dma_start3A_297 = arith.constant 7 : i32
      %dma_start3A_298 = arith.constant 0 : i32
      %dma_start3A_299 = tpu.memref_slice %arg6[%select_n3A_96, %dma_start3A_297, %dma_start3A_298] : memref<2x8x128xi32, #tpu.memory_space<vmem>> -> memref<1x1x128xi32, #tpu.memory_space<vmem>>
      %dma_start3A_300 = tpu.memref_squeeze %dma_start3A_299 : memref<1x1x128xi32, #tpu.memory_space<vmem>> -> memref<128xi32, #tpu.memory_space<vmem>>
      %dma_start3A_301 = arith.constant 0 : i32
      %dma_start3A_302 = arith.constant 0 : i32
      %dma_start3A_303 = tpu.memref_slice %arg2[%dma_start3A_301, %dma_start3A_302] : memref<10000x128xf32, #tpu.memory_space<hbm>> -> memref<10000x128xf32, #tpu.memory_space<hbm>>
      tpu.enqueue_indirect_dma source(%dma_start3A_303 : memref<10000x128xf32, #tpu.memory_space<hbm>>) target(%arg9 : memref<128x128xf32, #tpu.memory_space<vmem>>) offsets(%dma_start3A_300 : memref<128xi32, #tpu.memory_space<vmem>>) semaphore(%arg12 : memref<!tpu.dma_semaphore, #tpu.memory_space<semaphore_mem>>)
      %dma_wait3A_304 = arith.constant 0 : i32
      %dma_wait3A_305 = arith.constant 0 : i32
      %dma_wait3A_306 = arith.constant 0 : i32
      %dma_wait3A_307 = tpu.memref_slice %arg6[%dma_wait3A_304, %dma_wait3A_305, %dma_wait3A_306] : memref<2x8x128xi32, #tpu.memory_space<vmem>> -> memref<1x1x128xi32, #tpu.memory_space<vmem>>
      %dma_wait3A_308 = tpu.memref_squeeze %dma_wait3A_307 : memref<1x1x128xi32, #tpu.memory_space<vmem>> -> memref<128xi32, #tpu.memory_space<vmem>>
      %dma_wait3A_309 = arith.constant 0 : i32
      %dma_wait3A_310 = arith.constant 0 : i32
      %dma_wait3A_311 = tpu.memref_slice %arg2[%dma_wait3A_309, %dma_wait3A_310] : memref<10000x128xf32, #tpu.memory_space<hbm>> -> memref<10000x128xf32, #tpu.memory_space<hbm>>
      tpu.wait_indirect_dma semaphore(%arg11 : memref<!tpu.dma_semaphore, #tpu.memory_space<semaphore_mem>>) src(%dma_wait3A_311 : memref<10000x128xf32, #tpu.memory_space<hbm>>) dst(%arg8 : memref<128x128xf32, #tpu.memory_space<vmem>>)
      %dma_start3A_312 = arith.constant 6 : i32
      %dma_start3A_313 = arith.constant 0 : i32
      %dma_start3A_314 = tpu.memref_slice %arg7[%select_n3A_96, %dma_start3A_312, %dma_start3A_313] : memref<2x8x128xi32, #tpu.memory_space<vmem>> -> memref<1x1x128xi32, #tpu.memory_space<vmem>>
      %dma_start3A_315 = tpu.memref_squeeze %dma_start3A_314 : memref<1x1x128xi32, #tpu.memory_space<vmem>> -> memref<128xi32, #tpu.memory_space<vmem>>
      %dma_start3A_316 = arith.constant 0 : i32
      %dma_start3A_317 = arith.constant 0 : i32
      %dma_start3A_318 = tpu.memref_slice %arg10[%dma_start3A_316, %dma_start3A_317] : memref<10240x128xf32, #tpu.memory_space<vmem_shared>> -> memref<10240x128xf32, #tpu.memory_space<vmem_shared>>
      tpu.enqueue_indirect_dma source(%arg8 : memref<128x128xf32, #tpu.memory_space<vmem>>) target(%dma_start3A_318 : memref<10240x128xf32, #tpu.memory_space<vmem_shared>>) offsets(%dma_start3A_315 : memref<128xi32, #tpu.memory_space<vmem>>) semaphore(%arg13 : memref<!tpu.dma_semaphore, #tpu.memory_space<semaphore_mem>>) {add = true}
      %dma_wait3A_319 = arith.constant 0 : i32
      %dma_wait3A_320 = arith.constant 0 : i32
      %dma_wait3A_321 = arith.constant 0 : i32
      %dma_wait3A_322 = tpu.memref_slice %arg7[%dma_wait3A_319, %dma_wait3A_320, %dma_wait3A_321] : memref<2x8x128xi32, #tpu.memory_space<vmem>> -> memref<1x1x128xi32, #tpu.memory_space<vmem>>
      %dma_wait3A_323 = tpu.memref_squeeze %dma_wait3A_322 : memref<1x1x128xi32, #tpu.memory_space<vmem>> -> memref<128xi32, #tpu.memory_space<vmem>>
      %dma_wait3A_324 = arith.constant 0 : i32
      %dma_wait3A_325 = arith.constant 0 : i32
      %dma_wait3A_326 = tpu.memref_slice %arg10[%dma_wait3A_324, %dma_wait3A_325] : memref<10240x128xf32, #tpu.memory_space<vmem_shared>> -> memref<10240x128xf32, #tpu.memory_space<vmem_shared>>
      tpu.wait_indirect_dma semaphore(%arg13 : memref<!tpu.dma_semaphore, #tpu.memory_space<semaphore_mem>>) src(%arg8 : memref<128x128xf32, #tpu.memory_space<vmem>>) dst(%dma_wait3A_326 : memref<10240x128xf32, #tpu.memory_space<vmem_shared>>)
      %dma_start3A_327 = arith.constant 0 : i32
      %dma_start3A_328 = arith.constant 0 : i32
      %dma_start3A_329 = tpu.memref_slice %arg6[%select_n3A_114, %dma_start3A_327, %dma_start3A_328] : memref<2x8x128xi32, #tpu.memory_space<vmem>> -> memref<1x1x128xi32, #tpu.memory_space<vmem>>
      %dma_start3A_330 = tpu.memref_squeeze %dma_start3A_329 : memref<1x1x128xi32, #tpu.memory_space<vmem>> -> memref<128xi32, #tpu.memory_space<vmem>>
      %dma_start3A_331 = arith.constant 0 : i32
      %dma_start3A_332 = arith.constant 0 : i32
      %dma_start3A_333 = tpu.memref_slice %arg2[%dma_start3A_331, %dma_start3A_332] : memref<10000x128xf32, #tpu.memory_space<hbm>> -> memref<10000x128xf32, #tpu.memory_space<hbm>>
      tpu.enqueue_indirect_dma source(%dma_start3A_333 : memref<10000x128xf32, #tpu.memory_space<hbm>>) target(%arg8 : memref<128x128xf32, #tpu.memory_space<vmem>>) offsets(%dma_start3A_330 : memref<128xi32, #tpu.memory_space<vmem>>) semaphore(%arg11 : memref<!tpu.dma_semaphore, #tpu.memory_space<semaphore_mem>>)
      %dma_wait3A_334 = arith.constant 0 : i32
      %dma_wait3A_335 = arith.constant 0 : i32
      %dma_wait3A_336 = arith.constant 0 : i32
      %dma_wait3A_337 = tpu.memref_slice %arg6[%dma_wait3A_334, %dma_wait3A_335, %dma_wait3A_336] : memref<2x8x128xi32, #tpu.memory_space<vmem>> -> memref<1x1x128xi32, #tpu.memory_space<vmem>>
      %dma_wait3A_338 = tpu.memref_squeeze %dma_wait3A_337 : memref<1x1x128xi32, #tpu.memory_space<vmem>> -> memref<128xi32, #tpu.memory_space<vmem>>
      %dma_wait3A_339 = arith.constant 0 : i32
      %dma_wait3A_340 = arith.constant 0 : i32
      %dma_wait3A_341 = tpu.memref_slice %arg2[%dma_wait3A_339, %dma_wait3A_340] : memref<10000x128xf32, #tpu.memory_space<hbm>> -> memref<10000x128xf32, #tpu.memory_space<hbm>>
      tpu.wait_indirect_dma semaphore(%arg12 : memref<!tpu.dma_semaphore, #tpu.memory_space<semaphore_mem>>) src(%dma_wait3A_341 : memref<10000x128xf32, #tpu.memory_space<hbm>>) dst(%arg9 : memref<128x128xf32, #tpu.memory_space<vmem>>)
      %dma_start3A_342 = arith.constant 7 : i32
      %dma_start3A_343 = arith.constant 0 : i32
      %dma_start3A_344 = tpu.memref_slice %arg7[%select_n3A_96, %dma_start3A_342, %dma_start3A_343] : memref<2x8x128xi32, #tpu.memory_space<vmem>> -> memref<1x1x128xi32, #tpu.memory_space<vmem>>
      %dma_start3A_345 = tpu.memref_squeeze %dma_start3A_344 : memref<1x1x128xi32, #tpu.memory_space<vmem>> -> memref<128xi32, #tpu.memory_space<vmem>>
      %dma_start3A_346 = arith.constant 0 : i32
      %dma_start3A_347 = arith.constant 0 : i32
      %dma_start3A_348 = tpu.memref_slice %arg10[%dma_start3A_346, %dma_start3A_347] : memref<10240x128xf32, #tpu.memory_space<vmem_shared>> -> memref<10240x128xf32, #tpu.memory_space<vmem_shared>>
      tpu.enqueue_indirect_dma source(%arg9 : memref<128x128xf32, #tpu.memory_space<vmem>>) target(%dma_start3A_348 : memref<10240x128xf32, #tpu.memory_space<vmem_shared>>) offsets(%dma_start3A_345 : memref<128xi32, #tpu.memory_space<vmem>>) semaphore(%arg14 : memref<!tpu.dma_semaphore, #tpu.memory_space<semaphore_mem>>) {add = true}
      %dma_wait3A_349 = arith.constant 0 : i32
      %dma_wait3A_350 = arith.constant 0 : i32
      %dma_wait3A_351 = arith.constant 0 : i32
      %dma_wait3A_352 = tpu.memref_slice %arg7[%dma_wait3A_349, %dma_wait3A_350, %dma_wait3A_351] : memref<2x8x128xi32, #tpu.memory_space<vmem>> -> memref<1x1x128xi32, #tpu.memory_space<vmem>>
      %dma_wait3A_353 = tpu.memref_squeeze %dma_wait3A_352 : memref<1x1x128xi32, #tpu.memory_space<vmem>> -> memref<128xi32, #tpu.memory_space<vmem>>
      %dma_wait3A_354 = arith.constant 0 : i32
      %dma_wait3A_355 = arith.constant 0 : i32
      %dma_wait3A_356 = tpu.memref_slice %arg10[%dma_wait3A_354, %dma_wait3A_355] : memref<10240x128xf32, #tpu.memory_space<vmem_shared>> -> memref<10240x128xf32, #tpu.memory_space<vmem_shared>>
      tpu.wait_indirect_dma semaphore(%arg14 : memref<!tpu.dma_semaphore, #tpu.memory_space<semaphore_mem>>) src(%arg9 : memref<128x128xf32, #tpu.memory_space<vmem>>) dst(%dma_wait3A_356 : memref<10240x128xf32, #tpu.memory_space<vmem_shared>>)
      %dma_start3A_357 = arith.constant 1 : i32
      %dma_start3A_358 = arith.constant 0 : i32
      %dma_start3A_359 = tpu.memref_slice %arg6[%select_n3A_114, %dma_start3A_357, %dma_start3A_358] : memref<2x8x128xi32, #tpu.memory_space<vmem>> -> memref<1x1x128xi32, #tpu.memory_space<vmem>>
      %dma_start3A_360 = tpu.memref_squeeze %dma_start3A_359 : memref<1x1x128xi32, #tpu.memory_space<vmem>> -> memref<128xi32, #tpu.memory_space<vmem>>
      %dma_start3A_361 = arith.constant 0 : i32
      %dma_start3A_362 = arith.constant 0 : i32
      %dma_start3A_363 = tpu.memref_slice %arg2[%dma_start3A_361, %dma_start3A_362] : memref<10000x128xf32, #tpu.memory_space<hbm>> -> memref<10000x128xf32, #tpu.memory_space<hbm>>
      tpu.enqueue_indirect_dma source(%dma_start3A_363 : memref<10000x128xf32, #tpu.memory_space<hbm>>) target(%arg9 : memref<128x128xf32, #tpu.memory_space<vmem>>) offsets(%dma_start3A_360 : memref<128xi32, #tpu.memory_space<vmem>>) semaphore(%arg12 : memref<!tpu.dma_semaphore, #tpu.memory_space<semaphore_mem>>)
      %while3A_364 = arith.constant 0 : i32
      scf.yield %while3A_364 : i32
    }
    %dma_wait3A = arith.constant 0 : i32
    %dma_wait3A_63 = arith.constant 0 : i32
    %dma_wait3A_64 = arith.constant 0 : i32
    %dma_wait3A_65 = tpu.memref_slice %arg6[%dma_wait3A, %dma_wait3A_63, %dma_wait3A_64] : memref<2x8x128xi32, #tpu.memory_space<vmem>> -> memref<1x1x128xi32, #tpu.memory_space<vmem>>
    %dma_wait3A_66 = tpu.memref_squeeze %dma_wait3A_65 : memref<1x1x128xi32, #tpu.memory_space<vmem>> -> memref<128xi32, #tpu.memory_space<vmem>>
    %dma_wait3A_67 = arith.constant 0 : i32
    %dma_wait3A_68 = arith.constant 0 : i32
    %dma_wait3A_69 = tpu.memref_slice %arg2[%dma_wait3A_67, %dma_wait3A_68] : memref<10000x128xf32, #tpu.memory_space<hbm>> -> memref<10000x128xf32, #tpu.memory_space<hbm>>
    tpu.wait_indirect_dma semaphore(%arg11 : memref<!tpu.dma_semaphore, #tpu.memory_space<semaphore_mem>>) src(%dma_wait3A_69 : memref<10000x128xf32, #tpu.memory_space<hbm>>) dst(%arg8 : memref<128x128xf32, #tpu.memory_space<vmem>>)
    %dma_wait3A_70 = arith.constant 0 : i32
    %dma_wait3A_71 = arith.constant 0 : i32
    %dma_wait3A_72 = arith.constant 0 : i32
    %dma_wait3A_73 = tpu.memref_slice %arg6[%dma_wait3A_70, %dma_wait3A_71, %dma_wait3A_72] : memref<2x8x128xi32, #tpu.memory_space<vmem>> -> memref<1x1x128xi32, #tpu.memory_space<vmem>>
    %dma_wait3A_74 = tpu.memref_squeeze %dma_wait3A_73 : memref<1x1x128xi32, #tpu.memory_space<vmem>> -> memref<128xi32, #tpu.memory_space<vmem>>
    %dma_wait3A_75 = arith.constant 0 : i32
    %dma_wait3A_76 = arith.constant 0 : i32
    %dma_wait3A_77 = tpu.memref_slice %arg2[%dma_wait3A_75, %dma_wait3A_76] : memref<10000x128xf32, #tpu.memory_space<hbm>> -> memref<10000x128xf32, #tpu.memory_space<hbm>>
    tpu.wait_indirect_dma semaphore(%arg12 : memref<!tpu.dma_semaphore, #tpu.memory_space<semaphore_mem>>) src(%dma_wait3A_77 : memref<10000x128xf32, #tpu.memory_space<hbm>>) dst(%arg9 : memref<128x128xf32, #tpu.memory_space<vmem>>)
    %barrier3A_78 = arith.constant 0 : index
    tpu.barrier barrier_id(%barrier3A_78)
    %mul3A_79 = arith.constant 640 : i32
    %mul3A_80 = arith.muli %arg1, %mul3A_79 : i32
    %mul3A_81 = arith.constant 640 : i32
    %mul3A_82 = arith.muli %arg1, %mul3A_81 : i32
    "tpu.region"() ({
      %run_scoped3A_83 = tpu.sem_alloc : memref<!tpu.dma_semaphore, #tpu.memory_space<semaphore_mem>>
      %dma_start3A_84 = arith.constant 0 : i32
      %dma_start3A_85 = tpu.memref_slice %arg5[%arg0, %mul3A_82, %dma_start3A_84] : memref<2x10240x128xf32, #tpu.memory_space<hbm>> -> memref<1x640x128xf32, #tpu.memory_space<hbm>>
      %dma_start3A_86 = tpu.memref_squeeze %dma_start3A_85 : memref<1x640x128xf32, #tpu.memory_space<hbm>> -> memref<640x128xf32, #tpu.memory_space<hbm>>
      %dma_start3A_87 = arith.constant 0 : i32
      %dma_start3A_88 = tpu.memref_slice %arg10[%mul3A_80, %dma_start3A_87] : memref<10240x128xf32, #tpu.memory_space<vmem_shared>> -> memref<640x128xf32, #tpu.memory_space<vmem_shared>>
      tpu.enqueue_dma source(%dma_start3A_88 : memref<640x128xf32, #tpu.memory_space<vmem_shared>>) target(%dma_start3A_86 : memref<640x128xf32, #tpu.memory_space<hbm>>) target_semaphore(%run_scoped3A_83 : memref<!tpu.dma_semaphore, #tpu.memory_space<semaphore_mem>>)
      %dma_wait3A_89 = arith.constant 0 : i32
      %dma_wait3A_90 = tpu.memref_slice %arg5[%arg0, %mul3A_82, %dma_wait3A_89] : memref<2x10240x128xf32, #tpu.memory_space<hbm>> -> memref<1x640x128xf32, #tpu.memory_space<hbm>>
      %dma_wait3A_91 = tpu.memref_squeeze %dma_wait3A_90 : memref<1x640x128xf32, #tpu.memory_space<hbm>> -> memref<640x128xf32, #tpu.memory_space<hbm>>
      %dma_wait3A_92 = arith.constant 0 : i32
      %dma_wait3A_93 = tpu.memref_slice %arg10[%mul3A_80, %dma_wait3A_92] : memref<10240x128xf32, #tpu.memory_space<vmem_shared>> -> memref<640x128xf32, #tpu.memory_space<vmem_shared>>
      tpu.wait_dma2 semaphore(%run_scoped3A_83 : memref<!tpu.dma_semaphore, #tpu.memory_space<semaphore_mem>>) src(%dma_wait3A_93 : memref<640x128xf32, #tpu.memory_space<vmem_shared>>) dst(%dma_wait3A_91 : memref<640x128xf32, #tpu.memory_space<hbm>>)
      tpu.yield
    }) : () -> ()
    return
  }
}

module attributes {stable_mosaic.version = 14 : i64} {
  func.func @_mm_body(%arg0: i32, %arg1: memref<1000x128xf32, #tpu.memory_space<vmem>>, %arg2: memref<128x128xf32, #tpu.memory_space<vmem>>, %arg3: memref<1000x128xf32, #tpu.memory_space<vmem>>) attributes {dimension_semantics = [#tpu.dimension_semantics<arbitrary>], iteration_bounds = array<i64: 10>, scalar_prefetch = 0 : i64, scratch_operands = 0 : i64, tpu.core_type = #tpu.core_type<tc>, window_params = [{transform_indices = @transform_0, window_bounds = array<i64: 1000, 128>}, {pipeline_mode = #tpu.pipeline_mode<synchronous>, transform_indices = @transform_1, window_bounds = array<i64: 128, 128>}, {transform_indices = @transform_2, window_bounds = array<i64: 1000, 128>}]} {
    %get3A = arith.constant 0 : index
    %get3A_0 = arith.constant 0 : index
    %get3A_1 = vector.load %arg1[%get3A, %get3A_0] : memref<1000x128xf32, #tpu.memory_space<vmem>>, vector<1000x128xf32>
    %get3A_2 = arith.constant 0 : index
    %get3A_3 = arith.constant 0 : index
    %get3A_4 = vector.load %arg2[%get3A_2, %get3A_3] : memref<128x128xf32, #tpu.memory_space<vmem>>, vector<128x128xf32>
    %dot_general3A = arith.constant dense<0.000000e+00> : vector<1000x128xf32>
    %dot_general3A_5 = tpu.matmul %get3A_1, %get3A_4, %dot_general3A {dimension_numbers = #tpu.dot_dimension_numbers<[1], [0], [0], [1], [0, 0, 1, 1], [], []>, transpose_lhs_hint = false} : vector<1000x128xf32>, vector<128x128xf32>, vector<1000x128xf32> -> vector<1000x128xf32>
    %swap3A = arith.constant 0 : index
    %swap3A_6 = arith.constant 0 : index
    %swap3A_7 = vector.load %arg3[%swap3A, %swap3A_6] : memref<1000x128xf32, #tpu.memory_space<vmem>>, vector<1000x128xf32>
    tpu.vector_store %arg3[%swap3A, %swap3A_6], %dot_general3A_5 {strides = array<i32>} : memref<1000x128xf32, #tpu.memory_space<vmem>>, vector<1000x128xf32>,
    return
  }
  func.func @transform_0(%arg0: i32) -> (i32, i32) {
    %c0_i32 = arith.constant 0 : i32
    %c0_i32_0 = arith.constant 0 : i32
    return %arg0, %c0_i32 : i32, i32
  }
  func.func @transform_1(%arg0: i32) -> (i32, i32) {
    %c0_i32 = arith.constant 0 : i32
    %c0_i32_0 = arith.constant 0 : i32
    %c0_i32_1 = arith.constant 0 : i32
    return %c0_i32, %c0_i32_0 : i32, i32
  }
  func.func @transform_2(%arg0: i32) -> (i32, i32) {
    %c0_i32 = arith.constant 0 : i32
    %c0_i32_0 = arith.constant 0 : i32
    return %arg0, %c0_i32 : i32, i32
  }
}

module attributes {stable_mosaic.version = 14 : i64} {
  func.func @_layer_body(%arg0: i32, %arg1: memref<2x1000x128xf32, #tpu.memory_space<vmem>>, %arg2: memref<2x1000x128xf32, #tpu.memory_space<vmem>>, %arg3: memref<1000x128xf32, #tpu.memory_space<vmem>>, %arg4: memref<16x128xf32, #tpu.memory_space<vmem>>, %arg5: memref<128x256xf32, #tpu.memory_space<vmem>>, %arg6: memref<1x256xf32, #tpu.memory_space<vmem>>, %arg7: memref<256x128xf32, #tpu.memory_space<vmem>>, %arg8: memref<1x128xf32, #tpu.memory_space<vmem>>, %arg9: memref<1x128xf32, #tpu.memory_space<vmem>>, %arg10: memref<1x128xf32, #tpu.memory_space<vmem>>, %arg11: memref<1000x128xf32, #tpu.memory_space<vmem>>) attributes {dimension_semantics = [#tpu.dimension_semantics<arbitrary>], iteration_bounds = array<i64: 10>, scalar_prefetch = 0 : i64, scratch_operands = 0 : i64, tpu.core_type = #tpu.core_type<tc>, window_params = [{transform_indices = @transform_0, window_bounds = array<i64: 2, 1000, 128>}, {transform_indices = @transform_1, window_bounds = array<i64: 2, 1000, 128>}, {transform_indices = @transform_2, window_bounds = array<i64: 1000, 128>}, {pipeline_mode = #tpu.pipeline_mode<synchronous>, transform_indices = @transform_3, window_bounds = array<i64: 16, 128>}, {pipeline_mode = #tpu.pipeline_mode<synchronous>, transform_indices = @transform_4, window_bounds = array<i64: 128, 256>}, {pipeline_mode = #tpu.pipeline_mode<synchronous>, transform_indices = @transform_5, window_bounds = array<i64: 1, 256>}, {pipeline_mode = #tpu.pipeline_mode<synchronous>, transform_indices = @transform_6, window_bounds = array<i64: 256, 128>}, {pipeline_mode = #tpu.pipeline_mode<synchronous>, transform_indices = @transform_7, window_bounds = array<i64: 1, 128>}, {pipeline_mode = #tpu.pipeline_mode<synchronous>, transform_indices = @transform_8, window_bounds = array<i64: 1, 128>}, {pipeline_mode = #tpu.pipeline_mode<synchronous>, transform_indices = @transform_9, window_bounds = array<i64: 1, 128>}, {transform_indices = @transform_10, window_bounds = array<i64: 1000, 128>}]} {
    %get3A = arith.constant 0 : index
    %get3A_0 = arith.constant 0 : index
    %get3A_1 = arith.constant 0 : index
    %get3A_2 = vector.load %arg1[%get3A, %get3A_0, %get3A_1] : memref<2x1000x128xf32, #tpu.memory_space<vmem>>, vector<1x1000x128xf32>
    %get3A_3 = vector.shape_cast %get3A_2 : vector<1x1000x128xf32> to vector<1000x128xf32>
    %get3A_4 = arith.constant 1 : index
    %get3A_5 = arith.constant 0 : index
    %get3A_6 = arith.constant 0 : index
    %get3A_7 = vector.load %arg1[%get3A_4, %get3A_5, %get3A_6] : memref<2x1000x128xf32, #tpu.memory_space<vmem>>, vector<1x1000x128xf32>
    %get3A_8 = vector.shape_cast %get3A_7 : vector<1x1000x128xf32> to vector<1000x128xf32>
    %add3A = arith.addf %get3A_3, %get3A_8 : vector<1000x128xf32>
    %get3A_9 = arith.constant 0 : index
    %get3A_10 = arith.constant 0 : index
    %get3A_11 = arith.constant 0 : index
    %get3A_12 = vector.load %arg2[%get3A_9, %get3A_10, %get3A_11] : memref<2x1000x128xf32, #tpu.memory_space<vmem>>, vector<1x1000x128xf32>
    %get3A_13 = vector.shape_cast %get3A_12 : vector<1x1000x128xf32> to vector<1000x128xf32>
    %get3A_14 = arith.constant 1 : index
    %get3A_15 = arith.constant 0 : index
    %get3A_16 = arith.constant 0 : index
    %get3A_17 = vector.load %arg2[%get3A_14, %get3A_15, %get3A_16] : memref<2x1000x128xf32, #tpu.memory_space<vmem>>, vector<1x1000x128xf32>
    %get3A_18 = vector.shape_cast %get3A_17 : vector<1x1000x128xf32> to vector<1000x128xf32>
    %add3A_19 = arith.addf %get3A_13, %get3A_18 : vector<1000x128xf32>
    %slice3A = vector.extract_strided_slice %add3A_19 {offsets = [0, 0], sizes = [1000, 16], strides = [1, 1]} : vector<1000x128xf32> to vector<1000x16xf32>
    %get3A_20 = arith.constant 0 : index
    %get3A_21 = arith.constant 0 : index
    %get3A_22 = vector.load %arg4[%get3A_20, %get3A_21] : memref<16x128xf32, #tpu.memory_space<vmem>>, vector<16x128xf32>
    %dot_general3A = arith.constant dense<0.000000e+00> : vector<1000x128xf32>
    %dot_general3A_23 = tpu.matmul %slice3A, %get3A_22, %dot_general3A {dimension_numbers = #tpu.dot_dimension_numbers<[1], [0], [0], [1], [0, 0, 1, 1], [], []>, transpose_lhs_hint = false} : vector<1000x16xf32>, vector<16x128xf32>, vector<1000x128xf32> -> vector<1000x128xf32>
    %add3A_24 = arith.addf %add3A, %dot_general3A_23 : vector<1000x128xf32>
    %get3A_25 = arith.constant 0 : index
    %get3A_26 = arith.constant 0 : index
    %get3A_27 = vector.load %arg5[%get3A_25, %get3A_26] : memref<128x256xf32, #tpu.memory_space<vmem>>, vector<128x256xf32>
    %dot_general3A_28 = arith.constant dense<0.000000e+00> : vector<1000x256xf32>
    %dot_general3A_29 = tpu.matmul %add3A_24, %get3A_27, %dot_general3A_28 {dimension_numbers = #tpu.dot_dimension_numbers<[1], [0], [0], [1], [0, 0, 1, 1], [], []>, transpose_lhs_hint = false} : vector<1000x128xf32>, vector<128x256xf32>, vector<1000x256xf32> -> vector<1000x256xf32>
    %get3A_30 = arith.constant 0 : index
    %get3A_31 = arith.constant 0 : index
    %get3A_32 = vector.load %arg6[%get3A_30, %get3A_31] : memref<1x256xf32, #tpu.memory_space<vmem>>, vector<1x256xf32>
    %add3A_33 = vector.broadcast %get3A_32 : vector<1x256xf32> to vector<1000x256xf32>
    %add3A_34 = arith.addf %dot_general3A_29, %add3A_33 : vector<1000x256xf32>
    %max3A = arith.constant 0.000000e+00 : f32
    %max3A_35 = vector.broadcast %max3A : f32 to vector<1000x256xf32>
    %max3A_36 = arith.maximumf %add3A_34, %max3A_35 : vector<1000x256xf32>
    %get3A_37 = arith.constant 0 : index
    %get3A_38 = arith.constant 0 : index
    %get3A_39 = vector.load %arg7[%get3A_37, %get3A_38] : memref<256x128xf32, #tpu.memory_space<vmem>>, vector<256x128xf32>
    %dot_general3A_40 = arith.constant dense<0.000000e+00> : vector<1000x128xf32>
    %dot_general3A_41 = tpu.matmul %max3A_36, %get3A_39, %dot_general3A_40 {dimension_numbers = #tpu.dot_dimension_numbers<[1], [0], [0], [1], [0, 0, 1, 1], [], []>, transpose_lhs_hint = false} : vector<1000x256xf32>, vector<256x128xf32>, vector<1000x128xf32> -> vector<1000x128xf32>
    %get3A_42 = arith.constant 0 : index
    %get3A_43 = arith.constant 0 : index
    %get3A_44 = vector.load %arg8[%get3A_42, %get3A_43] : memref<1x128xf32, #tpu.memory_space<vmem>>, vector<1x128xf32>
    %add3A_45 = vector.broadcast %get3A_44 : vector<1x128xf32> to vector<1000x128xf32>
    %add3A_46 = arith.addf %dot_general3A_41, %add3A_45 : vector<1000x128xf32>
    %get3A_47 = arith.constant 0 : index
    %get3A_48 = arith.constant 0 : index
    %get3A_49 = vector.load %arg3[%get3A_47, %get3A_48] : memref<1000x128xf32, #tpu.memory_space<vmem>>, vector<1000x128xf32>
    %add3A_50 = arith.addf %get3A_49, %add3A_46 : vector<1000x128xf32>
    %reduce_sum3A = arith.constant dense<0.000000e+00> : vector<1000xf32>
    %reduce_sum3A_51 = vector.multi_reduction <add>, %add3A_50, %reduce_sum3A [1] : vector<1000x128xf32> to vector<1000xf32>
    %broadcast_in_dim3A = vector.shape_cast %reduce_sum3A_51 : vector<1000xf32> to vector<1000x1xf32>
    %div3A = arith.constant 1.280000e+02 : f32
    %div3A_52 = vector.broadcast %div3A : f32 to vector<1000x1xf32>
    %div3A_53 = arith.divf %broadcast_in_dim3A, %div3A_52 : vector<1000x1xf32>
    %sub3A = vector.broadcast %div3A_53 : vector<1000x1xf32> to vector<1000x128xf32>
    %sub3A_54 = arith.subf %add3A_50, %sub3A : vector<1000x128xf32>
    %sub3A_55 = vector.broadcast %div3A_53 : vector<1000x1xf32> to vector<1000x128xf32>
    %sub3A_56 = arith.subf %add3A_50, %sub3A_55 : vector<1000x128xf32>
    %mul3A = arith.mulf %sub3A_54, %sub3A_56 : vector<1000x128xf32>
    %reduce_sum3A_57 = arith.constant dense<0.000000e+00> : vector<1000xf32>
    %reduce_sum3A_58 = vector.multi_reduction <add>, %mul3A, %reduce_sum3A_57 [1] : vector<1000x128xf32> to vector<1000xf32>
    %broadcast_in_dim3A_59 = vector.shape_cast %reduce_sum3A_58 : vector<1000xf32> to vector<1000x1xf32>
    %div3A_60 = arith.constant 1.280000e+02 : f32
    %div3A_61 = vector.broadcast %div3A_60 : f32 to vector<1000x1xf32>
    %div3A_62 = arith.divf %broadcast_in_dim3A_59, %div3A_61 : vector<1000x1xf32>
    %sub3A_63 = vector.broadcast %div3A_53 : vector<1000x1xf32> to vector<1000x128xf32>
    %sub3A_64 = arith.subf %add3A_50, %sub3A_63 : vector<1000x128xf32>
    %add3A_65 = arith.constant 9.99999974E-6 : f32
    %add3A_66 = vector.broadcast %add3A_65 : f32 to vector<1000x1xf32>
    %add3A_67 = arith.addf %div3A_62, %add3A_66 : vector<1000x1xf32>
    %rsqrt3A = math.rsqrt %add3A_67 : vector<1000x1xf32>
    %mul3A_68 = vector.broadcast %rsqrt3A : vector<1000x1xf32> to vector<1000x128xf32>
    %mul3A_69 = arith.mulf %sub3A_64, %mul3A_68 : vector<1000x128xf32>
    %get3A_70 = arith.constant 0 : index
    %get3A_71 = arith.constant 0 : index
    %get3A_72 = vector.load %arg9[%get3A_70, %get3A_71] : memref<1x128xf32, #tpu.memory_space<vmem>>, vector<1x128xf32>
    %mul3A_73 = vector.broadcast %get3A_72 : vector<1x128xf32> to vector<1000x128xf32>
    %mul3A_74 = arith.mulf %mul3A_69, %mul3A_73 : vector<1000x128xf32>
    %get3A_75 = arith.constant 0 : index
    %get3A_76 = arith.constant 0 : index
    %get3A_77 = vector.load %arg10[%get3A_75, %get3A_76] : memref<1x128xf32, #tpu.memory_space<vmem>>, vector<1x128xf32>
    %add3A_78 = vector.broadcast %get3A_77 : vector<1x128xf32> to vector<1000x128xf32>
    %add3A_79 = arith.addf %mul3A_74, %add3A_78 : vector<1000x128xf32>
    %swap3A = arith.constant 0 : index
    %swap3A_80 = arith.constant 0 : index
    %swap3A_81 = vector.load %arg11[%swap3A, %swap3A_80] : memref<1000x128xf32, #tpu.memory_space<vmem>>, vector<1000x128xf32>
    tpu.vector_store %arg11[%swap3A, %swap3A_80], %add3A_79 {strides = array<i32>} : memref<1000x128xf32, #tpu.memory_space<vmem>>, vector<1000x128xf32>,
    return
  }
  func.func @transform_0(%arg0: i32) -> (i32, i32, i32) {
    %c0_i32 = arith.constant 0 : i32
    %c0_i32_0 = arith.constant 0 : i32
    %c0_i32_1 = arith.constant 0 : i32
    return %c0_i32, %arg0, %c0_i32_0 : i32, i32, i32
  }
  func.func @transform_1(%arg0: i32) -> (i32, i32, i32) {
    %c0_i32 = arith.constant 0 : i32
    %c0_i32_0 = arith.constant 0 : i32
    %c0_i32_1 = arith.constant 0 : i32
    return %c0_i32, %arg0, %c0_i32_0 : i32, i32, i32
  }
  func.func @transform_2(%arg0: i32) -> (i32, i32) {
    %c0_i32 = arith.constant 0 : i32
    %c0_i32_0 = arith.constant 0 : i32
    return %arg0, %c0_i32 : i32, i32
  }
  func.func @transform_3(%arg0: i32) -> (i32, i32) {
    %c0_i32 = arith.constant 0 : i32
    %c0_i32_0 = arith.constant 0 : i32
    %c0_i32_1 = arith.constant 0 : i32
    return %c0_i32, %c0_i32_0 : i32, i32
  }
  func.func @transform_4(%arg0: i32) -> (i32, i32) {
    %c0_i32 = arith.constant 0 : i32
    %c0_i32_0 = arith.constant 0 : i32
    %c0_i32_1 = arith.constant 0 : i32
    return %c0_i32, %c0_i32_0 : i32, i32
  }
  func.func @transform_5(%arg0: i32) -> (i32, i32) {
    %c0_i32 = arith.constant 0 : i32
    %c0_i32_0 = arith.constant 0 : i32
    %c0_i32_1 = arith.constant 0 : i32
    return %c0_i32, %c0_i32_0 : i32, i32
  }
  func.func @transform_6(%arg0: i32) -> (i32, i32) {
    %c0_i32 = arith.constant 0 : i32
    %c0_i32_0 = arith.constant 0 : i32
    %c0_i32_1 = arith.constant 0 : i32
    return %c0_i32, %c0_i32_0 : i32, i32
  }
  func.func @transform_7(%arg0: i32) -> (i32, i32) {
    %c0_i32 = arith.constant 0 : i32
    %c0_i32_0 = arith.constant 0 : i32
    %c0_i32_1 = arith.constant 0 : i32
    return %c0_i32, %c0_i32_0 : i32, i32
  }
  func.func @transform_8(%arg0: i32) -> (i32, i32) {
    %c0_i32 = arith.constant 0 : i32
    %c0_i32_0 = arith.constant 0 : i32
    %c0_i32_1 = arith.constant 0 : i32
    return %c0_i32, %c0_i32_0 : i32, i32
  }
  func.func @transform_9(%arg0: i32) -> (i32, i32) {
    %c0_i32 = arith.constant 0 : i32
    %c0_i32_0 = arith.constant 0 : i32
    %c0_i32_1 = arith.constant 0 : i32
    return %c0_i32, %c0_i32_0 : i32, i32
  }
  func.func @transform_10(%arg0: i32) -> (i32, i32) {
    %c0_i32 = arith.constant 0 : i32
    %c0_i32_0 = arith.constant 0 : i32
    return %arg0, %c0_i32 : i32, i32
  }
}

module attributes {stable_mosaic.version = 14 : i64} {
  func.func @_layer_body(%arg0: i32, %arg1: memref<2x1000x128xf32, #tpu.memory_space<vmem>>, %arg2: memref<2x1000x128xf32, #tpu.memory_space<vmem>>, %arg3: memref<1000x128xf32, #tpu.memory_space<vmem>>, %arg4: memref<16x128xf32, #tpu.memory_space<vmem>>, %arg5: memref<128x256xf32, #tpu.memory_space<vmem>>, %arg6: memref<1x256xf32, #tpu.memory_space<vmem>>, %arg7: memref<256x128xf32, #tpu.memory_space<vmem>>, %arg8: memref<1x128xf32, #tpu.memory_space<vmem>>, %arg9: memref<1x128xf32, #tpu.memory_space<vmem>>, %arg10: memref<1x128xf32, #tpu.memory_space<vmem>>, %arg11: memref<1000x128xf32, #tpu.memory_space<vmem>>) attributes {dimension_semantics = [#tpu.dimension_semantics<arbitrary>], iteration_bounds = array<i64: 10>, scalar_prefetch = 0 : i64, scratch_operands = 0 : i64, tpu.core_type = #tpu.core_type<tc>, window_params = [{transform_indices = @transform_0, window_bounds = array<i64: 2, 1000, 128>}, {transform_indices = @transform_1, window_bounds = array<i64: 2, 1000, 128>}, {transform_indices = @transform_2, window_bounds = array<i64: 1000, 128>}, {pipeline_mode = #tpu.pipeline_mode<synchronous>, transform_indices = @transform_3, window_bounds = array<i64: 16, 128>}, {pipeline_mode = #tpu.pipeline_mode<synchronous>, transform_indices = @transform_4, window_bounds = array<i64: 128, 256>}, {pipeline_mode = #tpu.pipeline_mode<synchronous>, transform_indices = @transform_5, window_bounds = array<i64: 1, 256>}, {pipeline_mode = #tpu.pipeline_mode<synchronous>, transform_indices = @transform_6, window_bounds = array<i64: 256, 128>}, {pipeline_mode = #tpu.pipeline_mode<synchronous>, transform_indices = @transform_7, window_bounds = array<i64: 1, 128>}, {pipeline_mode = #tpu.pipeline_mode<synchronous>, transform_indices = @transform_8, window_bounds = array<i64: 1, 128>}, {pipeline_mode = #tpu.pipeline_mode<synchronous>, transform_indices = @transform_9, window_bounds = array<i64: 1, 128>}, {transform_indices = @transform_10, window_bounds = array<i64: 1000, 128>}]} {
    %get3A = arith.constant 0 : index
    %get3A_0 = arith.constant 0 : index
    %get3A_1 = arith.constant 0 : index
    %get3A_2 = vector.load %arg1[%get3A, %get3A_0, %get3A_1] : memref<2x1000x128xf32, #tpu.memory_space<vmem>>, vector<1x1000x128xf32>
    %get3A_3 = vector.shape_cast %get3A_2 : vector<1x1000x128xf32> to vector<1000x128xf32>
    %get3A_4 = arith.constant 1 : index
    %get3A_5 = arith.constant 0 : index
    %get3A_6 = arith.constant 0 : index
    %get3A_7 = vector.load %arg1[%get3A_4, %get3A_5, %get3A_6] : memref<2x1000x128xf32, #tpu.memory_space<vmem>>, vector<1x1000x128xf32>
    %get3A_8 = vector.shape_cast %get3A_7 : vector<1x1000x128xf32> to vector<1000x128xf32>
    %add3A = arith.addf %get3A_3, %get3A_8 : vector<1000x128xf32>
    %get3A_9 = arith.constant 0 : index
    %get3A_10 = arith.constant 0 : index
    %get3A_11 = arith.constant 0 : index
    %get3A_12 = vector.load %arg2[%get3A_9, %get3A_10, %get3A_11] : memref<2x1000x128xf32, #tpu.memory_space<vmem>>, vector<1x1000x128xf32>
    %get3A_13 = vector.shape_cast %get3A_12 : vector<1x1000x128xf32> to vector<1000x128xf32>
    %get3A_14 = arith.constant 1 : index
    %get3A_15 = arith.constant 0 : index
    %get3A_16 = arith.constant 0 : index
    %get3A_17 = vector.load %arg2[%get3A_14, %get3A_15, %get3A_16] : memref<2x1000x128xf32, #tpu.memory_space<vmem>>, vector<1x1000x128xf32>
    %get3A_18 = vector.shape_cast %get3A_17 : vector<1x1000x128xf32> to vector<1000x128xf32>
    %add3A_19 = arith.addf %get3A_13, %get3A_18 : vector<1000x128xf32>
    %slice3A = vector.extract_strided_slice %add3A_19 {offsets = [0, 0], sizes = [1000, 16], strides = [1, 1]} : vector<1000x128xf32> to vector<1000x16xf32>
    %get3A_20 = arith.constant 0 : index
    %get3A_21 = arith.constant 0 : index
    %get3A_22 = vector.load %arg4[%get3A_20, %get3A_21] : memref<16x128xf32, #tpu.memory_space<vmem>>, vector<16x128xf32>
    %dot_general3A = arith.constant dense<0.000000e+00> : vector<1000x128xf32>
    %dot_general3A_23 = tpu.matmul %slice3A, %get3A_22, %dot_general3A {dimension_numbers = #tpu.dot_dimension_numbers<[1], [0], [0], [1], [0, 0, 1, 1], [], []>, transpose_lhs_hint = false} : vector<1000x16xf32>, vector<16x128xf32>, vector<1000x128xf32> -> vector<1000x128xf32>
    %add3A_24 = arith.addf %add3A, %dot_general3A_23 : vector<1000x128xf32>
    %get3A_25 = arith.constant 0 : index
    %get3A_26 = arith.constant 0 : index
    %get3A_27 = vector.load %arg5[%get3A_25, %get3A_26] : memref<128x256xf32, #tpu.memory_space<vmem>>, vector<128x256xf32>
    %dot_general3A_28 = arith.constant dense<0.000000e+00> : vector<1000x256xf32>
    %dot_general3A_29 = tpu.matmul %add3A_24, %get3A_27, %dot_general3A_28 {dimension_numbers = #tpu.dot_dimension_numbers<[1], [0], [0], [1], [0, 0, 1, 1], [], []>, transpose_lhs_hint = false} : vector<1000x128xf32>, vector<128x256xf32>, vector<1000x256xf32> -> vector<1000x256xf32>
    %get3A_30 = arith.constant 0 : index
    %get3A_31 = arith.constant 0 : index
    %get3A_32 = vector.load %arg6[%get3A_30, %get3A_31] : memref<1x256xf32, #tpu.memory_space<vmem>>, vector<1x256xf32>
    %add3A_33 = vector.broadcast %get3A_32 : vector<1x256xf32> to vector<1000x256xf32>
    %add3A_34 = arith.addf %dot_general3A_29, %add3A_33 : vector<1000x256xf32>
    %max3A = arith.constant 0.000000e+00 : f32
    %max3A_35 = vector.broadcast %max3A : f32 to vector<1000x256xf32>
    %max3A_36 = arith.maximumf %add3A_34, %max3A_35 : vector<1000x256xf32>
    %get3A_37 = arith.constant 0 : index
    %get3A_38 = arith.constant 0 : index
    %get3A_39 = vector.load %arg7[%get3A_37, %get3A_38] : memref<256x128xf32, #tpu.memory_space<vmem>>, vector<256x128xf32>
    %dot_general3A_40 = arith.constant dense<0.000000e+00> : vector<1000x128xf32>
    %dot_general3A_41 = tpu.matmul %max3A_36, %get3A_39, %dot_general3A_40 {dimension_numbers = #tpu.dot_dimension_numbers<[1], [0], [0], [1], [0, 0, 1, 1], [], []>, transpose_lhs_hint = false} : vector<1000x256xf32>, vector<256x128xf32>, vector<1000x128xf32> -> vector<1000x128xf32>
    %get3A_42 = arith.constant 0 : index
    %get3A_43 = arith.constant 0 : index
    %get3A_44 = vector.load %arg8[%get3A_42, %get3A_43] : memref<1x128xf32, #tpu.memory_space<vmem>>, vector<1x128xf32>
    %add3A_45 = vector.broadcast %get3A_44 : vector<1x128xf32> to vector<1000x128xf32>
    %add3A_46 = arith.addf %dot_general3A_41, %add3A_45 : vector<1000x128xf32>
    %get3A_47 = arith.constant 0 : index
    %get3A_48 = arith.constant 0 : index
    %get3A_49 = vector.load %arg3[%get3A_47, %get3A_48] : memref<1000x128xf32, #tpu.memory_space<vmem>>, vector<1000x128xf32>
    %add3A_50 = arith.addf %get3A_49, %add3A_46 : vector<1000x128xf32>
    %reduce_sum3A = arith.constant dense<0.000000e+00> : vector<1000xf32>
    %reduce_sum3A_51 = vector.multi_reduction <add>, %add3A_50, %reduce_sum3A [1] : vector<1000x128xf32> to vector<1000xf32>
    %broadcast_in_dim3A = vector.shape_cast %reduce_sum3A_51 : vector<1000xf32> to vector<1000x1xf32>
    %div3A = arith.constant 1.280000e+02 : f32
    %div3A_52 = vector.broadcast %div3A : f32 to vector<1000x1xf32>
    %div3A_53 = arith.divf %broadcast_in_dim3A, %div3A_52 : vector<1000x1xf32>
    %sub3A = vector.broadcast %div3A_53 : vector<1000x1xf32> to vector<1000x128xf32>
    %sub3A_54 = arith.subf %add3A_50, %sub3A : vector<1000x128xf32>
    %sub3A_55 = vector.broadcast %div3A_53 : vector<1000x1xf32> to vector<1000x128xf32>
    %sub3A_56 = arith.subf %add3A_50, %sub3A_55 : vector<1000x128xf32>
    %mul3A = arith.mulf %sub3A_54, %sub3A_56 : vector<1000x128xf32>
    %reduce_sum3A_57 = arith.constant dense<0.000000e+00> : vector<1000xf32>
    %reduce_sum3A_58 = vector.multi_reduction <add>, %mul3A, %reduce_sum3A_57 [1] : vector<1000x128xf32> to vector<1000xf32>
    %broadcast_in_dim3A_59 = vector.shape_cast %reduce_sum3A_58 : vector<1000xf32> to vector<1000x1xf32>
    %div3A_60 = arith.constant 1.280000e+02 : f32
    %div3A_61 = vector.broadcast %div3A_60 : f32 to vector<1000x1xf32>
    %div3A_62 = arith.divf %broadcast_in_dim3A_59, %div3A_61 : vector<1000x1xf32>
    %sub3A_63 = vector.broadcast %div3A_53 : vector<1000x1xf32> to vector<1000x128xf32>
    %sub3A_64 = arith.subf %add3A_50, %sub3A_63 : vector<1000x128xf32>
    %add3A_65 = arith.constant 9.99999974E-6 : f32
    %add3A_66 = vector.broadcast %add3A_65 : f32 to vector<1000x1xf32>
    %add3A_67 = arith.addf %div3A_62, %add3A_66 : vector<1000x1xf32>
    %rsqrt3A = math.rsqrt %add3A_67 : vector<1000x1xf32>
    %mul3A_68 = vector.broadcast %rsqrt3A : vector<1000x1xf32> to vector<1000x128xf32>
    %mul3A_69 = arith.mulf %sub3A_64, %mul3A_68 : vector<1000x128xf32>
    %get3A_70 = arith.constant 0 : index
    %get3A_71 = arith.constant 0 : index
    %get3A_72 = vector.load %arg9[%get3A_70, %get3A_71] : memref<1x128xf32, #tpu.memory_space<vmem>>, vector<1x128xf32>
    %mul3A_73 = vector.broadcast %get3A_72 : vector<1x128xf32> to vector<1000x128xf32>
    %mul3A_74 = arith.mulf %mul3A_69, %mul3A_73 : vector<1000x128xf32>
    %get3A_75 = arith.constant 0 : index
    %get3A_76 = arith.constant 0 : index
    %get3A_77 = vector.load %arg10[%get3A_75, %get3A_76] : memref<1x128xf32, #tpu.memory_space<vmem>>, vector<1x128xf32>
    %add3A_78 = vector.broadcast %get3A_77 : vector<1x128xf32> to vector<1000x128xf32>
    %add3A_79 = arith.addf %mul3A_74, %add3A_78 : vector<1000x128xf32>
    %swap3A = arith.constant 0 : index
    %swap3A_80 = arith.constant 0 : index
    %swap3A_81 = vector.load %arg11[%swap3A, %swap3A_80] : memref<1000x128xf32, #tpu.memory_space<vmem>>, vector<1000x128xf32>
    tpu.vector_store %arg11[%swap3A, %swap3A_80], %add3A_79 {strides = array<i32>} : memref<1000x128xf32, #tpu.memory_space<vmem>>, vector<1000x128xf32>,
    return
  }
  func.func @transform_0(%arg0: i32) -> (i32, i32, i32) {
    %c0_i32 = arith.constant 0 : i32
    %c0_i32_0 = arith.constant 0 : i32
    %c0_i32_1 = arith.constant 0 : i32
    return %c0_i32, %arg0, %c0_i32_0 : i32, i32, i32
  }
  func.func @transform_1(%arg0: i32) -> (i32, i32, i32) {
    %c0_i32 = arith.constant 0 : i32
    %c0_i32_0 = arith.constant 0 : i32
    %c0_i32_1 = arith.constant 0 : i32
    return %c0_i32, %arg0, %c0_i32_0 : i32, i32, i32
  }
  func.func @transform_2(%arg0: i32) -> (i32, i32) {
    %c0_i32 = arith.constant 0 : i32
    %c0_i32_0 = arith.constant 0 : i32
    return %arg0, %c0_i32 : i32, i32
  }
  func.func @transform_3(%arg0: i32) -> (i32, i32) {
    %c0_i32 = arith.constant 0 : i32
    %c0_i32_0 = arith.constant 0 : i32
    %c0_i32_1 = arith.constant 0 : i32
    return %c0_i32, %c0_i32_0 : i32, i32
  }
  func.func @transform_4(%arg0: i32) -> (i32, i32) {
    %c0_i32 = arith.constant 0 : i32
    %c0_i32_0 = arith.constant 0 : i32
    %c0_i32_1 = arith.constant 0 : i32
    return %c0_i32, %c0_i32_0 : i32, i32
  }
  func.func @transform_5(%arg0: i32) -> (i32, i32) {
    %c0_i32 = arith.constant 0 : i32
    %c0_i32_0 = arith.constant 0 : i32
    %c0_i32_1 = arith.constant 0 : i32
    return %c0_i32, %c0_i32_0 : i32, i32
  }
  func.func @transform_6(%arg0: i32) -> (i32, i32) {
    %c0_i32 = arith.constant 0 : i32
    %c0_i32_0 = arith.constant 0 : i32
    %c0_i32_1 = arith.constant 0 : i32
    return %c0_i32, %c0_i32_0 : i32, i32
  }
  func.func @transform_7(%arg0: i32) -> (i32, i32) {
    %c0_i32 = arith.constant 0 : i32
    %c0_i32_0 = arith.constant 0 : i32
    %c0_i32_1 = arith.constant 0 : i32
    return %c0_i32, %c0_i32_0 : i32, i32
  }
  func.func @transform_8(%arg0: i32) -> (i32, i32) {
    %c0_i32 = arith.constant 0 : i32
    %c0_i32_0 = arith.constant 0 : i32
    %c0_i32_1 = arith.constant 0 : i32
    return %c0_i32, %c0_i32_0 : i32, i32
  }
  func.func @transform_9(%arg0: i32) -> (i32, i32) {
    %c0_i32 = arith.constant 0 : i32
    %c0_i32_0 = arith.constant 0 : i32
    %c0_i32_1 = arith.constant 0 : i32
    return %c0_i32, %c0_i32_0 : i32, i32
  }
  func.func @transform_10(%arg0: i32) -> (i32, i32) {
    %c0_i32 = arith.constant 0 : i32
    %c0_i32_0 = arith.constant 0 : i32
    return %arg0, %c0_i32 : i32, i32
  }
}

</mosaic_0001>

<sc_bundles>
// kernel: kernel.10.cloned.1.call-start
scs
__scs_entry_jumppad:
0x0: {  	(pc) =	sbr.rel $0x88, $3  }
0x1: {  	(tag) =	ssettag $0x0;
	lr =	simm.s32 $0x1  }
0x2: {  	[smem:$0x3F96] =	sst lr;
	_ =	strace $0xD0000000  }
0x3: {  	_ = 	snop  }
0x4: {  	_ = 	snop  }
0x5: {  	_ = 	snop  }
0x6: {  	_ = 	snop  }
0x7: {  	_ = 	snop  }
__scs_overlays_trampoline_lowered:
0x8: {  	[smem:$0x3FA5] =	sst s0  }
0x9: {  	[smem:$0x3FA6] =	sst s1  }
0xa: {  	[smem:$0x3FA7] =	sst s2  }
0xb: {  	[smem:$0x3FA8] =	sst s3  }
0xc: {  	[smem:$0x3FA9] =	sst s4  }
0xd: {  	[smem:$0x3FAA] =	sst s5  }
0xe: {  	[smem:$0x3FAB] =	sst s6  }
0xf: {  	[smem:$0x3FAC] =	sst s7  }
0x10: {  	[smem:$0x3FAD] =	sst s8  }
0x11: {  	[smem:$0x3FAE] =	sst s9;
	s0 =	simm.s32 @!p0 $0x0  }
0x12: {  	s1 =	sld [smem:$0x3F94];
	s0 =	simm.s32 @p0 $0x1  }
0x13: {  	[smem:$0x3FAF] =	sst s0;
	s0 =	simm.s32 @!p1 $0x0  }
0x14: {  	s2 =	sld [smem:$0x3F93];
	s0 =	simm.s32 @p1 $0x1  }
0x15: {  	[smem:$0x3FB0] =	sst s0;
	s0 =	simm.s32 @!p2 $0x0  }
0x16: {  	s3 =	sld [smem:$0x3FDB];
	s0 =	simm.s32 @p2 $0x1  }
0x17: {  	s4 =	simm.s32 $0x1BF5;
	[smem:$0x3FB2] =	sst s0  }
0x18: {  	s0 =	sld [smem:$0x3F95];
	_ =	swait.ge [sflag:s4], $0x0  }
0x19: {  	s7 =	sld [smem:$0x3F96]  }
0x1a: {  	s8 =	sadd.s32 $0xFFFFE003, lr  }
0x1b: {  	s9 =	sadd.s32 $0xFFFFFEF7, lr;
	s5 =	simm.s32 $0xFFFFFFFF;
	p2 =	slt.u32 s8, $0xFFFFF086  }
0x1c: {  	p1 =	slt.u32 s9, $0xF7A;
	s5 =	simm.s32 @!p2 $0x0  }
0x1d: {  	s5 =	simm.s32 @p1 $0x1;
	p0 =	seq.s32 s7, s2  }
0x1e: {  	s7 =	smul.u32 @!p0 $0xF7A, s2;
	p2 =	seq.s32 @!p0 s5, $0x0  }
0x1f: {  	s9 =	smul.u32 $0xF7A, s1;
	s8 =	simm.s32 @!p0 $0x1BF5;
	p2 =	por !p2, p0  }
0x20: {  	[sflag:s8] =	ssyncset.s32 @!p0 $0xFFFFF086;
	s6 =	sadd.s32 @!p0 s3, s7;
	s7 =	simm.s32 @!p0 $0x108  }
0x21: {  	s3 =	sadd.s32 s3, s9;
	s6 =	sadd.s32 @!p0 $0x88, s6;
	s7 =	simm.s32 @p2 $0x1082  }
0x22: {  	[simem:s7], [sflag:s8] =	dma.local @!p0 [hbm:s6], $0xF7A  }
0x23: {  	s9 =	sor.u32 $0xD0000000, s2;
	s6 =	simm.s32 $0x108;
	_ =	swait.ge @!p0 [sflag:s8], $0x0  }
0x24: {  	s3 =	sadd.s32 $0x88, s3;
	s6 =	simm.s32 @!p1 $0x1082;
	[sflag:s4] =	ssyncset.s32 $0xFFFFF086  }
0x25: {  	[simem:s6], [sflag:s4] =	dma.local [hbm:s3], $0xF7A  }
0x26: {  	[smem:$0x3F96] =	sst s1;
	(tag) =	ssettag s2;
	_ =	strace s9  }
0x27: {  	s1 =	sld [smem:$0x3FA6]  }
0x28: {  	s2 =	sld [smem:$0x3FA7]  }
0x29: {  	s4 =	sld [smem:$0x3FA9]  }
0x2a: {  	p0 =	seq.s32 s5, $0x0;
	s5 =	sld [smem:$0x3FAA]  }
0x2b: {  	s6 =	sld [smem:$0x3FAB]  }
0x2c: {  	s7 =	sld [smem:$0x3FAC]  }
0x2d: {  	s3 =	simm.s32 $0x108;
	s8 =	sld [smem:$0x3FAD]  }
0x2e: {  	s3 =	simm.s32 @!p0 $0x1082;
	s9 =	sld [smem:$0x3FAE]  }
0x2f: {  	lr =	sadd.s32 s0, s3;
	s0 =	sld [smem:$0x3FA5]  }
0x30: {  	s3 =	sld [smem:$0x3FA8]  }
0x31: {  	[smem:$0x3FB1] =	sst s10  }
0x32: {  	s10 =	sld [smem:$0x3FAF];
	_ =	sdelay $0x3  }
0x33: {  	p0 =	seq.s32 s10, $0x1;
	s10 =	sld [smem:$0x3FB1];
	_ =	sdelay $0x3  }
0x34: {  	[smem:$0x3FB1] =	sst s10  }
0x35: {  	s10 =	sld [smem:$0x3FB0];
	_ =	sdelay $0x3  }
0x36: {  	p1 =	seq.s32 s10, $0x1;
	s10 =	sld [smem:$0x3FB1];
	_ =	sdelay $0x3  }
0x37: {  	[smem:$0x3FB1] =	sst s10  }
0x38: {  	s10 =	sld [smem:$0x3FB2]  }
0x39: {  	_ = 	snop;
	(pc) =	sbr.ind lr, $3  }
0x3a: {  	_ = 	snop  }
0x3b: {  	_ = 	snop  }
0x3c: {  	p2 =	seq.s32 s10, $0x1;
	s10 =	sld [smem:$0x3FB1]  }
0x3d: {  	_ =	shalt  }
0x3e: {  	_ =	shalt  }
0x3f: {  	_ =	shalt  }
0x40: {  	_ =	shalt  }
0x41: {  	_ =	shalt  }
0x42: {  	_ =	shalt  }
0x43: {  	_ =	shalt  }
0x44: {  	_ =	shalt  }
0x45: {  	_ =	shalt  }
0x46: {  	_ =	shalt  }
0x47: {  	_ =	shalt  }
0x48: {  	_ =	shalt  }
0x49: {  	_ =	shalt  }
0x4a: {  	_ =	shalt  }
0x4b: {  	_ =	shalt  }
0x4c: {  	_ =	shalt  }
0x4d: {  	_ =	shalt  }
0x4e: {  	_ =	shalt  }
0x4f: {  	_ =	shalt  }
0x50: {  	_ =	shalt  }
0x51: {  	_ =	shalt  }
0x52: {  	_ =	shalt  }
0x53: {  	_ =	shalt  }
0x54: {  	_ =	shalt  }
0x55: {  	_ =	shalt  }
0x56: {  	_ =	shalt  }
0x57: {  	_ =	shalt  }
0x58: {  	_ =	shalt  }
0x59: {  	_ =	shalt  }
0x5a: {  	_ =	shalt  }
0x5b: {  	_ =	shalt  }
0x5c: {  	_ =	shalt  }
0x5d: {  	_ =	shalt  }
0x5e: {  	_ =	shalt  }
0x5f: {  	_ =	shalt  }
0x60: {  	_ =	shalt  }
0x61: {  	_ =	shalt  }
0x62: {  	_ =	shalt  }
0x63: {  	_ =	shalt  }
0x64: {  	_ =	shalt  }
0x65: {  	_ =	shalt  }
0x66: {  	_ =	shalt  }
0x67: {  	_ =	shalt  }
0x68: {  	_ =	shalt  }
0x69: {  	_ =	shalt  }
0x6a: {  	_ =	shalt  }
0x6b: {  	_ =	shalt  }
0x6c: {  	_ =	shalt  }
0x6d: {  	_ =	shalt  }
0x6e: {  	_ =	shalt  }
0x6f: {  	_ =	shalt  }
0x70: {  	_ =	shalt  }
0x71: {  	_ =	shalt  }
0x72: {  	_ =	shalt  }
0x73: {  	_ =	shalt  }
0x74: {  	_ =	shalt  }
0x75: {  	_ =	shalt  }
0x76: {  	_ =	shalt  }
0x77: {  	_ =	shalt  }
0x78: {  	_ =	shalt  }
0x79: {  	_ =	shalt  }
0x7a: {  	_ =	shalt  }
0x7b: {  	_ =	shalt  }
0x7c: {  	_ =	shalt  }
0x7d: {  	_ =	shalt  }
0x7e: {  	_ =	shalt  }
0x7f: {  	_ =	shalt  }
0x80: {  	_ =	shalt  }
0x81: {  	_ =	shalt  }
0x82: {  	_ =	shalt  }
0x83: {  	_ =	shalt  }
0x84: {  	_ =	shalt  }
0x85: {  	_ =	shalt  }
0x86: {  	_ =	shalt  }
0x87: {  	_ =	shalt  }
.Lfunc_end0:
.L_simem_size_0:
called_computation_lowered:
.L_overlay_start_0:
0x88: {  	s2 =	sld [smem:$0x3FD9]  }
0x89: {  	s3 =	sld [smem:$0x3FFE];
	_ =	sdelay $0x1  }
0x8a: {  	s1 =	srdreg.scid  }
0x8b: {  	s0 =	sand.u32 $0x1, s1  }
0x8c: {  	s17 =	sshll.u32 s0, $0xA;
	s2 =	sadd.s32 s3, s2  }
0x8d: {  	s2 =	sadd.s32 s2, s17  }
0x8e: {  	[smem:$0x3FBD] =	sst s2  }
0x8f: {  	_ = 	snop  }
0x90: {  	(tm) =	ssettm $0x1  }
0x91: {  	s18 =	sld [smem:$0x3FFB];
	_ =	sdelay $0x3  }
0x92: {  	_ =	strace s18  }
0x93: {  	s2 =	sld [smem:$0x3FFC];
	_ =	sdelay $0x3  }
0x94: {  	_ =	strace s2  }
0x95: {  	s2 =	sld [smem:$0x3FFD];
	_ =	sdelay $0x3  }
0x96: {  	_ =	strace s2  }
0x97: {  	_ =	strace $0x8FFFFFFF  }
0x98: {  	s19 =	sld [smem:$0x3FDB];
	_ =	sdelay $0x1  }
0x99: {  	s20 =	simm.s32 $_scs_section_size  }
0x9a: {  	s4 =	simm.s32 $_size__tile_overlayer_lowered;
	s5 =	simm.s32 $_tile_overlayer_lowered  }
0x9b: {  	s6 =	simm.s32 $0x1BFF;
	s21 =	sshll.u32 s5, $0x1;
	s3 =	sadd.s32 s20, s19  }
0x9c: {  	s22 =	simm.s32 $0x0;
	s4 =	sshll.u32 s4, $0x1;
	s5 =	sadd.s32 s21, s3  }
0x9d: {  	[timem:s22], [sflag:s6] =	dma.local [hbm:s5], s4  }
0x9e: {  	_ =	swait.ge [sflag:s6], s4  }
0x9f: {  	s4 =	ssub.s32 $0x0, s4;
	[sflag:s6] =	ssyncset.done $0x0  }
0xa0: {  	[sflag:s6] =	ssyncadd.s32 s4;
	_ =	sdelay $0x1  }
0xa1: {  	s23 =	simm.s32 $0x1B8B  }
0xa2: {  	_ =	swait.ge [sflag:s23], $0x1  }
0xa3: {  	[sflag:s23] =	ssyncset.done $0x0  }
0xa4: {  	[sflag:s23] =	ssyncadd.s32 $0xFFFFFFFF  }
0xa5: {  	s4 =	sld [smem:$0x0]  }
0xa6: {  	s5 =	sand.u32 $0xFFFFFFFE, s1  }
0xa7: {  	p0 =	sne.s32 s1, s5  }
0xa8: {  	s5 =	sshll.u32 @p0 s5, $0xE  }
0xa9: {  	s5 =	sadd.s32 @p0 $0x11B8D, s5;
	s6 =	sshll.u32 @p0 s4, $0x11  }
0xaa: {  	s5 =	sor.u32 @p0 s6, s5  }
0xab: {  	[sflag:s5] =	ssyncadd.remote.s32 @p0 $0x1;
	_ =	sdelay $0x1  }
0xac: {  	s5 =	simm.s32 @p0 $0x1B8D  }
0xad: {  	_ =	swait.eq @p0 [sflag:s5], $0x1  }
0xae: {  	[sflag:s5] =	ssyncadd.s32 @p0 $0xFFFFFFFF  }
0xaf: {  	s6 =	sshll.u32 @!p0 s1, $0xE  }
0xb0: {  	s6 =	sor.u32 @!p0 $0x4000, s6;
	s5 =	simm.s32 @!p0 $0x1B8D  }
0xb1: {  	s4 =	sshll.u32 @!p0 s4, $0x11;
	s6 =	sadd.s32 @!p0 $0x11B8D, s6;
	_ =	swait.eq @!p0 [sflag:s5], $0x1  }
0xb2: {  	s4 =	sor.u32 @!p0 s4, s6;
	[sflag:s5] =	ssyncadd.s32 @!p0 $0xFFFFFFFF  }
0xb3: {  	s25 =	simm.s32 $0x1B8E;
	s24 =	sld [smem:$0x3FFE];
	[sflag:s4] =	ssyncadd.remote.s32 @!p0 $0x1  }
0xb4: {  	s26 =	simm.s32 $execute0_lowered;
	[smem:$0x3FD2] =	sst s25  }
0xb5: {  	s5 =	sshll.u32 s26, $0x1;
	_ =	strace $0x80000049;
	[dreg:$0x1] =	wrdreg $0xFFFFFFFF  }
0xb6: {  	s28 =	simm.s32 $_size_execute0_lowered;
	s3 =	sadd.s32 s3, s5;
	[dreg:$0x0] =	wrdreg $0x0  }
0xb7: {  	s5 =	sshll.u32 s28, $0x1;
	[dreg:$0x2] =	wrdreg s3  }
0xb8: {  	[dreg:$0x3] =	wrdreg s5  }
0xb9: {  	[dreg:$0x4] =	wrdreg $0xC0  }
0xba: {  	_ =	task [dreg:s22], $0x5FFFF  }
0xbb: {  	[dreg:$0x1] =	wrdreg $0xFFFFFFFF  }
0xbc: {  	[dreg:$0x0] =	wrdreg $0x60  }
0xbd: {  	[dreg:$0x2] =	wrdreg s24  }
0xbe: {  	[dreg:$0x3] =	wrdreg $0xA8000  }
0xbf: {  	[dreg:$0x4] =	wrdreg $0x9  }
0xc0: {  	_ =	task.clear_ibuf [dreg:s22], $0x5FFFF;
	_ =	strace $0x90000049  }
0xc1: {  	s29 =	simm.s32 $0x9;
	_ =	strace $0x8000004B  }
0xc2: {  	_ =	swait.ge [sflag:s29], $0x1  }
0xc3: {  	[sflag:s29] =	ssyncadd.s32 $0xFFFFFFFF  }
0xc4: {  	_ =	strace $0x9000004B  }
0xc5: {  	_ =	sfence  }
0xc6: {  	s30 =	sld [smem:$0x0];
	_ =	sdelay $0x2  }
0xc7: {  	s31 =	sshll.u32 s1, $0xD;
	s1 =	sshrl.u32 s1, $0x2  }
0xc8: {  	s4 =	sand.u32 $0x4000, s31;
	s1 =	sadd.s32 s1, s30  }
0xc9: {  	s0 =	sor.u32 s4, s0;
	s1 =	sshll.u32 s1, $0x11  }
0xca: {  	s0 =	sor.u32 s1, s0  }
0xcb: {  	s0 =	sadd.s32 $0x8F2B, s0  }
0xcc: {  	[sflag:s0] =	ssyncadd.remote.s32 $0x1  }
0xcd: {  	_ =	sfence.sel $0xFFFF  }
0xce: {  	[dreg:$0x0] =	wrdreg $0xFFFFFFFF;
	(pc) =	sbr.abs _section_cstart, $3  }
0xcf: {  	[dreg:$0x1] =	wrdreg $0xFFFFFFFF  }
0xd0: {  	_ =	task.clear_ibuf [dreg:s22], $0x2FFFF;
	_ =	strace $0x9FFFFFFF  }
0xd1: {  	(tm) =	ssettm $0x7FFFFFFF  }
tec
execute0_lowered:
.L_overlay_start_1:
0x0: {  	(tag) =	ssettag $0x1  }
0x1: {  	s5 =	rddreg [dreg:$0x0]  }
0x2: {  	s1 =	rddreg [dreg:$0x1]  }
0x3: {  	s2 =	srdreg.scid;
	s0 =	rddreg [dreg:$0x2];
	s3 =	simm.s32 $0x0  }
0x4: {  	s14 =	simm.s32 $0x1;
	s15 =	simm.s32 $0x6800;
	s16 =	simm.s32 $0x2800  }
0x5: {  	s17 =	simm.s32 $0x80;
	s6 =	sand.u32 $0x1, s2;
	s2 =	stileid.u32  }
0x6: {  	s20 =	simm.s32 $0x0;
	[smem:$0x7FF] =	sst s3;
	s7 =	smul.u32 $0x140000, s6  }
0x7: {  	s4 =	sshll.u32 s6, $0x4;
	s9 =	smul.u32 $0x14000, s2;
	_ =	strace $0x8000004A  }
0x8: {  	s29 =	smul.u32 $0x50000, s2;
	s6 =	ssub.s32 $0x2, s6;
	s18 =	sshll.u32 s2, $0x6  }
0x9: {  	s8 =	sor.u32 s2, s4;
	s4 =	sadd.s32 $0x54AE00, s5;
	s30 =	sshrl.u32 s6, $0x1  }
0xa: {  	s18 =	sor.u32 $0x1C01, s18;
	s10 =	smul.u32 $0x500, s8;
	s7 =	sadd.s32 s9, s7  }
0xb: {  	s31 =	sshrl.u32 s29, $0x2;
	s13 =	ssub.s32 s6, s30;
	s7 =	sshrl.u32 s7, $0x3  }
0xc: {  	s6 =	sadd.s32 s31, s1;
	s13 =	smax.u32 s13, $0x1;
	s10 =	sadd.s32 s10, s5  }
0xd: {  	s12 =	sadd.s32 s7, s5;
	s5 =	smul.u32 $0x50, s8;
	s8 =	sadd.s32 $0x4000, s6  }
0xe: {  	s9 =	sadd.s32 $0x8000, s6;
	s11 =	sadd.s32 $0x10000, s6;
	s19 =	sshrl.u32 s6, $0x3  }
0xf: {  	v0 =	vimm.f32 $0.0e+00;
	s7 =	sadd.s32 $0x4E00, s10;
	s10 =	sadd.s32 $0xC000, s6;
	s12 =	sadd.s32 $0x68E00, s12  }
.LBB2_1:
0x10: {  	[tilespmem:s3], [sflag:$0x1] =	stream.linear.gather [hbm4b:s7+s3], $0x2800, $0x38;
	[tilespmem:$0x1E800] =	vst v63  }
0x11: {  	_ =	swait.ge [sflag:s14], $0x2800  }
0x12: {  	[sflag:s14] =	ssyncset.done $0x0  }
0x13: {  	s21 =	simm.s32 $0x0;
	s22 =	simm.s32 $0x200;
	[sflag:s14] =	ssyncadd.s32 $0xFFFFD800  }
.LBB2_2:
0x14: {  	p0 =	sne.s32 s22, $0xFE00;
	[tilespmem:s21+$0x6870] =	vst v0  }
0x15: {  	[tilespmem:s21+$0x6800] =	vst v0  }
0x16: {  	[tilespmem:s21+$0x6810] =	vst v0  }
.Ltmp0:
0x17: {  	[tilespmem:s21+$0x6820] =	vst v0;
	(pc) =	sbr.rel @p0 .LBB2_2-.Ltmp0, $4  }
0x18: {  	[tilespmem:s21+$0x6830] =	vst v0  }
0x19: {  	[tilespmem:s21+$0x6840] =	vst v0  }
0x1a: {  	[tilespmem:s21+$0x6850] =	vst v0  }
0x1b: {  	[tilespmem:s21+$0x6860] =	vst v0;
	s21 =	sshra.s32 s22, $0x2;
	s22 =	sadd.s32 $0x200, s22  }
0x1c: {  	[tilespmem:s21+$0x6870] =	vst v0  }
0x1d: {  	[tilespmem:s21+$0x6800] =	vst v0  }
0x1e: {  	[tilespmem:s21+$0x6810] =	vst v0  }
0x1f: {  	[tilespmem:s21+$0x6820] =	vst v0  }
0x20: {  	[tilespmem:s21+$0x6830] =	vst v0  }
0x21: {  	[tilespmem:s21+$0x6840] =	vst v0  }
0x22: {  	[tilespmem:s21+$0x6850] =	vst v0  }
0x23: {  	[tilespmem:s21+$0x6860] =	vst v0  }
0x24: {  	[spmem:s6] =	stream.linear.scatter [tilespmem:s15], [sflag:$0x1], $0x4000, $0x38;
	[tilespmem:$0x1E800] =	vst v63  }
0x25: {  	_ =	swait.ge [sflag:s14], $0x4000  }
0x26: {  	[sflag:s14] =	ssyncset.done $0x0  }
0x27: {  	[sflag:s14] =	ssyncadd.s32 $0xFFFFC000  }
0x28: {  	[spmem:s8] =	stream.linear.scatter [tilespmem:s15], [sflag:$0x1], $0x4000, $0x38;
	[tilespmem:$0x1E800] =	vst v63  }
0x29: {  	_ =	swait.ge [sflag:s14], $0x4000  }
0x2a: {  	[sflag:s14] =	ssyncset.done $0x0  }
0x2b: {  	[sflag:s14] =	ssyncadd.s32 $0xFFFFC000  }
0x2c: {  	[spmem:s9] =	stream.linear.scatter [tilespmem:s15], [sflag:$0x1], $0x4000, $0x38;
	[tilespmem:$0x1E800] =	vst v63  }
0x2d: {  	_ =	swait.ge [sflag:s14], $0x4000  }
0x2e: {  	[sflag:s14] =	ssyncset.done $0x0  }
0x2f: {  	[sflag:s14] =	ssyncadd.s32 $0xFFFFC000  }
0x30: {  	[spmem:s10] =	stream.linear.scatter [tilespmem:s15], [sflag:$0x1], $0x4000, $0x38;
	[tilespmem:$0x1E800] =	vst v63  }
0x31: {  	_ =	swait.ge [sflag:s14], $0x4000  }
0x32: {  	[sflag:s14] =	ssyncset.done $0x0  }
0x33: {  	[sflag:s14] =	ssyncadd.s32 $0xFFFFC000  }
0x34: {  	[spmem:s11] =	stream.linear.scatter [tilespmem:s15], [sflag:$0x1], $0x4000, $0x38;
	[tilespmem:$0x1E800] =	vst v63  }
0x35: {  	_ =	swait.ge [sflag:s14], $0x4000  }
0x36: {  	[sflag:s14] =	ssyncset.done $0x0  }
0x37: {  	[sflag:s14] =	ssyncadd.s32 $0xFFFFC000  }
0x38: {  	s21 =	simm.s32 $0x0;
	s22 =	simm.s32 $0x0;
	[bflag:$0x0] =	sbarrier.arrive $0xFFFF  }
.LBB2_4:
0x39: {  	s23 =	sadd.s32 s5, s22  }
0x3a: {  	s23 =	sshll.u32 s23, $0xB  }
0x3b: {  	s23 =	sadd.s32 s4, s23  }
0x3c: {  	[tilespmem:s16], [sflag:$0x1] =	stream.linear.gather [hbm4b:s23+s21], $0x4000, $0x38;
	[tilespmem:$0x1E800] =	vst v63  }
0x3d: {  	_ =	swait.ge [sflag:s14], $0x4000  }
0x3e: {  	[sflag:s14] =	ssyncset.done $0x0  }
0x3f: {  	s23 =	simm.s32 $0x0;
	[sflag:s14] =	ssyncadd.s32 $0xFFFFC000  }
0x40: {  	s24 =	simm.s32 $0x200;
	v1 =	vld [tilespmem:s23+$0x2800]  }
.LBB2_5:
0x41: {  	p0 =	sne.s32 s24, $0xFE00  }
.Ltmp1:
0x42: {  	_ = 	snop;
	(pc) =	sbr.rel @p0 .LBB2_5-.Ltmp1, $3  }
0x43: {  	_ =	sdelay $0x1  }
0x44: {  	[tilespmem:s23+$0x6800] =	vst v1;
	s23 =	sshra.s32 s24, $0x2;
	s24 =	sadd.s32 $0x200, s24  }
0x45: {  	v1 =	vld [tilespmem:s23+$0x2800]  }
0x46: {  	_ =	sdelay $0x1  }
0x47: {  	s24 =	sshll.u32 s22, $0x7;
	s22 =	sadd.s32 $0x1, s22  }
0x48: {  	p0 =	sne.s32 s22, $0x50  }
.Ltmp2:
0x49: {  	s31 =	sand.u32 $0x3FFFFF80, s24;
	[tilespmem:s23+$0x6800] =	vst v1;
	(pc) =	sbr.rel @p0 .LBB2_4-.Ltmp2, $4  }
0x4a: {  	[spmem:s1] =	stream.indirect.scatter.add.f32 [tilespmem:s15], [sflag:$0x1], $0x80, s31, s17, $0xb8;
	[tilespmem:$0x1E800] =	vst v63  }
0x4b: {  	_ =	swait.ge [sflag:s14], $0x4000  }
0x4c: {  	[sflag:s14] =	ssyncset.done $0x0  }
0x4d: {  	[sflag:s14] =	ssyncadd.s32 $0xFFFFC000  }
0x4e: {  	s20 =	sadd.s32 $0x1, s20  }
0x4f: {  	p0 =	sne.s32 s20, s13  }
.Ltmp3:
0x50: {  	[bflag:$0x0] =	sbarrier.arrive $0xFFFF;
	(pc) =	sbr.rel @p0 .LBB2_1-.Ltmp3, $4  }
0x51: {  	[hbm:s12], [sflag:s18] =	dma.local [spmem:s19], $0x2800  }
0x52: {  	_ =	swait.ge [sflag:s14], $0x2800  }
0x53: {  	[sflag:s14] =	ssyncset.done $0x0  }
0x54: {  	[sflag:s14] =	ssyncadd.s32 $0xFFFFD800  }
0x55: {  	_ =	sfence.sel $0x180000  }
0x56: {  	[bflag:$0x0] =	sbarrier.arrive $0xFFFF  }
0x57: {  	p0 =	sne.s32 s2, $0x0;
	_ =	strace $0x9000004A  }
0x58: {  	s0 =	sadd.s32 @!p0 $0x100000, s0;
	[bflag:$0x2] =	sbarrier.arrive $0xFFFF  }
0x59: {  	[sflag:s0] =	ssyncadd.tile.s32 @!p0 $0x1;
	_ =	shalt  }
.Lfunc_end2:
_tile_overlayer_lowered:
.L_overlay_start_2:
0x5a: {  	(tag) =	ssettag $0x2  }
0x5b: {  	s0 =	rddreg [dreg:$0x0];
	s2 =	stileid.u32  }
0x5c: {  	s1 =	rddreg [dreg:$0x1];
	p0 =	sne.s32 s2, $0x0  }
0x5d: {  	s3 =	rddreg [dreg:$0x2];
	[bflag:$0x3] =	sbarrier.arrive $0xFFFF;
	s2 =	simm.s32 @!p0 $0x1C01  }
0x5e: {  	[timem:s3], [sflag:s2] =	dma.local @!p0 [hbm:s0], s1  }
0x5f: {  	s0 =	simm.s32 @!p0 $0x1  }
0x60: {  	_ =	swait.ge @!p0 [sflag:s0], s1  }
0x61: {  	s1 =	ssub.s32 @!p0 $0x0, s1;
	[sflag:s0] =	ssyncset.done @!p0 $0x0  }
0x62: {  	[sflag:s0] =	ssyncadd.s32 @!p0 s1  }
0x63: {  	[bflag:$0x3] =	sbarrier.arrive $0xFFFF  }
0x64: {  	_ =	shalt  }

// kernel: kernel.13.cloned.1.call-start
scs
__scs_entry_jumppad:
0x0: {  	(pc) =	sbr.rel $0x88, $3  }
0x1: {  	(tag) =	ssettag $0x0;
	lr =	simm.s32 $0x1  }
0x2: {  	[smem:$0x3F96] =	sst lr;
	_ =	strace $0xD0000000  }
0x3: {  	_ = 	snop  }
0x4: {  	_ = 	snop  }
0x5: {  	_ = 	snop  }
0x6: {  	_ = 	snop  }
0x7: {  	_ = 	snop  }
__scs_overlays_trampoline_lowered:
0x8: {  	[smem:$0x3FA5] =	sst s0  }
0x9: {  	[smem:$0x3FA6] =	sst s1  }
0xa: {  	[smem:$0x3FA7] =	sst s2  }
0xb: {  	[smem:$0x3FA8] =	sst s3  }
0xc: {  	[smem:$0x3FA9] =	sst s4  }
0xd: {  	[smem:$0x3FAA] =	sst s5  }
0xe: {  	[smem:$0x3FAB] =	sst s6  }
0xf: {  	[smem:$0x3FAC] =	sst s7  }
0x10: {  	[smem:$0x3FAD] =	sst s8  }
0x11: {  	[smem:$0x3FAE] =	sst s9;
	s0 =	simm.s32 @!p0 $0x0  }
0x12: {  	s1 =	sld [smem:$0x3F94];
	s0 =	simm.s32 @p0 $0x1  }
0x13: {  	[smem:$0x3FAF] =	sst s0;
	s0 =	simm.s32 @!p1 $0x0  }
0x14: {  	s2 =	sld [smem:$0x3F93];
	s0 =	simm.s32 @p1 $0x1  }
0x15: {  	[smem:$0x3FB0] =	sst s0;
	s0 =	simm.s32 @!p2 $0x0  }
0x16: {  	s3 =	sld [smem:$0x3FDB];
	s0 =	simm.s32 @p2 $0x1  }
0x17: {  	s4 =	simm.s32 $0x1BF5;
	[smem:$0x3FB2] =	sst s0  }
0x18: {  	s0 =	sld [smem:$0x3F95];
	_ =	swait.ge [sflag:s4], $0x0  }
0x19: {  	s7 =	sld [smem:$0x3F96]  }
0x1a: {  	s8 =	sadd.s32 $0xFFFFE003, lr  }
0x1b: {  	s9 =	sadd.s32 $0xFFFFFEF7, lr;
	s5 =	simm.s32 $0xFFFFFFFF;
	p2 =	slt.u32 s8, $0xFFFFF086  }
0x1c: {  	p1 =	slt.u32 s9, $0xF7A;
	s5 =	simm.s32 @!p2 $0x0  }
0x1d: {  	s5 =	simm.s32 @p1 $0x1;
	p0 =	seq.s32 s7, s2  }
0x1e: {  	s7 =	smul.u32 @!p0 $0xF7A, s2;
	p2 =	seq.s32 @!p0 s5, $0x0  }
0x1f: {  	s9 =	smul.u32 $0xF7A, s1;
	s8 =	simm.s32 @!p0 $0x1BF5;
	p2 =	por !p2, p0  }
0x20: {  	[sflag:s8] =	ssyncset.s32 @!p0 $0xFFFFF086;
	s6 =	sadd.s32 @!p0 s3, s7;
	s7 =	simm.s32 @!p0 $0x108  }
0x21: {  	s3 =	sadd.s32 s3, s9;
	s6 =	sadd.s32 @!p0 $0x88, s6;
	s7 =	simm.s32 @p2 $0x1082  }
0x22: {  	[simem:s7], [sflag:s8] =	dma.local @!p0 [hbm:s6], $0xF7A  }
0x23: {  	s9 =	sor.u32 $0xD0000000, s2;
	s6 =	simm.s32 $0x108;
	_ =	swait.ge @!p0 [sflag:s8], $0x0  }
0x24: {  	s3 =	sadd.s32 $0x88, s3;
	s6 =	simm.s32 @!p1 $0x1082;
	[sflag:s4] =	ssyncset.s32 $0xFFFFF086  }
0x25: {  	[simem:s6], [sflag:s4] =	dma.local [hbm:s3], $0xF7A  }
0x26: {  	[smem:$0x3F96] =	sst s1;
	(tag) =	ssettag s2;
	_ =	strace s9  }
0x27: {  	s1 =	sld [smem:$0x3FA6]  }
0x28: {  	s2 =	sld [smem:$0x3FA7]  }
0x29: {  	s4 =	sld [smem:$0x3FA9]  }
0x2a: {  	p0 =	seq.s32 s5, $0x0;
	s5 =	sld [smem:$0x3FAA]  }
0x2b: {  	s6 =	sld [smem:$0x3FAB]  }
0x2c: {  	s7 =	sld [smem:$0x3FAC]  }
0x2d: {  	s3 =	simm.s32 $0x108;
	s8 =	sld [smem:$0x3FAD]  }
0x2e: {  	s3 =	simm.s32 @!p0 $0x1082;
	s9 =	sld [smem:$0x3FAE]  }
0x2f: {  	lr =	sadd.s32 s0, s3;
	s0 =	sld [smem:$0x3FA5]  }
0x30: {  	s3 =	sld [smem:$0x3FA8]  }
0x31: {  	[smem:$0x3FB1] =	sst s10  }
0x32: {  	s10 =	sld [smem:$0x3FAF];
	_ =	sdelay $0x3  }
0x33: {  	p0 =	seq.s32 s10, $0x1;
	s10 =	sld [smem:$0x3FB1];
	_ =	sdelay $0x3  }
0x34: {  	[smem:$0x3FB1] =	sst s10  }
0x35: {  	s10 =	sld [smem:$0x3FB0];
	_ =	sdelay $0x3  }
0x36: {  	p1 =	seq.s32 s10, $0x1;
	s10 =	sld [smem:$0x3FB1];
	_ =	sdelay $0x3  }
0x37: {  	[smem:$0x3FB1] =	sst s10  }
0x38: {  	s10 =	sld [smem:$0x3FB2]  }
0x39: {  	_ = 	snop;
	(pc) =	sbr.ind lr, $3  }
0x3a: {  	_ = 	snop  }
0x3b: {  	_ = 	snop  }
0x3c: {  	p2 =	seq.s32 s10, $0x1;
	s10 =	sld [smem:$0x3FB1]  }
0x3d: {  	_ =	shalt  }
0x3e: {  	_ =	shalt  }
0x3f: {  	_ =	shalt  }
0x40: {  	_ =	shalt  }
0x41: {  	_ =	shalt  }
0x42: {  	_ =	shalt  }
0x43: {  	_ =	shalt  }
0x44: {  	_ =	shalt  }
0x45: {  	_ =	shalt  }
0x46: {  	_ =	shalt  }
0x47: {  	_ =	shalt  }
0x48: {  	_ =	shalt  }
0x49: {  	_ =	shalt  }
0x4a: {  	_ =	shalt  }
0x4b: {  	_ =	shalt  }
0x4c: {  	_ =	shalt  }
0x4d: {  	_ =	shalt  }
0x4e: {  	_ =	shalt  }
0x4f: {  	_ =	shalt  }
0x50: {  	_ =	shalt  }
0x51: {  	_ =	shalt  }
0x52: {  	_ =	shalt  }
0x53: {  	_ =	shalt  }
0x54: {  	_ =	shalt  }
0x55: {  	_ =	shalt  }
0x56: {  	_ =	shalt  }
0x57: {  	_ =	shalt  }
0x58: {  	_ =	shalt  }
0x59: {  	_ =	shalt  }
0x5a: {  	_ =	shalt  }
0x5b: {  	_ =	shalt  }
0x5c: {  	_ =	shalt  }
0x5d: {  	_ =	shalt  }
0x5e: {  	_ =	shalt  }
0x5f: {  	_ =	shalt  }
0x60: {  	_ =	shalt  }
0x61: {  	_ =	shalt  }
0x62: {  	_ =	shalt  }
0x63: {  	_ =	shalt  }
0x64: {  	_ =	shalt  }
0x65: {  	_ =	shalt  }
0x66: {  	_ =	shalt  }
0x67: {  	_ =	shalt  }
0x68: {  	_ =	shalt  }
0x69: {  	_ =	shalt  }
0x6a: {  	_ =	shalt  }
0x6b: {  	_ =	shalt  }
0x6c: {  	_ =	shalt  }
0x6d: {  	_ =	shalt  }
0x6e: {  	_ =	shalt  }
0x6f: {  	_ =	shalt  }
0x70: {  	_ =	shalt  }
0x71: {  	_ =	shalt  }
0x72: {  	_ =	shalt  }
0x73: {  	_ =	shalt  }
0x74: {  	_ =	shalt  }
0x75: {  	_ =	shalt  }
0x76: {  	_ =	shalt  }
0x77: {  	_ =	shalt  }
0x78: {  	_ =	shalt  }
0x79: {  	_ =	shalt  }
0x7a: {  	_ =	shalt  }
0x7b: {  	_ =	shalt  }
0x7c: {  	_ =	shalt  }
0x7d: {  	_ =	shalt  }
0x7e: {  	_ =	shalt  }
0x7f: {  	_ =	shalt  }
0x80: {  	_ =	shalt  }
0x81: {  	_ =	shalt  }
0x82: {  	_ =	shalt  }
0x83: {  	_ =	shalt  }
0x84: {  	_ =	shalt  }
0x85: {  	_ =	shalt  }
0x86: {  	_ =	shalt  }
0x87: {  	_ =	shalt  }
.Lfunc_end0:
.L_simem_size_0:
called_computation.1_lowered:
.L_overlay_start_0:
0x88: {  	s2 =	sld [smem:$0x3FD9]  }
0x89: {  	s3 =	sld [smem:$0x3FFE];
	_ =	sdelay $0x1  }
0x8a: {  	s1 =	srdreg.scid  }
0x8b: {  	s0 =	sand.u32 $0x1, s1  }
0x8c: {  	s17 =	sshll.u32 s0, $0xA;
	s2 =	sadd.s32 s3, s2  }
0x8d: {  	s2 =	sadd.s32 s2, s17  }
0x8e: {  	[smem:$0x3FBD] =	sst s2  }
0x8f: {  	_ = 	snop  }
0x90: {  	s2 =	sld [smem:$0x3FD0];
	(tm) =	ssettm $0x1  }
0x91: {  	s18 =	sld [smem:$0x3FFB];
	_ =	sdelay $0x3  }
0x92: {  	_ =	strace s18  }
0x93: {  	s3 =	sld [smem:$0x3FFC];
	_ =	sdelay $0x3  }
0x94: {  	_ =	strace s3  }
0x95: {  	s3 =	sld [smem:$0x3FFD];
	_ =	sdelay $0x3  }
0x96: {  	_ =	strace s3  }
0x97: {  	_ =	strace $0x8FFFFFFF  }
0x98: {  	s19 =	sld [smem:$0x3FDB];
	_ =	sdelay $0x1  }
0x99: {  	s4 =	simm.s32 $_scs_section_size  }
0x9a: {  	s5 =	simm.s32 $_size__tile_overlayer_lowered;
	s6 =	simm.s32 $_tile_overlayer_lowered  }
0x9b: {  	s22 =	simm.s32 $0x1BFF;
	s21 =	sshll.u32 s6, $0x1;
	s3 =	sadd.s32 s4, s19  }
0x9c: {  	s7 =	simm.s32 $0x0;
	s20 =	sshll.u32 s5, $0x1;
	s5 =	sadd.s32 s21, s3  }
0x9d: {  	[timem:s7], [sflag:s22] =	dma.local [hbm:s5], s20  }
0x9e: {  	_ =	swait.ge [sflag:s22], s20  }
0x9f: {  	s4 =	ssub.s32 $0x0, s20;
	[sflag:s22] =	ssyncset.done $0x0  }
0xa0: {  	[sflag:s22] =	ssyncadd.s32 s4;
	_ =	sdelay $0x1  }
0xa1: {  	s23 =	simm.s32 $0x1B8B  }
0xa2: {  	_ =	swait.ge [sflag:s23], $0x1  }
0xa3: {  	[sflag:s23] =	ssyncset.done $0x0  }
0xa4: {  	s25 =	simm.s32 $0x1B8E;
	s24 =	sld [smem:$0x3FFE];
	[sflag:s23] =	ssyncadd.s32 $0xFFFFFFFF  }
0xa5: {  	s26 =	simm.s32 $execute0_lowered;
	[smem:$0x3FD2] =	sst s25  }
0xa6: {  	s5 =	sshll.u32 s26, $0x1;
	_ =	strace $0x80000046;
	[dreg:$0x1] =	wrdreg $0xFFFFFFFF  }
0xa7: {  	s28 =	simm.s32 $_size_execute0_lowered;
	s3 =	sadd.s32 s3, s5;
	[dreg:$0x0] =	wrdreg $0x0  }
0xa8: {  	s5 =	sshll.u32 s28, $0x1;
	[dreg:$0x2] =	wrdreg s3  }
0xa9: {  	[dreg:$0x3] =	wrdreg s5  }
0xaa: {  	[dreg:$0x4] =	wrdreg $0xC0  }
0xab: {  	_ =	task [dreg:s7], $0x5FFFF  }
0xac: {  	[dreg:$0x1] =	wrdreg $0xFFFFFFFF  }
0xad: {  	[dreg:$0x0] =	wrdreg $0x60  }
0xae: {  	[dreg:$0x2] =	wrdreg s2  }
0xaf: {  	[dreg:$0x3] =	wrdreg s24  }
0xb0: {  	[dreg:$0x4] =	wrdreg $0x90000  }
0xb1: {  	[dreg:$0x5] =	wrdreg $0xA  }
0xb2: {  	_ =	task.clear_ibuf [dreg:s7], $0x6FFFF;
	_ =	strace $0x90000046  }
0xb3: {  	s29 =	simm.s32 $0xA;
	_ =	strace $0x80000048  }
0xb4: {  	_ =	swait.ge [sflag:s29], $0x1  }
0xb5: {  	[sflag:s29] =	ssyncadd.s32 $0xFFFFFFFF  }
0xb6: {  	_ =	strace $0x90000048  }
0xb7: {  	_ =	sfence  }
0xb8: {  	s30 =	sld [smem:$0x0];
	_ =	sdelay $0x2  }
0xb9: {  	s31 =	sshll.u32 s1, $0xD;
	s1 =	sshrl.u32 s1, $0x2  }
0xba: {  	s3 =	sand.u32 $0x4000, s31;
	s1 =	sadd.s32 s1, s30  }
0xbb: {  	s0 =	sor.u32 s3, s0;
	s1 =	sshll.u32 s1, $0x11  }
0xbc: {  	s0 =	sor.u32 s1, s0  }
0xbd: {  	s0 =	sadd.s32 $0x8F2B, s0  }
0xbe: {  	[sflag:s0] =	ssyncadd.remote.s32 $0x1  }
0xbf: {  	_ =	sfence.sel $0xFFFF  }
0xc0: {  	[dreg:$0x0] =	wrdreg $0xFFFFFFFF;
	(pc) =	sbr.abs _section_cstart, $3  }
0xc1: {  	[dreg:$0x1] =	wrdreg $0xFFFFFFFF  }
0xc2: {  	_ =	task.clear_ibuf [dreg:s7], $0x2FFFF;
	_ =	strace $0x9FFFFFFF  }
0xc3: {  	(tm) =	ssettm $0x7FFFFFFF  }
tec
execute0_lowered:
.L_overlay_start_1:
0x0: {  	(tag) =	ssettag $0x1  }
0x1: {  	s1 =	rddreg [dreg:$0x0]  }
0x2: {  	s0 =	rddreg [dreg:$0x1]  }
0x3: {  	s2 =	rddreg [dreg:$0x2];
	s3 =	srdreg.scid  }
0x4: {  	s4 =	simm.s32 $0x0;
	s29 =	stileid.u32;
	s18 =	simm.s32 $0xC  }
0x5: {  	s19 =	simm.s32 $0x5;
	s21 =	simm.s32 $0x80;
	s22 =	simm.s32 $0x5000  }
0x6: {  	s23 =	simm.s32 $0x1;
	s24 =	simm.s32 $0x3;
	s25 =	simm.s32 $0x2  }
0x7: {  	s26 =	simm.s32 $0x4;
	s28 =	simm.s32 $0x0;
	s8 =	smul.u32 $0x14000, s29  }
0x8: {  	s7 =	sand.u32 $0x1, s3;
	[smem:$0x7FF] =	sst s4;
	s30 =	smul.u32 $0x50000, s29  }
0x9: {  	s5 =	sadd.s32 $0xEE00, s0;
	s6 =	smul.u32 $0x140000, s7;
	_ =	strace $0x80000047  }
0xa: {  	s9 =	ssub.s32 $0x2, s7;
	p0 =	seq.s32 s7, $0x0;
	s7 =	sshll.u32 s29, $0x6  }
0xb: {  	s10 =	sshrl.u32 s9, $0x1;
	s13 =	sadd.s32 $0x600, s7;
	s18 =	simm.s32 @!p0 $0x8  }
0xc: {  	s8 =	sadd.s32 s8, s6;
	s6 =	sadd.s32 $0x4E00, s0;
	s17 =	ssub.s32 s9, s10  }
0xd: {  	s9 =	smul.u32 $0x60, s29;
	s31 =	sshll.u32 s18, $0xA;
	s8 =	sshrl.u32 s8, $0x3  }
0xe: {  	s17 =	smax.u32 s17, $0x1;
	s0 =	sadd.s32 s8, s0;
	s8 =	sshrl.u32 s30, $0x2  }
0xf: {  	[dreg:$0x5] =	wrdreg s31;
	s13 =	smov.u32 @p0 s9;
	s8 =	sadd.s32 s8, s2  }
0x10: {  	s14 =	sshll.u32 s13, $0x4;
	s15 =	sshrl.u32 s13, $0x3;
	s16 =	sadd.s32 $0x18E00, s0  }
0x11: {  	s9 =	sadd.s32 $0x4000, s8;
	s10 =	sadd.s32 $0x8000, s8;
	s11 =	sadd.s32 $0xC000, s8  }
0x12: {  	s12 =	sadd.s32 $0x10000, s8;
	s13 =	sadd.s32 s5, s14;
	s14 =	sadd.s32 s6, s14  }
0x13: {  	v0 =	vimm.f32 $0.0e+00;
	[dreg:$0x4] =	wrdreg s15;
	s15 =	sadd.s32 $0xFFFFFFFF, s18;
	s18 =	simm.s32 $0x1000  }
.LBB2_1:
0x14: {  	s0 =	simm.s32 $0x0;
	s29 =	simm.s32 $0x200  }
.LBB2_2:
0x15: {  	p0 =	sne.s32 s29, $0xFE00;
	[tilespmem:s0+$0x1070] =	vst v0  }
0x16: {  	[tilespmem:s0+$0x1000] =	vst v0  }
0x17: {  	[tilespmem:s0+$0x1010] =	vst v0  }
.Ltmp0:
0x18: {  	[tilespmem:s0+$0x1020] =	vst v0;
	(pc) =	sbr.rel @p0 .LBB2_2-.Ltmp0, $4  }
0x19: {  	[tilespmem:s0+$0x1030] =	vst v0  }
0x1a: {  	[tilespmem:s0+$0x1040] =	vst v0  }
0x1b: {  	[tilespmem:s0+$0x1050] =	vst v0  }
0x1c: {  	[tilespmem:s0+$0x1060] =	vst v0;
	s0 =	sshra.s32 s29, $0x2;
	s29 =	sadd.s32 $0x200, s29  }
0x1d: {  	[tilespmem:s0+$0x1070] =	vst v0  }
0x1e: {  	[tilespmem:s0+$0x1000] =	vst v0  }
0x1f: {  	[tilespmem:s0+$0x1010] =	vst v0  }
0x20: {  	[tilespmem:s0+$0x1020] =	vst v0  }
0x21: {  	[tilespmem:s0+$0x1030] =	vst v0  }
0x22: {  	[tilespmem:s0+$0x1040] =	vst v0  }
0x23: {  	[tilespmem:s0+$0x1050] =	vst v0  }
0x24: {  	[tilespmem:s0+$0x1060] =	vst v0  }
0x25: {  	[spmem:s8] =	stream.linear.scatter [tilespmem:s18], [sflag:$0x5], $0x4000, $0x38;
	[tilespmem:$0x1D000] =	vst v63  }
0x26: {  	_ =	swait.ge [sflag:s19], $0x4000  }
0x27: {  	[sflag:s19] =	ssyncset.done $0x0  }
0x28: {  	[sflag:s19] =	ssyncadd.s32 $0xFFFFC000  }
0x29: {  	[spmem:s9] =	stream.linear.scatter [tilespmem:s18], [sflag:$0x5], $0x4000, $0x38;
	[tilespmem:$0x1D000] =	vst v63  }
0x2a: {  	_ =	swait.ge [sflag:s19], $0x4000  }
0x2b: {  	[sflag:s19] =	ssyncset.done $0x0  }
0x2c: {  	[sflag:s19] =	ssyncadd.s32 $0xFFFFC000  }
0x2d: {  	[spmem:s10] =	stream.linear.scatter [tilespmem:s18], [sflag:$0x5], $0x4000, $0x38;
	[tilespmem:$0x1D000] =	vst v63  }
0x2e: {  	_ =	swait.ge [sflag:s19], $0x4000  }
0x2f: {  	[sflag:s19] =	ssyncset.done $0x0  }
0x30: {  	[sflag:s19] =	ssyncadd.s32 $0xFFFFC000  }
0x31: {  	[spmem:s11] =	stream.linear.scatter [tilespmem:s18], [sflag:$0x5], $0x4000, $0x38;
	[tilespmem:$0x1D000] =	vst v63  }
0x32: {  	_ =	swait.ge [sflag:s19], $0x4000  }
0x33: {  	[sflag:s19] =	ssyncset.done $0x0  }
0x34: {  	[sflag:s19] =	ssyncadd.s32 $0xFFFFC000  }
0x35: {  	[spmem:s12] =	stream.linear.scatter [tilespmem:s18], [sflag:$0x5], $0x4000, $0x38;
	[tilespmem:$0x1D000] =	vst v63  }
0x36: {  	_ =	swait.ge [sflag:s19], $0x4000  }
0x37: {  	[sflag:s19] =	ssyncset.done $0x0  }
0x38: {  	[sflag:s19] =	ssyncadd.s32 $0xFFFFC000  }
0x39: {  	s31 =	simm.s32 $0x0;
	[bflag:$0x0] =	sbarrier.arrive $0xFFFF  }
0x3a: {  	[tilespmem:s31], [sflag:$0x5] =	stream.linear.gather [hbm4b:s13+s31], $0x400, $0x38;
	[tilespmem:$0x1D000] =	vst v63  }
0x3b: {  	_ =	swait.ge [sflag:s19], $0x400  }
0x3c: {  	[sflag:s19] =	ssyncset.done $0x0  }
0x3d: {  	s20 =	simm.s32 $0x800;
	s29 =	simm.s32 $0x1;
	[sflag:s19] =	ssyncadd.s32 $0xFFFFFC00  }
0x3e: {  	[tilespmem:s20], [sflag:$0x5] =	stream.linear.gather [hbm4b:s14+s31], $0x400, $0x38;
	[tilespmem:$0x1D000] =	vst v63  }
0x3f: {  	p0 =	sgt.s32 s15, $0x1;
	s30 =	smov.u32 s15;
	_ =	swait.ge [sflag:s19], $0x400  }
0x40: {  	s30 =	smov.u32 @p0 s29;
	[sflag:s19] =	ssyncset.done $0x0;
	s3 =	rddreg [dreg:$0x4]  }
0x41: {  	[sflag:s19] =	ssyncadd.s32 $0xFFFFFC00;
	s0 =	sadd.s32 s3, s30  }
0x42: {  	[tilespmem:s18], [sflag:$0x1] =	stream.indirect.gather [hbm4b:s1+s21], $0x80, s31, s21, $0xb8;
	[tilespmem:$0x1D000] =	vst v63  }
0x43: {  	s0 =	sshll.u32 s0, $0x7  }
0x44: {  	s30 =	simm.s32 $0x400;
	s3 =	sand.u32 $0x1FFFFF80, s0  }
0x45: {  	[tilespmem:s22], [sflag:$0x2] =	stream.indirect.gather [hbm4b:s1+s21], $0x80, s21, s21, $0xb8;
	[tilespmem:$0x1D000] =	vst v63  }
0x46: {  	s0 =	sand.u32 $0x400, s30;
	s20 =	sadd.s32 s5, s3  }
0x47: {  	[tilespmem:s0], [sflag:$0x5] =	stream.linear.gather [hbm4b:s20+s4], $0x400, $0x38;
	[tilespmem:$0x1D000] =	vst v63  }
0x48: {  	_ =	swait.ge [sflag:s19], $0x400  }
0x49: {  	[sflag:s19] =	ssyncset.done $0x0  }
0x4a: {  	s3 =	sadd.s32 s6, s3;
	s20 =	sor.u32 $0x800, s0;
	[sflag:s19] =	ssyncadd.s32 $0xFFFFFC00  }
0x4b: {  	[tilespmem:s20], [sflag:$0x5] =	stream.linear.gather [hbm4b:s3+s4], $0x400, $0x38;
	[tilespmem:$0x1D000] =	vst v63  }
0x4c: {  	_ =	swait.ge [sflag:s19], $0x400  }
0x4d: {  	[sflag:s19] =	ssyncset.done $0x0  }
0x4e: {  	[sflag:s19] =	ssyncadd.s32 $0xFFFFFC00  }
0x4f: {  	_ =	swait.ge [sflag:s23], $0x4000  }
0x50: {  	s31 =	sand.u32 $0x400, s31;
	[sflag:s23] =	ssyncset.done $0x0  }
0x51: {  	s20 =	sor.u32 $0x800, s31;
	[sflag:s23] =	ssyncadd.s32 $0xFFFFC000  }
0x52: {  	[spmem:s2] =	stream.indirect.scatter.add.f32 [tilespmem:s18], [sflag:$0x3], $0x80, s20, s21, $0xb8;
	[tilespmem:$0x1D000] =	vst v63  }
0x53: {  	_ =	swait.ge [sflag:s24], $0x4000  }
0x54: {  	[sflag:s24] =	ssyncset.done $0x0  }
0x55: {  	s20 =	sor.u32 $0x100, s31;
	[sflag:s24] =	ssyncadd.s32 $0xFFFFC000  }
0x56: {  	[tilespmem:s18], [sflag:$0x1] =	stream.indirect.gather [hbm4b:s1+s21], $0x80, s20, s21, $0xb8;
	[tilespmem:$0x1D000] =	vst v63  }
0x57: {  	_ =	swait.ge [sflag:s25], $0x4000  }
0x58: {  	[sflag:s25] =	ssyncset.done $0x0  }
0x59: {  	s20 =	sor.u32 $0x880, s31;
	[sflag:s25] =	ssyncadd.s32 $0xFFFFC000  }
0x5a: {  	[spmem:s2] =	stream.indirect.scatter.add.f32 [tilespmem:s22], [sflag:$0x4], $0x80, s20, s21, $0xb8;
	[tilespmem:$0x1D000] =	vst v63  }
0x5b: {  	_ =	swait.ge [sflag:s26], $0x4000  }
0x5c: {  	[sflag:s26] =	ssyncset.done $0x0  }
0x5d: {  	s20 =	sor.u32 $0x180, s31;
	[sflag:s26] =	ssyncadd.s32 $0xFFFFC000  }
0x5e: {  	[tilespmem:s22], [sflag:$0x2] =	stream.indirect.gather [hbm4b:s1+s21], $0x80, s20, s21, $0xb8;
	[tilespmem:$0x1D000] =	vst v63  }
0x5f: {  	_ =	swait.ge [sflag:s23], $0x4000  }
0x60: {  	[sflag:s23] =	ssyncset.done $0x0  }
0x61: {  	s20 =	sor.u32 $0x900, s31;
	[sflag:s23] =	ssyncadd.s32 $0xFFFFC000  }
0x62: {  	[spmem:s2] =	stream.indirect.scatter.add.f32 [tilespmem:s18], [sflag:$0x3], $0x80, s20, s21, $0xb8;
	[tilespmem:$0x1D000] =	vst v63  }
0x63: {  	_ =	swait.ge [sflag:s24], $0x4000  }
0x64: {  	[sflag:s24] =	ssyncset.done $0x0  }
0x65: {  	s20 =	sor.u32 $0x200, s31;
	[sflag:s24] =	ssyncadd.s32 $0xFFFFC000  }
0x66: {  	[tilespmem:s18], [sflag:$0x1] =	stream.indirect.gather [hbm4b:s1+s21], $0x80, s20, s21, $0xb8;
	[tilespmem:$0x1D000] =	vst v63  }
0x67: {  	_ =	swait.ge [sflag:s25], $0x4000  }
0x68: {  	[sflag:s25] =	ssyncset.done $0x0  }
0x69: {  	s20 =	sor.u32 $0x980, s31;
	[sflag:s25] =	ssyncadd.s32 $0xFFFFC000  }
0x6a: {  	[spmem:s2] =	stream.indirect.scatter.add.f32 [tilespmem:s22], [sflag:$0x4], $0x80, s20, s21, $0xb8;
	[tilespmem:$0x1D000] =	vst v63  }
0x6b: {  	_ =	swait.ge [sflag:s26], $0x4000  }
0x6c: {  	[sflag:s26] =	ssyncset.done $0x0  }
0x6d: {  	s20 =	sor.u32 $0x280, s31;
	[sflag:s26] =	ssyncadd.s32 $0xFFFFC000  }
0x6e: {  	[tilespmem:s22], [sflag:$0x2] =	stream.indirect.gather [hbm4b:s1+s21], $0x80, s20, s21, $0xb8;
	[tilespmem:$0x1D000] =	vst v63  }
0x6f: {  	_ =	swait.ge [sflag:s23], $0x4000  }
0x70: {  	[sflag:s23] =	ssyncset.done $0x0  }
0x71: {  	s20 =	sor.u32 $0xA00, s31;
	[sflag:s23] =	ssyncadd.s32 $0xFFFFC000  }
0x72: {  	[spmem:s2] =	stream.indirect.scatter.add.f32 [tilespmem:s18], [sflag:$0x3], $0x80, s20, s21, $0xb8;
	[tilespmem:$0x1D000] =	vst v63  }
0x73: {  	_ =	swait.ge [sflag:s24], $0x4000  }
0x74: {  	[sflag:s24] =	ssyncset.done $0x0  }
0x75: {  	s20 =	sor.u32 $0x300, s31;
	[sflag:s24] =	ssyncadd.s32 $0xFFFFC000  }
0x76: {  	[tilespmem:s18], [sflag:$0x1] =	stream.indirect.gather [hbm4b:s1+s21], $0x80, s20, s21, $0xb8;
	[tilespmem:$0x1D000] =	vst v63  }
0x77: {  	_ =	swait.ge [sflag:s25], $0x4000  }
0x78: {  	[sflag:s25] =	ssyncset.done $0x0  }
0x79: {  	s20 =	sor.u32 $0xA80, s31;
	[sflag:s25] =	ssyncadd.s32 $0xFFFFC000  }
0x7a: {  	[spmem:s2] =	stream.indirect.scatter.add.f32 [tilespmem:s22], [sflag:$0x4], $0x80, s20, s21, $0xb8;
	[tilespmem:$0x1D000] =	vst v63  }
0x7b: {  	_ =	swait.ge [sflag:s26], $0x4000  }
0x7c: {  	[sflag:s26] =	ssyncset.done $0x0  }
0x7d: {  	s20 =	sor.u32 $0x380, s31;
	[sflag:s26] =	ssyncadd.s32 $0xFFFFC000  }
0x7e: {  	[tilespmem:s22], [sflag:$0x2] =	stream.indirect.gather [hbm4b:s1+s21], $0x80, s20, s21, $0xb8;
	[tilespmem:$0x1D000] =	vst v63  }
0x7f: {  	_ =	swait.ge [sflag:s23], $0x4000  }
0x80: {  	[sflag:s23] =	ssyncset.done $0x0  }
0x81: {  	s20 =	sor.u32 $0xB00, s31;
	[sflag:s23] =	ssyncadd.s32 $0xFFFFC000  }
0x82: {  	[spmem:s2] =	stream.indirect.scatter.add.f32 [tilespmem:s18], [sflag:$0x3], $0x80, s20, s21, $0xb8;
	[tilespmem:$0x1D000] =	vst v63  }
0x83: {  	_ =	swait.ge [sflag:s24], $0x4000  }
0x84: {  	[sflag:s24] =	ssyncset.done $0x0  }
0x85: {  	[sflag:s24] =	ssyncadd.s32 $0xFFFFC000  }
0x86: {  	[tilespmem:s18], [sflag:$0x1] =	stream.indirect.gather [hbm4b:s1+s21], $0x80, s0, s21, $0xb8;
	[tilespmem:$0x1D000] =	vst v63  }
0x87: {  	_ =	swait.ge [sflag:s25], $0x4000  }
0x88: {  	[sflag:s25] =	ssyncset.done $0x0  }
0x89: {  	s20 =	sor.u32 $0xB80, s31;
	[sflag:s25] =	ssyncadd.s32 $0xFFFFC000  }
0x8a: {  	[spmem:s2] =	stream.indirect.scatter.add.f32 [tilespmem:s22], [sflag:$0x4], $0x80, s20, s21, $0xb8;
	[tilespmem:$0x1D000] =	vst v63  }
0x8b: {  	_ =	swait.ge [sflag:s26], $0x4000  }
0x8c: {  	s31 =	rddreg [dreg:$0x5]  }
0x8d: {  	p0 =	sne.s32 s31, $0x400  }
.Ltmp1:
0x8e: {  	_ = 	snop;
	(pc) =	sbr.rel @!p0 .LBB2_5-.Ltmp1, $4  }
0x8f: {  	_ = 	snop  }
0x90: {  	[sflag:s26] =	ssyncset.done $0x0  }
0x91: {  	s0 =	sor.u32 $0x80, s0;
	[sflag:s26] =	ssyncadd.s32 $0xFFFFC000  }
0x92: {  	[tilespmem:s22], [sflag:$0x2] =	stream.indirect.gather [hbm4b:s1+s21], $0x80, s0, s21, $0xb8;
	[tilespmem:$0x1D000] =	vst v63  }
.LBB2_4:
0x93: {  	s29 =	sadd.s32 $0x1, s29  }
0x94: {  	s20 =	smov.u32 s15;
	p0 =	slt.s32 s29, s15  }
0x95: {  	s0 =	rddreg [dreg:$0x4];
	s20 =	smov.u32 @p0 s29  }
0x96: {  	s0 =	sadd.s32 s0, s20  }
0x97: {  	s0 =	sshll.u32 s0, $0x7  }
0x98: {  	s3 =	smov.u32 s30;
	s30 =	sadd.s32 $0x400, s30;
	s0 =	sand.u32 $0x1FFFFF80, s0  }
0x99: {  	s31 =	sand.u32 $0x400, s30;
	s20 =	sadd.s32 s5, s0  }
0x9a: {  	[tilespmem:s31], [sflag:$0x5] =	stream.linear.gather [hbm4b:s20+s4], $0x400, $0x38;
	[tilespmem:$0x1D000] =	vst v63  }
0x9b: {  	_ =	swait.ge [sflag:s19], $0x400  }
0x9c: {  	[sflag:s19] =	ssyncset.done $0x0  }
0x9d: {  	s0 =	sadd.s32 s6, s0;
	s20 =	sor.u32 $0x800, s31;
	[sflag:s19] =	ssyncadd.s32 $0xFFFFFC00  }
0x9e: {  	[tilespmem:s20], [sflag:$0x5] =	stream.linear.gather [hbm4b:s0+s4], $0x400, $0x38;
	[tilespmem:$0x1D000] =	vst v63  }
0x9f: {  	_ =	swait.ge [sflag:s19], $0x400  }
0xa0: {  	[sflag:s19] =	ssyncset.done $0x0  }
0xa1: {  	[sflag:s19] =	ssyncadd.s32 $0xFFFFFC00  }
0xa2: {  	_ =	swait.ge [sflag:s23], $0x4000  }
0xa3: {  	s0 =	sand.u32 $0x400, s3;
	[sflag:s23] =	ssyncset.done $0x0  }
0xa4: {  	s3 =	sor.u32 $0x800, s0;
	[sflag:s23] =	ssyncadd.s32 $0xFFFFC000  }
0xa5: {  	[spmem:s2] =	stream.indirect.scatter.add.f32 [tilespmem:s18], [sflag:$0x3], $0x80, s3, s21, $0xb8;
	[tilespmem:$0x1D000] =	vst v63  }
0xa6: {  	_ =	swait.ge [sflag:s24], $0x4000  }
0xa7: {  	[sflag:s24] =	ssyncset.done $0x0  }
0xa8: {  	s20 =	sor.u32 $0x100, s0;
	[sflag:s24] =	ssyncadd.s32 $0xFFFFC000  }
0xa9: {  	[tilespmem:s18], [sflag:$0x1] =	stream.indirect.gather [hbm4b:s1+s21], $0x80, s20, s21, $0xb8;
	[tilespmem:$0x1D000] =	vst v63  }
0xaa: {  	_ =	swait.ge [sflag:s25], $0x4000  }
0xab: {  	[sflag:s25] =	ssyncset.done $0x0  }
0xac: {  	s20 =	sor.u32 $0x880, s0;
	[sflag:s25] =	ssyncadd.s32 $0xFFFFC000  }
0xad: {  	[spmem:s2] =	stream.indirect.scatter.add.f32 [tilespmem:s22], [sflag:$0x4], $0x80, s20, s21, $0xb8;
	[tilespmem:$0x1D000] =	vst v63  }
0xae: {  	_ =	swait.ge [sflag:s26], $0x4000  }
0xaf: {  	[sflag:s26] =	ssyncset.done $0x0  }
0xb0: {  	s20 =	sor.u32 $0x180, s0;
	[sflag:s26] =	ssyncadd.s32 $0xFFFFC000  }
0xb1: {  	[tilespmem:s22], [sflag:$0x2] =	stream.indirect.gather [hbm4b:s1+s21], $0x80, s20, s21, $0xb8;
	[tilespmem:$0x1D000] =	vst v63  }
0xb2: {  	_ =	swait.ge [sflag:s23], $0x4000  }
0xb3: {  	[sflag:s23] =	ssyncset.done $0x0  }
0xb4: {  	s20 =	sor.u32 $0x900, s0;
	[sflag:s23] =	ssyncadd.s32 $0xFFFFC000  }
0xb5: {  	[spmem:s2] =	stream.indirect.scatter.add.f32 [tilespmem:s18], [sflag:$0x3], $0x80, s20, s21, $0xb8;
	[tilespmem:$0x1D000] =	vst v63  }
0xb6: {  	_ =	swait.ge [sflag:s24], $0x4000  }
0xb7: {  	[sflag:s24] =	ssyncset.done $0x0  }
0xb8: {  	s20 =	sor.u32 $0x200, s0;
	[sflag:s24] =	ssyncadd.s32 $0xFFFFC000  }
0xb9: {  	[tilespmem:s18], [sflag:$0x1] =	stream.indirect.gather [hbm4b:s1+s21], $0x80, s20, s21, $0xb8;
	[tilespmem:$0x1D000] =	vst v63  }
0xba: {  	_ =	swait.ge [sflag:s25], $0x4000  }
0xbb: {  	[sflag:s25] =	ssyncset.done $0x0  }
0xbc: {  	s20 =	sor.u32 $0x980, s0;
	[sflag:s25] =	ssyncadd.s32 $0xFFFFC000  }
0xbd: {  	[spmem:s2] =	stream.indirect.scatter.add.f32 [tilespmem:s22], [sflag:$0x4], $0x80, s20, s21, $0xb8;
	[tilespmem:$0x1D000] =	vst v63  }
0xbe: {  	_ =	swait.ge [sflag:s26], $0x4000  }
0xbf: {  	[sflag:s26] =	ssyncset.done $0x0  }
0xc0: {  	s20 =	sor.u32 $0x280, s0;
	[sflag:s26] =	ssyncadd.s32 $0xFFFFC000  }
0xc1: {  	[tilespmem:s22], [sflag:$0x2] =	stream.indirect.gather [hbm4b:s1+s21], $0x80, s20, s21, $0xb8;
	[tilespmem:$0x1D000] =	vst v63  }
0xc2: {  	_ =	swait.ge [sflag:s23], $0x4000  }
0xc3: {  	[sflag:s23] =	ssyncset.done $0x0  }
0xc4: {  	s20 =	sor.u32 $0xA00, s0;
	[sflag:s23] =	ssyncadd.s32 $0xFFFFC000  }
0xc5: {  	[spmem:s2] =	stream.indirect.scatter.add.f32 [tilespmem:s18], [sflag:$0x3], $0x80, s20, s21, $0xb8;
	[tilespmem:$0x1D000] =	vst v63  }
0xc6: {  	_ =	swait.ge [sflag:s24], $0x4000  }
0xc7: {  	[sflag:s24] =	ssyncset.done $0x0  }
0xc8: {  	s20 =	sor.u32 $0x300, s0;
	[sflag:s24] =	ssyncadd.s32 $0xFFFFC000  }
0xc9: {  	[tilespmem:s18], [sflag:$0x1] =	stream.indirect.gather [hbm4b:s1+s21], $0x80, s20, s21, $0xb8;
	[tilespmem:$0x1D000] =	vst v63  }
0xca: {  	_ =	swait.ge [sflag:s25], $0x4000  }
0xcb: {  	[sflag:s25] =	ssyncset.done $0x0  }
0xcc: {  	s20 =	sor.u32 $0xA80, s0;
	[sflag:s25] =	ssyncadd.s32 $0xFFFFC000  }
0xcd: {  	[spmem:s2] =	stream.indirect.scatter.add.f32 [tilespmem:s22], [sflag:$0x4], $0x80, s20, s21, $0xb8;
	[tilespmem:$0x1D000] =	vst v63  }
0xce: {  	_ =	swait.ge [sflag:s26], $0x4000  }
0xcf: {  	[sflag:s26] =	ssyncset.done $0x0  }
0xd0: {  	s20 =	sor.u32 $0x380, s0;
	[sflag:s26] =	ssyncadd.s32 $0xFFFFC000  }
0xd1: {  	[tilespmem:s22], [sflag:$0x2] =	stream.indirect.gather [hbm4b:s1+s21], $0x80, s20, s21, $0xb8;
	[tilespmem:$0x1D000] =	vst v63  }
0xd2: {  	_ =	swait.ge [sflag:s23], $0x4000  }
0xd3: {  	[sflag:s23] =	ssyncset.done $0x0  }
0xd4: {  	s20 =	sor.u32 $0xB00, s0;
	[sflag:s23] =	ssyncadd.s32 $0xFFFFC000  }
0xd5: {  	[spmem:s2] =	stream.indirect.scatter.add.f32 [tilespmem:s18], [sflag:$0x3], $0x80, s20, s21, $0xb8;
	[tilespmem:$0x1D000] =	vst v63  }
0xd6: {  	_ =	swait.ge [sflag:s24], $0x4000  }
0xd7: {  	[sflag:s24] =	ssyncset.done $0x0  }
0xd8: {  	[sflag:s24] =	ssyncadd.s32 $0xFFFFC000  }
0xd9: {  	[tilespmem:s18], [sflag:$0x1] =	stream.indirect.gather [hbm4b:s1+s21], $0x80, s31, s21, $0xb8;
	[tilespmem:$0x1D000] =	vst v63  }
0xda: {  	_ =	swait.ge [sflag:s25], $0x4000  }
0xdb: {  	[sflag:s25] =	ssyncset.done $0x0  }
0xdc: {  	s0 =	sor.u32 $0xB80, s0;
	[sflag:s25] =	ssyncadd.s32 $0xFFFFC000  }
0xdd: {  	[spmem:s2] =	stream.indirect.scatter.add.f32 [tilespmem:s22], [sflag:$0x4], $0x80, s0, s21, $0xb8;
	[tilespmem:$0x1D000] =	vst v63  }
0xde: {  	_ =	swait.ge [sflag:s26], $0x4000  }
0xdf: {  	s20 =	rddreg [dreg:$0x5]  }
0xe0: {  	p0 =	sne.s32 s20, s30  }
.Ltmp2:
0xe1: {  	_ = 	snop;
	(pc) =	sbr.rel @p0 .LBB2_4-.Ltmp2, $4  }
0xe2: {  	_ = 	snop  }
0xe3: {  	[sflag:s26] =	ssyncset.done $0x0  }
0xe4: {  	s31 =	sor.u32 $0x80, s31;
	[sflag:s26] =	ssyncadd.s32 $0xFFFFC000  }
0xe5: {  	[tilespmem:s22], [sflag:$0x2] =	stream.indirect.gather [hbm4b:s1+s21], $0x80, s31, s21, $0xb8;
	[tilespmem:$0x1D000] =	vst v63  }
.LBB2_5:
0xe6: {  	_ =	swait.ge [sflag:s23], $0x4000  }
0xe7: {  	[sflag:s23] =	ssyncset.done $0x0  }
0xe8: {  	[sflag:s23] =	ssyncadd.s32 $0xFFFFC000  }
0xe9: {  	_ =	swait.ge [sflag:s25], $0x4000  }
0xea: {  	s28 =	sadd.s32 $0x1, s28;
	[sflag:s25] =	ssyncset.done $0x0  }
0xeb: {  	s0 =	sor.u32 $0x1C05, s7;
	p0 =	sne.s32 s28, s17;
	[sflag:s25] =	ssyncadd.s32 $0xFFFFC000  }
.Ltmp3:
0xec: {  	s3 =	sshrl.u32 s8, $0x3;
	[bflag:$0x0] =	sbarrier.arrive $0xFFFF;
	(pc) =	sbr.rel @p0 .LBB2_1-.Ltmp3, $4  }
0xed: {  	[hbm:s16], [sflag:s0] =	dma.local [spmem:s3], $0x2800  }
0xee: {  	_ =	swait.ge [sflag:s19], $0x2800  }
0xef: {  	[sflag:s19] =	ssyncset.done $0x0  }
0xf0: {  	[sflag:s19] =	ssyncadd.s32 $0xFFFFD800  }
0xf1: {  	_ =	sfence.sel $0x180000  }
0xf2: {  	[bflag:$0x0] =	sbarrier.arrive $0xFFFF  }
0xf3: {  	_ =	strace $0x90000047  }
0xf4: {  	s0 =	stileid.u32;
	[bflag:$0x2] =	sbarrier.arrive $0xFFFF  }
0xf5: {  	p0 =	sne.s32 s0, $0x0;
	s0 =	rddreg [dreg:$0x3]  }
0xf6: {  	s0 =	sadd.s32 @!p0 $0x100000, s0  }
0xf7: {  	[sflag:s0] =	ssyncadd.tile.s32 @!p0 $0x1;
	_ =	shalt  }
.Lfunc_end2:
_tile_overlayer_lowered:
.L_overlay_start_2:
0xf8: {  	(tag) =	ssettag $0x2  }
0xf9: {  	s0 =	rddreg [dreg:$0x0];
	s2 =	stileid.u32  }
0xfa: {  	s1 =	rddreg [dreg:$0x1];
	p0 =	sne.s32 s2, $0x0  }
0xfb: {  	s3 =	rddreg [dreg:$0x2];
	[bflag:$0x3] =	sbarrier.arrive $0xFFFF;
	s2 =	simm.s32 @!p0 $0x1C05  }
0xfc: {  	[timem:s3], [sflag:s2] =	dma.local @!p0 [hbm:s0], s1  }
0xfd: {  	s0 =	simm.s32 @!p0 $0x5  }
0xfe: {  	_ =	swait.ge @!p0 [sflag:s0], s1  }
0xff: {  	s1 =	ssub.s32 @!p0 $0x0, s1;
	[sflag:s0] =	ssyncset.done @!p0 $0x0  }
0x100: {  	[sflag:s0] =	ssyncadd.s32 @!p0 s1  }
0x101: {  	[bflag:$0x3] =	sbarrier.arrive $0xFFFF  }
0x102: {  	_ =	shalt  }

// kernel: kernel.16.cloned.1.call-start
scs
__scs_entry_jumppad:
0x0: {  	(pc) =	sbr.rel $0x88, $3  }
0x1: {  	(tag) =	ssettag $0x0;
	lr =	simm.s32 $0x1  }
0x2: {  	[smem:$0x3F96] =	sst lr;
	_ =	strace $0xD0000000  }
0x3: {  	_ = 	snop  }
0x4: {  	_ = 	snop  }
0x5: {  	_ = 	snop  }
0x6: {  	_ = 	snop  }
0x7: {  	_ = 	snop  }
__scs_overlays_trampoline_lowered:
0x8: {  	[smem:$0x3FA5] =	sst s0  }
0x9: {  	[smem:$0x3FA6] =	sst s1  }
0xa: {  	[smem:$0x3FA7] =	sst s2  }
0xb: {  	[smem:$0x3FA8] =	sst s3  }
0xc: {  	[smem:$0x3FA9] =	sst s4  }
0xd: {  	[smem:$0x3FAA] =	sst s5  }
0xe: {  	[smem:$0x3FAB] =	sst s6  }
0xf: {  	[smem:$0x3FAC] =	sst s7  }
0x10: {  	[smem:$0x3FAD] =	sst s8  }
0x11: {  	[smem:$0x3FAE] =	sst s9;
	s0 =	simm.s32 @!p0 $0x0  }
0x12: {  	s1 =	sld [smem:$0x3F94];
	s0 =	simm.s32 @p0 $0x1  }
0x13: {  	[smem:$0x3FAF] =	sst s0;
	s0 =	simm.s32 @!p1 $0x0  }
0x14: {  	s2 =	sld [smem:$0x3F93];
	s0 =	simm.s32 @p1 $0x1  }
0x15: {  	[smem:$0x3FB0] =	sst s0;
	s0 =	simm.s32 @!p2 $0x0  }
0x16: {  	s3 =	sld [smem:$0x3FDB];
	s0 =	simm.s32 @p2 $0x1  }
0x17: {  	s4 =	simm.s32 $0x1BF5;
	[smem:$0x3FB2] =	sst s0  }
0x18: {  	s0 =	sld [smem:$0x3F95];
	_ =	swait.ge [sflag:s4], $0x0  }
0x19: {  	s7 =	sld [smem:$0x3F96]  }
0x1a: {  	s8 =	sadd.s32 $0xFFFFE003, lr  }
0x1b: {  	s9 =	sadd.s32 $0xFFFFFEF7, lr;
	s5 =	simm.s32 $0xFFFFFFFF;
	p2 =	slt.u32 s8, $0xFFFFF086  }
0x1c: {  	p1 =	slt.u32 s9, $0xF7A;
	s5 =	simm.s32 @!p2 $0x0  }
0x1d: {  	s5 =	simm.s32 @p1 $0x1;
	p0 =	seq.s32 s7, s2  }
0x1e: {  	s7 =	smul.u32 @!p0 $0xF7A, s2;
	p2 =	seq.s32 @!p0 s5, $0x0  }
0x1f: {  	s9 =	smul.u32 $0xF7A, s1;
	s8 =	simm.s32 @!p0 $0x1BF5;
	p2 =	por !p2, p0  }
0x20: {  	[sflag:s8] =	ssyncset.s32 @!p0 $0xFFFFF086;
	s6 =	sadd.s32 @!p0 s3, s7;
	s7 =	simm.s32 @!p0 $0x108  }
0x21: {  	s3 =	sadd.s32 s3, s9;
	s6 =	sadd.s32 @!p0 $0x88, s6;
	s7 =	simm.s32 @p2 $0x1082  }
0x22: {  	[simem:s7], [sflag:s8] =	dma.local @!p0 [hbm:s6], $0xF7A  }
0x23: {  	s9 =	sor.u32 $0xD0000000, s2;
	s6 =	simm.s32 $0x108;
	_ =	swait.ge @!p0 [sflag:s8], $0x0  }
0x24: {  	s3 =	sadd.s32 $0x88, s3;
	s6 =	simm.s32 @!p1 $0x1082;
	[sflag:s4] =	ssyncset.s32 $0xFFFFF086  }
0x25: {  	[simem:s6], [sflag:s4] =	dma.local [hbm:s3], $0xF7A  }
0x26: {  	[smem:$0x3F96] =	sst s1;
	(tag) =	ssettag s2;
	_ =	strace s9  }
0x27: {  	s1 =	sld [smem:$0x3FA6]  }
0x28: {  	s2 =	sld [smem:$0x3FA7]  }
0x29: {  	s4 =	sld [smem:$0x3FA9]  }
0x2a: {  	p0 =	seq.s32 s5, $0x0;
	s5 =	sld [smem:$0x3FAA]  }
0x2b: {  	s6 =	sld [smem:$0x3FAB]  }
0x2c: {  	s7 =	sld [smem:$0x3FAC]  }
0x2d: {  	s3 =	simm.s32 $0x108;
	s8 =	sld [smem:$0x3FAD]  }
0x2e: {  	s3 =	simm.s32 @!p0 $0x1082;
	s9 =	sld [smem:$0x3FAE]  }
0x2f: {  	lr =	sadd.s32 s0, s3;
	s0 =	sld [smem:$0x3FA5]  }
0x30: {  	s3 =	sld [smem:$0x3FA8]  }
0x31: {  	[smem:$0x3FB1] =	sst s10  }
0x32: {  	s10 =	sld [smem:$0x3FAF];
	_ =	sdelay $0x3  }
0x33: {  	p0 =	seq.s32 s10, $0x1;
	s10 =	sld [smem:$0x3FB1];
	_ =	sdelay $0x3  }
0x34: {  	[smem:$0x3FB1] =	sst s10  }
0x35: {  	s10 =	sld [smem:$0x3FB0];
	_ =	sdelay $0x3  }
0x36: {  	p1 =	seq.s32 s10, $0x1;
	s10 =	sld [smem:$0x3FB1];
	_ =	sdelay $0x3  }
0x37: {  	[smem:$0x3FB1] =	sst s10  }
0x38: {  	s10 =	sld [smem:$0x3FB2]  }
0x39: {  	_ = 	snop;
	(pc) =	sbr.ind lr, $3  }
0x3a: {  	_ = 	snop  }
0x3b: {  	_ = 	snop  }
0x3c: {  	p2 =	seq.s32 s10, $0x1;
	s10 =	sld [smem:$0x3FB1]  }
0x3d: {  	_ =	shalt  }
0x3e: {  	_ =	shalt  }
0x3f: {  	_ =	shalt  }
0x40: {  	_ =	shalt  }
0x41: {  	_ =	shalt  }
0x42: {  	_ =	shalt  }
0x43: {  	_ =	shalt  }
0x44: {  	_ =	shalt  }
0x45: {  	_ =	shalt  }
0x46: {  	_ =	shalt  }
0x47: {  	_ =	shalt  }
0x48: {  	_ =	shalt  }
0x49: {  	_ =	shalt  }
0x4a: {  	_ =	shalt  }
0x4b: {  	_ =	shalt  }
0x4c: {  	_ =	shalt  }
0x4d: {  	_ =	shalt  }
0x4e: {  	_ =	shalt  }
0x4f: {  	_ =	shalt  }
0x50: {  	_ =	shalt  }
0x51: {  	_ =	shalt  }
0x52: {  	_ =	shalt  }
0x53: {  	_ =	shalt  }
0x54: {  	_ =	shalt  }
0x55: {  	_ =	shalt  }
0x56: {  	_ =	shalt  }
0x57: {  	_ =	shalt  }
0x58: {  	_ =	shalt  }
0x59: {  	_ =	shalt  }
0x5a: {  	_ =	shalt  }
0x5b: {  	_ =	shalt  }
0x5c: {  	_ =	shalt  }
0x5d: {  	_ =	shalt  }
0x5e: {  	_ =	shalt  }
0x5f: {  	_ =	shalt  }
0x60: {  	_ =	shalt  }
0x61: {  	_ =	shalt  }
0x62: {  	_ =	shalt  }
0x63: {  	_ =	shalt  }
0x64: {  	_ =	shalt  }
0x65: {  	_ =	shalt  }
0x66: {  	_ =	shalt  }
0x67: {  	_ =	shalt  }
0x68: {  	_ =	shalt  }
0x69: {  	_ =	shalt  }
0x6a: {  	_ =	shalt  }
0x6b: {  	_ =	shalt  }
0x6c: {  	_ =	shalt  }
0x6d: {  	_ =	shalt  }
0x6e: {  	_ =	shalt  }
0x6f: {  	_ =	shalt  }
0x70: {  	_ =	shalt  }
0x71: {  	_ =	shalt  }
0x72: {  	_ =	shalt  }
0x73: {  	_ =	shalt  }
0x74: {  	_ =	shalt  }
0x75: {  	_ =	shalt  }
0x76: {  	_ =	shalt  }
0x77: {  	_ =	shalt  }
0x78: {  	_ =	shalt  }
0x79: {  	_ =	shalt  }
0x7a: {  	_ =	shalt  }
0x7b: {  	_ =	shalt  }
0x7c: {  	_ =	shalt  }
0x7d: {  	_ =	shalt  }
0x7e: {  	_ =	shalt  }
0x7f: {  	_ =	shalt  }
0x80: {  	_ =	shalt  }
0x81: {  	_ =	shalt  }
0x82: {  	_ =	shalt  }
0x83: {  	_ =	shalt  }
0x84: {  	_ =	shalt  }
0x85: {  	_ =	shalt  }
0x86: {  	_ =	shalt  }
0x87: {  	_ =	shalt  }
.Lfunc_end0:
.L_simem_size_0:
called_computation.2_lowered:
.L_overlay_start_0:
0x88: {  	s2 =	sld [smem:$0x3FD9]  }
0x89: {  	s3 =	sld [smem:$0x3FFE];
	_ =	sdelay $0x1  }
0x8a: {  	s1 =	srdreg.scid  }
0x8b: {  	s0 =	sand.u32 $0x1, s1  }
0x8c: {  	s17 =	sshll.u32 s0, $0xA;
	s2 =	sadd.s32 s3, s2  }
0x8d: {  	s2 =	sadd.s32 s2, s17  }
0x8e: {  	[smem:$0x3FBD] =	sst s2  }
0x8f: {  	_ = 	snop  }
0x90: {  	s2 =	sld [smem:$0x3FD0];
	(tm) =	ssettm $0x1  }
0x91: {  	s18 =	sld [smem:$0x3FFB];
	_ =	sdelay $0x3  }
0x92: {  	_ =	strace s18  }
0x93: {  	s3 =	sld [smem:$0x3FFC];
	_ =	sdelay $0x3  }
0x94: {  	_ =	strace s3  }
0x95: {  	s3 =	sld [smem:$0x3FFD];
	_ =	sdelay $0x3  }
0x96: {  	_ =	strace s3  }
0x97: {  	_ =	strace $0x8FFFFFFF  }
0x98: {  	s19 =	sld [smem:$0x3FDB];
	_ =	sdelay $0x1  }
0x99: {  	s4 =	simm.s32 $_scs_section_size  }
0x9a: {  	s5 =	simm.s32 $_size__tile_overlayer_lowered;
	s6 =	simm.s32 $_tile_overlayer_lowered  }
0x9b: {  	s22 =	simm.s32 $0x1BFF;
	s21 =	sshll.u32 s6, $0x1;
	s3 =	sadd.s32 s4, s19  }
0x9c: {  	s7 =	simm.s32 $0x0;
	s20 =	sshll.u32 s5, $0x1;
	s5 =	sadd.s32 s21, s3  }
0x9d: {  	[timem:s7], [sflag:s22] =	dma.local [hbm:s5], s20  }
0x9e: {  	_ =	swait.ge [sflag:s22], s20  }
0x9f: {  	s4 =	ssub.s32 $0x0, s20;
	[sflag:s22] =	ssyncset.done $0x0  }
0xa0: {  	[sflag:s22] =	ssyncadd.s32 s4;
	_ =	sdelay $0x1  }
0xa1: {  	s23 =	simm.s32 $0x1B8B  }
0xa2: {  	_ =	swait.ge [sflag:s23], $0x1  }
0xa3: {  	[sflag:s23] =	ssyncset.done $0x0  }
0xa4: {  	s25 =	simm.s32 $0x1B8E;
	s24 =	sld [smem:$0x3FFE];
	[sflag:s23] =	ssyncadd.s32 $0xFFFFFFFF  }
0xa5: {  	s26 =	simm.s32 $execute0_lowered;
	[smem:$0x3FD2] =	sst s25  }
0xa6: {  	s5 =	sshll.u32 s26, $0x1;
	_ =	strace $0x8000004C;
	[dreg:$0x1] =	wrdreg $0xFFFFFFFF  }
0xa7: {  	s28 =	simm.s32 $_size_execute0_lowered;
	s3 =	sadd.s32 s3, s5;
	[dreg:$0x0] =	wrdreg $0x0  }
0xa8: {  	s5 =	sshll.u32 s28, $0x1;
	[dreg:$0x2] =	wrdreg s3  }
0xa9: {  	[dreg:$0x3] =	wrdreg s5  }
0xaa: {  	[dreg:$0x4] =	wrdreg $0xC0  }
0xab: {  	_ =	task [dreg:s7], $0x5FFFF  }
0xac: {  	[dreg:$0x1] =	wrdreg $0xFFFFFFFF  }
0xad: {  	[dreg:$0x0] =	wrdreg $0x60  }
0xae: {  	[dreg:$0x2] =	wrdreg s2  }
0xaf: {  	[dreg:$0x3] =	wrdreg s24  }
0xb0: {  	[dreg:$0x4] =	wrdreg $0x90000  }
0xb1: {  	[dreg:$0x5] =	wrdreg $0x9  }
0xb2: {  	_ =	task.clear_ibuf [dreg:s7], $0x6FFFF;
	_ =	strace $0x9000004C  }
0xb3: {  	s29 =	simm.s32 $0x9;
	_ =	strace $0x8000004E  }
0xb4: {  	_ =	swait.ge [sflag:s29], $0x1  }
0xb5: {  	[sflag:s29] =	ssyncadd.s32 $0xFFFFFFFF  }
0xb6: {  	_ =	strace $0x9000004E  }
0xb7: {  	_ =	sfence  }
0xb8: {  	s30 =	sld [smem:$0x0];
	_ =	sdelay $0x2  }
0xb9: {  	s31 =	sshll.u32 s1, $0xD;
	s1 =	sshrl.u32 s1, $0x2  }
0xba: {  	s3 =	sand.u32 $0x4000, s31;
	s1 =	sadd.s32 s1, s30  }
0xbb: {  	s0 =	sor.u32 s3, s0;
	s1 =	sshll.u32 s1, $0x11  }
0xbc: {  	s0 =	sor.u32 s1, s0  }
0xbd: {  	s0 =	sadd.s32 $0x8F2B, s0  }
0xbe: {  	[sflag:s0] =	ssyncadd.remote.s32 $0x1  }
0xbf: {  	_ =	sfence.sel $0xFFFF  }
0xc0: {  	[dreg:$0x0] =	wrdreg $0xFFFFFFFF;
	(pc) =	sbr.abs _section_cstart, $3  }
0xc1: {  	[dreg:$0x1] =	wrdreg $0xFFFFFFFF  }
0xc2: {  	_ =	task.clear_ibuf [dreg:s7], $0x2FFFF;
	_ =	strace $0x9FFFFFFF  }
0xc3: {  	(tm) =	ssettm $0x7FFFFFFF  }
tec
execute0_lowered:
.L_overlay_start_1:
0x0: {  	(tag) =	ssettag $0x1  }
0x1: {  	s1 =	rddreg [dreg:$0x0]  }
0x2: {  	s0 =	rddreg [dreg:$0x1]  }
0x3: {  	s2 =	rddreg [dreg:$0x2];
	s3 =	srdreg.scid  }
0x4: {  	s4 =	simm.s32 $0x0;
	s29 =	stileid.u32;
	s18 =	simm.s32 $0xC  }
0x5: {  	s19 =	simm.s32 $0x5;
	s21 =	simm.s32 $0x80;
	s22 =	simm.s32 $0x5000  }
0x6: {  	s23 =	simm.s32 $0x1;
	s24 =	simm.s32 $0x3;
	s25 =	simm.s32 $0x2  }
0x7: {  	s26 =	simm.s32 $0x4;
	s28 =	simm.s32 $0x0;
	s8 =	smul.u32 $0x14000, s29  }
0x8: {  	s7 =	sand.u32 $0x1, s3;
	[smem:$0x7FF] =	sst s4;
	s30 =	smul.u32 $0x50000, s29  }
0x9: {  	s5 =	sadd.s32 $0xEE00, s0;
	s6 =	smul.u32 $0x140000, s7;
	_ =	strace $0x8000004D  }
0xa: {  	s9 =	ssub.s32 $0x2, s7;
	p0 =	seq.s32 s7, $0x0;
	s7 =	sshll.u32 s29, $0x6  }
0xb: {  	s10 =	sshrl.u32 s9, $0x1;
	s13 =	sadd.s32 $0x600, s7;
	s18 =	simm.s32 @!p0 $0x8  }
0xc: {  	s8 =	sadd.s32 s8, s6;
	s6 =	sadd.s32 $0x4E00, s0;
	s17 =	ssub.s32 s9, s10  }
0xd: {  	s9 =	smul.u32 $0x60, s29;
	s31 =	sshll.u32 s18, $0xA;
	s8 =	sshrl.u32 s8, $0x3  }
0xe: {  	s17 =	smax.u32 s17, $0x1;
	s0 =	sadd.s32 s8, s0;
	s8 =	sshrl.u32 s30, $0x2  }
0xf: {  	[dreg:$0x5] =	wrdreg s31;
	s13 =	smov.u32 @p0 s9;
	s8 =	sadd.s32 s8, s2  }
0x10: {  	s14 =	sshll.u32 s13, $0x4;
	s15 =	sshrl.u32 s13, $0x3;
	s16 =	sadd.s32 $0x18E00, s0  }
0x11: {  	s9 =	sadd.s32 $0x4000, s8;
	s10 =	sadd.s32 $0x8000, s8;
	s11 =	sadd.s32 $0xC000, s8  }
0x12: {  	s12 =	sadd.s32 $0x10000, s8;
	s13 =	sadd.s32 s5, s14;
	s14 =	sadd.s32 s6, s14  }
0x13: {  	v0 =	vimm.f32 $0.0e+00;
	[dreg:$0x4] =	wrdreg s15;
	s15 =	sadd.s32 $0xFFFFFFFF, s18;
	s18 =	simm.s32 $0x1000  }
.LBB2_1:
0x14: {  	s0 =	simm.s32 $0x0;
	s29 =	simm.s32 $0x200  }
.LBB2_2:
0x15: {  	p0 =	sne.s32 s29, $0xFE00;
	[tilespmem:s0+$0x1070] =	vst v0  }
0x16: {  	[tilespmem:s0+$0x1000] =	vst v0  }
0x17: {  	[tilespmem:s0+$0x1010] =	vst v0  }
.Ltmp0:
0x18: {  	[tilespmem:s0+$0x1020] =	vst v0;
	(pc) =	sbr.rel @p0 .LBB2_2-.Ltmp0, $4  }
0x19: {  	[tilespmem:s0+$0x1030] =	vst v0  }
0x1a: {  	[tilespmem:s0+$0x1040] =	vst v0  }
0x1b: {  	[tilespmem:s0+$0x1050] =	vst v0  }
0x1c: {  	[tilespmem:s0+$0x1060] =	vst v0;
	s0 =	sshra.s32 s29, $0x2;
	s29 =	sadd.s32 $0x200, s29  }
0x1d: {  	[tilespmem:s0+$0x1070] =	vst v0  }
0x1e: {  	[tilespmem:s0+$0x1000] =	vst v0  }
0x1f: {  	[tilespmem:s0+$0x1010] =	vst v0  }
0x20: {  	[tilespmem:s0+$0x1020] =	vst v0  }
0x21: {  	[tilespmem:s0+$0x1030] =	vst v0  }
0x22: {  	[tilespmem:s0+$0x1040] =	vst v0  }
0x23: {  	[tilespmem:s0+$0x1050] =	vst v0  }
0x24: {  	[tilespmem:s0+$0x1060] =	vst v0  }
0x25: {  	[spmem:s8] =	stream.linear.scatter [tilespmem:s18], [sflag:$0x5], $0x4000, $0x38;
	[tilespmem:$0x1D000] =	vst v63  }
0x26: {  	_ =	swait.ge [sflag:s19], $0x4000  }
0x27: {  	[sflag:s19] =	ssyncset.done $0x0  }
0x28: {  	[sflag:s19] =	ssyncadd.s32 $0xFFFFC000  }
0x29: {  	[spmem:s9] =	stream.linear.scatter [tilespmem:s18], [sflag:$0x5], $0x4000, $0x38;
	[tilespmem:$0x1D000] =	vst v63  }
0x2a: {  	_ =	swait.ge [sflag:s19], $0x4000  }
0x2b: {  	[sflag:s19] =	ssyncset.done $0x0  }
0x2c: {  	[sflag:s19] =	ssyncadd.s32 $0xFFFFC000  }
0x2d: {  	[spmem:s10] =	stream.linear.scatter [tilespmem:s18], [sflag:$0x5], $0x4000, $0x38;
	[tilespmem:$0x1D000] =	vst v63  }
0x2e: {  	_ =	swait.ge [sflag:s19], $0x4000  }
0x2f: {  	[sflag:s19] =	ssyncset.done $0x0  }
0x30: {  	[sflag:s19] =	ssyncadd.s32 $0xFFFFC000  }
0x31: {  	[spmem:s11] =	stream.linear.scatter [tilespmem:s18], [sflag:$0x5], $0x4000, $0x38;
	[tilespmem:$0x1D000] =	vst v63  }
0x32: {  	_ =	swait.ge [sflag:s19], $0x4000  }
0x33: {  	[sflag:s19] =	ssyncset.done $0x0  }
0x34: {  	[sflag:s19] =	ssyncadd.s32 $0xFFFFC000  }
0x35: {  	[spmem:s12] =	stream.linear.scatter [tilespmem:s18], [sflag:$0x5], $0x4000, $0x38;
	[tilespmem:$0x1D000] =	vst v63  }
0x36: {  	_ =	swait.ge [sflag:s19], $0x4000  }
0x37: {  	[sflag:s19] =	ssyncset.done $0x0  }
0x38: {  	[sflag:s19] =	ssyncadd.s32 $0xFFFFC000  }
0x39: {  	s31 =	simm.s32 $0x0;
	[bflag:$0x0] =	sbarrier.arrive $0xFFFF  }
0x3a: {  	[tilespmem:s31], [sflag:$0x5] =	stream.linear.gather [hbm4b:s13+s31], $0x400, $0x38;
	[tilespmem:$0x1D000] =	vst v63  }
0x3b: {  	_ =	swait.ge [sflag:s19], $0x400  }
0x3c: {  	[sflag:s19] =	ssyncset.done $0x0  }
0x3d: {  	s20 =	simm.s32 $0x800;
	s29 =	simm.s32 $0x1;
	[sflag:s19] =	ssyncadd.s32 $0xFFFFFC00  }
0x3e: {  	[tilespmem:s20], [sflag:$0x5] =	stream.linear.gather [hbm4b:s14+s31], $0x400, $0x38;
	[tilespmem:$0x1D000] =	vst v63  }
0x3f: {  	p0 =	sgt.s32 s15, $0x1;
	s30 =	smov.u32 s15;
	_ =	swait.ge [sflag:s19], $0x400  }
0x40: {  	s30 =	smov.u32 @p0 s29;
	[sflag:s19] =	ssyncset.done $0x0;
	s3 =	rddreg [dreg:$0x4]  }
0x41: {  	[sflag:s19] =	ssyncadd.s32 $0xFFFFFC00;
	s0 =	sadd.s32 s3, s30  }
0x42: {  	[tilespmem:s18], [sflag:$0x1] =	stream.indirect.gather [hbm4b:s1+s21], $0x80, s31, s21, $0xb8;
	[tilespmem:$0x1D000] =	vst v63  }
0x43: {  	s0 =	sshll.u32 s0, $0x7  }
0x44: {  	s30 =	simm.s32 $0x400;
	s3 =	sand.u32 $0x1FFFFF80, s0  }
0x45: {  	[tilespmem:s22], [sflag:$0x2] =	stream.indirect.gather [hbm4b:s1+s21], $0x80, s21, s21, $0xb8;
	[tilespmem:$0x1D000] =	vst v63  }
0x46: {  	s0 =	sand.u32 $0x400, s30;
	s20 =	sadd.s32 s5, s3  }
0x47: {  	[tilespmem:s0], [sflag:$0x5] =	stream.linear.gather [hbm4b:s20+s4], $0x400, $0x38;
	[tilespmem:$0x1D000] =	vst v63  }
0x48: {  	_ =	swait.ge [sflag:s19], $0x400  }
0x49: {  	[sflag:s19] =	ssyncset.done $0x0  }
0x4a: {  	s3 =	sadd.s32 s6, s3;
	s20 =	sor.u32 $0x800, s0;
	[sflag:s19] =	ssyncadd.s32 $0xFFFFFC00  }
0x4b: {  	[tilespmem:s20], [sflag:$0x5] =	stream.linear.gather [hbm4b:s3+s4], $0x400, $0x38;
	[tilespmem:$0x1D000] =	vst v63  }
0x4c: {  	_ =	swait.ge [sflag:s19], $0x400  }
0x4d: {  	[sflag:s19] =	ssyncset.done $0x0  }
0x4e: {  	[sflag:s19] =	ssyncadd.s32 $0xFFFFFC00  }
0x4f: {  	_ =	swait.ge [sflag:s23], $0x4000  }
0x50: {  	s31 =	sand.u32 $0x400, s31;
	[sflag:s23] =	ssyncset.done $0x0  }
0x51: {  	s20 =	sor.u32 $0x800, s31;
	[sflag:s23] =	ssyncadd.s32 $0xFFFFC000  }
0x52: {  	[spmem:s2] =	stream.indirect.scatter.add.f32 [tilespmem:s18], [sflag:$0x3], $0x80, s20, s21, $0xb8;
	[tilespmem:$0x1D000] =	vst v63  }
0x53: {  	_ =	swait.ge [sflag:s24], $0x4000  }
0x54: {  	[sflag:s24] =	ssyncset.done $0x0  }
0x55: {  	s20 =	sor.u32 $0x100, s31;
	[sflag:s24] =	ssyncadd.s32 $0xFFFFC000  }
0x56: {  	[tilespmem:s18], [sflag:$0x1] =	stream.indirect.gather [hbm4b:s1+s21], $0x80, s20, s21, $0xb8;
	[tilespmem:$0x1D000] =	vst v63  }
0x57: {  	_ =	swait.ge [sflag:s25], $0x4000  }
0x58: {  	[sflag:s25] =	ssyncset.done $0x0  }
0x59: {  	s20 =	sor.u32 $0x880, s31;
	[sflag:s25] =	ssyncadd.s32 $0xFFFFC000  }
0x5a: {  	[spmem:s2] =	stream.indirect.scatter.add.f32 [tilespmem:s22], [sflag:$0x4], $0x80, s20, s21, $0xb8;
	[tilespmem:$0x1D000] =	vst v63  }
0x5b: {  	_ =	swait.ge [sflag:s26], $0x4000  }
0x5c: {  	[sflag:s26] =	ssyncset.done $0x0  }
0x5d: {  	s20 =	sor.u32 $0x180, s31;
	[sflag:s26] =	ssyncadd.s32 $0xFFFFC000  }
0x5e: {  	[tilespmem:s22], [sflag:$0x2] =	stream.indirect.gather [hbm4b:s1+s21], $0x80, s20, s21, $0xb8;
	[tilespmem:$0x1D000] =	vst v63  }
0x5f: {  	_ =	swait.ge [sflag:s23], $0x4000  }
0x60: {  	[sflag:s23] =	ssyncset.done $0x0  }
0x61: {  	s20 =	sor.u32 $0x900, s31;
	[sflag:s23] =	ssyncadd.s32 $0xFFFFC000  }
0x62: {  	[spmem:s2] =	stream.indirect.scatter.add.f32 [tilespmem:s18], [sflag:$0x3], $0x80, s20, s21, $0xb8;
	[tilespmem:$0x1D000] =	vst v63  }
0x63: {  	_ =	swait.ge [sflag:s24], $0x4000  }
0x64: {  	[sflag:s24] =	ssyncset.done $0x0  }
0x65: {  	s20 =	sor.u32 $0x200, s31;
	[sflag:s24] =	ssyncadd.s32 $0xFFFFC000  }
0x66: {  	[tilespmem:s18], [sflag:$0x1] =	stream.indirect.gather [hbm4b:s1+s21], $0x80, s20, s21, $0xb8;
	[tilespmem:$0x1D000] =	vst v63  }
0x67: {  	_ =	swait.ge [sflag:s25], $0x4000  }
0x68: {  	[sflag:s25] =	ssyncset.done $0x0  }
0x69: {  	s20 =	sor.u32 $0x980, s31;
	[sflag:s25] =	ssyncadd.s32 $0xFFFFC000  }
0x6a: {  	[spmem:s2] =	stream.indirect.scatter.add.f32 [tilespmem:s22], [sflag:$0x4], $0x80, s20, s21, $0xb8;
	[tilespmem:$0x1D000] =	vst v63  }
0x6b: {  	_ =	swait.ge [sflag:s26], $0x4000  }
0x6c: {  	[sflag:s26] =	ssyncset.done $0x0  }
0x6d: {  	s20 =	sor.u32 $0x280, s31;
	[sflag:s26] =	ssyncadd.s32 $0xFFFFC000  }
0x6e: {  	[tilespmem:s22], [sflag:$0x2] =	stream.indirect.gather [hbm4b:s1+s21], $0x80, s20, s21, $0xb8;
	[tilespmem:$0x1D000] =	vst v63  }
0x6f: {  	_ =	swait.ge [sflag:s23], $0x4000  }
0x70: {  	[sflag:s23] =	ssyncset.done $0x0  }
0x71: {  	s20 =	sor.u32 $0xA00, s31;
	[sflag:s23] =	ssyncadd.s32 $0xFFFFC000  }
0x72: {  	[spmem:s2] =	stream.indirect.scatter.add.f32 [tilespmem:s18], [sflag:$0x3], $0x80, s20, s21, $0xb8;
	[tilespmem:$0x1D000] =	vst v63  }
0x73: {  	_ =	swait.ge [sflag:s24], $0x4000  }
0x74: {  	[sflag:s24] =	ssyncset.done $0x0  }
0x75: {  	s20 =	sor.u32 $0x300, s31;
	[sflag:s24] =	ssyncadd.s32 $0xFFFFC000  }
0x76: {  	[tilespmem:s18], [sflag:$0x1] =	stream.indirect.gather [hbm4b:s1+s21], $0x80, s20, s21, $0xb8;
	[tilespmem:$0x1D000] =	vst v63  }
0x77: {  	_ =	swait.ge [sflag:s25], $0x4000  }
0x78: {  	[sflag:s25] =	ssyncset.done $0x0  }
0x79: {  	s20 =	sor.u32 $0xA80, s31;
	[sflag:s25] =	ssyncadd.s32 $0xFFFFC000  }
0x7a: {  	[spmem:s2] =	stream.indirect.scatter.add.f32 [tilespmem:s22], [sflag:$0x4], $0x80, s20, s21, $0xb8;
	[tilespmem:$0x1D000] =	vst v63  }
0x7b: {  	_ =	swait.ge [sflag:s26], $0x4000  }
0x7c: {  	[sflag:s26] =	ssyncset.done $0x0  }
0x7d: {  	s20 =	sor.u32 $0x380, s31;
	[sflag:s26] =	ssyncadd.s32 $0xFFFFC000  }
0x7e: {  	[tilespmem:s22], [sflag:$0x2] =	stream.indirect.gather [hbm4b:s1+s21], $0x80, s20, s21, $0xb8;
	[tilespmem:$0x1D000] =	vst v63  }
0x7f: {  	_ =	swait.ge [sflag:s23], $0x4000  }
0x80: {  	[sflag:s23] =	ssyncset.done $0x0  }
0x81: {  	s20 =	sor.u32 $0xB00, s31;
	[sflag:s23] =	ssyncadd.s32 $0xFFFFC000  }
0x82: {  	[spmem:s2] =	stream.indirect.scatter.add.f32 [tilespmem:s18], [sflag:$0x3], $0x80, s20, s21, $0xb8;
	[tilespmem:$0x1D000] =	vst v63  }
0x83: {  	_ =	swait.ge [sflag:s24], $0x4000  }
0x84: {  	[sflag:s24] =	ssyncset.done $0x0  }
0x85: {  	[sflag:s24] =	ssyncadd.s32 $0xFFFFC000  }
0x86: {  	[tilespmem:s18], [sflag:$0x1] =	stream.indirect.gather [hbm4b:s1+s21], $0x80, s0, s21, $0xb8;
	[tilespmem:$0x1D000] =	vst v63  }
0x87: {  	_ =	swait.ge [sflag:s25], $0x4000  }
0x88: {  	[sflag:s25] =	ssyncset.done $0x0  }
0x89: {  	s20 =	sor.u32 $0xB80, s31;
	[sflag:s25] =	ssyncadd.s32 $0xFFFFC000  }
0x8a: {  	[spmem:s2] =	stream.indirect.scatter.add.f32 [tilespmem:s22], [sflag:$0x4], $0x80, s20, s21, $0xb8;
	[tilespmem:$0x1D000] =	vst v63  }
0x8b: {  	_ =	swait.ge [sflag:s26], $0x4000  }
0x8c: {  	s31 =	rddreg [dreg:$0x5]  }
0x8d: {  	p0 =	sne.s32 s31, $0x400  }
.Ltmp1:
0x8e: {  	_ = 	snop;
	(pc) =	sbr.rel @!p0 .LBB2_5-.Ltmp1, $4  }
0x8f: {  	_ = 	snop  }
0x90: {  	[sflag:s26] =	ssyncset.done $0x0  }
0x91: {  	s0 =	sor.u32 $0x80, s0;
	[sflag:s26] =	ssyncadd.s32 $0xFFFFC000  }
0x92: {  	[tilespmem:s22], [sflag:$0x2] =	stream.indirect.gather [hbm4b:s1+s21], $0x80, s0, s21, $0xb8;
	[tilespmem:$0x1D000] =	vst v63  }
.LBB2_4:
0x93: {  	s29 =	sadd.s32 $0x1, s29  }
0x94: {  	s20 =	smov.u32 s15;
	p0 =	slt.s32 s29, s15  }
0x95: {  	s0 =	rddreg [dreg:$0x4];
	s20 =	smov.u32 @p0 s29  }
0x96: {  	s0 =	sadd.s32 s0, s20  }
0x97: {  	s0 =	sshll.u32 s0, $0x7  }
0x98: {  	s3 =	smov.u32 s30;
	s30 =	sadd.s32 $0x400, s30;
	s0 =	sand.u32 $0x1FFFFF80, s0  }
0x99: {  	s31 =	sand.u32 $0x400, s30;
	s20 =	sadd.s32 s5, s0  }
0x9a: {  	[tilespmem:s31], [sflag:$0x5] =	stream.linear.gather [hbm4b:s20+s4], $0x400, $0x38;
	[tilespmem:$0x1D000] =	vst v63  }
0x9b: {  	_ =	swait.ge [sflag:s19], $0x400  }
0x9c: {  	[sflag:s19] =	ssyncset.done $0x0  }
0x9d: {  	s0 =	sadd.s32 s6, s0;
	s20 =	sor.u32 $0x800, s31;
	[sflag:s19] =	ssyncadd.s32 $0xFFFFFC00  }
0x9e: {  	[tilespmem:s20], [sflag:$0x5] =	stream.linear.gather [hbm4b:s0+s4], $0x400, $0x38;
	[tilespmem:$0x1D000] =	vst v63  }
0x9f: {  	_ =	swait.ge [sflag:s19], $0x400  }
0xa0: {  	[sflag:s19] =	ssyncset.done $0x0  }
0xa1: {  	[sflag:s19] =	ssyncadd.s32 $0xFFFFFC00  }
0xa2: {  	_ =	swait.ge [sflag:s23], $0x4000  }
0xa3: {  	s0 =	sand.u32 $0x400, s3;
	[sflag:s23] =	ssyncset.done $0x0  }
0xa4: {  	s3 =	sor.u32 $0x800, s0;
	[sflag:s23] =	ssyncadd.s32 $0xFFFFC000  }
0xa5: {  	[spmem:s2] =	stream.indirect.scatter.add.f32 [tilespmem:s18], [sflag:$0x3], $0x80, s3, s21, $0xb8;
	[tilespmem:$0x1D000] =	vst v63  }
0xa6: {  	_ =	swait.ge [sflag:s24], $0x4000  }
0xa7: {  	[sflag:s24] =	ssyncset.done $0x0  }
0xa8: {  	s20 =	sor.u32 $0x100, s0;
	[sflag:s24] =	ssyncadd.s32 $0xFFFFC000  }
0xa9: {  	[tilespmem:s18], [sflag:$0x1] =	stream.indirect.gather [hbm4b:s1+s21], $0x80, s20, s21, $0xb8;
	[tilespmem:$0x1D000] =	vst v63  }
0xaa: {  	_ =	swait.ge [sflag:s25], $0x4000  }
0xab: {  	[sflag:s25] =	ssyncset.done $0x0  }
0xac: {  	s20 =	sor.u32 $0x880, s0;
	[sflag:s25] =	ssyncadd.s32 $0xFFFFC000  }
0xad: {  	[spmem:s2] =	stream.indirect.scatter.add.f32 [tilespmem:s22], [sflag:$0x4], $0x80, s20, s21, $0xb8;
	[tilespmem:$0x1D000] =	vst v63  }
0xae: {  	_ =	swait.ge [sflag:s26], $0x4000  }
0xaf: {  	[sflag:s26] =	ssyncset.done $0x0  }
0xb0: {  	s20 =	sor.u32 $0x180, s0;
	[sflag:s26] =	ssyncadd.s32 $0xFFFFC000  }
0xb1: {  	[tilespmem:s22], [sflag:$0x2] =	stream.indirect.gather [hbm4b:s1+s21], $0x80, s20, s21, $0xb8;
	[tilespmem:$0x1D000] =	vst v63  }
0xb2: {  	_ =	swait.ge [sflag:s23], $0x4000  }
0xb3: {  	[sflag:s23] =	ssyncset.done $0x0  }
0xb4: {  	s20 =	sor.u32 $0x900, s0;
	[sflag:s23] =	ssyncadd.s32 $0xFFFFC000  }
0xb5: {  	[spmem:s2] =	stream.indirect.scatter.add.f32 [tilespmem:s18], [sflag:$0x3], $0x80, s20, s21, $0xb8;
	[tilespmem:$0x1D000] =	vst v63  }
0xb6: {  	_ =	swait.ge [sflag:s24], $0x4000  }
0xb7: {  	[sflag:s24] =	ssyncset.done $0x0  }
0xb8: {  	s20 =	sor.u32 $0x200, s0;
	[sflag:s24] =	ssyncadd.s32 $0xFFFFC000  }
0xb9: {  	[tilespmem:s18], [sflag:$0x1] =	stream.indirect.gather [hbm4b:s1+s21], $0x80, s20, s21, $0xb8;
	[tilespmem:$0x1D000] =	vst v63  }
0xba: {  	_ =	swait.ge [sflag:s25], $0x4000  }
0xbb: {  	[sflag:s25] =	ssyncset.done $0x0  }
0xbc: {  	s20 =	sor.u32 $0x980, s0;
	[sflag:s25] =	ssyncadd.s32 $0xFFFFC000  }
0xbd: {  	[spmem:s2] =	stream.indirect.scatter.add.f32 [tilespmem:s22], [sflag:$0x4], $0x80, s20, s21, $0xb8;
	[tilespmem:$0x1D000] =	vst v63  }
0xbe: {  	_ =	swait.ge [sflag:s26], $0x4000  }
0xbf: {  	[sflag:s26] =	ssyncset.done $0x0  }
0xc0: {  	s20 =	sor.u32 $0x280, s0;
	[sflag:s26] =	ssyncadd.s32 $0xFFFFC000  }
0xc1: {  	[tilespmem:s22], [sflag:$0x2] =	stream.indirect.gather [hbm4b:s1+s21], $0x80, s20, s21, $0xb8;
	[tilespmem:$0x1D000] =	vst v63  }
0xc2: {  	_ =	swait.ge [sflag:s23], $0x4000  }
0xc3: {  	[sflag:s23] =	ssyncset.done $0x0  }
0xc4: {  	s20 =	sor.u32 $0xA00, s0;
	[sflag:s23] =	ssyncadd.s32 $0xFFFFC000  }
0xc5: {  	[spmem:s2] =	stream.indirect.scatter.add.f32 [tilespmem:s18], [sflag:$0x3], $0x80, s20, s21, $0xb8;
	[tilespmem:$0x1D000] =	vst v63  }
0xc6: {  	_ =	swait.ge [sflag:s24], $0x4000  }
0xc7: {  	[sflag:s24] =	ssyncset.done $0x0  }
0xc8: {  	s20 =	sor.u32 $0x300, s0;
	[sflag:s24] =	ssyncadd.s32 $0xFFFFC000  }
0xc9: {  	[tilespmem:s18], [sflag:$0x1] =	stream.indirect.gather [hbm4b:s1+s21], $0x80, s20, s21, $0xb8;
	[tilespmem:$0x1D000] =	vst v63  }
0xca: {  	_ =	swait.ge [sflag:s25], $0x4000  }
0xcb: {  	[sflag:s25] =	ssyncset.done $0x0  }
0xcc: {  	s20 =	sor.u32 $0xA80, s0;
	[sflag:s25] =	ssyncadd.s32 $0xFFFFC000  }
0xcd: {  	[spmem:s2] =	stream.indirect.scatter.add.f32 [tilespmem:s22], [sflag:$0x4], $0x80, s20, s21, $0xb8;
	[tilespmem:$0x1D000] =	vst v63  }
0xce: {  	_ =	swait.ge [sflag:s26], $0x4000  }
0xcf: {  	[sflag:s26] =	ssyncset.done $0x0  }
0xd0: {  	s20 =	sor.u32 $0x380, s0;
	[sflag:s26] =	ssyncadd.s32 $0xFFFFC000  }
0xd1: {  	[tilespmem:s22], [sflag:$0x2] =	stream.indirect.gather [hbm4b:s1+s21], $0x80, s20, s21, $0xb8;
	[tilespmem:$0x1D000] =	vst v63  }
0xd2: {  	_ =	swait.ge [sflag:s23], $0x4000  }
0xd3: {  	[sflag:s23] =	ssyncset.done $0x0  }
0xd4: {  	s20 =	sor.u32 $0xB00, s0;
	[sflag:s23] =	ssyncadd.s32 $0xFFFFC000  }
0xd5: {  	[spmem:s2] =	stream.indirect.scatter.add.f32 [tilespmem:s18], [sflag:$0x3], $0x80, s20, s21, $0xb8;
	[tilespmem:$0x1D000] =	vst v63  }
0xd6: {  	_ =	swait.ge [sflag:s24], $0x4000  }
0xd7: {  	[sflag:s24] =	ssyncset.done $0x0  }
0xd8: {  	[sflag:s24] =	ssyncadd.s32 $0xFFFFC000  }
0xd9: {  	[tilespmem:s18], [sflag:$0x1] =	stream.indirect.gather [hbm4b:s1+s21], $0x80, s31, s21, $0xb8;
	[tilespmem:$0x1D000] =	vst v63  }
0xda: {  	_ =	swait.ge [sflag:s25], $0x4000  }
0xdb: {  	[sflag:s25] =	ssyncset.done $0x0  }
0xdc: {  	s0 =	sor.u32 $0xB80, s0;
	[sflag:s25] =	ssyncadd.s32 $0xFFFFC000  }
0xdd: {  	[spmem:s2] =	stream.indirect.scatter.add.f32 [tilespmem:s22], [sflag:$0x4], $0x80, s0, s21, $0xb8;
	[tilespmem:$0x1D000] =	vst v63  }
0xde: {  	_ =	swait.ge [sflag:s26], $0x4000  }
0xdf: {  	s20 =	rddreg [dreg:$0x5]  }
0xe0: {  	p0 =	sne.s32 s20, s30  }
.Ltmp2:
0xe1: {  	_ = 	snop;
	(pc) =	sbr.rel @p0 .LBB2_4-.Ltmp2, $4  }
0xe2: {  	_ = 	snop  }
0xe3: {  	[sflag:s26] =	ssyncset.done $0x0  }
0xe4: {  	s31 =	sor.u32 $0x80, s31;
	[sflag:s26] =	ssyncadd.s32 $0xFFFFC000  }
0xe5: {  	[tilespmem:s22], [sflag:$0x2] =	stream.indirect.gather [hbm4b:s1+s21], $0x80, s31, s21, $0xb8;
	[tilespmem:$0x1D000] =	vst v63  }
.LBB2_5:
0xe6: {  	_ =	swait.ge [sflag:s23], $0x4000  }
0xe7: {  	[sflag:s23] =	ssyncset.done $0x0  }
0xe8: {  	[sflag:s23] =	ssyncadd.s32 $0xFFFFC000  }
0xe9: {  	_ =	swait.ge [sflag:s25], $0x4000  }
0xea: {  	s28 =	sadd.s32 $0x1, s28;
	[sflag:s25] =	ssyncset.done $0x0  }
0xeb: {  	s0 =	sor.u32 $0x1C05, s7;
	p0 =	sne.s32 s28, s17;
	[sflag:s25] =	ssyncadd.s32 $0xFFFFC000  }
.Ltmp3:
0xec: {  	s3 =	sshrl.u32 s8, $0x3;
	[bflag:$0x0] =	sbarrier.arrive $0xFFFF;
	(pc) =	sbr.rel @p0 .LBB2_1-.Ltmp3, $4  }
0xed: {  	[hbm:s16], [sflag:s0] =	dma.local [spmem:s3], $0x2800  }
0xee: {  	_ =	swait.ge [sflag:s19], $0x2800  }
0xef: {  	[sflag:s19] =	ssyncset.done $0x0  }
0xf0: {  	[sflag:s19] =	ssyncadd.s32 $0xFFFFD800  }
0xf1: {  	_ =	sfence.sel $0x180000  }
0xf2: {  	[bflag:$0x0] =	sbarrier.arrive $0xFFFF  }
0xf3: {  	_ =	strace $0x9000004D  }
0xf4: {  	s0 =	stileid.u32;
	[bflag:$0x2] =	sbarrier.arrive $0xFFFF  }
0xf5: {  	p0 =	sne.s32 s0, $0x0;
	s0 =	rddreg [dreg:$0x3]  }
0xf6: {  	s0 =	sadd.s32 @!p0 $0x100000, s0  }
0xf7: {  	[sflag:s0] =	ssyncadd.tile.s32 @!p0 $0x1;
	_ =	shalt  }
.Lfunc_end2:
_tile_overlayer_lowered:
.L_overlay_start_2:
0xf8: {  	(tag) =	ssettag $0x2  }
0xf9: {  	s0 =	rddreg [dreg:$0x0];
	s2 =	stileid.u32  }
0xfa: {  	s1 =	rddreg [dreg:$0x1];
	p0 =	sne.s32 s2, $0x0  }
0xfb: {  	s3 =	rddreg [dreg:$0x2];
	[bflag:$0x3] =	sbarrier.arrive $0xFFFF;
	s2 =	simm.s32 @!p0 $0x1C05  }
0xfc: {  	[timem:s3], [sflag:s2] =	dma.local @!p0 [hbm:s0], s1  }
0xfd: {  	s0 =	simm.s32 @!p0 $0x5  }
0xfe: {  	_ =	swait.ge @!p0 [sflag:s0], s1  }
0xff: {  	s1 =	ssub.s32 @!p0 $0x0, s1;
	[sflag:s0] =	ssyncset.done @!p0 $0x0  }
0x100: {  	[sflag:s0] =	ssyncadd.s32 @!p0 s1  }
0x101: {  	[bflag:$0x3] =	sbarrier.arrive $0xFFFF  }
0x102: {  	_ =	shalt  }

// kernel: kernel.19.cloned.1.call-start
scs
__scs_entry_jumppad:
0x0: {  	(pc) =	sbr.rel $0x88, $3  }
0x1: {  	(tag) =	ssettag $0x0;
	lr =	simm.s32 $0x1  }
0x2: {  	[smem:$0x3F96] =	sst lr;
	_ =	strace $0xD0000000  }
0x3: {  	_ = 	snop  }
0x4: {  	_ = 	snop  }
0x5: {  	_ = 	snop  }
0x6: {  	_ = 	snop  }
0x7: {  	_ = 	snop  }
__scs_overlays_trampoline_lowered:
0x8: {  	[smem:$0x3FA5] =	sst s0  }
0x9: {  	[smem:$0x3FA6] =	sst s1  }
0xa: {  	[smem:$0x3FA7] =	sst s2  }
0xb: {  	[smem:$0x3FA8] =	sst s3  }
0xc: {  	[smem:$0x3FA9] =	sst s4  }
0xd: {  	[smem:$0x3FAA] =	sst s5  }
0xe: {  	[smem:$0x3FAB] =	sst s6  }
0xf: {  	[smem:$0x3FAC] =	sst s7  }
0x10: {  	[smem:$0x3FAD] =	sst s8  }
0x11: {  	[smem:$0x3FAE] =	sst s9;
	s0 =	simm.s32 @!p0 $0x0  }
0x12: {  	s1 =	sld [smem:$0x3F94];
	s0 =	simm.s32 @p0 $0x1  }
0x13: {  	[smem:$0x3FAF] =	sst s0;
	s0 =	simm.s32 @!p1 $0x0  }
0x14: {  	s2 =	sld [smem:$0x3F93];
	s0 =	simm.s32 @p1 $0x1  }
0x15: {  	[smem:$0x3FB0] =	sst s0;
	s0 =	simm.s32 @!p2 $0x0  }
0x16: {  	s3 =	sld [smem:$0x3FDB];
	s0 =	simm.s32 @p2 $0x1  }
0x17: {  	s4 =	simm.s32 $0x1BF5;
	[smem:$0x3FB2] =	sst s0  }
0x18: {  	s0 =	sld [smem:$0x3F95];
	_ =	swait.ge [sflag:s4], $0x0  }
0x19: {  	s7 =	sld [smem:$0x3F96]  }
0x1a: {  	s8 =	sadd.s32 $0xFFFFE003, lr  }
0x1b: {  	s9 =	sadd.s32 $0xFFFFFEF7, lr;
	s5 =	simm.s32 $0xFFFFFFFF;
	p2 =	slt.u32 s8, $0xFFFFF086  }
0x1c: {  	p1 =	slt.u32 s9, $0xF7A;
	s5 =	simm.s32 @!p2 $0x0  }
0x1d: {  	s5 =	simm.s32 @p1 $0x1;
	p0 =	seq.s32 s7, s2  }
0x1e: {  	s7 =	smul.u32 @!p0 $0xF7A, s2;
	p2 =	seq.s32 @!p0 s5, $0x0  }
0x1f: {  	s9 =	smul.u32 $0xF7A, s1;
	s8 =	simm.s32 @!p0 $0x1BF5;
	p2 =	por !p2, p0  }
0x20: {  	[sflag:s8] =	ssyncset.s32 @!p0 $0xFFFFF086;
	s6 =	sadd.s32 @!p0 s3, s7;
	s7 =	simm.s32 @!p0 $0x108  }
0x21: {  	s3 =	sadd.s32 s3, s9;
	s6 =	sadd.s32 @!p0 $0x88, s6;
	s7 =	simm.s32 @p2 $0x1082  }
0x22: {  	[simem:s7], [sflag:s8] =	dma.local @!p0 [hbm:s6], $0xF7A  }
0x23: {  	s9 =	sor.u32 $0xD0000000, s2;
	s6 =	simm.s32 $0x108;
	_ =	swait.ge @!p0 [sflag:s8], $0x0  }
0x24: {  	s3 =	sadd.s32 $0x88, s3;
	s6 =	simm.s32 @!p1 $0x1082;
	[sflag:s4] =	ssyncset.s32 $0xFFFFF086  }
0x25: {  	[simem:s6], [sflag:s4] =	dma.local [hbm:s3], $0xF7A  }
0x26: {  	[smem:$0x3F96] =	sst s1;
	(tag) =	ssettag s2;
	_ =	strace s9  }
0x27: {  	s1 =	sld [smem:$0x3FA6]  }
0x28: {  	s2 =	sld [smem:$0x3FA7]  }
0x29: {  	s4 =	sld [smem:$0x3FA9]  }
0x2a: {  	p0 =	seq.s32 s5, $0x0;
	s5 =	sld [smem:$0x3FAA]  }
0x2b: {  	s6 =	sld [smem:$0x3FAB]  }
0x2c: {  	s7 =	sld [smem:$0x3FAC]  }
0x2d: {  	s3 =	simm.s32 $0x108;
	s8 =	sld [smem:$0x3FAD]  }
0x2e: {  	s3 =	simm.s32 @!p0 $0x1082;
	s9 =	sld [smem:$0x3FAE]  }
0x2f: {  	lr =	sadd.s32 s0, s3;
	s0 =	sld [smem:$0x3FA5]  }
0x30: {  	s3 =	sld [smem:$0x3FA8]  }
0x31: {  	[smem:$0x3FB1] =	sst s10  }
0x32: {  	s10 =	sld [smem:$0x3FAF];
	_ =	sdelay $0x3  }
0x33: {  	p0 =	seq.s32 s10, $0x1;
	s10 =	sld [smem:$0x3FB1];
	_ =	sdelay $0x3  }
0x34: {  	[smem:$0x3FB1] =	sst s10  }
0x35: {  	s10 =	sld [smem:$0x3FB0];
	_ =	sdelay $0x3  }
0x36: {  	p1 =	seq.s32 s10, $0x1;
	s10 =	sld [smem:$0x3FB1];
	_ =	sdelay $0x3  }
0x37: {  	[smem:$0x3FB1] =	sst s10  }
0x38: {  	s10 =	sld [smem:$0x3FB2]  }
0x39: {  	_ = 	snop;
	(pc) =	sbr.ind lr, $3  }
0x3a: {  	_ = 	snop  }
0x3b: {  	_ = 	snop  }
0x3c: {  	p2 =	seq.s32 s10, $0x1;
	s10 =	sld [smem:$0x3FB1]  }
0x3d: {  	_ =	shalt  }
0x3e: {  	_ =	shalt  }
0x3f: {  	_ =	shalt  }
0x40: {  	_ =	shalt  }
0x41: {  	_ =	shalt  }
0x42: {  	_ =	shalt  }
0x43: {  	_ =	shalt  }
0x44: {  	_ =	shalt  }
0x45: {  	_ =	shalt  }
0x46: {  	_ =	shalt  }
0x47: {  	_ =	shalt  }
0x48: {  	_ =	shalt  }
0x49: {  	_ =	shalt  }
0x4a: {  	_ =	shalt  }
0x4b: {  	_ =	shalt  }
0x4c: {  	_ =	shalt  }
0x4d: {  	_ =	shalt  }
0x4e: {  	_ =	shalt  }
0x4f: {  	_ =	shalt  }
0x50: {  	_ =	shalt  }
0x51: {  	_ =	shalt  }
0x52: {  	_ =	shalt  }
0x53: {  	_ =	shalt  }
0x54: {  	_ =	shalt  }
0x55: {  	_ =	shalt  }
0x56: {  	_ =	shalt  }
0x57: {  	_ =	shalt  }
0x58: {  	_ =	shalt  }
0x59: {  	_ =	shalt  }
0x5a: {  	_ =	shalt  }
0x5b: {  	_ =	shalt  }
0x5c: {  	_ =	shalt  }
0x5d: {  	_ =	shalt  }
0x5e: {  	_ =	shalt  }
0x5f: {  	_ =	shalt  }
0x60: {  	_ =	shalt  }
0x61: {  	_ =	shalt  }
0x62: {  	_ =	shalt  }
0x63: {  	_ =	shalt  }
0x64: {  	_ =	shalt  }
0x65: {  	_ =	shalt  }
0x66: {  	_ =	shalt  }
0x67: {  	_ =	shalt  }
0x68: {  	_ =	shalt  }
0x69: {  	_ =	shalt  }
0x6a: {  	_ =	shalt  }
0x6b: {  	_ =	shalt  }
0x6c: {  	_ =	shalt  }
0x6d: {  	_ =	shalt  }
0x6e: {  	_ =	shalt  }
0x6f: {  	_ =	shalt  }
0x70: {  	_ =	shalt  }
0x71: {  	_ =	shalt  }
0x72: {  	_ =	shalt  }
0x73: {  	_ =	shalt  }
0x74: {  	_ =	shalt  }
0x75: {  	_ =	shalt  }
0x76: {  	_ =	shalt  }
0x77: {  	_ =	shalt  }
0x78: {  	_ =	shalt  }
0x79: {  	_ =	shalt  }
0x7a: {  	_ =	shalt  }
0x7b: {  	_ =	shalt  }
0x7c: {  	_ =	shalt  }
0x7d: {  	_ =	shalt  }
0x7e: {  	_ =	shalt  }
0x7f: {  	_ =	shalt  }
0x80: {  	_ =	shalt  }
0x81: {  	_ =	shalt  }
0x82: {  	_ =	shalt  }
0x83: {  	_ =	shalt  }
0x84: {  	_ =	shalt  }
0x85: {  	_ =	shalt  }
0x86: {  	_ =	shalt  }
0x87: {  	_ =	shalt  }
.Lfunc_end0:
.L_simem_size_0:
called_computation.3_lowered:
.L_overlay_start_0:
0x88: {  	s2 =	sld [smem:$0x3FD9]  }
0x89: {  	s3 =	sld [smem:$0x3FFE];
	_ =	sdelay $0x1  }
0x8a: {  	s1 =	srdreg.scid  }
0x8b: {  	s0 =	sand.u32 $0x1, s1  }
0x8c: {  	s17 =	sshll.u32 s0, $0xA;
	s2 =	sadd.s32 s3, s2  }
0x8d: {  	s2 =	sadd.s32 s2, s17  }
0x8e: {  	[smem:$0x3FBD] =	sst s2  }
0x8f: {  	_ = 	snop  }
0x90: {  	s2 =	sld [smem:$0x3FD0];
	(tm) =	ssettm $0x1  }
0x91: {  	s18 =	sld [smem:$0x3FFB];
	_ =	sdelay $0x3  }
0x92: {  	_ =	strace s18  }
0x93: {  	s3 =	sld [smem:$0x3FFC];
	_ =	sdelay $0x3  }
0x94: {  	_ =	strace s3  }
0x95: {  	s3 =	sld [smem:$0x3FFD];
	_ =	sdelay $0x3  }
0x96: {  	_ =	strace s3  }
0x97: {  	_ =	strace $0x8FFFFFFF  }
0x98: {  	s19 =	sld [smem:$0x3FDB];
	_ =	sdelay $0x1  }
0x99: {  	s4 =	simm.s32 $_scs_section_size  }
0x9a: {  	s5 =	simm.s32 $_size__tile_overlayer_lowered;
	s6 =	simm.s32 $_tile_overlayer_lowered  }
0x9b: {  	s22 =	simm.s32 $0x1BFF;
	s21 =	sshll.u32 s6, $0x1;
	s3 =	sadd.s32 s4, s19  }
0x9c: {  	s7 =	simm.s32 $0x0;
	s20 =	sshll.u32 s5, $0x1;
	s5 =	sadd.s32 s21, s3  }
0x9d: {  	[timem:s7], [sflag:s22] =	dma.local [hbm:s5], s20  }
0x9e: {  	_ =	swait.ge [sflag:s22], s20  }
0x9f: {  	s4 =	ssub.s32 $0x0, s20;
	[sflag:s22] =	ssyncset.done $0x0  }
0xa0: {  	[sflag:s22] =	ssyncadd.s32 s4;
	_ =	sdelay $0x1  }
0xa1: {  	s23 =	simm.s32 $0x1B8B  }
0xa2: {  	_ =	swait.ge [sflag:s23], $0x1  }
0xa3: {  	[sflag:s23] =	ssyncset.done $0x0  }
0xa4: {  	s25 =	simm.s32 $0x1B8E;
	s24 =	sld [smem:$0x3FFE];
	[sflag:s23] =	ssyncadd.s32 $0xFFFFFFFF  }
0xa5: {  	s26 =	simm.s32 $execute0_lowered;
	[smem:$0x3FD2] =	sst s25  }
0xa6: {  	s5 =	sshll.u32 s26, $0x1;
	_ =	strace $0x8000004F;
	[dreg:$0x1] =	wrdreg $0xFFFFFFFF  }
0xa7: {  	s28 =	simm.s32 $_size_execute0_lowered;
	s3 =	sadd.s32 s3, s5;
	[dreg:$0x0] =	wrdreg $0x0  }
0xa8: {  	s5 =	sshll.u32 s28, $0x1;
	[dreg:$0x2] =	wrdreg s3  }
0xa9: {  	[dreg:$0x3] =	wrdreg s5  }
0xaa: {  	[dreg:$0x4] =	wrdreg $0xC0  }
0xab: {  	_ =	task [dreg:s7], $0x5FFFF  }
0xac: {  	[dreg:$0x1] =	wrdreg $0xFFFFFFFF  }
0xad: {  	[dreg:$0x0] =	wrdreg $0x60  }
0xae: {  	[dreg:$0x2] =	wrdreg s2  }
0xaf: {  	[dreg:$0x3] =	wrdreg s24  }
0xb0: {  	[dreg:$0x4] =	wrdreg $0x90000  }
0xb1: {  	[dreg:$0x5] =	wrdreg $0x9  }
0xb2: {  	_ =	task.clear_ibuf [dreg:s7], $0x6FFFF;
	_ =	strace $0x9000004F  }
0xb3: {  	s29 =	simm.s32 $0x9;
	_ =	strace $0x80000051  }
0xb4: {  	_ =	swait.ge [sflag:s29], $0x1  }
0xb5: {  	[sflag:s29] =	ssyncadd.s32 $0xFFFFFFFF  }
0xb6: {  	_ =	strace $0x90000051  }
0xb7: {  	_ =	sfence  }
0xb8: {  	s30 =	sld [smem:$0x0];
	_ =	sdelay $0x2  }
0xb9: {  	s31 =	sshll.u32 s1, $0xD;
	s1 =	sshrl.u32 s1, $0x2  }
0xba: {  	s3 =	sand.u32 $0x4000, s31;
	s1 =	sadd.s32 s1, s30  }
0xbb: {  	s0 =	sor.u32 s3, s0;
	s1 =	sshll.u32 s1, $0x11  }
0xbc: {  	s0 =	sor.u32 s1, s0  }
0xbd: {  	s0 =	sadd.s32 $0x8F2B, s0  }
0xbe: {  	[sflag:s0] =	ssyncadd.remote.s32 $0x1  }
0xbf: {  	_ =	sfence.sel $0xFFFF  }
0xc0: {  	[dreg:$0x0] =	wrdreg $0xFFFFFFFF;
	(pc) =	sbr.abs _section_cstart, $3  }
0xc1: {  	[dreg:$0x1] =	wrdreg $0xFFFFFFFF  }
0xc2: {  	_ =	task.clear_ibuf [dreg:s7], $0x2FFFF;
	_ =	strace $0x9FFFFFFF  }
0xc3: {  	(tm) =	ssettm $0x7FFFFFFF  }
tec
execute0_lowered:
.L_overlay_start_1:
0x0: {  	(tag) =	ssettag $0x1  }
0x1: {  	s1 =	rddreg [dreg:$0x0]  }
0x2: {  	s0 =	rddreg [dreg:$0x1]  }
0x3: {  	s2 =	rddreg [dreg:$0x2];
	s3 =	srdreg.scid  }
0x4: {  	s4 =	simm.s32 $0x0;
	s29 =	stileid.u32;
	s18 =	simm.s32 $0xC  }
0x5: {  	s19 =	simm.s32 $0x5;
	s21 =	simm.s32 $0x80;
	s22 =	simm.s32 $0x5000  }
0x6: {  	s23 =	simm.s32 $0x1;
	s24 =	simm.s32 $0x3;
	s25 =	simm.s32 $0x2  }
0x7: {  	s26 =	simm.s32 $0x4;
	s28 =	simm.s32 $0x0;
	s8 =	smul.u32 $0x14000, s29  }
0x8: {  	s7 =	sand.u32 $0x1, s3;
	[smem:$0x7FF] =	sst s4;
	s30 =	smul.u32 $0x50000, s29  }
0x9: {  	s5 =	sadd.s32 $0xEE00, s0;
	s6 =	smul.u32 $0x140000, s7;
	_ =	strace $0x80000050  }
0xa: {  	s9 =	ssub.s32 $0x2, s7;
	p0 =	seq.s32 s7, $0x0;
	s7 =	sshll.u32 s29, $0x6  }
0xb: {  	s10 =	sshrl.u32 s9, $0x1;
	s13 =	sadd.s32 $0x600, s7;
	s18 =	simm.s32 @!p0 $0x8  }
0xc: {  	s8 =	sadd.s32 s8, s6;
	s6 =	sadd.s32 $0x4E00, s0;
	s17 =	ssub.s32 s9, s10  }
0xd: {  	s9 =	smul.u32 $0x60, s29;
	s31 =	sshll.u32 s18, $0xA;
	s8 =	sshrl.u32 s8, $0x3  }
0xe: {  	s17 =	smax.u32 s17, $0x1;
	s0 =	sadd.s32 s8, s0;
	s8 =	sshrl.u32 s30, $0x2  }
0xf: {  	[dreg:$0x5] =	wrdreg s31;
	s13 =	smov.u32 @p0 s9;
	s8 =	sadd.s32 s8, s2  }
0x10: {  	s14 =	sshll.u32 s13, $0x4;
	s15 =	sshrl.u32 s13, $0x3;
	s16 =	sadd.s32 $0x18E00, s0  }
0x11: {  	s9 =	sadd.s32 $0x4000, s8;
	s10 =	sadd.s32 $0x8000, s8;
	s11 =	sadd.s32 $0xC000, s8  }
0x12: {  	s12 =	sadd.s32 $0x10000, s8;
	s13 =	sadd.s32 s5, s14;
	s14 =	sadd.s32 s6, s14  }
0x13: {  	v0 =	vimm.f32 $0.0e+00;
	[dreg:$0x4] =	wrdreg s15;
	s15 =	sadd.s32 $0xFFFFFFFF, s18;
	s18 =	simm.s32 $0x1000  }
.LBB2_1:
0x14: {  	s0 =	simm.s32 $0x0;
	s29 =	simm.s32 $0x200  }
.LBB2_2:
0x15: {  	p0 =	sne.s32 s29, $0xFE00;
	[tilespmem:s0+$0x1070] =	vst v0  }
0x16: {  	[tilespmem:s0+$0x1000] =	vst v0  }
0x17: {  	[tilespmem:s0+$0x1010] =	vst v0  }
.Ltmp0:
0x18: {  	[tilespmem:s0+$0x1020] =	vst v0;
	(pc) =	sbr.rel @p0 .LBB2_2-.Ltmp0, $4  }
0x19: {  	[tilespmem:s0+$0x1030] =	vst v0  }
0x1a: {  	[tilespmem:s0+$0x1040] =	vst v0  }
0x1b: {  	[tilespmem:s0+$0x1050] =	vst v0  }
0x1c: {  	[tilespmem:s0+$0x1060] =	vst v0;
	s0 =	sshra.s32 s29, $0x2;
	s29 =	sadd.s32 $0x200, s29  }
0x1d: {  	[tilespmem:s0+$0x1070] =	vst v0  }
0x1e: {  	[tilespmem:s0+$0x1000] =	vst v0  }
0x1f: {  	[tilespmem:s0+$0x1010] =	vst v0  }
0x20: {  	[tilespmem:s0+$0x1020] =	vst v0  }
0x21: {  	[tilespmem:s0+$0x1030] =	vst v0  }
0x22: {  	[tilespmem:s0+$0x1040] =	vst v0  }
0x23: {  	[tilespmem:s0+$0x1050] =	vst v0  }
0x24: {  	[tilespmem:s0+$0x1060] =	vst v0  }
0x25: {  	[spmem:s8] =	stream.linear.scatter [tilespmem:s18], [sflag:$0x5], $0x4000, $0x38;
	[tilespmem:$0x1D000] =	vst v63  }
0x26: {  	_ =	swait.ge [sflag:s19], $0x4000  }
0x27: {  	[sflag:s19] =	ssyncset.done $0x0  }
0x28: {  	[sflag:s19] =	ssyncadd.s32 $0xFFFFC000  }
0x29: {  	[spmem:s9] =	stream.linear.scatter [tilespmem:s18], [sflag:$0x5], $0x4000, $0x38;
	[tilespmem:$0x1D000] =	vst v63  }
0x2a: {  	_ =	swait.ge [sflag:s19], $0x4000  }
0x2b: {  	[sflag:s19] =	ssyncset.done $0x0  }
0x2c: {  	[sflag:s19] =	ssyncadd.s32 $0xFFFFC000  }
0x2d: {  	[spmem:s10] =	stream.linear.scatter [tilespmem:s18], [sflag:$0x5], $0x4000, $0x38;
	[tilespmem:$0x1D000] =	vst v63  }
0x2e: {  	_ =	swait.ge [sflag:s19], $0x4000  }
0x2f: {  	[sflag:s19] =	ssyncset.done $0x0  }
0x30: {  	[sflag:s19] =	ssyncadd.s32 $0xFFFFC000  }
0x31: {  	[spmem:s11] =	stream.linear.scatter [tilespmem:s18], [sflag:$0x5], $0x4000, $0x38;
	[tilespmem:$0x1D000] =	vst v63  }
0x32: {  	_ =	swait.ge [sflag:s19], $0x4000  }
0x33: {  	[sflag:s19] =	ssyncset.done $0x0  }
0x34: {  	[sflag:s19] =	ssyncadd.s32 $0xFFFFC000  }
0x35: {  	[spmem:s12] =	stream.linear.scatter [tilespmem:s18], [sflag:$0x5], $0x4000, $0x38;
	[tilespmem:$0x1D000] =	vst v63  }
0x36: {  	_ =	swait.ge [sflag:s19], $0x4000  }
0x37: {  	[sflag:s19] =	ssyncset.done $0x0  }
0x38: {  	[sflag:s19] =	ssyncadd.s32 $0xFFFFC000  }
0x39: {  	s31 =	simm.s32 $0x0;
	[bflag:$0x0] =	sbarrier.arrive $0xFFFF  }
0x3a: {  	[tilespmem:s31], [sflag:$0x5] =	stream.linear.gather [hbm4b:s13+s31], $0x400, $0x38;
	[tilespmem:$0x1D000] =	vst v63  }
0x3b: {  	_ =	swait.ge [sflag:s19], $0x400  }
0x3c: {  	[sflag:s19] =	ssyncset.done $0x0  }
0x3d: {  	s20 =	simm.s32 $0x800;
	s29 =	simm.s32 $0x1;
	[sflag:s19] =	ssyncadd.s32 $0xFFFFFC00  }
0x3e: {  	[tilespmem:s20], [sflag:$0x5] =	stream.linear.gather [hbm4b:s14+s31], $0x400, $0x38;
	[tilespmem:$0x1D000] =	vst v63  }
0x3f: {  	p0 =	sgt.s32 s15, $0x1;
	s30 =	smov.u32 s15;
	_ =	swait.ge [sflag:s19], $0x400  }
0x40: {  	s30 =	smov.u32 @p0 s29;
	[sflag:s19] =	ssyncset.done $0x0;
	s3 =	rddreg [dreg:$0x4]  }
0x41: {  	[sflag:s19] =	ssyncadd.s32 $0xFFFFFC00;
	s0 =	sadd.s32 s3, s30  }
0x42: {  	[tilespmem:s18], [sflag:$0x1] =	stream.indirect.gather [hbm4b:s1+s21], $0x80, s31, s21, $0xb8;
	[tilespmem:$0x1D000] =	vst v63  }
0x43: {  	s0 =	sshll.u32 s0, $0x7  }
0x44: {  	s30 =	simm.s32 $0x400;
	s3 =	sand.u32 $0x1FFFFF80, s0  }
0x45: {  	[tilespmem:s22], [sflag:$0x2] =	stream.indirect.gather [hbm4b:s1+s21], $0x80, s21, s21, $0xb8;
	[tilespmem:$0x1D000] =	vst v63  }
0x46: {  	s0 =	sand.u32 $0x400, s30;
	s20 =	sadd.s32 s5, s3  }
0x47: {  	[tilespmem:s0], [sflag:$0x5] =	stream.linear.gather [hbm4b:s20+s4], $0x400, $0x38;
	[tilespmem:$0x1D000] =	vst v63  }
0x48: {  	_ =	swait.ge [sflag:s19], $0x400  }
0x49: {  	[sflag:s19] =	ssyncset.done $0x0  }
0x4a: {  	s3 =	sadd.s32 s6, s3;
	s20 =	sor.u32 $0x800, s0;
	[sflag:s19] =	ssyncadd.s32 $0xFFFFFC00  }
0x4b: {  	[tilespmem:s20], [sflag:$0x5] =	stream.linear.gather [hbm4b:s3+s4], $0x400, $0x38;
	[tilespmem:$0x1D000] =	vst v63  }
0x4c: {  	_ =	swait.ge [sflag:s19], $0x400  }
0x4d: {  	[sflag:s19] =	ssyncset.done $0x0  }
0x4e: {  	[sflag:s19] =	ssyncadd.s32 $0xFFFFFC00  }
0x4f: {  	_ =	swait.ge [sflag:s23], $0x4000  }
0x50: {  	s31 =	sand.u32 $0x400, s31;
	[sflag:s23] =	ssyncset.done $0x0  }
0x51: {  	s20 =	sor.u32 $0x800, s31;
	[sflag:s23] =	ssyncadd.s32 $0xFFFFC000  }
0x52: {  	[spmem:s2] =	stream.indirect.scatter.add.f32 [tilespmem:s18], [sflag:$0x3], $0x80, s20, s21, $0xb8;
	[tilespmem:$0x1D000] =	vst v63  }
0x53: {  	_ =	swait.ge [sflag:s24], $0x4000  }
0x54: {  	[sflag:s24] =	ssyncset.done $0x0  }
0x55: {  	s20 =	sor.u32 $0x100, s31;
	[sflag:s24] =	ssyncadd.s32 $0xFFFFC000  }
0x56: {  	[tilespmem:s18], [sflag:$0x1] =	stream.indirect.gather [hbm4b:s1+s21], $0x80, s20, s21, $0xb8;
	[tilespmem:$0x1D000] =	vst v63  }
0x57: {  	_ =	swait.ge [sflag:s25], $0x4000  }
0x58: {  	[sflag:s25] =	ssyncset.done $0x0  }
0x59: {  	s20 =	sor.u32 $0x880, s31;
	[sflag:s25] =	ssyncadd.s32 $0xFFFFC000  }
0x5a: {  	[spmem:s2] =	stream.indirect.scatter.add.f32 [tilespmem:s22], [sflag:$0x4], $0x80, s20, s21, $0xb8;
	[tilespmem:$0x1D000] =	vst v63  }
0x5b: {  	_ =	swait.ge [sflag:s26], $0x4000  }
0x5c: {  	[sflag:s26] =	ssyncset.done $0x0  }
0x5d: {  	s20 =	sor.u32 $0x180, s31;
	[sflag:s26] =	ssyncadd.s32 $0xFFFFC000  }
0x5e: {  	[tilespmem:s22], [sflag:$0x2] =	stream.indirect.gather [hbm4b:s1+s21], $0x80, s20, s21, $0xb8;
	[tilespmem:$0x1D000] =	vst v63  }
0x5f: {  	_ =	swait.ge [sflag:s23], $0x4000  }
0x60: {  	[sflag:s23] =	ssyncset.done $0x0  }
0x61: {  	s20 =	sor.u32 $0x900, s31;
	[sflag:s23] =	ssyncadd.s32 $0xFFFFC000  }
0x62: {  	[spmem:s2] =	stream.indirect.scatter.add.f32 [tilespmem:s18], [sflag:$0x3], $0x80, s20, s21, $0xb8;
	[tilespmem:$0x1D000] =	vst v63  }
0x63: {  	_ =	swait.ge [sflag:s24], $0x4000  }
0x64: {  	[sflag:s24] =	ssyncset.done $0x0  }
0x65: {  	s20 =	sor.u32 $0x200, s31;
	[sflag:s24] =	ssyncadd.s32 $0xFFFFC000  }
0x66: {  	[tilespmem:s18], [sflag:$0x1] =	stream.indirect.gather [hbm4b:s1+s21], $0x80, s20, s21, $0xb8;
	[tilespmem:$0x1D000] =	vst v63  }
0x67: {  	_ =	swait.ge [sflag:s25], $0x4000  }
0x68: {  	[sflag:s25] =	ssyncset.done $0x0  }
0x69: {  	s20 =	sor.u32 $0x980, s31;
	[sflag:s25] =	ssyncadd.s32 $0xFFFFC000  }
0x6a: {  	[spmem:s2] =	stream.indirect.scatter.add.f32 [tilespmem:s22], [sflag:$0x4], $0x80, s20, s21, $0xb8;
	[tilespmem:$0x1D000] =	vst v63  }
0x6b: {  	_ =	swait.ge [sflag:s26], $0x4000  }
0x6c: {  	[sflag:s26] =	ssyncset.done $0x0  }
0x6d: {  	s20 =	sor.u32 $0x280, s31;
	[sflag:s26] =	ssyncadd.s32 $0xFFFFC000  }
0x6e: {  	[tilespmem:s22], [sflag:$0x2] =	stream.indirect.gather [hbm4b:s1+s21], $0x80, s20, s21, $0xb8;
	[tilespmem:$0x1D000] =	vst v63  }
0x6f: {  	_ =	swait.ge [sflag:s23], $0x4000  }
0x70: {  	[sflag:s23] =	ssyncset.done $0x0  }
0x71: {  	s20 =	sor.u32 $0xA00, s31;
	[sflag:s23] =	ssyncadd.s32 $0xFFFFC000  }
0x72: {  	[spmem:s2] =	stream.indirect.scatter.add.f32 [tilespmem:s18], [sflag:$0x3], $0x80, s20, s21, $0xb8;
	[tilespmem:$0x1D000] =	vst v63  }
0x73: {  	_ =	swait.ge [sflag:s24], $0x4000  }
0x74: {  	[sflag:s24] =	ssyncset.done $0x0  }
0x75: {  	s20 =	sor.u32 $0x300, s31;
	[sflag:s24] =	ssyncadd.s32 $0xFFFFC000  }
0x76: {  	[tilespmem:s18], [sflag:$0x1] =	stream.indirect.gather [hbm4b:s1+s21], $0x80, s20, s21, $0xb8;
	[tilespmem:$0x1D000] =	vst v63  }
0x77: {  	_ =	swait.ge [sflag:s25], $0x4000  }
0x78: {  	[sflag:s25] =	ssyncset.done $0x0  }
0x79: {  	s20 =	sor.u32 $0xA80, s31;
	[sflag:s25] =	ssyncadd.s32 $0xFFFFC000  }
0x7a: {  	[spmem:s2] =	stream.indirect.scatter.add.f32 [tilespmem:s22], [sflag:$0x4], $0x80, s20, s21, $0xb8;
	[tilespmem:$0x1D000] =	vst v63  }
0x7b: {  	_ =	swait.ge [sflag:s26], $0x4000  }
0x7c: {  	[sflag:s26] =	ssyncset.done $0x0  }
0x7d: {  	s20 =	sor.u32 $0x380, s31;
	[sflag:s26] =	ssyncadd.s32 $0xFFFFC000  }
0x7e: {  	[tilespmem:s22], [sflag:$0x2] =	stream.indirect.gather [hbm4b:s1+s21], $0x80, s20, s21, $0xb8;
	[tilespmem:$0x1D000] =	vst v63  }
0x7f: {  	_ =	swait.ge [sflag:s23], $0x4000  }
0x80: {  	[sflag:s23] =	ssyncset.done $0x0  }
0x81: {  	s20 =	sor.u32 $0xB00, s31;
	[sflag:s23] =	ssyncadd.s32 $0xFFFFC000  }
0x82: {  	[spmem:s2] =	stream.indirect.scatter.add.f32 [tilespmem:s18], [sflag:$0x3], $0x80, s20, s21, $0xb8;
	[tilespmem:$0x1D000] =	vst v63  }
0x83: {  	_ =	swait.ge [sflag:s24], $0x4000  }
0x84: {  	[sflag:s24] =	ssyncset.done $0x0  }
0x85: {  	[sflag:s24] =	ssyncadd.s32 $0xFFFFC000  }
0x86: {  	[tilespmem:s18], [sflag:$0x1] =	stream.indirect.gather [hbm4b:s1+s21], $0x80, s0, s21, $0xb8;
	[tilespmem:$0x1D000] =	vst v63  }
0x87: {  	_ =	swait.ge [sflag:s25], $0x4000  }
0x88: {  	[sflag:s25] =	ssyncset.done $0x0  }
0x89: {  	s20 =	sor.u32 $0xB80, s31;
	[sflag:s25] =	ssyncadd.s32 $0xFFFFC000  }
0x8a: {  	[spmem:s2] =	stream.indirect.scatter.add.f32 [tilespmem:s22], [sflag:$0x4], $0x80, s20, s21, $0xb8;
	[tilespmem:$0x1D000] =	vst v63  }
0x8b: {  	_ =	swait.ge [sflag:s26], $0x4000  }
0x8c: {  	s31 =	rddreg [dreg:$0x5]  }
0x8d: {  	p0 =	sne.s32 s31, $0x400  }
.Ltmp1:
0x8e: {  	_ = 	snop;
	(pc) =	sbr.rel @!p0 .LBB2_5-.Ltmp1, $4  }
0x8f: {  	_ = 	snop  }
0x90: {  	[sflag:s26] =	ssyncset.done $0x0  }
0x91: {  	s0 =	sor.u32 $0x80, s0;
	[sflag:s26] =	ssyncadd.s32 $0xFFFFC000  }
0x92: {  	[tilespmem:s22], [sflag:$0x2] =	stream.indirect.gather [hbm4b:s1+s21], $0x80, s0, s21, $0xb8;
	[tilespmem:$0x1D000] =	vst v63  }
.LBB2_4:
0x93: {  	s29 =	sadd.s32 $0x1, s29  }
0x94: {  	s20 =	smov.u32 s15;
	p0 =	slt.s32 s29, s15  }
0x95: {  	s0 =	rddreg [dreg:$0x4];
	s20 =	smov.u32 @p0 s29  }
0x96: {  	s0 =	sadd.s32 s0, s20  }
0x97: {  	s0 =	sshll.u32 s0, $0x7  }
0x98: {  	s3 =	smov.u32 s30;
	s30 =	sadd.s32 $0x400, s30;
	s0 =	sand.u32 $0x1FFFFF80, s0  }
0x99: {  	s31 =	sand.u32 $0x400, s30;
	s20 =	sadd.s32 s5, s0  }
0x9a: {  	[tilespmem:s31], [sflag:$0x5] =	stream.linear.gather [hbm4b:s20+s4], $0x400, $0x38;
	[tilespmem:$0x1D000] =	vst v63  }
0x9b: {  	_ =	swait.ge [sflag:s19], $0x400  }
0x9c: {  	[sflag:s19] =	ssyncset.done $0x0  }
0x9d: {  	s0 =	sadd.s32 s6, s0;
	s20 =	sor.u32 $0x800, s31;
	[sflag:s19] =	ssyncadd.s32 $0xFFFFFC00  }
0x9e: {  	[tilespmem:s20], [sflag:$0x5] =	stream.linear.gather [hbm4b:s0+s4], $0x400, $0x38;
	[tilespmem:$0x1D000] =	vst v63  }
0x9f: {  	_ =	swait.ge [sflag:s19], $0x400  }
0xa0: {  	[sflag:s19] =	ssyncset.done $0x0  }
0xa1: {  	[sflag:s19] =	ssyncadd.s32 $0xFFFFFC00  }
0xa2: {  	_ =	swait.ge [sflag:s23], $0x4000  }
0xa3: {  	s0 =	sand.u32 $0x400, s3;
	[sflag:s23] =	ssyncset.done $0x0  }
0xa4: {  	s3 =	sor.u32 $0x800, s0;
	[sflag:s23] =	ssyncadd.s32 $0xFFFFC000  }
0xa5: {  	[spmem:s2] =	stream.indirect.scatter.add.f32 [tilespmem:s18], [sflag:$0x3], $0x80, s3, s21, $0xb8;
	[tilespmem:$0x1D000] =	vst v63  }
0xa6: {  	_ =	swait.ge [sflag:s24], $0x4000  }
0xa7: {  	[sflag:s24] =	ssyncset.done $0x0  }
0xa8: {  	s20 =	sor.u32 $0x100, s0;
	[sflag:s24] =	ssyncadd.s32 $0xFFFFC000  }
0xa9: {  	[tilespmem:s18], [sflag:$0x1] =	stream.indirect.gather [hbm4b:s1+s21], $0x80, s20, s21, $0xb8;
	[tilespmem:$0x1D000] =	vst v63  }
0xaa: {  	_ =	swait.ge [sflag:s25], $0x4000  }
0xab: {  	[sflag:s25] =	ssyncset.done $0x0  }
0xac: {  	s20 =	sor.u32 $0x880, s0;
	[sflag:s25] =	ssyncadd.s32 $0xFFFFC000  }
0xad: {  	[spmem:s2] =	stream.indirect.scatter.add.f32 [tilespmem:s22], [sflag:$0x4], $0x80, s20, s21, $0xb8;
	[tilespmem:$0x1D000] =	vst v63  }
0xae: {  	_ =	swait.ge [sflag:s26], $0x4000  }
0xaf: {  	[sflag:s26] =	ssyncset.done $0x0  }
0xb0: {  	s20 =	sor.u32 $0x180, s0;
	[sflag:s26] =	ssyncadd.s32 $0xFFFFC000  }
0xb1: {  	[tilespmem:s22], [sflag:$0x2] =	stream.indirect.gather [hbm4b:s1+s21], $0x80, s20, s21, $0xb8;
	[tilespmem:$0x1D000] =	vst v63  }
0xb2: {  	_ =	swait.ge [sflag:s23], $0x4000  }
0xb3: {  	[sflag:s23] =	ssyncset.done $0x0  }
0xb4: {  	s20 =	sor.u32 $0x900, s0;
	[sflag:s23] =	ssyncadd.s32 $0xFFFFC000  }
0xb5: {  	[spmem:s2] =	stream.indirect.scatter.add.f32 [tilespmem:s18], [sflag:$0x3], $0x80, s20, s21, $0xb8;
	[tilespmem:$0x1D000] =	vst v63  }
0xb6: {  	_ =	swait.ge [sflag:s24], $0x4000  }
0xb7: {  	[sflag:s24] =	ssyncset.done $0x0  }
0xb8: {  	s20 =	sor.u32 $0x200, s0;
	[sflag:s24] =	ssyncadd.s32 $0xFFFFC000  }
0xb9: {  	[tilespmem:s18], [sflag:$0x1] =	stream.indirect.gather [hbm4b:s1+s21], $0x80, s20, s21, $0xb8;
	[tilespmem:$0x1D000] =	vst v63  }
0xba: {  	_ =	swait.ge [sflag:s25], $0x4000  }
0xbb: {  	[sflag:s25] =	ssyncset.done $0x0  }
0xbc: {  	s20 =	sor.u32 $0x980, s0;
	[sflag:s25] =	ssyncadd.s32 $0xFFFFC000  }
0xbd: {  	[spmem:s2] =	stream.indirect.scatter.add.f32 [tilespmem:s22], [sflag:$0x4], $0x80, s20, s21, $0xb8;
	[tilespmem:$0x1D000] =	vst v63  }
0xbe: {  	_ =	swait.ge [sflag:s26], $0x4000  }
0xbf: {  	[sflag:s26] =	ssyncset.done $0x0  }
0xc0: {  	s20 =	sor.u32 $0x280, s0;
	[sflag:s26] =	ssyncadd.s32 $0xFFFFC000  }
0xc1: {  	[tilespmem:s22], [sflag:$0x2] =	stream.indirect.gather [hbm4b:s1+s21], $0x80, s20, s21, $0xb8;
	[tilespmem:$0x1D000] =	vst v63  }
0xc2: {  	_ =	swait.ge [sflag:s23], $0x4000  }
0xc3: {  	[sflag:s23] =	ssyncset.done $0x0  }
0xc4: {  	s20 =	sor.u32 $0xA00, s0;
	[sflag:s23] =	ssyncadd.s32 $0xFFFFC000  }
0xc5: {  	[spmem:s2] =	stream.indirect.scatter.add.f32 [tilespmem:s18], [sflag:$0x3], $0x80, s20, s21, $0xb8;
	[tilespmem:$0x1D000] =	vst v63  }
0xc6: {  	_ =	swait.ge [sflag:s24], $0x4000  }
0xc7: {  	[sflag:s24] =	ssyncset.done $0x0  }
0xc8: {  	s20 =	sor.u32 $0x300, s0;
	[sflag:s24] =	ssyncadd.s32 $0xFFFFC000  }
0xc9: {  	[tilespmem:s18], [sflag:$0x1] =	stream.indirect.gather [hbm4b:s1+s21], $0x80, s20, s21, $0xb8;
	[tilespmem:$0x1D000] =	vst v63  }
0xca: {  	_ =	swait.ge [sflag:s25], $0x4000  }
0xcb: {  	[sflag:s25] =	ssyncset.done $0x0  }
0xcc: {  	s20 =	sor.u32 $0xA80, s0;
	[sflag:s25] =	ssyncadd.s32 $0xFFFFC000  }
0xcd: {  	[spmem:s2] =	stream.indirect.scatter.add.f32 [tilespmem:s22], [sflag:$0x4], $0x80, s20, s21, $0xb8;
	[tilespmem:$0x1D000] =	vst v63  }
0xce: {  	_ =	swait.ge [sflag:s26], $0x4000  }
0xcf: {  	[sflag:s26] =	ssyncset.done $0x0  }
0xd0: {  	s20 =	sor.u32 $0x380, s0;
	[sflag:s26] =	ssyncadd.s32 $0xFFFFC000  }
0xd1: {  	[tilespmem:s22], [sflag:$0x2] =	stream.indirect.gather [hbm4b:s1+s21], $0x80, s20, s21, $0xb8;
	[tilespmem:$0x1D000] =	vst v63  }
0xd2: {  	_ =	swait.ge [sflag:s23], $0x4000  }
0xd3: {  	[sflag:s23] =	ssyncset.done $0x0  }
0xd4: {  	s20 =	sor.u32 $0xB00, s0;
	[sflag:s23] =	ssyncadd.s32 $0xFFFFC000  }
0xd5: {  	[spmem:s2] =	stream.indirect.scatter.add.f32 [tilespmem:s18], [sflag:$0x3], $0x80, s20, s21, $0xb8;
	[tilespmem:$0x1D000] =	vst v63  }
0xd6: {  	_ =	swait.ge [sflag:s24], $0x4000  }
0xd7: {  	[sflag:s24] =	ssyncset.done $0x0  }
0xd8: {  	[sflag:s24] =	ssyncadd.s32 $0xFFFFC000  }
0xd9: {  	[tilespmem:s18], [sflag:$0x1] =	stream.indirect.gather [hbm4b:s1+s21], $0x80, s31, s21, $0xb8;
	[tilespmem:$0x1D000] =	vst v63  }
0xda: {  	_ =	swait.ge [sflag:s25], $0x4000  }
0xdb: {  	[sflag:s25] =	ssyncset.done $0x0  }
0xdc: {  	s0 =	sor.u32 $0xB80, s0;
	[sflag:s25] =	ssyncadd.s32 $0xFFFFC000  }
0xdd: {  	[spmem:s2] =	stream.indirect.scatter.add.f32 [tilespmem:s22], [sflag:$0x4], $0x80, s0, s21, $0xb8;
	[tilespmem:$0x1D000] =	vst v63  }
0xde: {  	_ =	swait.ge [sflag:s26], $0x4000  }
0xdf: {  	s20 =	rddreg [dreg:$0x5]  }
0xe0: {  	p0 =	sne.s32 s20, s30  }
.Ltmp2:
0xe1: {  	_ = 	snop;
	(pc) =	sbr.rel @p0 .LBB2_4-.Ltmp2, $4  }
0xe2: {  	_ = 	snop  }
0xe3: {  	[sflag:s26] =	ssyncset.done $0x0  }
0xe4: {  	s31 =	sor.u32 $0x80, s31;
	[sflag:s26] =	ssyncadd.s32 $0xFFFFC000  }
0xe5: {  	[tilespmem:s22], [sflag:$0x2] =	stream.indirect.gather [hbm4b:s1+s21], $0x80, s31, s21, $0xb8;
	[tilespmem:$0x1D000] =	vst v63  }
.LBB2_5:
0xe6: {  	_ =	swait.ge [sflag:s23], $0x4000  }
0xe7: {  	[sflag:s23] =	ssyncset.done $0x0  }
0xe8: {  	[sflag:s23] =	ssyncadd.s32 $0xFFFFC000  }
0xe9: {  	_ =	swait.ge [sflag:s25], $0x4000  }
0xea: {  	s28 =	sadd.s32 $0x1, s28;
	[sflag:s25] =	ssyncset.done $0x0  }
0xeb: {  	s0 =	sor.u32 $0x1C05, s7;
	p0 =	sne.s32 s28, s17;
	[sflag:s25] =	ssyncadd.s32 $0xFFFFC000  }
.Ltmp3:
0xec: {  	s3 =	sshrl.u32 s8, $0x3;
	[bflag:$0x0] =	sbarrier.arrive $0xFFFF;
	(pc) =	sbr.rel @p0 .LBB2_1-.Ltmp3, $4  }
0xed: {  	[hbm:s16], [sflag:s0] =	dma.local [spmem:s3], $0x2800  }
0xee: {  	_ =	swait.ge [sflag:s19], $0x2800  }
0xef: {  	[sflag:s19] =	ssyncset.done $0x0  }
0xf0: {  	[sflag:s19] =	ssyncadd.s32 $0xFFFFD800  }
0xf1: {  	_ =	sfence.sel $0x180000  }
0xf2: {  	[bflag:$0x0] =	sbarrier.arrive $0xFFFF  }
0xf3: {  	_ =	strace $0x90000050  }
0xf4: {  	s0 =	stileid.u32;
	[bflag:$0x2] =	sbarrier.arrive $0xFFFF  }
0xf5: {  	p0 =	sne.s32 s0, $0x0;
	s0 =	rddreg [dreg:$0x3]  }
0xf6: {  	s0 =	sadd.s32 @!p0 $0x100000, s0  }
0xf7: {  	[sflag:s0] =	ssyncadd.tile.s32 @!p0 $0x1;
	_ =	shalt  }
.Lfunc_end2:
_tile_overlayer_lowered:
.L_overlay_start_2:
0xf8: {  	(tag) =	ssettag $0x2  }
0xf9: {  	s0 =	rddreg [dreg:$0x0];
	s2 =	stileid.u32  }
0xfa: {  	s1 =	rddreg [dreg:$0x1];
	p0 =	sne.s32 s2, $0x0  }
0xfb: {  	s3 =	rddreg [dreg:$0x2];
	[bflag:$0x3] =	sbarrier.arrive $0xFFFF;
	s2 =	simm.s32 @!p0 $0x1C05  }
0xfc: {  	[timem:s3], [sflag:s2] =	dma.local @!p0 [hbm:s0], s1  }
0xfd: {  	s0 =	simm.s32 @!p0 $0x5  }
0xfe: {  	_ =	swait.ge @!p0 [sflag:s0], s1  }
0xff: {  	s1 =	ssub.s32 @!p0 $0x0, s1;
	[sflag:s0] =	ssyncset.done @!p0 $0x0  }
0x100: {  	[sflag:s0] =	ssyncadd.s32 @!p0 s1  }
0x101: {  	[bflag:$0x3] =	sbarrier.arrive $0xFFFF  }
0x102: {  	_ =	shalt  }

</sc_bundles>
